<compile_context>
chip_gen: v7x
topology: tpu7x:2x2x1
jax: 0.10.2.dev20260603
libtpu: 0.0.44.dev20260713+nightly
codegen_flags: <defaults>
</compile_context>

<pallas_src>
import functools

import jax
import jax.numpy as jnp
from jax import lax
from jax.experimental import pallas as pl
from jax.experimental.pallas import tpu as pltpu
from jax.experimental.pallas import tpu_sc as plsc

_HI = jax.lax.Precision.HIGHEST
_NC, _NS = 2, 16
_NW = _NC * _NS

_TF_C = 0x1BD11BDA
_FONE = 0x3F800000
_TINY = float(jnp.finfo(jnp.float32).tiny)
_ROTS = ((13, 15, 26, 6), (17, 29, 16, 24))


def _rotl(x, r):
    import numpy as _np
    return jax.lax.bitwise_or(jax.lax.shift_left(x, _np.int32(r)),
                              jax.lax.shift_right_logical(x, _np.int32(32 - r)))


def _tf_gumbel(k1, k2, cnt):
    import numpy as _np
    ks2 = jax.lax.bitwise_xor(jax.lax.bitwise_xor(k1, k2), _np.int32(_TF_C))
    ks = (k1, k2, ks2)
    x0 = k1 + jnp.zeros_like(cnt)
    x1 = cnt + k2
    for i in range(5):
        for r in _ROTS[i % 2]:
            x0 = x0 + x1
            x1 = _rotl(x1, r)
            x1 = jax.lax.bitwise_xor(x0, x1)
        x0 = x0 + ks[(i + 1) % 3]
        x1 = x1 + ks[(i + 2) % 3] + _np.int32(i + 1)
    bits = jax.lax.bitwise_xor(x0, x1)
    fb = jax.lax.bitwise_or(jax.lax.shift_right_logical(bits, _np.int32(9)),
                            _np.int32(_FONE))
    u = jax.lax.bitcast_convert_type(fb, jnp.float32) - _np.float32(1.0)
    tiny = _np.float32(_TINY)
    u = jnp.maximum(tiny, u * (_np.float32(1.0) - tiny) + tiny)
    return -jnp.log(-jnp.log(u))


def _tables_body(x_ref, coresT2_ref, table_ref, lflat_ref, idx_ref):
    B, D = x_ref.shape
    C = table_ref.shape[0]
    K = coresT2_ref.shape[1] // D
    ET = jnp.exp(table_ref[...])
    P = jnp.exp(coresT2_ref[...])
    M = jnp.dot(ET, P, precision=_HI, preferred_element_type=jnp.float32)
    L = jnp.log(M)
    for d in range(D):
        lflat_ref[d * C:(d + 1) * C, :] = L[:, d * K:(d + 1) * K]
    iota_d = jax.lax.broadcasted_iota(jnp.int32, (B, D), 1)
    idx_ref[...] = x_ref[...] + C * iota_d


def _logz_sc_body(D, K, BPW, idx_hbm, L_hbm, z_hbm, idx_v, rows_v, out_v, sem):
    w = lax.axis_index("s") * _NC + lax.axis_index("c")
    pltpu.sync_copy(idx_hbm.at[pl.ds(w * BPW * D, BPW * D)], idx_v)
    pltpu.async_copy(L_hbm.at[idx_v], rows_v, sem).wait()

    def body(b, carry):
        for kc in range(K // 16):
            acc = rows_v[b * D, pl.ds(kc * 16, 16)]
            for d in range(1, D):
                acc = acc + rows_v[b * D + d, pl.ds(kc * 16, 16)]
            out_v[b, pl.ds(kc * 16, 16)] = acc
        return carry

    lax.fori_loop(0, BPW, body, 0)
    pltpu.sync_copy(out_v, z_hbm.at[pl.ds(w * BPW, BPW)])


def _argmax_body(z_ref, la_ref, kk_ref, ohk_ref):
    B, K = z_ref.shape
    cnt = (jax.lax.broadcasted_iota(jnp.int32, (B, K), 0) * K
           + jax.lax.broadcasted_iota(jnp.int32, (B, K), 1))
    g_k = _tf_gumbel(kk_ref[0:1, 0:1], kk_ref[0:1, 1:2], cnt)
    log_w = la_ref[...] + z_ref[...]
    mw = jnp.max(log_w, axis=1, keepdims=True)
    lse = jnp.log(jnp.sum(jnp.exp(log_w - mw), axis=1, keepdims=True)) + mw
    score = (log_w - lse) + g_k
    m = jnp.max(score, axis=1, keepdims=True)
    iota_k = jax.lax.broadcasted_iota(jnp.int32, (B, K), 1)
    idx = jnp.where(score == m, iota_k, K)
    kmin = jnp.min(idx, axis=1, keepdims=True)
    ohk_ref[...] = (iota_k == kmin).astype(jnp.float32)


def _sample_body(yk_ref, cores_ref, table_ref, ohk_ref, x3_ref, y3_ref):
    G, K, C = cores_ref.shape
    B = ohk_ref.shape[0]
    xg = x3_ref[...].reshape(G * B, 1)
    iota_c = jax.lax.broadcasted_iota(jnp.int32, (G * B, C), 1)
    ohx = (xg == iota_c).astype(jnp.float32)
    pi = jnp.dot(ohx, table_ref[...], precision=_HI,
                 preferred_element_type=jnp.float32)
    cnt = (jax.lax.broadcasted_iota(jnp.int32, (B, C), 0) * C
           + jax.lax.broadcasted_iota(jnp.int32, (B, C), 1))
    for j in range(G):
        gy = _tf_gumbel(yk_ref[j, 0:1, 0:1], yk_ref[j, 0:1, 1:2], cnt)
        rows = jnp.dot(ohk_ref[...], cores_ref[j], precision=_HI,
                       preferred_element_type=jnp.float32)
        sel = rows + pi[j * B:(j + 1) * B] + gy
        m = jnp.max(sel, axis=1, keepdims=True)
        iota_b = jax.lax.broadcasted_iota(jnp.int32, (B, C), 1)
        idx = jnp.where(sel == m, iota_b, C)
        y3_ref[j] = jnp.min(idx, axis=1, keepdims=True)


def kernel(x, log_alpha, log_cp_cores, log_pi_ref_table):
    B, D = x.shape
    K = log_alpha.shape[0]
    C = log_pi_ref_table.shape[0]
    G = 8
    BPW = B // _NW

    skey = jax.random.key(42)
    k_key, y_key = jax.random.split(skey)
    y_keys = jax.random.split(y_key, D)
    kk = jax.lax.bitcast_convert_type(
        jax.random.key_data(k_key), jnp.int32).reshape(1, 2)
    ykd = jax.lax.bitcast_convert_type(
        jax.vmap(jax.random.key_data)(y_keys), jnp.int32).reshape(D, 1, 2)

    coresT2 = jnp.transpose(log_cp_cores, (2, 0, 1)).reshape(C, D * K)
    la = log_alpha.reshape(1, K)
    x3 = x.T.reshape(D, B, 1)

    L_flat, idx = pl.pallas_call(
        _tables_body,
        out_shape=(jax.ShapeDtypeStruct((D * C, K), jnp.float32),
                   jax.ShapeDtypeStruct((B, D), jnp.int32)),
    )(x, coresT2, log_pi_ref_table)

    z = pl.kernel(
        functools.partial(_logz_sc_body, D, K, BPW),
        out_type=jax.ShapeDtypeStruct((B, K), jnp.float32),
        mesh=plsc.VectorSubcoreMesh(core_axis_name="c", subcore_axis_name="s",
                                    num_cores=_NC, num_subcores=_NS),
        scratch_types=[pltpu.VMEM((BPW * D,), jnp.int32),
                       pltpu.VMEM((BPW * D, K), jnp.float32),
                       pltpu.VMEM((BPW, K), jnp.float32),
                       pltpu.SemaphoreType.DMA],
        compiler_params=pltpu.CompilerParams(use_tc_tiling_on_sc=False),
    )(idx.reshape(B * D), L_flat)

    ohk = pl.pallas_call(
        _argmax_body,
        out_shape=jax.ShapeDtypeStruct((B, K), jnp.float32),
    )(z, la, kk)

    y3 = pl.pallas_call(
        _sample_body,
        grid=(D // G,),
        in_specs=[
            pl.BlockSpec((G, 1, 2), lambda d: (d, 0, 0)),
            pl.BlockSpec((G, K, C), lambda d: (d, 0, 0)),
            pl.BlockSpec((C, C), lambda d: (0, 0)),
            pl.BlockSpec((B, K), lambda d: (0, 0)),
            pl.BlockSpec((G, B, 1), lambda d: (d, 0, 0)),
        ],
        out_specs=pl.BlockSpec((G, B, 1), lambda d: (d, 0, 0)),
        out_shape=jax.ShapeDtypeStruct((D, B, 1), jnp.int32),
    )(ykd, log_cp_cores, log_pi_ref_table, ohk, x3)

    return y3.reshape(D, B).T

# --- scband reference (transcript-rebuilt; emitter-appended) ---
"""Pipeline reference for scband-light-sb-d-35175782154565 (READ-ONLY COPY).

The authoritative reference and input builder live on the scoring server;
editing this copy changes nothing except your own understanding.
"""

import jax, jax.numpy as jnp
import numpy as np

B, D, K, C = 1024, 32, 64, 128


def setup_inputs(seed: int = 0) -> dict:
    key = jax.random.key(seed)
    k1, k2, k3 = jax.random.split(key, 3)
    # forward input: discrete source points x in [0, C)
    x = jax.random.randint(k1, (B, D), 0, C)
    # learned params per __init__: log_alpha = log(1/K)
    log_alpha = jnp.log(jnp.ones((K,), dtype=jnp.float32) / K)
    # benchmark_gaussian init of CP cores (faithful to _initialize_cores)
    means = jax.random.randint(k2, (K, D), 2, C - 2).astype(jnp.float32)  # [K, D]
    stds = jnp.ones((K, D), dtype=jnp.float32)
    y_d = jnp.tile(jnp.arange(C, dtype=jnp.float32).reshape(C, 1), (1, D))  # [C, D]
    lc = (-0.5 * jnp.log(jnp.asarray(2.0 * jnp.pi, dtype=jnp.float32))
          - jnp.log(stds)[:, None, :]
          - 0.5 * ((y_d[None, :, :] - means[:, None, :]) / stds[:, None, :]) ** 2)  # [K, C, D]
    log_cp_cores = jnp.transpose(lc, (2, 0, 1))  # [D, K, C], matches permute(2,0,1)
    # prior: cumulative transition log-probs at final timestep, row-stochastic [C, C];
    # prior.extract('cumulative', T, row_id=x_d) == log_pi_ref_table[x_d]
    logits = jax.random.normal(k3, (C, C), dtype=jnp.float32)
    log_pi_ref_table = jax.nn.log_softmax(logits, axis=-1)
    return {"x": x, "log_alpha": log_alpha, "log_cp_cores": log_cp_cores,
            "log_pi_ref_table": log_pi_ref_table}


def reference(x, log_alpha, log_cp_cores, log_pi_ref_table):
    b, d_dim = x.shape
    k_pot = log_alpha.shape[0]
    # gather prior cumulative log-probs for each coordinate: [B, D, C]
    log_pi_ref = jnp.take(log_pi_ref_table, x, axis=0)
    # accumulate log_z over dims (log-sum-exp over categories per potential)
    log_z = jnp.zeros((b, k_pot), dtype=jnp.float32)
    for d in range(d_dim):
        log_joint = log_cp_cores[d][None, :, :] + log_pi_ref[:, d, None, :]  # [B, K, C]
        log_z = log_z + jax.nn.logsumexp(log_joint, axis=2)
    log_w_k = log_alpha[None, :] + log_z
    log_p_k = log_w_k - jax.nn.logsumexp(log_w_k, axis=1, keepdims=True)
    # sample mixture component k* (torch.multinomial -> categorical on log-probs)
    skey = jax.random.key(42)
    k_key, y_key = jax.random.split(skey)
    k_stars = jax.random.categorical(k_key, log_p_k, axis=1)  # [B]
    y_keys = jax.random.split(y_key, d_dim)
    ys = []
    for d in range(d_dim):
        log_p_d_all = log_cp_cores[d][None, :, :] + log_pi_ref[:, d, None, :]  # [B, K, C]
        sel = jnp.take_along_axis(log_p_d_all, k_stars[:, None, None], axis=1)[:, 0, :]  # [B, C]
        y_d = jax.random.categorical(y_keys[d], sel, axis=1)  # softmax-categorical, same as torch path
        ys.append(y_d)
    y_samples = jnp.stack(ys, axis=1)  # [B, D] int
    return y_samples

if __name__ == "__main__":
    import jax
    _d = setup_inputs()
    print(jax.jit(kernel)(*tuple(_d.values())))

</pallas_src>

<mosaic_0001>
#map = affine_map<(d0, d1) -> (0)>
#map1 = affine_map<(d0, d1) -> (0, 0)>
module attributes {stable_mosaic.version = 14 : i64} {
  func.func @_logz_sc_body(%arg0: i32, %arg1: i32, %arg2: memref<32768xi32, #tpu.memory_space<hbm>>, %arg3: memref<4096x64xf32, #tpu.memory_space<hbm>>, %arg4: memref<1024x64xf32, #tpu.memory_space<hbm>>, %arg5: memref<1024xi32, #tpu.memory_space<vmem>>, %arg6: memref<1024x64xf32, #tpu.memory_space<vmem>>, %arg7: memref<32x64xf32, #tpu.memory_space<vmem>>, %arg8: memref<!tpu.dma_semaphore, #tpu.memory_space<semaphore_mem>>) attributes {dimension_semantics = [#tpu.dimension_semantics<core_parallel>, #tpu.dimension_semantics<subcore_parallel>], iteration_bounds = array<i64: 2, 16>, scalar_prefetch = 0 : i64, scratch_operands = 4 : i64, tpu.core_type = #tpu.core_type<sc_vector_subcore>, window_params = [{transform_indices = #map}, {transform_indices = #map1}, {transform_indices = #map1}]} {
    %mul3A = arith.constant 2 : i32
    %mul3A_0 = arith.muli %arg1, %mul3A : i32
    %add3A = arith.addi %mul3A_0, %arg0 : i32
    %mul3A_1 = arith.constant 32 : i32
    %mul3A_2 = arith.muli %add3A, %mul3A_1 : i32
    %mul3A_3 = arith.constant 32 : i32
    %mul3A_4 = arith.muli %mul3A_2, %mul3A_3 : i32
    "tpu.region"() ({
      %run_scoped3A = tpu.sem_alloc : memref<!tpu.dma_semaphore, #tpu.memory_space<semaphore_mem>>
      %dma_start3A_16 = tpu.memref_slice %arg2[%mul3A_4] : memref<32768xi32, #tpu.memory_space<hbm>> -> memref<1024xi32, #tpu.memory_space<hbm>>
      %dma_start3A_17 = tpu.memref_slice %arg2[%mul3A_4] : memref<32768xi32, #tpu.memory_space<hbm>> -> memref<1024xi32, #tpu.memory_space<hbm>>
      tpu.enqueue_dma source(%dma_start3A_17 : memref<1024xi32, #tpu.memory_space<hbm>>) target(%arg5 : memref<1024xi32, #tpu.memory_space<vmem>>) target_semaphore(%run_scoped3A : memref<!tpu.dma_semaphore, #tpu.memory_space<semaphore_mem>>)
      %dma_wait3A_18 = tpu.memref_slice %arg2[%mul3A_4] : memref<32768xi32, #tpu.memory_space<hbm>> -> memref<1024xi32, #tpu.memory_space<hbm>>
      %dma_wait3A_19 = tpu.memref_slice %arg2[%mul3A_4] : memref<32768xi32, #tpu.memory_space<hbm>> -> memref<1024xi32, #tpu.memory_space<hbm>>
      tpu.wait_dma2 semaphore(%run_scoped3A : memref<!tpu.dma_semaphore, #tpu.memory_space<semaphore_mem>>) src(%dma_wait3A_19 : memref<1024xi32, #tpu.memory_space<hbm>>) dst(%arg5 : memref<1024xi32, #tpu.memory_space<vmem>>)
      tpu.yield
    }) : () -> ()
    %dma_start3A = arith.constant 0 : i32
    %dma_start3A_5 = arith.constant 0 : i32
    %dma_start3A_6 = tpu.memref_slice %arg3[%dma_start3A, %dma_start3A_5] : memref<4096x64xf32, #tpu.memory_space<hbm>> -> memref<4096x64xf32, #tpu.memory_space<hbm>>
    tpu.enqueue_indirect_dma source(%dma_start3A_6 : memref<4096x64xf32, #tpu.memory_space<hbm>>) target(%arg6 : memref<1024x64xf32, #tpu.memory_space<vmem>>) offsets(%arg5 : memref<1024xi32, #tpu.memory_space<vmem>>) semaphore(%arg8 : memref<!tpu.dma_semaphore, #tpu.memory_space<semaphore_mem>>)
    %dma_wait3A = arith.constant 0 : i32
    %dma_wait3A_7 = arith.constant 0 : i32
    %dma_wait3A_8 = tpu.memref_slice %arg3[%dma_wait3A, %dma_wait3A_7] : memref<4096x64xf32, #tpu.memory_space<hbm>> -> memref<4096x64xf32, #tpu.memory_space<hbm>>
    tpu.wait_indirect_dma semaphore(%arg8 : memref<!tpu.dma_semaphore, #tpu.memory_space<semaphore_mem>>) src(%dma_wait3A_8 : memref<4096x64xf32, #tpu.memory_space<hbm>>) dst(%arg6 : memref<1024x64xf32, #tpu.memory_space<vmem>>)
    %scan3A = arith.constant 0 : i32
    %scan3A_9 = arith.constant 0 : i32
    %scan3A_10 = arith.constant 32 : i32
    %scan3A_11 = arith.addi %scan3A_9, %scan3A_10 : i32
    %scan3A_12 = arith.constant 1 : i32
    scf.for %scan3A_16 = %scan3A_9 to %scan3A_11 step %scan3A_12  : i32 {
      %mul3A_17 = arith.constant 32 : i32
      %mul3A_18 = arith.muli %scan3A_16, %mul3A_17 : i32
      %get3A = arith.index_cast %mul3A_18 : i32 to index
      %get3A_19 = arith.constant 0 : index
      %get3A_20 = tpu.vector_load %arg6[%get3A, %get3A_19] {strides = array<i32>} : memref<1024x64xf32, #tpu.memory_space<vmem>>, vector<1x16xf32>,
      %get3A_21 = vector.shape_cast %get3A_20 : vector<1x16xf32> to vector<16xf32>
      %mul3A_22 = arith.constant 32 : i32
      %mul3A_23 = arith.muli %scan3A_16, %mul3A_22 : i32
      %add3A_24 = arith.constant 1 : i32
      %add3A_25 = arith.addi %mul3A_23, %add3A_24 : i32
      %get3A_26 = arith.index_cast %add3A_25 : i32 to index
      %get3A_27 = arith.constant 0 : index
      %get3A_28 = tpu.vector_load %arg6[%get3A_26, %get3A_27] {strides = array<i32>} : memref<1024x64xf32, #tpu.memory_space<vmem>>, vector<1x16xf32>,
      %get3A_29 = vector.shape_cast %get3A_28 : vector<1x16xf32> to vector<16xf32>
      %add3A_30 = arith.addf %get3A_21, %get3A_29 : vector<16xf32>
      %mul3A_31 = arith.constant 32 : i32
      %mul3A_32 = arith.muli %scan3A_16, %mul3A_31 : i32
      %add3A_33 = arith.constant 2 : i32
      %add3A_34 = arith.addi %mul3A_32, %add3A_33 : i32
      %get3A_35 = arith.index_cast %add3A_34 : i32 to index
      %get3A_36 = arith.constant 0 : index
      %get3A_37 = tpu.vector_load %arg6[%get3A_35, %get3A_36] {strides = array<i32>} : memref<1024x64xf32, #tpu.memory_space<vmem>>, vector<1x16xf32>,
      %get3A_38 = vector.shape_cast %get3A_37 : vector<1x16xf32> to vector<16xf32>
      %add3A_39 = arith.addf %add3A_30, %get3A_38 : vector<16xf32>
      %mul3A_40 = arith.constant 32 : i32
      %mul3A_41 = arith.muli %scan3A_16, %mul3A_40 : i32
      %add3A_42 = arith.constant 3 : i32
      %add3A_43 = arith.addi %mul3A_41, %add3A_42 : i32
      %get3A_44 = arith.index_cast %add3A_43 : i32 to index
      %get3A_45 = arith.constant 0 : index
      %get3A_46 = tpu.vector_load %arg6[%get3A_44, %get3A_45] {strides = array<i32>} : memref<1024x64xf32, #tpu.memory_space<vmem>>, vector<1x16xf32>,
      %get3A_47 = vector.shape_cast %get3A_46 : vector<1x16xf32> to vector<16xf32>
      %add3A_48 = arith.addf %add3A_39, %get3A_47 : vector<16xf32>
      %mul3A_49 = arith.constant 32 : i32
      %mul3A_50 = arith.muli %scan3A_16, %mul3A_49 : i32
      %add3A_51 = arith.constant 4 : i32
      %add3A_52 = arith.addi %mul3A_50, %add3A_51 : i32
      %get3A_53 = arith.index_cast %add3A_52 : i32 to index
      %get3A_54 = arith.constant 0 : index
      %get3A_55 = tpu.vector_load %arg6[%get3A_53, %get3A_54] {strides = array<i32>} : memref<1024x64xf32, #tpu.memory_space<vmem>>, vector<1x16xf32>,
      %get3A_56 = vector.shape_cast %get3A_55 : vector<1x16xf32> to vector<16xf32>
      %add3A_57 = arith.addf %add3A_48, %get3A_56 : vector<16xf32>
      %mul3A_58 = arith.constant 32 : i32
      %mul3A_59 = arith.muli %scan3A_16, %mul3A_58 : i32
      %add3A_60 = arith.constant 5 : i32
      %add3A_61 = arith.addi %mul3A_59, %add3A_60 : i32
      %get3A_62 = arith.index_cast %add3A_61 : i32 to index
      %get3A_63 = arith.constant 0 : index
      %get3A_64 = tpu.vector_load %arg6[%get3A_62, %get3A_63] {strides = array<i32>} : memref<1024x64xf32, #tpu.memory_space<vmem>>, vector<1x16xf32>,
      %get3A_65 = vector.shape_cast %get3A_64 : vector<1x16xf32> to vector<16xf32>
      %add3A_66 = arith.addf %add3A_57, %get3A_65 : vector<16xf32>
      %mul3A_67 = arith.constant 32 : i32
      %mul3A_68 = arith.muli %scan3A_16, %mul3A_67 : i32
      %add3A_69 = arith.constant 6 : i32
      %add3A_70 = arith.addi %mul3A_68, %add3A_69 : i32
      %get3A_71 = arith.index_cast %add3A_70 : i32 to index
      %get3A_72 = arith.constant 0 : index
      %get3A_73 = tpu.vector_load %arg6[%get3A_71, %get3A_72] {strides = array<i32>} : memref<1024x64xf32, #tpu.memory_space<vmem>>, vector<1x16xf32>,
      %get3A_74 = vector.shape_cast %get3A_73 : vector<1x16xf32> to vector<16xf32>
      %add3A_75 = arith.addf %add3A_66, %get3A_74 : vector<16xf32>
      %mul3A_76 = arith.constant 32 : i32
      %mul3A_77 = arith.muli %scan3A_16, %mul3A_76 : i32
      %add3A_78 = arith.constant 7 : i32
      %add3A_79 = arith.addi %mul3A_77, %add3A_78 : i32
      %get3A_80 = arith.index_cast %add3A_79 : i32 to index
      %get3A_81 = arith.constant 0 : index
      %get3A_82 = tpu.vector_load %arg6[%get3A_80, %get3A_81] {strides = array<i32>} : memref<1024x64xf32, #tpu.memory_space<vmem>>, vector<1x16xf32>,
      %get3A_83 = vector.shape_cast %get3A_82 : vector<1x16xf32> to vector<16xf32>
      %add3A_84 = arith.addf %add3A_75, %get3A_83 : vector<16xf32>
      %mul3A_85 = arith.constant 32 : i32
      %mul3A_86 = arith.muli %scan3A_16, %mul3A_85 : i32
      %add3A_87 = arith.constant 8 : i32
      %add3A_88 = arith.addi %mul3A_86, %add3A_87 : i32
      %get3A_89 = arith.index_cast %add3A_88 : i32 to index
      %get3A_90 = arith.constant 0 : index
      %get3A_91 = tpu.vector_load %arg6[%get3A_89, %get3A_90] {strides = array<i32>} : memref<1024x64xf32, #tpu.memory_space<vmem>>, vector<1x16xf32>,
      %get3A_92 = vector.shape_cast %get3A_91 : vector<1x16xf32> to vector<16xf32>
      %add3A_93 = arith.addf %add3A_84, %get3A_92 : vector<16xf32>
      %mul3A_94 = arith.constant 32 : i32
      %mul3A_95 = arith.muli %scan3A_16, %mul3A_94 : i32
      %add3A_96 = arith.constant 9 : i32
      %add3A_97 = arith.addi %mul3A_95, %add3A_96 : i32
      %get3A_98 = arith.index_cast %add3A_97 : i32 to index
      %get3A_99 = arith.constant 0 : index
      %get3A_100 = tpu.vector_load %arg6[%get3A_98, %get3A_99] {strides = array<i32>} : memref<1024x64xf32, #tpu.memory_space<vmem>>, vector<1x16xf32>,
      %get3A_101 = vector.shape_cast %get3A_100 : vector<1x16xf32> to vector<16xf32>
      %add3A_102 = arith.addf %add3A_93, %get3A_101 : vector<16xf32>
      %mul3A_103 = arith.constant 32 : i32
      %mul3A_104 = arith.muli %scan3A_16, %mul3A_103 : i32
      %add3A_105 = arith.constant 10 : i32
      %add3A_106 = arith.addi %mul3A_104, %add3A_105 : i32
      %get3A_107 = arith.index_cast %add3A_106 : i32 to index
      %get3A_108 = arith.constant 0 : index
      %get3A_109 = tpu.vector_load %arg6[%get3A_107, %get3A_108] {strides = array<i32>} : memref<1024x64xf32, #tpu.memory_space<vmem>>, vector<1x16xf32>,
      %get3A_110 = vector.shape_cast %get3A_109 : vector<1x16xf32> to vector<16xf32>
      %add3A_111 = arith.addf %add3A_102, %get3A_110 : vector<16xf32>
      %mul3A_112 = arith.constant 32 : i32
      %mul3A_113 = arith.muli %scan3A_16, %mul3A_112 : i32
      %add3A_114 = arith.constant 11 : i32
      %add3A_115 = arith.addi %mul3A_113, %add3A_114 : i32
      %get3A_116 = arith.index_cast %add3A_115 : i32 to index
      %get3A_117 = arith.constant 0 : index
      %get3A_118 = tpu.vector_load %arg6[%get3A_116, %get3A_117] {strides = array<i32>} : memref<1024x64xf32, #tpu.memory_space<vmem>>, vector<1x16xf32>,
      %get3A_119 = vector.shape_cast %get3A_118 : vector<1x16xf32> to vector<16xf32>
      %add3A_120 = arith.addf %add3A_111, %get3A_119 : vector<16xf32>
      %mul3A_121 = arith.constant 32 : i32
      %mul3A_122 = arith.muli %scan3A_16, %mul3A_121 : i32
      %add3A_123 = arith.constant 12 : i32
      %add3A_124 = arith.addi %mul3A_122, %add3A_123 : i32
      %get3A_125 = arith.index_cast %add3A_124 : i32 to index
      %get3A_126 = arith.constant 0 : index
      %get3A_127 = tpu.vector_load %arg6[%get3A_125, %get3A_126] {strides = array<i32>} : memref<1024x64xf32, #tpu.memory_space<vmem>>, vector<1x16xf32>,
      %get3A_128 = vector.shape_cast %get3A_127 : vector<1x16xf32> to vector<16xf32>
      %add3A_129 = arith.addf %add3A_120, %get3A_128 : vector<16xf32>
      %mul3A_130 = arith.constant 32 : i32
      %mul3A_131 = arith.muli %scan3A_16, %mul3A_130 : i32
      %add3A_132 = arith.constant 13 : i32
      %add3A_133 = arith.addi %mul3A_131, %add3A_132 : i32
      %get3A_134 = arith.index_cast %add3A_133 : i32 to index
      %get3A_135 = arith.constant 0 : index
      %get3A_136 = tpu.vector_load %arg6[%get3A_134, %get3A_135] {strides = array<i32>} : memref<1024x64xf32, #tpu.memory_space<vmem>>, vector<1x16xf32>,
      %get3A_137 = vector.shape_cast %get3A_136 : vector<1x16xf32> to vector<16xf32>
      %add3A_138 = arith.addf %add3A_129, %get3A_137 : vector<16xf32>
      %mul3A_139 = arith.constant 32 : i32
      %mul3A_140 = arith.muli %scan3A_16, %mul3A_139 : i32
      %add3A_141 = arith.constant 14 : i32
      %add3A_142 = arith.addi %mul3A_140, %add3A_141 : i32
      %get3A_143 = arith.index_cast %add3A_142 : i32 to index
      %get3A_144 = arith.constant 0 : index
      %get3A_145 = tpu.vector_load %arg6[%get3A_143, %get3A_144] {strides = array<i32>} : memref<1024x64xf32, #tpu.memory_space<vmem>>, vector<1x16xf32>,
      %get3A_146 = vector.shape_cast %get3A_145 : vector<1x16xf32> to vector<16xf32>
      %add3A_147 = arith.addf %add3A_138, %get3A_146 : vector<16xf32>
      %mul3A_148 = arith.constant 32 : i32
      %mul3A_149 = arith.muli %scan3A_16, %mul3A_148 : i32
      %add3A_150 = arith.constant 15 : i32
      %add3A_151 = arith.addi %mul3A_149, %add3A_150 : i32
      %get3A_152 = arith.index_cast %add3A_151 : i32 to index
      %get3A_153 = arith.constant 0 : index
      %get3A_154 = tpu.vector_load %arg6[%get3A_152, %get3A_153] {strides = array<i32>} : memref<1024x64xf32, #tpu.memory_space<vmem>>, vector<1x16xf32>,
      %get3A_155 = vector.shape_cast %get3A_154 : vector<1x16xf32> to vector<16xf32>
      %add3A_156 = arith.addf %add3A_147, %get3A_155 : vector<16xf32>
      %mul3A_157 = arith.constant 32 : i32
      %mul3A_158 = arith.muli %scan3A_16, %mul3A_157 : i32
      %add3A_159 = arith.constant 16 : i32
      %add3A_160 = arith.addi %mul3A_158, %add3A_159 : i32
      %get3A_161 = arith.index_cast %add3A_160 : i32 to index
      %get3A_162 = arith.constant 0 : index
      %get3A_163 = tpu.vector_load %arg6[%get3A_161, %get3A_162] {strides = array<i32>} : memref<1024x64xf32, #tpu.memory_space<vmem>>, vector<1x16xf32>,
      %get3A_164 = vector.shape_cast %get3A_163 : vector<1x16xf32> to vector<16xf32>
      %add3A_165 = arith.addf %add3A_156, %get3A_164 : vector<16xf32>
      %mul3A_166 = arith.constant 32 : i32
      %mul3A_167 = arith.muli %scan3A_16, %mul3A_166 : i32
      %add3A_168 = arith.constant 17 : i32
      %add3A_169 = arith.addi %mul3A_167, %add3A_168 : i32
      %get3A_170 = arith.index_cast %add3A_169 : i32 to index
      %get3A_171 = arith.constant 0 : index
      %get3A_172 = tpu.vector_load %arg6[%get3A_170, %get3A_171] {strides = array<i32>} : memref<1024x64xf32, #tpu.memory_space<vmem>>, vector<1x16xf32>,
      %get3A_173 = vector.shape_cast %get3A_172 : vector<1x16xf32> to vector<16xf32>
      %add3A_174 = arith.addf %add3A_165, %get3A_173 : vector<16xf32>
      %mul3A_175 = arith.constant 32 : i32
      %mul3A_176 = arith.muli %scan3A_16, %mul3A_175 : i32
      %add3A_177 = arith.constant 18 : i32
      %add3A_178 = arith.addi %mul3A_176, %add3A_177 : i32
      %get3A_179 = arith.index_cast %add3A_178 : i32 to index
      %get3A_180 = arith.constant 0 : index
      %get3A_181 = tpu.vector_load %arg6[%get3A_179, %get3A_180] {strides = array<i32>} : memref<1024x64xf32, #tpu.memory_space<vmem>>, vector<1x16xf32>,
      %get3A_182 = vector.shape_cast %get3A_181 : vector<1x16xf32> to vector<16xf32>
      %add3A_183 = arith.addf %add3A_174, %get3A_182 : vector<16xf32>
      %mul3A_184 = arith.constant 32 : i32
      %mul3A_185 = arith.muli %scan3A_16, %mul3A_184 : i32
      %add3A_186 = arith.constant 19 : i32
      %add3A_187 = arith.addi %mul3A_185, %add3A_186 : i32
      %get3A_188 = arith.index_cast %add3A_187 : i32 to index
      %get3A_189 = arith.constant 0 : index
      %get3A_190 = tpu.vector_load %arg6[%get3A_188, %get3A_189] {strides = array<i32>} : memref<1024x64xf32, #tpu.memory_space<vmem>>, vector<1x16xf32>,
      %get3A_191 = vector.shape_cast %get3A_190 : vector<1x16xf32> to vector<16xf32>
      %add3A_192 = arith.addf %add3A_183, %get3A_191 : vector<16xf32>
      %mul3A_193 = arith.constant 32 : i32
      %mul3A_194 = arith.muli %scan3A_16, %mul3A_193 : i32
      %add3A_195 = arith.constant 20 : i32
      %add3A_196 = arith.addi %mul3A_194, %add3A_195 : i32
      %get3A_197 = arith.index_cast %add3A_196 : i32 to index
      %get3A_198 = arith.constant 0 : index
      %get3A_199 = tpu.vector_load %arg6[%get3A_197, %get3A_198] {strides = array<i32>} : memref<1024x64xf32, #tpu.memory_space<vmem>>, vector<1x16xf32>,
      %get3A_200 = vector.shape_cast %get3A_199 : vector<1x16xf32> to vector<16xf32>
      %add3A_201 = arith.addf %add3A_192, %get3A_200 : vector<16xf32>
      %mul3A_202 = arith.constant 32 : i32
      %mul3A_203 = arith.muli %scan3A_16, %mul3A_202 : i32
      %add3A_204 = arith.constant 21 : i32
      %add3A_205 = arith.addi %mul3A_203, %add3A_204 : i32
      %get3A_206 = arith.index_cast %add3A_205 : i32 to index
      %get3A_207 = arith.constant 0 : index
      %get3A_208 = tpu.vector_load %arg6[%get3A_206, %get3A_207] {strides = array<i32>} : memref<1024x64xf32, #tpu.memory_space<vmem>>, vector<1x16xf32>,
      %get3A_209 = vector.shape_cast %get3A_208 : vector<1x16xf32> to vector<16xf32>
      %add3A_210 = arith.addf %add3A_201, %get3A_209 : vector<16xf32>
      %mul3A_211 = arith.constant 32 : i32
      %mul3A_212 = arith.muli %scan3A_16, %mul3A_211 : i32
      %add3A_213 = arith.constant 22 : i32
      %add3A_214 = arith.addi %mul3A_212, %add3A_213 : i32
      %get3A_215 = arith.index_cast %add3A_214 : i32 to index
      %get3A_216 = arith.constant 0 : index
      %get3A_217 = tpu.vector_load %arg6[%get3A_215, %get3A_216] {strides = array<i32>} : memref<1024x64xf32, #tpu.memory_space<vmem>>, vector<1x16xf32>,
      %get3A_218 = vector.shape_cast %get3A_217 : vector<1x16xf32> to vector<16xf32>
      %add3A_219 = arith.addf %add3A_210, %get3A_218 : vector<16xf32>
      %mul3A_220 = arith.constant 32 : i32
      %mul3A_221 = arith.muli %scan3A_16, %mul3A_220 : i32
      %add3A_222 = arith.constant 23 : i32
      %add3A_223 = arith.addi %mul3A_221, %add3A_222 : i32
      %get3A_224 = arith.index_cast %add3A_223 : i32 to index
      %get3A_225 = arith.constant 0 : index
      %get3A_226 = tpu.vector_load %arg6[%get3A_224, %get3A_225] {strides = array<i32>} : memref<1024x64xf32, #tpu.memory_space<vmem>>, vector<1x16xf32>,
      %get3A_227 = vector.shape_cast %get3A_226 : vector<1x16xf32> to vector<16xf32>
      %add3A_228 = arith.addf %add3A_219, %get3A_227 : vector<16xf32>
      %mul3A_229 = arith.constant 32 : i32
      %mul3A_230 = arith.muli %scan3A_16, %mul3A_229 : i32
      %add3A_231 = arith.constant 24 : i32
      %add3A_232 = arith.addi %mul3A_230, %add3A_231 : i32
      %get3A_233 = arith.index_cast %add3A_232 : i32 to index
      %get3A_234 = arith.constant 0 : index
      %get3A_235 = tpu.vector_load %arg6[%get3A_233, %get3A_234] {strides = array<i32>} : memref<1024x64xf32, #tpu.memory_space<vmem>>, vector<1x16xf32>,
      %get3A_236 = vector.shape_cast %get3A_235 : vector<1x16xf32> to vector<16xf32>
      %add3A_237 = arith.addf %add3A_228, %get3A_236 : vector<16xf32>
      %mul3A_238 = arith.constant 32 : i32
      %mul3A_239 = arith.muli %scan3A_16, %mul3A_238 : i32
      %add3A_240 = arith.constant 25 : i32
      %add3A_241 = arith.addi %mul3A_239, %add3A_240 : i32
      %get3A_242 = arith.index_cast %add3A_241 : i32 to index
      %get3A_243 = arith.constant 0 : index
      %get3A_244 = tpu.vector_load %arg6[%get3A_242, %get3A_243] {strides = array<i32>} : memref<1024x64xf32, #tpu.memory_space<vmem>>, vector<1x16xf32>,
      %get3A_245 = vector.shape_cast %get3A_244 : vector<1x16xf32> to vector<16xf32>
      %add3A_246 = arith.addf %add3A_237, %get3A_245 : vector<16xf32>
      %mul3A_247 = arith.constant 32 : i32
      %mul3A_248 = arith.muli %scan3A_16, %mul3A_247 : i32
      %add3A_249 = arith.constant 26 : i32
      %add3A_250 = arith.addi %mul3A_248, %add3A_249 : i32
      %get3A_251 = arith.index_cast %add3A_250 : i32 to index
      %get3A_252 = arith.constant 0 : index
      %get3A_253 = tpu.vector_load %arg6[%get3A_251, %get3A_252] {strides = array<i32>} : memref<1024x64xf32, #tpu.memory_space<vmem>>, vector<1x16xf32>,
      %get3A_254 = vector.shape_cast %get3A_253 : vector<1x16xf32> to vector<16xf32>
      %add3A_255 = arith.addf %add3A_246, %get3A_254 : vector<16xf32>
      %mul3A_256 = arith.constant 32 : i32
      %mul3A_257 = arith.muli %scan3A_16, %mul3A_256 : i32
      %add3A_258 = arith.constant 27 : i32
      %add3A_259 = arith.addi %mul3A_257, %add3A_258 : i32
      %get3A_260 = arith.index_cast %add3A_259 : i32 to index
      %get3A_261 = arith.constant 0 : index
      %get3A_262 = tpu.vector_load %arg6[%get3A_260, %get3A_261] {strides = array<i32>} : memref<1024x64xf32, #tpu.memory_space<vmem>>, vector<1x16xf32>,
      %get3A_263 = vector.shape_cast %get3A_262 : vector<1x16xf32> to vector<16xf32>
      %add3A_264 = arith.addf %add3A_255, %get3A_263 : vector<16xf32>
      %mul3A_265 = arith.constant 32 : i32
      %mul3A_266 = arith.muli %scan3A_16, %mul3A_265 : i32
      %add3A_267 = arith.constant 28 : i32
      %add3A_268 = arith.addi %mul3A_266, %add3A_267 : i32
      %get3A_269 = arith.index_cast %add3A_268 : i32 to index
      %get3A_270 = arith.constant 0 : index
      %get3A_271 = tpu.vector_load %arg6[%get3A_269, %get3A_270] {strides = array<i32>} : memref<1024x64xf32, #tpu.memory_space<vmem>>, vector<1x16xf32>,
      %get3A_272 = vector.shape_cast %get3A_271 : vector<1x16xf32> to vector<16xf32>
      %add3A_273 = arith.addf %add3A_264, %get3A_272 : vector<16xf32>
      %mul3A_274 = arith.constant 32 : i32
      %mul3A_275 = arith.muli %scan3A_16, %mul3A_274 : i32
      %add3A_276 = arith.constant 29 : i32
      %add3A_277 = arith.addi %mul3A_275, %add3A_276 : i32
      %get3A_278 = arith.index_cast %add3A_277 : i32 to index
      %get3A_279 = arith.constant 0 : index
      %get3A_280 = tpu.vector_load %arg6[%get3A_278, %get3A_279] {strides = array<i32>} : memref<1024x64xf32, #tpu.memory_space<vmem>>, vector<1x16xf32>,
      %get3A_281 = vector.shape_cast %get3A_280 : vector<1x16xf32> to vector<16xf32>
      %add3A_282 = arith.addf %add3A_273, %get3A_281 : vector<16xf32>
      %mul3A_283 = arith.constant 32 : i32
      %mul3A_284 = arith.muli %scan3A_16, %mul3A_283 : i32
      %add3A_285 = arith.constant 30 : i32
      %add3A_286 = arith.addi %mul3A_284, %add3A_285 : i32
      %get3A_287 = arith.index_cast %add3A_286 : i32 to index
      %get3A_288 = arith.constant 0 : index
      %get3A_289 = tpu.vector_load %arg6[%get3A_287, %get3A_288] {strides = array<i32>} : memref<1024x64xf32, #tpu.memory_space<vmem>>, vector<1x16xf32>,
      %get3A_290 = vector.shape_cast %get3A_289 : vector<1x16xf32> to vector<16xf32>
      %add3A_291 = arith.addf %add3A_282, %get3A_290 : vector<16xf32>
      %mul3A_292 = arith.constant 32 : i32
      %mul3A_293 = arith.muli %scan3A_16, %mul3A_292 : i32
      %add3A_294 = arith.constant 31 : i32
      %add3A_295 = arith.addi %mul3A_293, %add3A_294 : i32
      %get3A_296 = arith.index_cast %add3A_295 : i32 to index
      %get3A_297 = arith.constant 0 : index
      %get3A_298 = tpu.vector_load %arg6[%get3A_296, %get3A_297] {strides = array<i32>} : memref<1024x64xf32, #tpu.memory_space<vmem>>, vector<1x16xf32>,
      %get3A_299 = vector.shape_cast %get3A_298 : vector<1x16xf32> to vector<16xf32>
      %add3A_300 = arith.addf %add3A_291, %get3A_299 : vector<16xf32>
      %swap3A = arith.index_cast %scan3A_16 : i32 to index
      %swap3A_301 = arith.constant 0 : index
      %swap3A_302 = tpu.vector_load %arg7[%swap3A, %swap3A_301] {strides = array<i32>} : memref<32x64xf32, #tpu.memory_space<vmem>>, vector<1x16xf32>,
      %swap3A_303 = vector.shape_cast %swap3A_302 : vector<1x16xf32> to vector<16xf32>
      %swap3A_304 = vector.shape_cast %add3A_300 : vector<16xf32> to vector<1x16xf32>
      tpu.vector_store %arg7[%swap3A, %swap3A_301], %swap3A_304 {strides = array<i32>} : memref<32x64xf32, #tpu.memory_space<vmem>>, vector<1x16xf32>,
      %mul3A_305 = arith.constant 32 : i32
      %mul3A_306 = arith.muli %scan3A_16, %mul3A_305 : i32
      %get3A_307 = arith.index_cast %mul3A_306 : i32 to index
      %get3A_308 = arith.constant 16 : index
      %get3A_309 = tpu.vector_load %arg6[%get3A_307, %get3A_308] {strides = array<i32>} : memref<1024x64xf32, #tpu.memory_space<vmem>>, vector<1x16xf32>,
      %get3A_310 = vector.shape_cast %get3A_309 : vector<1x16xf32> to vector<16xf32>
      %mul3A_311 = arith.constant 32 : i32
      %mul3A_312 = arith.muli %scan3A_16, %mul3A_311 : i32
      %add3A_313 = arith.constant 1 : i32
      %add3A_314 = arith.addi %mul3A_312, %add3A_313 : i32
      %get3A_315 = arith.index_cast %add3A_314 : i32 to index
      %get3A_316 = arith.constant 16 : index
      %get3A_317 = tpu.vector_load %arg6[%get3A_315, %get3A_316] {strides = array<i32>} : memref<1024x64xf32, #tpu.memory_space<vmem>>, vector<1x16xf32>,
      %get3A_318 = vector.shape_cast %get3A_317 : vector<1x16xf32> to vector<16xf32>
      %add3A_319 = arith.addf %get3A_310, %get3A_318 : vector<16xf32>
      %mul3A_320 = arith.constant 32 : i32
      %mul3A_321 = arith.muli %scan3A_16, %mul3A_320 : i32
      %add3A_322 = arith.constant 2 : i32
      %add3A_323 = arith.addi %mul3A_321, %add3A_322 : i32
      %get3A_324 = arith.index_cast %add3A_323 : i32 to index
      %get3A_325 = arith.constant 16 : index
      %get3A_326 = tpu.vector_load %arg6[%get3A_324, %get3A_325] {strides = array<i32>} : memref<1024x64xf32, #tpu.memory_space<vmem>>, vector<1x16xf32>,
      %get3A_327 = vector.shape_cast %get3A_326 : vector<1x16xf32> to vector<16xf32>
      %add3A_328 = arith.addf %add3A_319, %get3A_327 : vector<16xf32>
      %mul3A_329 = arith.constant 32 : i32
      %mul3A_330 = arith.muli %scan3A_16, %mul3A_329 : i32
      %add3A_331 = arith.constant 3 : i32
      %add3A_332 = arith.addi %mul3A_330, %add3A_331 : i32
      %get3A_333 = arith.index_cast %add3A_332 : i32 to index
      %get3A_334 = arith.constant 16 : index
      %get3A_335 = tpu.vector_load %arg6[%get3A_333, %get3A_334] {strides = array<i32>} : memref<1024x64xf32, #tpu.memory_space<vmem>>, vector<1x16xf32>,
      %get3A_336 = vector.shape_cast %get3A_335 : vector<1x16xf32> to vector<16xf32>
      %add3A_337 = arith.addf %add3A_328, %get3A_336 : vector<16xf32>
      %mul3A_338 = arith.constant 32 : i32
      %mul3A_339 = arith.muli %scan3A_16, %mul3A_338 : i32
      %add3A_340 = arith.constant 4 : i32
      %add3A_341 = arith.addi %mul3A_339, %add3A_340 : i32
      %get3A_342 = arith.index_cast %add3A_341 : i32 to index
      %get3A_343 = arith.constant 16 : index
      %get3A_344 = tpu.vector_load %arg6[%get3A_342, %get3A_343] {strides = array<i32>} : memref<1024x64xf32, #tpu.memory_space<vmem>>, vector<1x16xf32>,
      %get3A_345 = vector.shape_cast %get3A_344 : vector<1x16xf32> to vector<16xf32>
      %add3A_346 = arith.addf %add3A_337, %get3A_345 : vector<16xf32>
      %mul3A_347 = arith.constant 32 : i32
      %mul3A_348 = arith.muli %scan3A_16, %mul3A_347 : i32
      %add3A_349 = arith.constant 5 : i32
      %add3A_350 = arith.addi %mul3A_348, %add3A_349 : i32
      %get3A_351 = arith.index_cast %add3A_350 : i32 to index
      %get3A_352 = arith.constant 16 : index
      %get3A_353 = tpu.vector_load %arg6[%get3A_351, %get3A_352] {strides = array<i32>} : memref<1024x64xf32, #tpu.memory_space<vmem>>, vector<1x16xf32>,
      %get3A_354 = vector.shape_cast %get3A_353 : vector<1x16xf32> to vector<16xf32>
      %add3A_355 = arith.addf %add3A_346, %get3A_354 : vector<16xf32>
      %mul3A_356 = arith.constant 32 : i32
      %mul3A_357 = arith.muli %scan3A_16, %mul3A_356 : i32
      %add3A_358 = arith.constant 6 : i32
      %add3A_359 = arith.addi %mul3A_357, %add3A_358 : i32
      %get3A_360 = arith.index_cast %add3A_359 : i32 to index
      %get3A_361 = arith.constant 16 : index
      %get3A_362 = tpu.vector_load %arg6[%get3A_360, %get3A_361] {strides = array<i32>} : memref<1024x64xf32, #tpu.memory_space<vmem>>, vector<1x16xf32>,
      %get3A_363 = vector.shape_cast %get3A_362 : vector<1x16xf32> to vector<16xf32>
      %add3A_364 = arith.addf %add3A_355, %get3A_363 : vector<16xf32>
      %mul3A_365 = arith.constant 32 : i32
      %mul3A_366 = arith.muli %scan3A_16, %mul3A_365 : i32
      %add3A_367 = arith.constant 7 : i32
      %add3A_368 = arith.addi %mul3A_366, %add3A_367 : i32
      %get3A_369 = arith.index_cast %add3A_368 : i32 to index
      %get3A_370 = arith.constant 16 : index
      %get3A_371 = tpu.vector_load %arg6[%get3A_369, %get3A_370] {strides = array<i32>} : memref<1024x64xf32, #tpu.memory_space<vmem>>, vector<1x16xf32>,
      %get3A_372 = vector.shape_cast %get3A_371 : vector<1x16xf32> to vector<16xf32>
      %add3A_373 = arith.addf %add3A_364, %get3A_372 : vector<16xf32>
      %mul3A_374 = arith.constant 32 : i32
      %mul3A_375 = arith.muli %scan3A_16, %mul3A_374 : i32
      %add3A_376 = arith.constant 8 : i32
      %add3A_377 = arith.addi %mul3A_375, %add3A_376 : i32
      %get3A_378 = arith.index_cast %add3A_377 : i32 to index
      %get3A_379 = arith.constant 16 : index
      %get3A_380 = tpu.vector_load %arg6[%get3A_378, %get3A_379] {strides = array<i32>} : memref<1024x64xf32, #tpu.memory_space<vmem>>, vector<1x16xf32>,
      %get3A_381 = vector.shape_cast %get3A_380 : vector<1x16xf32> to vector<16xf32>
      %add3A_382 = arith.addf %add3A_373, %get3A_381 : vector<16xf32>
      %mul3A_383 = arith.constant 32 : i32
      %mul3A_384 = arith.muli %scan3A_16, %mul3A_383 : i32
      %add3A_385 = arith.constant 9 : i32
      %add3A_386 = arith.addi %mul3A_384, %add3A_385 : i32
      %get3A_387 = arith.index_cast %add3A_386 : i32 to index
      %get3A_388 = arith.constant 16 : index
      %get3A_389 = tpu.vector_load %arg6[%get3A_387, %get3A_388] {strides = array<i32>} : memref<1024x64xf32, #tpu.memory_space<vmem>>, vector<1x16xf32>,
      %get3A_390 = vector.shape_cast %get3A_389 : vector<1x16xf32> to vector<16xf32>
      %add3A_391 = arith.addf %add3A_382, %get3A_390 : vector<16xf32>
      %mul3A_392 = arith.constant 32 : i32
      %mul3A_393 = arith.muli %scan3A_16, %mul3A_392 : i32
      %add3A_394 = arith.constant 10 : i32
      %add3A_395 = arith.addi %mul3A_393, %add3A_394 : i32
      %get3A_396 = arith.index_cast %add3A_395 : i32 to index
      %get3A_397 = arith.constant 16 : index
      %get3A_398 = tpu.vector_load %arg6[%get3A_396, %get3A_397] {strides = array<i32>} : memref<1024x64xf32, #tpu.memory_space<vmem>>, vector<1x16xf32>,
      %get3A_399 = vector.shape_cast %get3A_398 : vector<1x16xf32> to vector<16xf32>
      %add3A_400 = arith.addf %add3A_391, %get3A_399 : vector<16xf32>
      %mul3A_401 = arith.constant 32 : i32
      %mul3A_402 = arith.muli %scan3A_16, %mul3A_401 : i32
      %add3A_403 = arith.constant 11 : i32
      %add3A_404 = arith.addi %mul3A_402, %add3A_403 : i32
      %get3A_405 = arith.index_cast %add3A_404 : i32 to index
      %get3A_406 = arith.constant 16 : index
      %get3A_407 = tpu.vector_load %arg6[%get3A_405, %get3A_406] {strides = array<i32>} : memref<1024x64xf32, #tpu.memory_space<vmem>>, vector<1x16xf32>,
      %get3A_408 = vector.shape_cast %get3A_407 : vector<1x16xf32> to vector<16xf32>
      %add3A_409 = arith.addf %add3A_400, %get3A_408 : vector<16xf32>
      %mul3A_410 = arith.constant 32 : i32
      %mul3A_411 = arith.muli %scan3A_16, %mul3A_410 : i32
      %add3A_412 = arith.constant 12 : i32
      %add3A_413 = arith.addi %mul3A_411, %add3A_412 : i32
      %get3A_414 = arith.index_cast %add3A_413 : i32 to index
      %get3A_415 = arith.constant 16 : index
      %get3A_416 = tpu.vector_load %arg6[%get3A_414, %get3A_415] {strides = array<i32>} : memref<1024x64xf32, #tpu.memory_space<vmem>>, vector<1x16xf32>,
      %get3A_417 = vector.shape_cast %get3A_416 : vector<1x16xf32> to vector<16xf32>
      %add3A_418 = arith.addf %add3A_409, %get3A_417 : vector<16xf32>
      %mul3A_419 = arith.constant 32 : i32
      %mul3A_420 = arith.muli %scan3A_16, %mul3A_419 : i32
      %add3A_421 = arith.constant 13 : i32
      %add3A_422 = arith.addi %mul3A_420, %add3A_421 : i32
      %get3A_423 = arith.index_cast %add3A_422 : i32 to index
      %get3A_424 = arith.constant 16 : index
      %get3A_425 = tpu.vector_load %arg6[%get3A_423, %get3A_424] {strides = array<i32>} : memref<1024x64xf32, #tpu.memory_space<vmem>>, vector<1x16xf32>,
      %get3A_426 = vector.shape_cast %get3A_425 : vector<1x16xf32> to vector<16xf32>
      %add3A_427 = arith.addf %add3A_418, %get3A_426 : vector<16xf32>
      %mul3A_428 = arith.constant 32 : i32
      %mul3A_429 = arith.muli %scan3A_16, %mul3A_428 : i32
      %add3A_430 = arith.constant 14 : i32
      %add3A_431 = arith.addi %mul3A_429, %add3A_430 : i32
      %get3A_432 = arith.index_cast %add3A_431 : i32 to index
      %get3A_433 = arith.constant 16 : index
      %get3A_434 = tpu.vector_load %arg6[%get3A_432, %get3A_433] {strides = array<i32>} : memref<1024x64xf32, #tpu.memory_space<vmem>>, vector<1x16xf32>,
      %get3A_435 = vector.shape_cast %get3A_434 : vector<1x16xf32> to vector<16xf32>
      %add3A_436 = arith.addf %add3A_427, %get3A_435 : vector<16xf32>
      %mul3A_437 = arith.constant 32 : i32
      %mul3A_438 = arith.muli %scan3A_16, %mul3A_437 : i32
      %add3A_439 = arith.constant 15 : i32
      %add3A_440 = arith.addi %mul3A_438, %add3A_439 : i32
      %get3A_441 = arith.index_cast %add3A_440 : i32 to index
      %get3A_442 = arith.constant 16 : index
      %get3A_443 = tpu.vector_load %arg6[%get3A_441, %get3A_442] {strides = array<i32>} : memref<1024x64xf32, #tpu.memory_space<vmem>>, vector<1x16xf32>,
      %get3A_444 = vector.shape_cast %get3A_443 : vector<1x16xf32> to vector<16xf32>
      %add3A_445 = arith.addf %add3A_436, %get3A_444 : vector<16xf32>
      %mul3A_446 = arith.constant 32 : i32
      %mul3A_447 = arith.muli %scan3A_16, %mul3A_446 : i32
      %add3A_448 = arith.constant 16 : i32
      %add3A_449 = arith.addi %mul3A_447, %add3A_448 : i32
      %get3A_450 = arith.index_cast %add3A_449 : i32 to index
      %get3A_451 = arith.constant 16 : index
      %get3A_452 = tpu.vector_load %arg6[%get3A_450, %get3A_451] {strides = array<i32>} : memref<1024x64xf32, #tpu.memory_space<vmem>>, vector<1x16xf32>,
      %get3A_453 = vector.shape_cast %get3A_452 : vector<1x16xf32> to vector<16xf32>
      %add3A_454 = arith.addf %add3A_445, %get3A_453 : vector<16xf32>
      %mul3A_455 = arith.constant 32 : i32
      %mul3A_456 = arith.muli %scan3A_16, %mul3A_455 : i32
      %add3A_457 = arith.constant 17 : i32
      %add3A_458 = arith.addi %mul3A_456, %add3A_457 : i32
      %get3A_459 = arith.index_cast %add3A_458 : i32 to index
      %get3A_460 = arith.constant 16 : index
      %get3A_461 = tpu.vector_load %arg6[%get3A_459, %get3A_460] {strides = array<i32>} : memref<1024x64xf32, #tpu.memory_space<vmem>>, vector<1x16xf32>,
      %get3A_462 = vector.shape_cast %get3A_461 : vector<1x16xf32> to vector<16xf32>
      %add3A_463 = arith.addf %add3A_454, %get3A_462 : vector<16xf32>
      %mul3A_464 = arith.constant 32 : i32
      %mul3A_465 = arith.muli %scan3A_16, %mul3A_464 : i32
      %add3A_466 = arith.constant 18 : i32
      %add3A_467 = arith.addi %mul3A_465, %add3A_466 : i32
      %get3A_468 = arith.index_cast %add3A_467 : i32 to index
      %get3A_469 = arith.constant 16 : index
      %get3A_470 = tpu.vector_load %arg6[%get3A_468, %get3A_469] {strides = array<i32>} : memref<1024x64xf32, #tpu.memory_space<vmem>>, vector<1x16xf32>,
      %get3A_471 = vector.shape_cast %get3A_470 : vector<1x16xf32> to vector<16xf32>
      %add3A_472 = arith.addf %add3A_463, %get3A_471 : vector<16xf32>
      %mul3A_473 = arith.constant 32 : i32
      %mul3A_474 = arith.muli %scan3A_16, %mul3A_473 : i32
      %add3A_475 = arith.constant 19 : i32
      %add3A_476 = arith.addi %mul3A_474, %add3A_475 : i32
      %get3A_477 = arith.index_cast %add3A_476 : i32 to index
      %get3A_478 = arith.constant 16 : index
      %get3A_479 = tpu.vector_load %arg6[%get3A_477, %get3A_478] {strides = array<i32>} : memref<1024x64xf32, #tpu.memory_space<vmem>>, vector<1x16xf32>,
      %get3A_480 = vector.shape_cast %get3A_479 : vector<1x16xf32> to vector<16xf32>
      %add3A_481 = arith.addf %add3A_472, %get3A_480 : vector<16xf32>
      %mul3A_482 = arith.constant 32 : i32
      %mul3A_483 = arith.muli %scan3A_16, %mul3A_482 : i32
      %add3A_484 = arith.constant 20 : i32
      %add3A_485 = arith.addi %mul3A_483, %add3A_484 : i32
      %get3A_486 = arith.index_cast %add3A_485 : i32 to index
      %get3A_487 = arith.constant 16 : index
      %get3A_488 = tpu.vector_load %arg6[%get3A_486, %get3A_487] {strides = array<i32>} : memref<1024x64xf32, #tpu.memory_space<vmem>>, vector<1x16xf32>,
      %get3A_489 = vector.shape_cast %get3A_488 : vector<1x16xf32> to vector<16xf32>
      %add3A_490 = arith.addf %add3A_481, %get3A_489 : vector<16xf32>
      %mul3A_491 = arith.constant 32 : i32
      %mul3A_492 = arith.muli %scan3A_16, %mul3A_491 : i32
      %add3A_493 = arith.constant 21 : i32
      %add3A_494 = arith.addi %mul3A_492, %add3A_493 : i32
      %get3A_495 = arith.index_cast %add3A_494 : i32 to index
      %get3A_496 = arith.constant 16 : index
      %get3A_497 = tpu.vector_load %arg6[%get3A_495, %get3A_496] {strides = array<i32>} : memref<1024x64xf32, #tpu.memory_space<vmem>>, vector<1x16xf32>,
      %get3A_498 = vector.shape_cast %get3A_497 : vector<1x16xf32> to vector<16xf32>
      %add3A_499 = arith.addf %add3A_490, %get3A_498 : vector<16xf32>
      %mul3A_500 = arith.constant 32 : i32
      %mul3A_501 = arith.muli %scan3A_16, %mul3A_500 : i32
      %add3A_502 = arith.constant 22 : i32
      %add3A_503 = arith.addi %mul3A_501, %add3A_502 : i32
      %get3A_504 = arith.index_cast %add3A_503 : i32 to index
      %get3A_505 = arith.constant 16 : index
      %get3A_506 = tpu.vector_load %arg6[%get3A_504, %get3A_505] {strides = array<i32>} : memref<1024x64xf32, #tpu.memory_space<vmem>>, vector<1x16xf32>,
      %get3A_507 = vector.shape_cast %get3A_506 : vector<1x16xf32> to vector<16xf32>
      %add3A_508 = arith.addf %add3A_499, %get3A_507 : vector<16xf32>
      %mul3A_509 = arith.constant 32 : i32
      %mul3A_510 = arith.muli %scan3A_16, %mul3A_509 : i32
      %add3A_511 = arith.constant 23 : i32
      %add3A_512 = arith.addi %mul3A_510, %add3A_511 : i32
      %get3A_513 = arith.index_cast %add3A_512 : i32 to index
      %get3A_514 = arith.constant 16 : index
      %get3A_515 = tpu.vector_load %arg6[%get3A_513, %get3A_514] {strides = array<i32>} : memref<1024x64xf32, #tpu.memory_space<vmem>>, vector<1x16xf32>,
      %get3A_516 = vector.shape_cast %get3A_515 : vector<1x16xf32> to vector<16xf32>
      %add3A_517 = arith.addf %add3A_508, %get3A_516 : vector<16xf32>
      %mul3A_518 = arith.constant 32 : i32
      %mul3A_519 = arith.muli %scan3A_16, %mul3A_518 : i32
      %add3A_520 = arith.constant 24 : i32
      %add3A_521 = arith.addi %mul3A_519, %add3A_520 : i32
      %get3A_522 = arith.index_cast %add3A_521 : i32 to index
      %get3A_523 = arith.constant 16 : index
      %get3A_524 = tpu.vector_load %arg6[%get3A_522, %get3A_523] {strides = array<i32>} : memref<1024x64xf32, #tpu.memory_space<vmem>>, vector<1x16xf32>,
      %get3A_525 = vector.shape_cast %get3A_524 : vector<1x16xf32> to vector<16xf32>
      %add3A_526 = arith.addf %add3A_517, %get3A_525 : vector<16xf32>
      %mul3A_527 = arith.constant 32 : i32
      %mul3A_528 = arith.muli %scan3A_16, %mul3A_527 : i32
      %add3A_529 = arith.constant 25 : i32
      %add3A_530 = arith.addi %mul3A_528, %add3A_529 : i32
      %get3A_531 = arith.index_cast %add3A_530 : i32 to index
      %get3A_532 = arith.constant 16 : index
      %get3A_533 = tpu.vector_load %arg6[%get3A_531, %get3A_532] {strides = array<i32>} : memref<1024x64xf32, #tpu.memory_space<vmem>>, vector<1x16xf32>,
      %get3A_534 = vector.shape_cast %get3A_533 : vector<1x16xf32> to vector<16xf32>
      %add3A_535 = arith.addf %add3A_526, %get3A_534 : vector<16xf32>
      %mul3A_536 = arith.constant 32 : i32
      %mul3A_537 = arith.muli %scan3A_16, %mul3A_536 : i32
      %add3A_538 = arith.constant 26 : i32
      %add3A_539 = arith.addi %mul3A_537, %add3A_538 : i32
      %get3A_540 = arith.index_cast %add3A_539 : i32 to index
      %get3A_541 = arith.constant 16 : index
      %get3A_542 = tpu.vector_load %arg6[%get3A_540, %get3A_541] {strides = array<i32>} : memref<1024x64xf32, #tpu.memory_space<vmem>>, vector<1x16xf32>,
      %get3A_543 = vector.shape_cast %get3A_542 : vector<1x16xf32> to vector<16xf32>
      %add3A_544 = arith.addf %add3A_535, %get3A_543 : vector<16xf32>
      %mul3A_545 = arith.constant 32 : i32
      %mul3A_546 = arith.muli %scan3A_16, %mul3A_545 : i32
      %add3A_547 = arith.constant 27 : i32
      %add3A_548 = arith.addi %mul3A_546, %add3A_547 : i32
      %get3A_549 = arith.index_cast %add3A_548 : i32 to index
      %get3A_550 = arith.constant 16 : index
      %get3A_551 = tpu.vector_load %arg6[%get3A_549, %get3A_550] {strides = array<i32>} : memref<1024x64xf32, #tpu.memory_space<vmem>>, vector<1x16xf32>,
      %get3A_552 = vector.shape_cast %get3A_551 : vector<1x16xf32> to vector<16xf32>
      %add3A_553 = arith.addf %add3A_544, %get3A_552 : vector<16xf32>
      %mul3A_554 = arith.constant 32 : i32
      %mul3A_555 = arith.muli %scan3A_16, %mul3A_554 : i32
      %add3A_556 = arith.constant 28 : i32
      %add3A_557 = arith.addi %mul3A_555, %add3A_556 : i32
      %get3A_558 = arith.index_cast %add3A_557 : i32 to index
      %get3A_559 = arith.constant 16 : index
      %get3A_560 = tpu.vector_load %arg6[%get3A_558, %get3A_559] {strides = array<i32>} : memref<1024x64xf32, #tpu.memory_space<vmem>>, vector<1x16xf32>,
      %get3A_561 = vector.shape_cast %get3A_560 : vector<1x16xf32> to vector<16xf32>
      %add3A_562 = arith.addf %add3A_553, %get3A_561 : vector<16xf32>
      %mul3A_563 = arith.constant 32 : i32
      %mul3A_564 = arith.muli %scan3A_16, %mul3A_563 : i32
      %add3A_565 = arith.constant 29 : i32
      %add3A_566 = arith.addi %mul3A_564, %add3A_565 : i32
      %get3A_567 = arith.index_cast %add3A_566 : i32 to index
      %get3A_568 = arith.constant 16 : index
      %get3A_569 = tpu.vector_load %arg6[%get3A_567, %get3A_568] {strides = array<i32>} : memref<1024x64xf32, #tpu.memory_space<vmem>>, vector<1x16xf32>,
      %get3A_570 = vector.shape_cast %get3A_569 : vector<1x16xf32> to vector<16xf32>
      %add3A_571 = arith.addf %add3A_562, %get3A_570 : vector<16xf32>
      %mul3A_572 = arith.constant 32 : i32
      %mul3A_573 = arith.muli %scan3A_16, %mul3A_572 : i32
      %add3A_574 = arith.constant 30 : i32
      %add3A_575 = arith.addi %mul3A_573, %add3A_574 : i32
      %get3A_576 = arith.index_cast %add3A_575 : i32 to index
      %get3A_577 = arith.constant 16 : index
      %get3A_578 = tpu.vector_load %arg6[%get3A_576, %get3A_577] {strides = array<i32>} : memref<1024x64xf32, #tpu.memory_space<vmem>>, vector<1x16xf32>,
      %get3A_579 = vector.shape_cast %get3A_578 : vector<1x16xf32> to vector<16xf32>
      %add3A_580 = arith.addf %add3A_571, %get3A_579 : vector<16xf32>
      %mul3A_581 = arith.constant 32 : i32
      %mul3A_582 = arith.muli %scan3A_16, %mul3A_581 : i32
      %add3A_583 = arith.constant 31 : i32
      %add3A_584 = arith.addi %mul3A_582, %add3A_583 : i32
      %get3A_585 = arith.index_cast %add3A_584 : i32 to index
      %get3A_586 = arith.constant 16 : index
      %get3A_587 = tpu.vector_load %arg6[%get3A_585, %get3A_586] {strides = array<i32>} : memref<1024x64xf32, #tpu.memory_space<vmem>>, vector<1x16xf32>,
      %get3A_588 = vector.shape_cast %get3A_587 : vector<1x16xf32> to vector<16xf32>
      %add3A_589 = arith.addf %add3A_580, %get3A_588 : vector<16xf32>
      %swap3A_590 = arith.index_cast %scan3A_16 : i32 to index
      %swap3A_591 = arith.constant 16 : index
      %swap3A_592 = tpu.vector_load %arg7[%swap3A_590, %swap3A_591] {strides = array<i32>} : memref<32x64xf32, #tpu.memory_space<vmem>>, vector<1x16xf32>,
      %swap3A_593 = vector.shape_cast %swap3A_592 : vector<1x16xf32> to vector<16xf32>
      %swap3A_594 = vector.shape_cast %add3A_589 : vector<16xf32> to vector<1x16xf32>
      tpu.vector_store %arg7[%swap3A_590, %swap3A_591], %swap3A_594 {strides = array<i32>} : memref<32x64xf32, #tpu.memory_space<vmem>>, vector<1x16xf32>,
      %mul3A_595 = arith.constant 32 : i32
      %mul3A_596 = arith.muli %scan3A_16, %mul3A_595 : i32
      %get3A_597 = arith.index_cast %mul3A_596 : i32 to index
      %get3A_598 = arith.constant 32 : index
      %get3A_599 = tpu.vector_load %arg6[%get3A_597, %get3A_598] {strides = array<i32>} : memref<1024x64xf32, #tpu.memory_space<vmem>>, vector<1x16xf32>,
      %get3A_600 = vector.shape_cast %get3A_599 : vector<1x16xf32> to vector<16xf32>
      %mul3A_601 = arith.constant 32 : i32
      %mul3A_602 = arith.muli %scan3A_16, %mul3A_601 : i32
      %add3A_603 = arith.constant 1 : i32
      %add3A_604 = arith.addi %mul3A_602, %add3A_603 : i32
      %get3A_605 = arith.index_cast %add3A_604 : i32 to index
      %get3A_606 = arith.constant 32 : index
      %get3A_607 = tpu.vector_load %arg6[%get3A_605, %get3A_606] {strides = array<i32>} : memref<1024x64xf32, #tpu.memory_space<vmem>>, vector<1x16xf32>,
      %get3A_608 = vector.shape_cast %get3A_607 : vector<1x16xf32> to vector<16xf32>
      %add3A_609 = arith.addf %get3A_600, %get3A_608 : vector<16xf32>
      %mul3A_610 = arith.constant 32 : i32
      %mul3A_611 = arith.muli %scan3A_16, %mul3A_610 : i32
      %add3A_612 = arith.constant 2 : i32
      %add3A_613 = arith.addi %mul3A_611, %add3A_612 : i32
      %get3A_614 = arith.index_cast %add3A_613 : i32 to index
      %get3A_615 = arith.constant 32 : index
      %get3A_616 = tpu.vector_load %arg6[%get3A_614, %get3A_615] {strides = array<i32>} : memref<1024x64xf32, #tpu.memory_space<vmem>>, vector<1x16xf32>,
      %get3A_617 = vector.shape_cast %get3A_616 : vector<1x16xf32> to vector<16xf32>
      %add3A_618 = arith.addf %add3A_609, %get3A_617 : vector<16xf32>
      %mul3A_619 = arith.constant 32 : i32
      %mul3A_620 = arith.muli %scan3A_16, %mul3A_619 : i32
      %add3A_621 = arith.constant 3 : i32
      %add3A_622 = arith.addi %mul3A_620, %add3A_621 : i32
      %get3A_623 = arith.index_cast %add3A_622 : i32 to index
      %get3A_624 = arith.constant 32 : index
      %get3A_625 = tpu.vector_load %arg6[%get3A_623, %get3A_624] {strides = array<i32>} : memref<1024x64xf32, #tpu.memory_space<vmem>>, vector<1x16xf32>,
      %get3A_626 = vector.shape_cast %get3A_625 : vector<1x16xf32> to vector<16xf32>
      %add3A_627 = arith.addf %add3A_618, %get3A_626 : vector<16xf32>
      %mul3A_628 = arith.constant 32 : i32
      %mul3A_629 = arith.muli %scan3A_16, %mul3A_628 : i32
      %add3A_630 = arith.constant 4 : i32
      %add3A_631 = arith.addi %mul3A_629, %add3A_630 : i32
      %get3A_632 = arith.index_cast %add3A_631 : i32 to index
      %get3A_633 = arith.constant 32 : index
      %get3A_634 = tpu.vector_load %arg6[%get3A_632, %get3A_633] {strides = array<i32>} : memref<1024x64xf32, #tpu.memory_space<vmem>>, vector<1x16xf32>,
      %get3A_635 = vector.shape_cast %get3A_634 : vector<1x16xf32> to vector<16xf32>
      %add3A_636 = arith.addf %add3A_627, %get3A_635 : vector<16xf32>
      %mul3A_637 = arith.constant 32 : i32
      %mul3A_638 = arith.muli %scan3A_16, %mul3A_637 : i32
      %add3A_639 = arith.constant 5 : i32
      %add3A_640 = arith.addi %mul3A_638, %add3A_639 : i32
      %get3A_641 = arith.index_cast %add3A_640 : i32 to index
      %get3A_642 = arith.constant 32 : index
      %get3A_643 = tpu.vector_load %arg6[%get3A_641, %get3A_642] {strides = array<i32>} : memref<1024x64xf32, #tpu.memory_space<vmem>>, vector<1x16xf32>,
      %get3A_644 = vector.shape_cast %get3A_643 : vector<1x16xf32> to vector<16xf32>
      %add3A_645 = arith.addf %add3A_636, %get3A_644 : vector<16xf32>
      %mul3A_646 = arith.constant 32 : i32
      %mul3A_647 = arith.muli %scan3A_16, %mul3A_646 : i32
      %add3A_648 = arith.constant 6 : i32
      %add3A_649 = arith.addi %mul3A_647, %add3A_648 : i32
      %get3A_650 = arith.index_cast %add3A_649 : i32 to index
      %get3A_651 = arith.constant 32 : index
      %get3A_652 = tpu.vector_load %arg6[%get3A_650, %get3A_651] {strides = array<i32>} : memref<1024x64xf32, #tpu.memory_space<vmem>>, vector<1x16xf32>,
      %get3A_653 = vector.shape_cast %get3A_652 : vector<1x16xf32> to vector<16xf32>
      %add3A_654 = arith.addf %add3A_645, %get3A_653 : vector<16xf32>
      %mul3A_655 = arith.constant 32 : i32
      %mul3A_656 = arith.muli %scan3A_16, %mul3A_655 : i32
      %add3A_657 = arith.constant 7 : i32
      %add3A_658 = arith.addi %mul3A_656, %add3A_657 : i32
      %get3A_659 = arith.index_cast %add3A_658 : i32 to index
      %get3A_660 = arith.constant 32 : index
      %get3A_661 = tpu.vector_load %arg6[%get3A_659, %get3A_660] {strides = array<i32>} : memref<1024x64xf32, #tpu.memory_space<vmem>>, vector<1x16xf32>,
      %get3A_662 = vector.shape_cast %get3A_661 : vector<1x16xf32> to vector<16xf32>
      %add3A_663 = arith.addf %add3A_654, %get3A_662 : vector<16xf32>
      %mul3A_664 = arith.constant 32 : i32
      %mul3A_665 = arith.muli %scan3A_16, %mul3A_664 : i32
      %add3A_666 = arith.constant 8 : i32
      %add3A_667 = arith.addi %mul3A_665, %add3A_666 : i32
      %get3A_668 = arith.index_cast %add3A_667 : i32 to index
      %get3A_669 = arith.constant 32 : index
      %get3A_670 = tpu.vector_load %arg6[%get3A_668, %get3A_669] {strides = array<i32>} : memref<1024x64xf32, #tpu.memory_space<vmem>>, vector<1x16xf32>,
      %get3A_671 = vector.shape_cast %get3A_670 : vector<1x16xf32> to vector<16xf32>
      %add3A_672 = arith.addf %add3A_663, %get3A_671 : vector<16xf32>
      %mul3A_673 = arith.constant 32 : i32
      %mul3A_674 = arith.muli %scan3A_16, %mul3A_673 : i32
      %add3A_675 = arith.constant 9 : i32
      %add3A_676 = arith.addi %mul3A_674, %add3A_675 : i32
      %get3A_677 = arith.index_cast %add3A_676 : i32 to index
      %get3A_678 = arith.constant 32 : index
      %get3A_679 = tpu.vector_load %arg6[%get3A_677, %get3A_678] {strides = array<i32>} : memref<1024x64xf32, #tpu.memory_space<vmem>>, vector<1x16xf32>,
      %get3A_680 = vector.shape_cast %get3A_679 : vector<1x16xf32> to vector<16xf32>
      %add3A_681 = arith.addf %add3A_672, %get3A_680 : vector<16xf32>
      %mul3A_682 = arith.constant 32 : i32
      %mul3A_683 = arith.muli %scan3A_16, %mul3A_682 : i32
      %add3A_684 = arith.constant 10 : i32
      %add3A_685 = arith.addi %mul3A_683, %add3A_684 : i32
      %get3A_686 = arith.index_cast %add3A_685 : i32 to index
      %get3A_687 = arith.constant 32 : index
      %get3A_688 = tpu.vector_load %arg6[%get3A_686, %get3A_687] {strides = array<i32>} : memref<1024x64xf32, #tpu.memory_space<vmem>>, vector<1x16xf32>,
      %get3A_689 = vector.shape_cast %get3A_688 : vector<1x16xf32> to vector<16xf32>
      %add3A_690 = arith.addf %add3A_681, %get3A_689 : vector<16xf32>
      %mul3A_691 = arith.constant 32 : i32
      %mul3A_692 = arith.muli %scan3A_16, %mul3A_691 : i32
      %add3A_693 = arith.constant 11 : i32
      %add3A_694 = arith.addi %mul3A_692, %add3A_693 : i32
      %get3A_695 = arith.index_cast %add3A_694 : i32 to index
      %get3A_696 = arith.constant 32 : index
      %get3A_697 = tpu.vector_load %arg6[%get3A_695, %get3A_696] {strides = array<i32>} : memref<1024x64xf32, #tpu.memory_space<vmem>>, vector<1x16xf32>,
      %get3A_698 = vector.shape_cast %get3A_697 : vector<1x16xf32> to vector<16xf32>
      %add3A_699 = arith.addf %add3A_690, %get3A_698 : vector<16xf32>
      %mul3A_700 = arith.constant 32 : i32
      %mul3A_701 = arith.muli %scan3A_16, %mul3A_700 : i32
      %add3A_702 = arith.constant 12 : i32
      %add3A_703 = arith.addi %mul3A_701, %add3A_702 : i32
      %get3A_704 = arith.index_cast %add3A_703 : i32 to index
      %get3A_705 = arith.constant 32 : index
      %get3A_706 = tpu.vector_load %arg6[%get3A_704, %get3A_705] {strides = array<i32>} : memref<1024x64xf32, #tpu.memory_space<vmem>>, vector<1x16xf32>,
      %get3A_707 = vector.shape_cast %get3A_706 : vector<1x16xf32> to vector<16xf32>
      %add3A_708 = arith.addf %add3A_699, %get3A_707 : vector<16xf32>
      %mul3A_709 = arith.constant 32 : i32
      %mul3A_710 = arith.muli %scan3A_16, %mul3A_709 : i32
      %add3A_711 = arith.constant 13 : i32
      %add3A_712 = arith.addi %mul3A_710, %add3A_711 : i32
      %get3A_713 = arith.index_cast %add3A_712 : i32 to index
      %get3A_714 = arith.constant 32 : index
      %get3A_715 = tpu.vector_load %arg6[%get3A_713, %get3A_714] {strides = array<i32>} : memref<1024x64xf32, #tpu.memory_space<vmem>>, vector<1x16xf32>,
      %get3A_716 = vector.shape_cast %get3A_715 : vector<1x16xf32> to vector<16xf32>
      %add3A_717 = arith.addf %add3A_708, %get3A_716 : vector<16xf32>
      %mul3A_718 = arith.constant 32 : i32
      %mul3A_719 = arith.muli %scan3A_16, %mul3A_718 : i32
      %add3A_720 = arith.constant 14 : i32
      %add3A_721 = arith.addi %mul3A_719, %add3A_720 : i32
      %get3A_722 = arith.index_cast %add3A_721 : i32 to index
      %get3A_723 = arith.constant 32 : index
      %get3A_724 = tpu.vector_load %arg6[%get3A_722, %get3A_723] {strides = array<i32>} : memref<1024x64xf32, #tpu.memory_space<vmem>>, vector<1x16xf32>,
      %get3A_725 = vector.shape_cast %get3A_724 : vector<1x16xf32> to vector<16xf32>
      %add3A_726 = arith.addf %add3A_717, %get3A_725 : vector<16xf32>
      %mul3A_727 = arith.constant 32 : i32
      %mul3A_728 = arith.muli %scan3A_16, %mul3A_727 : i32
      %add3A_729 = arith.constant 15 : i32
      %add3A_730 = arith.addi %mul3A_728, %add3A_729 : i32
      %get3A_731 = arith.index_cast %add3A_730 : i32 to index
      %get3A_732 = arith.constant 32 : index
      %get3A_733 = tpu.vector_load %arg6[%get3A_731, %get3A_732] {strides = array<i32>} : memref<1024x64xf32, #tpu.memory_space<vmem>>, vector<1x16xf32>,
      %get3A_734 = vector.shape_cast %get3A_733 : vector<1x16xf32> to vector<16xf32>
      %add3A_735 = arith.addf %add3A_726, %get3A_734 : vector<16xf32>
      %mul3A_736 = arith.constant 32 : i32
      %mul3A_737 = arith.muli %scan3A_16, %mul3A_736 : i32
      %add3A_738 = arith.constant 16 : i32
      %add3A_739 = arith.addi %mul3A_737, %add3A_738 : i32
      %get3A_740 = arith.index_cast %add3A_739 : i32 to index
      %get3A_741 = arith.constant 32 : index
      %get3A_742 = tpu.vector_load %arg6[%get3A_740, %get3A_741] {strides = array<i32>} : memref<1024x64xf32, #tpu.memory_space<vmem>>, vector<1x16xf32>,
      %get3A_743 = vector.shape_cast %get3A_742 : vector<1x16xf32> to vector<16xf32>
      %add3A_744 = arith.addf %add3A_735, %get3A_743 : vector<16xf32>
      %mul3A_745 = arith.constant 32 : i32
      %mul3A_746 = arith.muli %scan3A_16, %mul3A_745 : i32
      %add3A_747 = arith.constant 17 : i32
      %add3A_748 = arith.addi %mul3A_746, %add3A_747 : i32
      %get3A_749 = arith.index_cast %add3A_748 : i32 to index
      %get3A_750 = arith.constant 32 : index
      %get3A_751 = tpu.vector_load %arg6[%get3A_749, %get3A_750] {strides = array<i32>} : memref<1024x64xf32, #tpu.memory_space<vmem>>, vector<1x16xf32>,
      %get3A_752 = vector.shape_cast %get3A_751 : vector<1x16xf32> to vector<16xf32>
      %add3A_753 = arith.addf %add3A_744, %get3A_752 : vector<16xf32>
      %mul3A_754 = arith.constant 32 : i32
      %mul3A_755 = arith.muli %scan3A_16, %mul3A_754 : i32
      %add3A_756 = arith.constant 18 : i32
      %add3A_757 = arith.addi %mul3A_755, %add3A_756 : i32
      %get3A_758 = arith.index_cast %add3A_757 : i32 to index
      %get3A_759 = arith.constant 32 : index
      %get3A_760 = tpu.vector_load %arg6[%get3A_758, %get3A_759] {strides = array<i32>} : memref<1024x64xf32, #tpu.memory_space<vmem>>, vector<1x16xf32>,
      %get3A_761 = vector.shape_cast %get3A_760 : vector<1x16xf32> to vector<16xf32>
      %add3A_762 = arith.addf %add3A_753, %get3A_761 : vector<16xf32>
      %mul3A_763 = arith.constant 32 : i32
      %mul3A_764 = arith.muli %scan3A_16, %mul3A_763 : i32
      %add3A_765 = arith.constant 19 : i32
      %add3A_766 = arith.addi %mul3A_764, %add3A_765 : i32
      %get3A_767 = arith.index_cast %add3A_766 : i32 to index
      %get3A_768 = arith.constant 32 : index
      %get3A_769 = tpu.vector_load %arg6[%get3A_767, %get3A_768] {strides = array<i32>} : memref<1024x64xf32, #tpu.memory_space<vmem>>, vector<1x16xf32>,
      %get3A_770 = vector.shape_cast %get3A_769 : vector<1x16xf32> to vector<16xf32>
      %add3A_771 = arith.addf %add3A_762, %get3A_770 : vector<16xf32>
      %mul3A_772 = arith.constant 32 : i32
      %mul3A_773 = arith.muli %scan3A_16, %mul3A_772 : i32
      %add3A_774 = arith.constant 20 : i32
      %add3A_775 = arith.addi %mul3A_773, %add3A_774 : i32
      %get3A_776 = arith.index_cast %add3A_775 : i32 to index
      %get3A_777 = arith.constant 32 : index
      %get3A_778 = tpu.vector_load %arg6[%get3A_776, %get3A_777] {strides = array<i32>} : memref<1024x64xf32, #tpu.memory_space<vmem>>, vector<1x16xf32>,
      %get3A_779 = vector.shape_cast %get3A_778 : vector<1x16xf32> to vector<16xf32>
      %add3A_780 = arith.addf %add3A_771, %get3A_779 : vector<16xf32>
      %mul3A_781 = arith.constant 32 : i32
      %mul3A_782 = arith.muli %scan3A_16, %mul3A_781 : i32
      %add3A_783 = arith.constant 21 : i32
      %add3A_784 = arith.addi %mul3A_782, %add3A_783 : i32
      %get3A_785 = arith.index_cast %add3A_784 : i32 to index
      %get3A_786 = arith.constant 32 : index
      %get3A_787 = tpu.vector_load %arg6[%get3A_785, %get3A_786] {strides = array<i32>} : memref<1024x64xf32, #tpu.memory_space<vmem>>, vector<1x16xf32>,
      %get3A_788 = vector.shape_cast %get3A_787 : vector<1x16xf32> to vector<16xf32>
      %add3A_789 = arith.addf %add3A_780, %get3A_788 : vector<16xf32>
      %mul3A_790 = arith.constant 32 : i32
      %mul3A_791 = arith.muli %scan3A_16, %mul3A_790 : i32
      %add3A_792 = arith.constant 22 : i32
      %add3A_793 = arith.addi %mul3A_791, %add3A_792 : i32
      %get3A_794 = arith.index_cast %add3A_793 : i32 to index
      %get3A_795 = arith.constant 32 : index
      %get3A_796 = tpu.vector_load %arg6[%get3A_794, %get3A_795] {strides = array<i32>} : memref<1024x64xf32, #tpu.memory_space<vmem>>, vector<1x16xf32>,
      %get3A_797 = vector.shape_cast %get3A_796 : vector<1x16xf32> to vector<16xf32>
      %add3A_798 = arith.addf %add3A_789, %get3A_797 : vector<16xf32>
      %mul3A_799 = arith.constant 32 : i32
      %mul3A_800 = arith.muli %scan3A_16, %mul3A_799 : i32
      %add3A_801 = arith.constant 23 : i32
      %add3A_802 = arith.addi %mul3A_800, %add3A_801 : i32
      %get3A_803 = arith.index_cast %add3A_802 : i32 to index
      %get3A_804 = arith.constant 32 : index
      %get3A_805 = tpu.vector_load %arg6[%get3A_803, %get3A_804] {strides = array<i32>} : memref<1024x64xf32, #tpu.memory_space<vmem>>, vector<1x16xf32>,
      %get3A_806 = vector.shape_cast %get3A_805 : vector<1x16xf32> to vector<16xf32>
      %add3A_807 = arith.addf %add3A_798, %get3A_806 : vector<16xf32>
      %mul3A_808 = arith.constant 32 : i32
      %mul3A_809 = arith.muli %scan3A_16, %mul3A_808 : i32
      %add3A_810 = arith.constant 24 : i32
      %add3A_811 = arith.addi %mul3A_809, %add3A_810 : i32
      %get3A_812 = arith.index_cast %add3A_811 : i32 to index
      %get3A_813 = arith.constant 32 : index
      %get3A_814 = tpu.vector_load %arg6[%get3A_812, %get3A_813] {strides = array<i32>} : memref<1024x64xf32, #tpu.memory_space<vmem>>, vector<1x16xf32>,
      %get3A_815 = vector.shape_cast %get3A_814 : vector<1x16xf32> to vector<16xf32>
      %add3A_816 = arith.addf %add3A_807, %get3A_815 : vector<16xf32>
      %mul3A_817 = arith.constant 32 : i32
      %mul3A_818 = arith.muli %scan3A_16, %mul3A_817 : i32
      %add3A_819 = arith.constant 25 : i32
      %add3A_820 = arith.addi %mul3A_818, %add3A_819 : i32
      %get3A_821 = arith.index_cast %add3A_820 : i32 to index
      %get3A_822 = arith.constant 32 : index
      %get3A_823 = tpu.vector_load %arg6[%get3A_821, %get3A_822] {strides = array<i32>} : memref<1024x64xf32, #tpu.memory_space<vmem>>, vector<1x16xf32>,
      %get3A_824 = vector.shape_cast %get3A_823 : vector<1x16xf32> to vector<16xf32>
      %add3A_825 = arith.addf %add3A_816, %get3A_824 : vector<16xf32>
      %mul3A_826 = arith.constant 32 : i32
      %mul3A_827 = arith.muli %scan3A_16, %mul3A_826 : i32
      %add3A_828 = arith.constant 26 : i32
      %add3A_829 = arith.addi %mul3A_827, %add3A_828 : i32
      %get3A_830 = arith.index_cast %add3A_829 : i32 to index
      %get3A_831 = arith.constant 32 : index
      %get3A_832 = tpu.vector_load %arg6[%get3A_830, %get3A_831] {strides = array<i32>} : memref<1024x64xf32, #tpu.memory_space<vmem>>, vector<1x16xf32>,
      %get3A_833 = vector.shape_cast %get3A_832 : vector<1x16xf32> to vector<16xf32>
      %add3A_834 = arith.addf %add3A_825, %get3A_833 : vector<16xf32>
      %mul3A_835 = arith.constant 32 : i32
      %mul3A_836 = arith.muli %scan3A_16, %mul3A_835 : i32
      %add3A_837 = arith.constant 27 : i32
      %add3A_838 = arith.addi %mul3A_836, %add3A_837 : i32
      %get3A_839 = arith.index_cast %add3A_838 : i32 to index
      %get3A_840 = arith.constant 32 : index
      %get3A_841 = tpu.vector_load %arg6[%get3A_839, %get3A_840] {strides = array<i32>} : memref<1024x64xf32, #tpu.memory_space<vmem>>, vector<1x16xf32>,
      %get3A_842 = vector.shape_cast %get3A_841 : vector<1x16xf32> to vector<16xf32>
      %add3A_843 = arith.addf %add3A_834, %get3A_842 : vector<16xf32>
      %mul3A_844 = arith.constant 32 : i32
      %mul3A_845 = arith.muli %scan3A_16, %mul3A_844 : i32
      %add3A_846 = arith.constant 28 : i32
      %add3A_847 = arith.addi %mul3A_845, %add3A_846 : i32
      %get3A_848 = arith.index_cast %add3A_847 : i32 to index
      %get3A_849 = arith.constant 32 : index
      %get3A_850 = tpu.vector_load %arg6[%get3A_848, %get3A_849] {strides = array<i32>} : memref<1024x64xf32, #tpu.memory_space<vmem>>, vector<1x16xf32>,
      %get3A_851 = vector.shape_cast %get3A_850 : vector<1x16xf32> to vector<16xf32>
      %add3A_852 = arith.addf %add3A_843, %get3A_851 : vector<16xf32>
      %mul3A_853 = arith.constant 32 : i32
      %mul3A_854 = arith.muli %scan3A_16, %mul3A_853 : i32
      %add3A_855 = arith.constant 29 : i32
      %add3A_856 = arith.addi %mul3A_854, %add3A_855 : i32
      %get3A_857 = arith.index_cast %add3A_856 : i32 to index
      %get3A_858 = arith.constant 32 : index
      %get3A_859 = tpu.vector_load %arg6[%get3A_857, %get3A_858] {strides = array<i32>} : memref<1024x64xf32, #tpu.memory_space<vmem>>, vector<1x16xf32>,
      %get3A_860 = vector.shape_cast %get3A_859 : vector<1x16xf32> to vector<16xf32>
      %add3A_861 = arith.addf %add3A_852, %get3A_860 : vector<16xf32>
      %mul3A_862 = arith.constant 32 : i32
      %mul3A_863 = arith.muli %scan3A_16, %mul3A_862 : i32
      %add3A_864 = arith.constant 30 : i32
      %add3A_865 = arith.addi %mul3A_863, %add3A_864 : i32
      %get3A_866 = arith.index_cast %add3A_865 : i32 to index
      %get3A_867 = arith.constant 32 : index
      %get3A_868 = tpu.vector_load %arg6[%get3A_866, %get3A_867] {strides = array<i32>} : memref<1024x64xf32, #tpu.memory_space<vmem>>, vector<1x16xf32>,
      %get3A_869 = vector.shape_cast %get3A_868 : vector<1x16xf32> to vector<16xf32>
      %add3A_870 = arith.addf %add3A_861, %get3A_869 : vector<16xf32>
      %mul3A_871 = arith.constant 32 : i32
      %mul3A_872 = arith.muli %scan3A_16, %mul3A_871 : i32
      %add3A_873 = arith.constant 31 : i32
      %add3A_874 = arith.addi %mul3A_872, %add3A_873 : i32
      %get3A_875 = arith.index_cast %add3A_874 : i32 to index
      %get3A_876 = arith.constant 32 : index
      %get3A_877 = tpu.vector_load %arg6[%get3A_875, %get3A_876] {strides = array<i32>} : memref<1024x64xf32, #tpu.memory_space<vmem>>, vector<1x16xf32>,
      %get3A_878 = vector.shape_cast %get3A_877 : vector<1x16xf32> to vector<16xf32>
      %add3A_879 = arith.addf %add3A_870, %get3A_878 : vector<16xf32>
      %swap3A_880 = arith.index_cast %scan3A_16 : i32 to index
      %swap3A_881 = arith.constant 32 : index
      %swap3A_882 = tpu.vector_load %arg7[%swap3A_880, %swap3A_881] {strides = array<i32>} : memref<32x64xf32, #tpu.memory_space<vmem>>, vector<1x16xf32>,
      %swap3A_883 = vector.shape_cast %swap3A_882 : vector<1x16xf32> to vector<16xf32>
      %swap3A_884 = vector.shape_cast %add3A_879 : vector<16xf32> to vector<1x16xf32>
      tpu.vector_store %arg7[%swap3A_880, %swap3A_881], %swap3A_884 {strides = array<i32>} : memref<32x64xf32, #tpu.memory_space<vmem>>, vector<1x16xf32>,
      %mul3A_885 = arith.constant 32 : i32
      %mul3A_886 = arith.muli %scan3A_16, %mul3A_885 : i32
      %get3A_887 = arith.index_cast %mul3A_886 : i32 to index
      %get3A_888 = arith.constant 48 : index
      %get3A_889 = tpu.vector_load %arg6[%get3A_887, %get3A_888] {strides = array<i32>} : memref<1024x64xf32, #tpu.memory_space<vmem>>, vector<1x16xf32>,
      %get3A_890 = vector.shape_cast %get3A_889 : vector<1x16xf32> to vector<16xf32>
      %mul3A_891 = arith.constant 32 : i32
      %mul3A_892 = arith.muli %scan3A_16, %mul3A_891 : i32
      %add3A_893 = arith.constant 1 : i32
      %add3A_894 = arith.addi %mul3A_892, %add3A_893 : i32
      %get3A_895 = arith.index_cast %add3A_894 : i32 to index
      %get3A_896 = arith.constant 48 : index
      %get3A_897 = tpu.vector_load %arg6[%get3A_895, %get3A_896] {strides = array<i32>} : memref<1024x64xf32, #tpu.memory_space<vmem>>, vector<1x16xf32>,
      %get3A_898 = vector.shape_cast %get3A_897 : vector<1x16xf32> to vector<16xf32>
      %add3A_899 = arith.addf %get3A_890, %get3A_898 : vector<16xf32>
      %mul3A_900 = arith.constant 32 : i32
      %mul3A_901 = arith.muli %scan3A_16, %mul3A_900 : i32
      %add3A_902 = arith.constant 2 : i32
      %add3A_903 = arith.addi %mul3A_901, %add3A_902 : i32
      %get3A_904 = arith.index_cast %add3A_903 : i32 to index
      %get3A_905 = arith.constant 48 : index
      %get3A_906 = tpu.vector_load %arg6[%get3A_904, %get3A_905] {strides = array<i32>} : memref<1024x64xf32, #tpu.memory_space<vmem>>, vector<1x16xf32>,
      %get3A_907 = vector.shape_cast %get3A_906 : vector<1x16xf32> to vector<16xf32>
      %add3A_908 = arith.addf %add3A_899, %get3A_907 : vector<16xf32>
      %mul3A_909 = arith.constant 32 : i32
      %mul3A_910 = arith.muli %scan3A_16, %mul3A_909 : i32
      %add3A_911 = arith.constant 3 : i32
      %add3A_912 = arith.addi %mul3A_910, %add3A_911 : i32
      %get3A_913 = arith.index_cast %add3A_912 : i32 to index
      %get3A_914 = arith.constant 48 : index
      %get3A_915 = tpu.vector_load %arg6[%get3A_913, %get3A_914] {strides = array<i32>} : memref<1024x64xf32, #tpu.memory_space<vmem>>, vector<1x16xf32>,
      %get3A_916 = vector.shape_cast %get3A_915 : vector<1x16xf32> to vector<16xf32>
      %add3A_917 = arith.addf %add3A_908, %get3A_916 : vector<16xf32>
      %mul3A_918 = arith.constant 32 : i32
      %mul3A_919 = arith.muli %scan3A_16, %mul3A_918 : i32
      %add3A_920 = arith.constant 4 : i32
      %add3A_921 = arith.addi %mul3A_919, %add3A_920 : i32
      %get3A_922 = arith.index_cast %add3A_921 : i32 to index
      %get3A_923 = arith.constant 48 : index
      %get3A_924 = tpu.vector_load %arg6[%get3A_922, %get3A_923] {strides = array<i32>} : memref<1024x64xf32, #tpu.memory_space<vmem>>, vector<1x16xf32>,
      %get3A_925 = vector.shape_cast %get3A_924 : vector<1x16xf32> to vector<16xf32>
      %add3A_926 = arith.addf %add3A_917, %get3A_925 : vector<16xf32>
      %mul3A_927 = arith.constant 32 : i32
      %mul3A_928 = arith.muli %scan3A_16, %mul3A_927 : i32
      %add3A_929 = arith.constant 5 : i32
      %add3A_930 = arith.addi %mul3A_928, %add3A_929 : i32
      %get3A_931 = arith.index_cast %add3A_930 : i32 to index
      %get3A_932 = arith.constant 48 : index
      %get3A_933 = tpu.vector_load %arg6[%get3A_931, %get3A_932] {strides = array<i32>} : memref<1024x64xf32, #tpu.memory_space<vmem>>, vector<1x16xf32>,
      %get3A_934 = vector.shape_cast %get3A_933 : vector<1x16xf32> to vector<16xf32>
      %add3A_935 = arith.addf %add3A_926, %get3A_934 : vector<16xf32>
      %mul3A_936 = arith.constant 32 : i32
      %mul3A_937 = arith.muli %scan3A_16, %mul3A_936 : i32
      %add3A_938 = arith.constant 6 : i32
      %add3A_939 = arith.addi %mul3A_937, %add3A_938 : i32
      %get3A_940 = arith.index_cast %add3A_939 : i32 to index
      %get3A_941 = arith.constant 48 : index
      %get3A_942 = tpu.vector_load %arg6[%get3A_940, %get3A_941] {strides = array<i32>} : memref<1024x64xf32, #tpu.memory_space<vmem>>, vector<1x16xf32>,
      %get3A_943 = vector.shape_cast %get3A_942 : vector<1x16xf32> to vector<16xf32>
      %add3A_944 = arith.addf %add3A_935, %get3A_943 : vector<16xf32>
      %mul3A_945 = arith.constant 32 : i32
      %mul3A_946 = arith.muli %scan3A_16, %mul3A_945 : i32
      %add3A_947 = arith.constant 7 : i32
      %add3A_948 = arith.addi %mul3A_946, %add3A_947 : i32
      %get3A_949 = arith.index_cast %add3A_948 : i32 to index
      %get3A_950 = arith.constant 48 : index
      %get3A_951 = tpu.vector_load %arg6[%get3A_949, %get3A_950] {strides = array<i32>} : memref<1024x64xf32, #tpu.memory_space<vmem>>, vector<1x16xf32>,
      %get3A_952 = vector.shape_cast %get3A_951 : vector<1x16xf32> to vector<16xf32>
      %add3A_953 = arith.addf %add3A_944, %get3A_952 : vector<16xf32>
      %mul3A_954 = arith.constant 32 : i32
      %mul3A_955 = arith.muli %scan3A_16, %mul3A_954 : i32
      %add3A_956 = arith.constant 8 : i32
      %add3A_957 = arith.addi %mul3A_955, %add3A_956 : i32
      %get3A_958 = arith.index_cast %add3A_957 : i32 to index
      %get3A_959 = arith.constant 48 : index
      %get3A_960 = tpu.vector_load %arg6[%get3A_958, %get3A_959] {strides = array<i32>} : memref<1024x64xf32, #tpu.memory_space<vmem>>, vector<1x16xf32>,
      %get3A_961 = vector.shape_cast %get3A_960 : vector<1x16xf32> to vector<16xf32>
      %add3A_962 = arith.addf %add3A_953, %get3A_961 : vector<16xf32>
      %mul3A_963 = arith.constant 32 : i32
      %mul3A_964 = arith.muli %scan3A_16, %mul3A_963 : i32
      %add3A_965 = arith.constant 9 : i32
      %add3A_966 = arith.addi %mul3A_964, %add3A_965 : i32
      %get3A_967 = arith.index_cast %add3A_966 : i32 to index
      %get3A_968 = arith.constant 48 : index
      %get3A_969 = tpu.vector_load %arg6[%get3A_967, %get3A_968] {strides = array<i32>} : memref<1024x64xf32, #tpu.memory_space<vmem>>, vector<1x16xf32>,
      %get3A_970 = vector.shape_cast %get3A_969 : vector<1x16xf32> to vector<16xf32>
      %add3A_971 = arith.addf %add3A_962, %get3A_970 : vector<16xf32>
      %mul3A_972 = arith.constant 32 : i32
      %mul3A_973 = arith.muli %scan3A_16, %mul3A_972 : i32
      %add3A_974 = arith.constant 10 : i32
      %add3A_975 = arith.addi %mul3A_973, %add3A_974 : i32
      %get3A_976 = arith.index_cast %add3A_975 : i32 to index
      %get3A_977 = arith.constant 48 : index
      %get3A_978 = tpu.vector_load %arg6[%get3A_976, %get3A_977] {strides = array<i32>} : memref<1024x64xf32, #tpu.memory_space<vmem>>, vector<1x16xf32>,
      %get3A_979 = vector.shape_cast %get3A_978 : vector<1x16xf32> to vector<16xf32>
      %add3A_980 = arith.addf %add3A_971, %get3A_979 : vector<16xf32>
      %mul3A_981 = arith.constant 32 : i32
      %mul3A_982 = arith.muli %scan3A_16, %mul3A_981 : i32
      %add3A_983 = arith.constant 11 : i32
      %add3A_984 = arith.addi %mul3A_982, %add3A_983 : i32
      %get3A_985 = arith.index_cast %add3A_984 : i32 to index
      %get3A_986 = arith.constant 48 : index
      %get3A_987 = tpu.vector_load %arg6[%get3A_985, %get3A_986] {strides = array<i32>} : memref<1024x64xf32, #tpu.memory_space<vmem>>, vector<1x16xf32>,
      %get3A_988 = vector.shape_cast %get3A_987 : vector<1x16xf32> to vector<16xf32>
      %add3A_989 = arith.addf %add3A_980, %get3A_988 : vector<16xf32>
      %mul3A_990 = arith.constant 32 : i32
      %mul3A_991 = arith.muli %scan3A_16, %mul3A_990 : i32
      %add3A_992 = arith.constant 12 : i32
      %add3A_993 = arith.addi %mul3A_991, %add3A_992 : i32
      %get3A_994 = arith.index_cast %add3A_993 : i32 to index
      %get3A_995 = arith.constant 48 : index
      %get3A_996 = tpu.vector_load %arg6[%get3A_994, %get3A_995] {strides = array<i32>} : memref<1024x64xf32, #tpu.memory_space<vmem>>, vector<1x16xf32>,
      %get3A_997 = vector.shape_cast %get3A_996 : vector<1x16xf32> to vector<16xf32>
      %add3A_998 = arith.addf %add3A_989, %get3A_997 : vector<16xf32>
      %mul3A_999 = arith.constant 32 : i32
      %mul3A_1000 = arith.muli %scan3A_16, %mul3A_999 : i32
      %add3A_1001 = arith.constant 13 : i32
      %add3A_1002 = arith.addi %mul3A_1000, %add3A_1001 : i32
      %get3A_1003 = arith.index_cast %add3A_1002 : i32 to index
      %get3A_1004 = arith.constant 48 : index
      %get3A_1005 = tpu.vector_load %arg6[%get3A_1003, %get3A_1004] {strides = array<i32>} : memref<1024x64xf32, #tpu.memory_space<vmem>>, vector<1x16xf32>,
      %get3A_1006 = vector.shape_cast %get3A_1005 : vector<1x16xf32> to vector<16xf32>
      %add3A_1007 = arith.addf %add3A_998, %get3A_1006 : vector<16xf32>
      %mul3A_1008 = arith.constant 32 : i32
      %mul3A_1009 = arith.muli %scan3A_16, %mul3A_1008 : i32
      %add3A_1010 = arith.constant 14 : i32
      %add3A_1011 = arith.addi %mul3A_1009, %add3A_1010 : i32
      %get3A_1012 = arith.index_cast %add3A_1011 : i32 to index
      %get3A_1013 = arith.constant 48 : index
      %get3A_1014 = tpu.vector_load %arg6[%get3A_1012, %get3A_1013] {strides = array<i32>} : memref<1024x64xf32, #tpu.memory_space<vmem>>, vector<1x16xf32>,
      %get3A_1015 = vector.shape_cast %get3A_1014 : vector<1x16xf32> to vector<16xf32>
      %add3A_1016 = arith.addf %add3A_1007, %get3A_1015 : vector<16xf32>
      %mul3A_1017 = arith.constant 32 : i32
      %mul3A_1018 = arith.muli %scan3A_16, %mul3A_1017 : i32
      %add3A_1019 = arith.constant 15 : i32
      %add3A_1020 = arith.addi %mul3A_1018, %add3A_1019 : i32
      %get3A_1021 = arith.index_cast %add3A_1020 : i32 to index
      %get3A_1022 = arith.constant 48 : index
      %get3A_1023 = tpu.vector_load %arg6[%get3A_1021, %get3A_1022] {strides = array<i32>} : memref<1024x64xf32, #tpu.memory_space<vmem>>, vector<1x16xf32>,
      %get3A_1024 = vector.shape_cast %get3A_1023 : vector<1x16xf32> to vector<16xf32>
      %add3A_1025 = arith.addf %add3A_1016, %get3A_1024 : vector<16xf32>
      %mul3A_1026 = arith.constant 32 : i32
      %mul3A_1027 = arith.muli %scan3A_16, %mul3A_1026 : i32
      %add3A_1028 = arith.constant 16 : i32
      %add3A_1029 = arith.addi %mul3A_1027, %add3A_1028 : i32
      %get3A_1030 = arith.index_cast %add3A_1029 : i32 to index
      %get3A_1031 = arith.constant 48 : index
      %get3A_1032 = tpu.vector_load %arg6[%get3A_1030, %get3A_1031] {strides = array<i32>} : memref<1024x64xf32, #tpu.memory_space<vmem>>, vector<1x16xf32>,
      %get3A_1033 = vector.shape_cast %get3A_1032 : vector<1x16xf32> to vector<16xf32>
      %add3A_1034 = arith.addf %add3A_1025, %get3A_1033 : vector<16xf32>
      %mul3A_1035 = arith.constant 32 : i32
      %mul3A_1036 = arith.muli %scan3A_16, %mul3A_1035 : i32
      %add3A_1037 = arith.constant 17 : i32
      %add3A_1038 = arith.addi %mul3A_1036, %add3A_1037 : i32
      %get3A_1039 = arith.index_cast %add3A_1038 : i32 to index
      %get3A_1040 = arith.constant 48 : index
      %get3A_1041 = tpu.vector_load %arg6[%get3A_1039, %get3A_1040] {strides = array<i32>} : memref<1024x64xf32, #tpu.memory_space<vmem>>, vector<1x16xf32>,
      %get3A_1042 = vector.shape_cast %get3A_1041 : vector<1x16xf32> to vector<16xf32>
      %add3A_1043 = arith.addf %add3A_1034, %get3A_1042 : vector<16xf32>
      %mul3A_1044 = arith.constant 32 : i32
      %mul3A_1045 = arith.muli %scan3A_16, %mul3A_1044 : i32
      %add3A_1046 = arith.constant 18 : i32
      %add3A_1047 = arith.addi %mul3A_1045, %add3A_1046 : i32
      %get3A_1048 = arith.index_cast %add3A_1047 : i32 to index
      %get3A_1049 = arith.constant 48 : index
      %get3A_1050 = tpu.vector_load %arg6[%get3A_1048, %get3A_1049] {strides = array<i32>} : memref<1024x64xf32, #tpu.memory_space<vmem>>, vector<1x16xf32>,
      %get3A_1051 = vector.shape_cast %get3A_1050 : vector<1x16xf32> to vector<16xf32>
      %add3A_1052 = arith.addf %add3A_1043, %get3A_1051 : vector<16xf32>
      %mul3A_1053 = arith.constant 32 : i32
      %mul3A_1054 = arith.muli %scan3A_16, %mul3A_1053 : i32
      %add3A_1055 = arith.constant 19 : i32
      %add3A_1056 = arith.addi %mul3A_1054, %add3A_1055 : i32
      %get3A_1057 = arith.index_cast %add3A_1056 : i32 to index
      %get3A_1058 = arith.constant 48 : index
      %get3A_1059 = tpu.vector_load %arg6[%get3A_1057, %get3A_1058] {strides = array<i32>} : memref<1024x64xf32, #tpu.memory_space<vmem>>, vector<1x16xf32>,
      %get3A_1060 = vector.shape_cast %get3A_1059 : vector<1x16xf32> to vector<16xf32>
      %add3A_1061 = arith.addf %add3A_1052, %get3A_1060 : vector<16xf32>
      %mul3A_1062 = arith.constant 32 : i32
      %mul3A_1063 = arith.muli %scan3A_16, %mul3A_1062 : i32
      %add3A_1064 = arith.constant 20 : i32
      %add3A_1065 = arith.addi %mul3A_1063, %add3A_1064 : i32
      %get3A_1066 = arith.index_cast %add3A_1065 : i32 to index
      %get3A_1067 = arith.constant 48 : index
      %get3A_1068 = tpu.vector_load %arg6[%get3A_1066, %get3A_1067] {strides = array<i32>} : memref<1024x64xf32, #tpu.memory_space<vmem>>, vector<1x16xf32>,
      %get3A_1069 = vector.shape_cast %get3A_1068 : vector<1x16xf32> to vector<16xf32>
      %add3A_1070 = arith.addf %add3A_1061, %get3A_1069 : vector<16xf32>
      %mul3A_1071 = arith.constant 32 : i32
      %mul3A_1072 = arith.muli %scan3A_16, %mul3A_1071 : i32
      %add3A_1073 = arith.constant 21 : i32
      %add3A_1074 = arith.addi %mul3A_1072, %add3A_1073 : i32
      %get3A_1075 = arith.index_cast %add3A_1074 : i32 to index
      %get3A_1076 = arith.constant 48 : index
      %get3A_1077 = tpu.vector_load %arg6[%get3A_1075, %get3A_1076] {strides = array<i32>} : memref<1024x64xf32, #tpu.memory_space<vmem>>, vector<1x16xf32>,
      %get3A_1078 = vector.shape_cast %get3A_1077 : vector<1x16xf32> to vector<16xf32>
      %add3A_1079 = arith.addf %add3A_1070, %get3A_1078 : vector<16xf32>
      %mul3A_1080 = arith.constant 32 : i32
      %mul3A_1081 = arith.muli %scan3A_16, %mul3A_1080 : i32
      %add3A_1082 = arith.constant 22 : i32
      %add3A_1083 = arith.addi %mul3A_1081, %add3A_1082 : i32
      %get3A_1084 = arith.index_cast %add3A_1083 : i32 to index
      %get3A_1085 = arith.constant 48 : index
      %get3A_1086 = tpu.vector_load %arg6[%get3A_1084, %get3A_1085] {strides = array<i32>} : memref<1024x64xf32, #tpu.memory_space<vmem>>, vector<1x16xf32>,
      %get3A_1087 = vector.shape_cast %get3A_1086 : vector<1x16xf32> to vector<16xf32>
      %add3A_1088 = arith.addf %add3A_1079, %get3A_1087 : vector<16xf32>
      %mul3A_1089 = arith.constant 32 : i32
      %mul3A_1090 = arith.muli %scan3A_16, %mul3A_1089 : i32
      %add3A_1091 = arith.constant 23 : i32
      %add3A_1092 = arith.addi %mul3A_1090, %add3A_1091 : i32
      %get3A_1093 = arith.index_cast %add3A_1092 : i32 to index
      %get3A_1094 = arith.constant 48 : index
      %get3A_1095 = tpu.vector_load %arg6[%get3A_1093, %get3A_1094] {strides = array<i32>} : memref<1024x64xf32, #tpu.memory_space<vmem>>, vector<1x16xf32>,
      %get3A_1096 = vector.shape_cast %get3A_1095 : vector<1x16xf32> to vector<16xf32>
      %add3A_1097 = arith.addf %add3A_1088, %get3A_1096 : vector<16xf32>
      %mul3A_1098 = arith.constant 32 : i32
      %mul3A_1099 = arith.muli %scan3A_16, %mul3A_1098 : i32
      %add3A_1100 = arith.constant 24 : i32
      %add3A_1101 = arith.addi %mul3A_1099, %add3A_1100 : i32
      %get3A_1102 = arith.index_cast %add3A_1101 : i32 to index
      %get3A_1103 = arith.constant 48 : index
      %get3A_1104 = tpu.vector_load %arg6[%get3A_1102, %get3A_1103] {strides = array<i32>} : memref<1024x64xf32, #tpu.memory_space<vmem>>, vector<1x16xf32>,
      %get3A_1105 = vector.shape_cast %get3A_1104 : vector<1x16xf32> to vector<16xf32>
      %add3A_1106 = arith.addf %add3A_1097, %get3A_1105 : vector<16xf32>
      %mul3A_1107 = arith.constant 32 : i32
      %mul3A_1108 = arith.muli %scan3A_16, %mul3A_1107 : i32
      %add3A_1109 = arith.constant 25 : i32
      %add3A_1110 = arith.addi %mul3A_1108, %add3A_1109 : i32
      %get3A_1111 = arith.index_cast %add3A_1110 : i32 to index
      %get3A_1112 = arith.constant 48 : index
      %get3A_1113 = tpu.vector_load %arg6[%get3A_1111, %get3A_1112] {strides = array<i32>} : memref<1024x64xf32, #tpu.memory_space<vmem>>, vector<1x16xf32>,
      %get3A_1114 = vector.shape_cast %get3A_1113 : vector<1x16xf32> to vector<16xf32>
      %add3A_1115 = arith.addf %add3A_1106, %get3A_1114 : vector<16xf32>
      %mul3A_1116 = arith.constant 32 : i32
      %mul3A_1117 = arith.muli %scan3A_16, %mul3A_1116 : i32
      %add3A_1118 = arith.constant 26 : i32
      %add3A_1119 = arith.addi %mul3A_1117, %add3A_1118 : i32
      %get3A_1120 = arith.index_cast %add3A_1119 : i32 to index
      %get3A_1121 = arith.constant 48 : index
      %get3A_1122 = tpu.vector_load %arg6[%get3A_1120, %get3A_1121] {strides = array<i32>} : memref<1024x64xf32, #tpu.memory_space<vmem>>, vector<1x16xf32>,
      %get3A_1123 = vector.shape_cast %get3A_1122 : vector<1x16xf32> to vector<16xf32>
      %add3A_1124 = arith.addf %add3A_1115, %get3A_1123 : vector<16xf32>
      %mul3A_1125 = arith.constant 32 : i32
      %mul3A_1126 = arith.muli %scan3A_16, %mul3A_1125 : i32
      %add3A_1127 = arith.constant 27 : i32
      %add3A_1128 = arith.addi %mul3A_1126, %add3A_1127 : i32
      %get3A_1129 = arith.index_cast %add3A_1128 : i32 to index
      %get3A_1130 = arith.constant 48 : index
      %get3A_1131 = tpu.vector_load %arg6[%get3A_1129, %get3A_1130] {strides = array<i32>} : memref<1024x64xf32, #tpu.memory_space<vmem>>, vector<1x16xf32>,
      %get3A_1132 = vector.shape_cast %get3A_1131 : vector<1x16xf32> to vector<16xf32>
      %add3A_1133 = arith.addf %add3A_1124, %get3A_1132 : vector<16xf32>
      %mul3A_1134 = arith.constant 32 : i32
      %mul3A_1135 = arith.muli %scan3A_16, %mul3A_1134 : i32
      %add3A_1136 = arith.constant 28 : i32
      %add3A_1137 = arith.addi %mul3A_1135, %add3A_1136 : i32
      %get3A_1138 = arith.index_cast %add3A_1137 : i32 to index
      %get3A_1139 = arith.constant 48 : index
      %get3A_1140 = tpu.vector_load %arg6[%get3A_1138, %get3A_1139] {strides = array<i32>} : memref<1024x64xf32, #tpu.memory_space<vmem>>, vector<1x16xf32>,
      %get3A_1141 = vector.shape_cast %get3A_1140 : vector<1x16xf32> to vector<16xf32>
      %add3A_1142 = arith.addf %add3A_1133, %get3A_1141 : vector<16xf32>
      %mul3A_1143 = arith.constant 32 : i32
      %mul3A_1144 = arith.muli %scan3A_16, %mul3A_1143 : i32
      %add3A_1145 = arith.constant 29 : i32
      %add3A_1146 = arith.addi %mul3A_1144, %add3A_1145 : i32
      %get3A_1147 = arith.index_cast %add3A_1146 : i32 to index
      %get3A_1148 = arith.constant 48 : index
      %get3A_1149 = tpu.vector_load %arg6[%get3A_1147, %get3A_1148] {strides = array<i32>} : memref<1024x64xf32, #tpu.memory_space<vmem>>, vector<1x16xf32>,
      %get3A_1150 = vector.shape_cast %get3A_1149 : vector<1x16xf32> to vector<16xf32>
      %add3A_1151 = arith.addf %add3A_1142, %get3A_1150 : vector<16xf32>
      %mul3A_1152 = arith.constant 32 : i32
      %mul3A_1153 = arith.muli %scan3A_16, %mul3A_1152 : i32
      %add3A_1154 = arith.constant 30 : i32
      %add3A_1155 = arith.addi %mul3A_1153, %add3A_1154 : i32
      %get3A_1156 = arith.index_cast %add3A_1155 : i32 to index
      %get3A_1157 = arith.constant 48 : index
      %get3A_1158 = tpu.vector_load %arg6[%get3A_1156, %get3A_1157] {strides = array<i32>} : memref<1024x64xf32, #tpu.memory_space<vmem>>, vector<1x16xf32>,
      %get3A_1159 = vector.shape_cast %get3A_1158 : vector<1x16xf32> to vector<16xf32>
      %add3A_1160 = arith.addf %add3A_1151, %get3A_1159 : vector<16xf32>
      %mul3A_1161 = arith.constant 32 : i32
      %mul3A_1162 = arith.muli %scan3A_16, %mul3A_1161 : i32
      %add3A_1163 = arith.constant 31 : i32
      %add3A_1164 = arith.addi %mul3A_1162, %add3A_1163 : i32
      %get3A_1165 = arith.index_cast %add3A_1164 : i32 to index
      %get3A_1166 = arith.constant 48 : index
      %get3A_1167 = tpu.vector_load %arg6[%get3A_1165, %get3A_1166] {strides = array<i32>} : memref<1024x64xf32, #tpu.memory_space<vmem>>, vector<1x16xf32>,
      %get3A_1168 = vector.shape_cast %get3A_1167 : vector<1x16xf32> to vector<16xf32>
      %add3A_1169 = arith.addf %add3A_1160, %get3A_1168 : vector<16xf32>
      %swap3A_1170 = arith.index_cast %scan3A_16 : i32 to index
      %swap3A_1171 = arith.constant 48 : index
      %swap3A_1172 = tpu.vector_load %arg7[%swap3A_1170, %swap3A_1171] {strides = array<i32>} : memref<32x64xf32, #tpu.memory_space<vmem>>, vector<1x16xf32>,
      %swap3A_1173 = vector.shape_cast %swap3A_1172 : vector<1x16xf32> to vector<16xf32>
      %swap3A_1174 = vector.shape_cast %add3A_1169 : vector<16xf32> to vector<1x16xf32>
      tpu.vector_store %arg7[%swap3A_1170, %swap3A_1171], %swap3A_1174 {strides = array<i32>} : memref<32x64xf32, #tpu.memory_space<vmem>>, vector<1x16xf32>,
    }
    %scan3A_13 = arith.constant 32 : i32
    %mul3A_14 = arith.constant 32 : i32
    %mul3A_15 = arith.muli %add3A, %mul3A_14 : i32
    "tpu.region"() ({
      %run_scoped3A = tpu.sem_alloc : memref<!tpu.dma_semaphore, #tpu.memory_space<semaphore_mem>>
      %dma_start3A_16 = arith.constant 0 : i32
      %dma_start3A_17 = tpu.memref_slice %arg4[%mul3A_15, %dma_start3A_16] : memref<1024x64xf32, #tpu.memory_space<hbm>> -> memref<32x64xf32, #tpu.memory_space<hbm>>
      %dma_start3A_18 = arith.constant 0 : i32
      %dma_start3A_19 = tpu.memref_slice %arg4[%mul3A_15, %dma_start3A_18] : memref<1024x64xf32, #tpu.memory_space<hbm>> -> memref<32x64xf32, #tpu.memory_space<hbm>>
      tpu.enqueue_dma source(%arg7 : memref<32x64xf32, #tpu.memory_space<vmem>>) target(%dma_start3A_19 : memref<32x64xf32, #tpu.memory_space<hbm>>) target_semaphore(%run_scoped3A : memref<!tpu.dma_semaphore, #tpu.memory_space<semaphore_mem>>)
      %dma_wait3A_20 = arith.constant 0 : i32
      %dma_wait3A_21 = tpu.memref_slice %arg4[%mul3A_15, %dma_wait3A_20] : memref<1024x64xf32, #tpu.memory_space<hbm>> -> memref<32x64xf32, #tpu.memory_space<hbm>>
      %dma_wait3A_22 = arith.constant 0 : i32
      %dma_wait3A_23 = tpu.memref_slice %arg4[%mul3A_15, %dma_wait3A_22] : memref<1024x64xf32, #tpu.memory_space<hbm>> -> memref<32x64xf32, #tpu.memory_space<hbm>>
      tpu.wait_dma2 semaphore(%run_scoped3A : memref<!tpu.dma_semaphore, #tpu.memory_space<semaphore_mem>>) src(%arg7 : memref<32x64xf32, #tpu.memory_space<vmem>>) dst(%dma_wait3A_23 : memref<32x64xf32, #tpu.memory_space<hbm>>)
      tpu.yield
    }) : () -> ()
    return
  }
}

module attributes {stable_mosaic.version = 14 : i64} {
  func.func @_tables_body(%arg0: memref<1024x32xi32, #tpu.memory_space<vmem>>, %arg1: memref<128x2048xf32, #tpu.memory_space<vmem>>, %arg2: memref<128x128xf32, #tpu.memory_space<vmem>>, %arg3: memref<4096x64xf32, #tpu.memory_space<vmem>>, %arg4: memref<1024x32xi32, #tpu.memory_space<vmem>>) attributes {dimension_semantics = [], scalar_prefetch = 0 : i64, scratch_operands = 0 : i64, tpu.core_type = #tpu.core_type<tc>} {
    %get3A = arith.constant 0 : index
    %get3A_0 = arith.constant 0 : index
    %get3A_1 = vector.load %arg2[%get3A, %get3A_0] : memref<128x128xf32, #tpu.memory_space<vmem>>, vector<128x128xf32>
    %exp3A = math.exp %get3A_1 : vector<128x128xf32>
    %get3A_2 = arith.constant 0 : index
    %get3A_3 = arith.constant 0 : index
    %get3A_4 = vector.load %arg1[%get3A_2, %get3A_3] : memref<128x2048xf32, #tpu.memory_space<vmem>>, vector<128x2048xf32>
    %exp3A_5 = math.exp %get3A_4 : vector<128x2048xf32>
    %dot_general3A = arith.constant dense<0.000000e+00> : vector<128x2048xf32>
    %dot_general3A_6 = tpu.matmul %exp3A, %exp3A_5, %dot_general3A {dimension_numbers = #tpu.dot_dimension_numbers<[1], [0], [0], [1], [0, 0, 1, 1], [], []>, precision = #tpu.contract_precision<fp32>, transpose_lhs_hint = false} : vector<128x128xf32>, vector<128x2048xf32>, vector<128x2048xf32> -> vector<128x2048xf32>
    %log3A = math.log %dot_general3A_6 : vector<128x2048xf32>
    %slice3A = vector.extract_strided_slice %log3A {offsets = [0, 0], sizes = [128, 64], strides = [1, 1]} : vector<128x2048xf32> to vector<128x64xf32>
    %swap3A = arith.constant 0 : index
    %swap3A_7 = arith.constant 0 : index
    %swap3A_8 = vector.load %arg3[%swap3A, %swap3A_7] : memref<4096x64xf32, #tpu.memory_space<vmem>>, vector<128x64xf32>
    tpu.vector_store %arg3[%swap3A, %swap3A_7], %slice3A {strides = array<i32>} : memref<4096x64xf32, #tpu.memory_space<vmem>>, vector<128x64xf32>,
    %slice3A_9 = vector.extract_strided_slice %log3A {offsets = [0, 64], sizes = [128, 64], strides = [1, 1]} : vector<128x2048xf32> to vector<128x64xf32>
    %swap3A_10 = arith.constant 128 : index
    %swap3A_11 = arith.constant 0 : index
    %swap3A_12 = vector.load %arg3[%swap3A_10, %swap3A_11] : memref<4096x64xf32, #tpu.memory_space<vmem>>, vector<128x64xf32>
    tpu.vector_store %arg3[%swap3A_10, %swap3A_11], %slice3A_9 {strides = array<i32>} : memref<4096x64xf32, #tpu.memory_space<vmem>>, vector<128x64xf32>,
    %slice3A_13 = vector.extract_strided_slice %log3A {offsets = [0, 128], sizes = [128, 64], strides = [1, 1]} : vector<128x2048xf32> to vector<128x64xf32>
    %swap3A_14 = arith.constant 256 : index
    %swap3A_15 = arith.constant 0 : index
    %swap3A_16 = vector.load %arg3[%swap3A_14, %swap3A_15] : memref<4096x64xf32, #tpu.memory_space<vmem>>, vector<128x64xf32>
    tpu.vector_store %arg3[%swap3A_14, %swap3A_15], %slice3A_13 {strides = array<i32>} : memref<4096x64xf32, #tpu.memory_space<vmem>>, vector<128x64xf32>,
    %slice3A_17 = vector.extract_strided_slice %log3A {offsets = [0, 192], sizes = [128, 64], strides = [1, 1]} : vector<128x2048xf32> to vector<128x64xf32>
    %swap3A_18 = arith.constant 384 : index
    %swap3A_19 = arith.constant 0 : index
    %swap3A_20 = vector.load %arg3[%swap3A_18, %swap3A_19] : memref<4096x64xf32, #tpu.memory_space<vmem>>, vector<128x64xf32>
    tpu.vector_store %arg3[%swap3A_18, %swap3A_19], %slice3A_17 {strides = array<i32>} : memref<4096x64xf32, #tpu.memory_space<vmem>>, vector<128x64xf32>,
    %slice3A_21 = vector.extract_strided_slice %log3A {offsets = [0, 256], sizes = [128, 64], strides = [1, 1]} : vector<128x2048xf32> to vector<128x64xf32>
    %swap3A_22 = arith.constant 512 : index
    %swap3A_23 = arith.constant 0 : index
    %swap3A_24 = vector.load %arg3[%swap3A_22, %swap3A_23] : memref<4096x64xf32, #tpu.memory_space<vmem>>, vector<128x64xf32>
    tpu.vector_store %arg3[%swap3A_22, %swap3A_23], %slice3A_21 {strides = array<i32>} : memref<4096x64xf32, #tpu.memory_space<vmem>>, vector<128x64xf32>,
    %slice3A_25 = vector.extract_strided_slice %log3A {offsets = [0, 320], sizes = [128, 64], strides = [1, 1]} : vector<128x2048xf32> to vector<128x64xf32>
    %swap3A_26 = arith.constant 640 : index
    %swap3A_27 = arith.constant 0 : index
    %swap3A_28 = vector.load %arg3[%swap3A_26, %swap3A_27] : memref<4096x64xf32, #tpu.memory_space<vmem>>, vector<128x64xf32>
    tpu.vector_store %arg3[%swap3A_26, %swap3A_27], %slice3A_25 {strides = array<i32>} : memref<4096x64xf32, #tpu.memory_space<vmem>>, vector<128x64xf32>,
    %slice3A_29 = vector.extract_strided_slice %log3A {offsets = [0, 384], sizes = [128, 64], strides = [1, 1]} : vector<128x2048xf32> to vector<128x64xf32>
    %swap3A_30 = arith.constant 768 : index
    %swap3A_31 = arith.constant 0 : index
    %swap3A_32 = vector.load %arg3[%swap3A_30, %swap3A_31] : memref<4096x64xf32, #tpu.memory_space<vmem>>, vector<128x64xf32>
    tpu.vector_store %arg3[%swap3A_30, %swap3A_31], %slice3A_29 {strides = array<i32>} : memref<4096x64xf32, #tpu.memory_space<vmem>>, vector<128x64xf32>,
    %slice3A_33 = vector.extract_strided_slice %log3A {offsets = [0, 448], sizes = [128, 64], strides = [1, 1]} : vector<128x2048xf32> to vector<128x64xf32>
    %swap3A_34 = arith.constant 896 : index
    %swap3A_35 = arith.constant 0 : index
    %swap3A_36 = vector.load %arg3[%swap3A_34, %swap3A_35] : memref<4096x64xf32, #tpu.memory_space<vmem>>, vector<128x64xf32>
    tpu.vector_store %arg3[%swap3A_34, %swap3A_35], %slice3A_33 {strides = array<i32>} : memref<4096x64xf32, #tpu.memory_space<vmem>>, vector<128x64xf32>,
    %slice3A_37 = vector.extract_strided_slice %log3A {offsets = [0, 512], sizes = [128, 64], strides = [1, 1]} : vector<128x2048xf32> to vector<128x64xf32>
    %swap3A_38 = arith.constant 1024 : index
    %swap3A_39 = arith.constant 0 : index
    %swap3A_40 = vector.load %arg3[%swap3A_38, %swap3A_39] : memref<4096x64xf32, #tpu.memory_space<vmem>>, vector<128x64xf32>
    tpu.vector_store %arg3[%swap3A_38, %swap3A_39], %slice3A_37 {strides = array<i32>} : memref<4096x64xf32, #tpu.memory_space<vmem>>, vector<128x64xf32>,
    %slice3A_41 = vector.extract_strided_slice %log3A {offsets = [0, 576], sizes = [128, 64], strides = [1, 1]} : vector<128x2048xf32> to vector<128x64xf32>
    %swap3A_42 = arith.constant 1152 : index
    %swap3A_43 = arith.constant 0 : index
    %swap3A_44 = vector.load %arg3[%swap3A_42, %swap3A_43] : memref<4096x64xf32, #tpu.memory_space<vmem>>, vector<128x64xf32>
    tpu.vector_store %arg3[%swap3A_42, %swap3A_43], %slice3A_41 {strides = array<i32>} : memref<4096x64xf32, #tpu.memory_space<vmem>>, vector<128x64xf32>,
    %slice3A_45 = vector.extract_strided_slice %log3A {offsets = [0, 640], sizes = [128, 64], strides = [1, 1]} : vector<128x2048xf32> to vector<128x64xf32>
    %swap3A_46 = arith.constant 1280 : index
    %swap3A_47 = arith.constant 0 : index
    %swap3A_48 = vector.load %arg3[%swap3A_46, %swap3A_47] : memref<4096x64xf32, #tpu.memory_space<vmem>>, vector<128x64xf32>
    tpu.vector_store %arg3[%swap3A_46, %swap3A_47], %slice3A_45 {strides = array<i32>} : memref<4096x64xf32, #tpu.memory_space<vmem>>, vector<128x64xf32>,
    %slice3A_49 = vector.extract_strided_slice %log3A {offsets = [0, 704], sizes = [128, 64], strides = [1, 1]} : vector<128x2048xf32> to vector<128x64xf32>
    %swap3A_50 = arith.constant 1408 : index
    %swap3A_51 = arith.constant 0 : index
    %swap3A_52 = vector.load %arg3[%swap3A_50, %swap3A_51] : memref<4096x64xf32, #tpu.memory_space<vmem>>, vector<128x64xf32>
    tpu.vector_store %arg3[%swap3A_50, %swap3A_51], %slice3A_49 {strides = array<i32>} : memref<4096x64xf32, #tpu.memory_space<vmem>>, vector<128x64xf32>,
    %slice3A_53 = vector.extract_strided_slice %log3A {offsets = [0, 768], sizes = [128, 64], strides = [1, 1]} : vector<128x2048xf32> to vector<128x64xf32>
    %swap3A_54 = arith.constant 1536 : index
    %swap3A_55 = arith.constant 0 : index
    %swap3A_56 = vector.load %arg3[%swap3A_54, %swap3A_55] : memref<4096x64xf32, #tpu.memory_space<vmem>>, vector<128x64xf32>
    tpu.vector_store %arg3[%swap3A_54, %swap3A_55], %slice3A_53 {strides = array<i32>} : memref<4096x64xf32, #tpu.memory_space<vmem>>, vector<128x64xf32>,
    %slice3A_57 = vector.extract_strided_slice %log3A {offsets = [0, 832], sizes = [128, 64], strides = [1, 1]} : vector<128x2048xf32> to vector<128x64xf32>
    %swap3A_58 = arith.constant 1664 : index
    %swap3A_59 = arith.constant 0 : index
    %swap3A_60 = vector.load %arg3[%swap3A_58, %swap3A_59] : memref<4096x64xf32, #tpu.memory_space<vmem>>, vector<128x64xf32>
    tpu.vector_store %arg3[%swap3A_58, %swap3A_59], %slice3A_57 {strides = array<i32>} : memref<4096x64xf32, #tpu.memory_space<vmem>>, vector<128x64xf32>,
    %slice3A_61 = vector.extract_strided_slice %log3A {offsets = [0, 896], sizes = [128, 64], strides = [1, 1]} : vector<128x2048xf32> to vector<128x64xf32>
    %swap3A_62 = arith.constant 1792 : index
    %swap3A_63 = arith.constant 0 : index
    %swap3A_64 = vector.load %arg3[%swap3A_62, %swap3A_63] : memref<4096x64xf32, #tpu.memory_space<vmem>>, vector<128x64xf32>
    tpu.vector_store %arg3[%swap3A_62, %swap3A_63], %slice3A_61 {strides = array<i32>} : memref<4096x64xf32, #tpu.memory_space<vmem>>, vector<128x64xf32>,
    %slice3A_65 = vector.extract_strided_slice %log3A {offsets = [0, 960], sizes = [128, 64], strides = [1, 1]} : vector<128x2048xf32> to vector<128x64xf32>
    %swap3A_66 = arith.constant 1920 : index
    %swap3A_67 = arith.constant 0 : index
    %swap3A_68 = vector.load %arg3[%swap3A_66, %swap3A_67] : memref<4096x64xf32, #tpu.memory_space<vmem>>, vector<128x64xf32>
    tpu.vector_store %arg3[%swap3A_66, %swap3A_67], %slice3A_65 {strides = array<i32>} : memref<4096x64xf32, #tpu.memory_space<vmem>>, vector<128x64xf32>,
    %slice3A_69 = vector.extract_strided_slice %log3A {offsets = [0, 1024], sizes = [128, 64], strides = [1, 1]} : vector<128x2048xf32> to vector<128x64xf32>
    %swap3A_70 = arith.constant 2048 : index
    %swap3A_71 = arith.constant 0 : index
    %swap3A_72 = vector.load %arg3[%swap3A_70, %swap3A_71] : memref<4096x64xf32, #tpu.memory_space<vmem>>, vector<128x64xf32>
    tpu.vector_store %arg3[%swap3A_70, %swap3A_71], %slice3A_69 {strides = array<i32>} : memref<4096x64xf32, #tpu.memory_space<vmem>>, vector<128x64xf32>,
    %slice3A_73 = vector.extract_strided_slice %log3A {offsets = [0, 1088], sizes = [128, 64], strides = [1, 1]} : vector<128x2048xf32> to vector<128x64xf32>
    %swap3A_74 = arith.constant 2176 : index
    %swap3A_75 = arith.constant 0 : index
    %swap3A_76 = vector.load %arg3[%swap3A_74, %swap3A_75] : memref<4096x64xf32, #tpu.memory_space<vmem>>, vector<128x64xf32>
    tpu.vector_store %arg3[%swap3A_74, %swap3A_75], %slice3A_73 {strides = array<i32>} : memref<4096x64xf32, #tpu.memory_space<vmem>>, vector<128x64xf32>,
    %slice3A_77 = vector.extract_strided_slice %log3A {offsets = [0, 1152], sizes = [128, 64], strides = [1, 1]} : vector<128x2048xf32> to vector<128x64xf32>
    %swap3A_78 = arith.constant 2304 : index
    %swap3A_79 = arith.constant 0 : index
    %swap3A_80 = vector.load %arg3[%swap3A_78, %swap3A_79] : memref<4096x64xf32, #tpu.memory_space<vmem>>, vector<128x64xf32>
    tpu.vector_store %arg3[%swap3A_78, %swap3A_79], %slice3A_77 {strides = array<i32>} : memref<4096x64xf32, #tpu.memory_space<vmem>>, vector<128x64xf32>,
    %slice3A_81 = vector.extract_strided_slice %log3A {offsets = [0, 1216], sizes = [128, 64], strides = [1, 1]} : vector<128x2048xf32> to vector<128x64xf32>
    %swap3A_82 = arith.constant 2432 : index
    %swap3A_83 = arith.constant 0 : index
    %swap3A_84 = vector.load %arg3[%swap3A_82, %swap3A_83] : memref<4096x64xf32, #tpu.memory_space<vmem>>, vector<128x64xf32>
    tpu.vector_store %arg3[%swap3A_82, %swap3A_83], %slice3A_81 {strides = array<i32>} : memref<4096x64xf32, #tpu.memory_space<vmem>>, vector<128x64xf32>,
    %slice3A_85 = vector.extract_strided_slice %log3A {offsets = [0, 1280], sizes = [128, 64], strides = [1, 1]} : vector<128x2048xf32> to vector<128x64xf32>
    %swap3A_86 = arith.constant 2560 : index
    %swap3A_87 = arith.constant 0 : index
    %swap3A_88 = vector.load %arg3[%swap3A_86, %swap3A_87] : memref<4096x64xf32, #tpu.memory_space<vmem>>, vector<128x64xf32>
    tpu.vector_store %arg3[%swap3A_86, %swap3A_87], %slice3A_85 {strides = array<i32>} : memref<4096x64xf32, #tpu.memory_space<vmem>>, vector<128x64xf32>,
    %slice3A_89 = vector.extract_strided_slice %log3A {offsets = [0, 1344], sizes = [128, 64], strides = [1, 1]} : vector<128x2048xf32> to vector<128x64xf32>
    %swap3A_90 = arith.constant 2688 : index
    %swap3A_91 = arith.constant 0 : index
    %swap3A_92 = vector.load %arg3[%swap3A_90, %swap3A_91] : memref<4096x64xf32, #tpu.memory_space<vmem>>, vector<128x64xf32>
    tpu.vector_store %arg3[%swap3A_90, %swap3A_91], %slice3A_89 {strides = array<i32>} : memref<4096x64xf32, #tpu.memory_space<vmem>>, vector<128x64xf32>,
    %slice3A_93 = vector.extract_strided_slice %log3A {offsets = [0, 1408], sizes = [128, 64], strides = [1, 1]} : vector<128x2048xf32> to vector<128x64xf32>
    %swap3A_94 = arith.constant 2816 : index
    %swap3A_95 = arith.constant 0 : index
    %swap3A_96 = vector.load %arg3[%swap3A_94, %swap3A_95] : memref<4096x64xf32, #tpu.memory_space<vmem>>, vector<128x64xf32>
    tpu.vector_store %arg3[%swap3A_94, %swap3A_95], %slice3A_93 {strides = array<i32>} : memref<4096x64xf32, #tpu.memory_space<vmem>>, vector<128x64xf32>,
    %slice3A_97 = vector.extract_strided_slice %log3A {offsets = [0, 1472], sizes = [128, 64], strides = [1, 1]} : vector<128x2048xf32> to vector<128x64xf32>
    %swap3A_98 = arith.constant 2944 : index
    %swap3A_99 = arith.constant 0 : index
    %swap3A_100 = vector.load %arg3[%swap3A_98, %swap3A_99] : memref<4096x64xf32, #tpu.memory_space<vmem>>, vector<128x64xf32>
    tpu.vector_store %arg3[%swap3A_98, %swap3A_99], %slice3A_97 {strides = array<i32>} : memref<4096x64xf32, #tpu.memory_space<vmem>>, vector<128x64xf32>,
    %slice3A_101 = vector.extract_strided_slice %log3A {offsets = [0, 1536], sizes = [128, 64], strides = [1, 1]} : vector<128x2048xf32> to vector<128x64xf32>
    %swap3A_102 = arith.constant 3072 : index
    %swap3A_103 = arith.constant 0 : index
    %swap3A_104 = vector.load %arg3[%swap3A_102, %swap3A_103] : memref<4096x64xf32, #tpu.memory_space<vmem>>, vector<128x64xf32>
    tpu.vector_store %arg3[%swap3A_102, %swap3A_103], %slice3A_101 {strides = array<i32>} : memref<4096x64xf32, #tpu.memory_space<vmem>>, vector<128x64xf32>,
    %slice3A_105 = vector.extract_strided_slice %log3A {offsets = [0, 1600], sizes = [128, 64], strides = [1, 1]} : vector<128x2048xf32> to vector<128x64xf32>
    %swap3A_106 = arith.constant 3200 : index
    %swap3A_107 = arith.constant 0 : index
    %swap3A_108 = vector.load %arg3[%swap3A_106, %swap3A_107] : memref<4096x64xf32, #tpu.memory_space<vmem>>, vector<128x64xf32>
    tpu.vector_store %arg3[%swap3A_106, %swap3A_107], %slice3A_105 {strides = array<i32>} : memref<4096x64xf32, #tpu.memory_space<vmem>>, vector<128x64xf32>,
    %slice3A_109 = vector.extract_strided_slice %log3A {offsets = [0, 1664], sizes = [128, 64], strides = [1, 1]} : vector<128x2048xf32> to vector<128x64xf32>
    %swap3A_110 = arith.constant 3328 : index
    %swap3A_111 = arith.constant 0 : index
    %swap3A_112 = vector.load %arg3[%swap3A_110, %swap3A_111] : memref<4096x64xf32, #tpu.memory_space<vmem>>, vector<128x64xf32>
    tpu.vector_store %arg3[%swap3A_110, %swap3A_111], %slice3A_109 {strides = array<i32>} : memref<4096x64xf32, #tpu.memory_space<vmem>>, vector<128x64xf32>,
    %slice3A_113 = vector.extract_strided_slice %log3A {offsets = [0, 1728], sizes = [128, 64], strides = [1, 1]} : vector<128x2048xf32> to vector<128x64xf32>
    %swap3A_114 = arith.constant 3456 : index
    %swap3A_115 = arith.constant 0 : index
    %swap3A_116 = vector.load %arg3[%swap3A_114, %swap3A_115] : memref<4096x64xf32, #tpu.memory_space<vmem>>, vector<128x64xf32>
    tpu.vector_store %arg3[%swap3A_114, %swap3A_115], %slice3A_113 {strides = array<i32>} : memref<4096x64xf32, #tpu.memory_space<vmem>>, vector<128x64xf32>,
    %slice3A_117 = vector.extract_strided_slice %log3A {offsets = [0, 1792], sizes = [128, 64], strides = [1, 1]} : vector<128x2048xf32> to vector<128x64xf32>
    %swap3A_118 = arith.constant 3584 : index
    %swap3A_119 = arith.constant 0 : index
    %swap3A_120 = vector.load %arg3[%swap3A_118, %swap3A_119] : memref<4096x64xf32, #tpu.memory_space<vmem>>, vector<128x64xf32>
    tpu.vector_store %arg3[%swap3A_118, %swap3A_119], %slice3A_117 {strides = array<i32>} : memref<4096x64xf32, #tpu.memory_space<vmem>>, vector<128x64xf32>,
    %slice3A_121 = vector.extract_strided_slice %log3A {offsets = [0, 1856], sizes = [128, 64], strides = [1, 1]} : vector<128x2048xf32> to vector<128x64xf32>
    %swap3A_122 = arith.constant 3712 : index
    %swap3A_123 = arith.constant 0 : index
    %swap3A_124 = vector.load %arg3[%swap3A_122, %swap3A_123] : memref<4096x64xf32, #tpu.memory_space<vmem>>, vector<128x64xf32>
    tpu.vector_store %arg3[%swap3A_122, %swap3A_123], %slice3A_121 {strides = array<i32>} : memref<4096x64xf32, #tpu.memory_space<vmem>>, vector<128x64xf32>,
    %slice3A_125 = vector.extract_strided_slice %log3A {offsets = [0, 1920], sizes = [128, 64], strides = [1, 1]} : vector<128x2048xf32> to vector<128x64xf32>
    %swap3A_126 = arith.constant 3840 : index
    %swap3A_127 = arith.constant 0 : index
    %swap3A_128 = vector.load %arg3[%swap3A_126, %swap3A_127] : memref<4096x64xf32, #tpu.memory_space<vmem>>, vector<128x64xf32>
    tpu.vector_store %arg3[%swap3A_126, %swap3A_127], %slice3A_125 {strides = array<i32>} : memref<4096x64xf32, #tpu.memory_space<vmem>>, vector<128x64xf32>,
    %slice3A_129 = vector.extract_strided_slice %log3A {offsets = [0, 1984], sizes = [128, 64], strides = [1, 1]} : vector<128x2048xf32> to vector<128x64xf32>
    %swap3A_130 = arith.constant 3968 : index
    %swap3A_131 = arith.constant 0 : index
    %swap3A_132 = vector.load %arg3[%swap3A_130, %swap3A_131] : memref<4096x64xf32, #tpu.memory_space<vmem>>, vector<128x64xf32>
    tpu.vector_store %arg3[%swap3A_130, %swap3A_131], %slice3A_129 {strides = array<i32>} : memref<4096x64xf32, #tpu.memory_space<vmem>>, vector<128x64xf32>,
    %iota3A = tpu.iota {dimensions = array<i32: 1>} : vector<1024x32xi32>
    %get3A_133 = arith.constant 0 : index
    %get3A_134 = arith.constant 0 : index
    %get3A_135 = vector.load %arg0[%get3A_133, %get3A_134] : memref<1024x32xi32, #tpu.memory_space<vmem>>, vector<1024x32xi32>
    %mul3A = arith.constant 128 : i32
    %mul3A_136 = vector.broadcast %mul3A : i32 to vector<1024x32xi32>
    %mul3A_137 = arith.muli %mul3A_136, %iota3A : vector<1024x32xi32>
    %add3A = arith.addi %get3A_135, %mul3A_137 : vector<1024x32xi32>
    %swap3A_138 = arith.constant 0 : index
    %swap3A_139 = arith.constant 0 : index
    %swap3A_140 = vector.load %arg4[%swap3A_138, %swap3A_139] : memref<1024x32xi32, #tpu.memory_space<vmem>>, vector<1024x32xi32>
    tpu.vector_store %arg4[%swap3A_138, %swap3A_139], %add3A {strides = array<i32>} : memref<1024x32xi32, #tpu.memory_space<vmem>>, vector<1024x32xi32>,
    return
  }
}

module attributes {stable_mosaic.version = 14 : i64} {
  func.func @_argmax_body(%arg0: memref<1024x64xf32, #tpu.memory_space<vmem>>, %arg1: memref<1x64xf32, #tpu.memory_space<vmem>>, %arg2: memref<1x2xi32, #tpu.memory_space<vmem>>, %arg3: memref<1024x64xf32, #tpu.memory_space<vmem>>) attributes {dimension_semantics = [], scalar_prefetch = 0 : i64, scratch_operands = 0 : i64, tpu.core_type = #tpu.core_type<tc>} {
    %iota3A = tpu.iota {dimensions = array<i32: 0>} : vector<1024x64xi32>
    %mul3A = arith.constant 64 : i32
    %mul3A_0 = vector.broadcast %mul3A : i32 to vector<1024x64xi32>
    %mul3A_1 = arith.muli %iota3A, %mul3A_0 : vector<1024x64xi32>
    %iota3A_2 = tpu.iota {dimensions = array<i32: 1>} : vector<1024x64xi32>
    %add3A = arith.addi %mul3A_1, %iota3A_2 : vector<1024x64xi32>
    %get3A = arith.constant 0 : index
    %get3A_3 = arith.constant 0 : index
    %get3A_4 = vector.load %arg2[%get3A, %get3A_3] : memref<1x2xi32, #tpu.memory_space<vmem>>, vector<1x1xi32>
    %get3A_5 = arith.constant 0 : index
    %get3A_6 = arith.constant 1 : index
    %get3A_7 = vector.load %arg2[%get3A_5, %get3A_6] : memref<1x2xi32, #tpu.memory_space<vmem>>, vector<1x1xi32>
    %xor3A = arith.xori %get3A_4, %get3A_7 : vector<1x1xi32>
    %xor3A_8 = arith.constant 466688986 : i32
    %xor3A_9 = vector.broadcast %xor3A_8 : i32 to vector<1x1xi32>
    %xor3A_10 = arith.xori %xor3A, %xor3A_9 : vector<1x1xi32>
    %broadcast_in_dim3A = arith.constant 0 : i32
    %broadcast_in_dim3A_11 = vector.broadcast %broadcast_in_dim3A : i32 to vector<1024x64xi32>
    %add3A_12 = vector.broadcast %get3A_4 : vector<1x1xi32> to vector<1024x64xi32>
    %add3A_13 = arith.addi %add3A_12, %broadcast_in_dim3A_11 : vector<1024x64xi32>
    %add3A_14 = vector.broadcast %get3A_7 : vector<1x1xi32> to vector<1024x64xi32>
    %add3A_15 = arith.addi %add3A, %add3A_14 : vector<1024x64xi32>
    %add3A_16 = arith.addi %add3A_13, %add3A_15 : vector<1024x64xi32>
    %shift_left3A = arith.constant 13 : i32
    %shift_left3A_17 = vector.broadcast %shift_left3A : i32 to vector<1024x64xi32>
    %shift_left3A_18 = arith.shli %add3A_15, %shift_left3A_17 : vector<1024x64xi32>
    %shift_right_logical3A = arith.constant 19 : i32
    %shift_right_logical3A_19 = vector.broadcast %shift_right_logical3A : i32 to vector<1024x64xi32>
    %shift_right_logical3A_20 = arith.shrui %add3A_15, %shift_right_logical3A_19 : vector<1024x64xi32>
    %or3A = arith.ori %shift_left3A_18, %shift_right_logical3A_20 : vector<1024x64xi32>
    %xor3A_21 = arith.xori %add3A_16, %or3A : vector<1024x64xi32>
    %add3A_22 = arith.addi %add3A_16, %xor3A_21 : vector<1024x64xi32>
    %shift_left3A_23 = arith.constant 15 : i32
    %shift_left3A_24 = vector.broadcast %shift_left3A_23 : i32 to vector<1024x64xi32>
    %shift_left3A_25 = arith.shli %xor3A_21, %shift_left3A_24 : vector<1024x64xi32>
    %shift_right_logical3A_26 = arith.constant 17 : i32
    %shift_right_logical3A_27 = vector.broadcast %shift_right_logical3A_26 : i32 to vector<1024x64xi32>
    %shift_right_logical3A_28 = arith.shrui %xor3A_21, %shift_right_logical3A_27 : vector<1024x64xi32>
    %or3A_29 = arith.ori %shift_left3A_25, %shift_right_logical3A_28 : vector<1024x64xi32>
    %xor3A_30 = arith.xori %add3A_22, %or3A_29 : vector<1024x64xi32>
    %add3A_31 = arith.addi %add3A_22, %xor3A_30 : vector<1024x64xi32>
    %shift_left3A_32 = arith.constant 26 : i32
    %shift_left3A_33 = vector.broadcast %shift_left3A_32 : i32 to vector<1024x64xi32>
    %shift_left3A_34 = arith.shli %xor3A_30, %shift_left3A_33 : vector<1024x64xi32>
    %shift_right_logical3A_35 = arith.constant 6 : i32
    %shift_right_logical3A_36 = vector.broadcast %shift_right_logical3A_35 : i32 to vector<1024x64xi32>
    %shift_right_logical3A_37 = arith.shrui %xor3A_30, %shift_right_logical3A_36 : vector<1024x64xi32>
    %or3A_38 = arith.ori %shift_left3A_34, %shift_right_logical3A_37 : vector<1024x64xi32>
    %xor3A_39 = arith.xori %add3A_31, %or3A_38 : vector<1024x64xi32>
    %add3A_40 = arith.addi %add3A_31, %xor3A_39 : vector<1024x64xi32>
    %shift_left3A_41 = arith.constant 6 : i32
    %shift_left3A_42 = vector.broadcast %shift_left3A_41 : i32 to vector<1024x64xi32>
    %shift_left3A_43 = arith.shli %xor3A_39, %shift_left3A_42 : vector<1024x64xi32>
    %shift_right_logical3A_44 = arith.constant 26 : i32
    %shift_right_logical3A_45 = vector.broadcast %shift_right_logical3A_44 : i32 to vector<1024x64xi32>
    %shift_right_logical3A_46 = arith.shrui %xor3A_39, %shift_right_logical3A_45 : vector<1024x64xi32>
    %or3A_47 = arith.ori %shift_left3A_43, %shift_right_logical3A_46 : vector<1024x64xi32>
    %xor3A_48 = arith.xori %add3A_40, %or3A_47 : vector<1024x64xi32>
    %add3A_49 = vector.broadcast %get3A_7 : vector<1x1xi32> to vector<1024x64xi32>
    %add3A_50 = arith.addi %add3A_40, %add3A_49 : vector<1024x64xi32>
    %add3A_51 = vector.broadcast %xor3A_10 : vector<1x1xi32> to vector<1024x64xi32>
    %add3A_52 = arith.addi %xor3A_48, %add3A_51 : vector<1024x64xi32>
    %add3A_53 = arith.constant 1 : i32
    %add3A_54 = vector.broadcast %add3A_53 : i32 to vector<1024x64xi32>
    %add3A_55 = arith.addi %add3A_52, %add3A_54 : vector<1024x64xi32>
    %add3A_56 = arith.addi %add3A_50, %add3A_55 : vector<1024x64xi32>
    %shift_left3A_57 = arith.constant 17 : i32
    %shift_left3A_58 = vector.broadcast %shift_left3A_57 : i32 to vector<1024x64xi32>
    %shift_left3A_59 = arith.shli %add3A_55, %shift_left3A_58 : vector<1024x64xi32>
    %shift_right_logical3A_60 = arith.constant 15 : i32
    %shift_right_logical3A_61 = vector.broadcast %shift_right_logical3A_60 : i32 to vector<1024x64xi32>
    %shift_right_logical3A_62 = arith.shrui %add3A_55, %shift_right_logical3A_61 : vector<1024x64xi32>
    %or3A_63 = arith.ori %shift_left3A_59, %shift_right_logical3A_62 : vector<1024x64xi32>
    %xor3A_64 = arith.xori %add3A_56, %or3A_63 : vector<1024x64xi32>
    %add3A_65 = arith.addi %add3A_56, %xor3A_64 : vector<1024x64xi32>
    %shift_left3A_66 = arith.constant 29 : i32
    %shift_left3A_67 = vector.broadcast %shift_left3A_66 : i32 to vector<1024x64xi32>
    %shift_left3A_68 = arith.shli %xor3A_64, %shift_left3A_67 : vector<1024x64xi32>
    %shift_right_logical3A_69 = arith.constant 3 : i32
    %shift_right_logical3A_70 = vector.broadcast %shift_right_logical3A_69 : i32 to vector<1024x64xi32>
    %shift_right_logical3A_71 = arith.shrui %xor3A_64, %shift_right_logical3A_70 : vector<1024x64xi32>
    %or3A_72 = arith.ori %shift_left3A_68, %shift_right_logical3A_71 : vector<1024x64xi32>
    %xor3A_73 = arith.xori %add3A_65, %or3A_72 : vector<1024x64xi32>
    %add3A_74 = arith.addi %add3A_65, %xor3A_73 : vector<1024x64xi32>
    %shift_left3A_75 = arith.constant 16 : i32
    %shift_left3A_76 = vector.broadcast %shift_left3A_75 : i32 to vector<1024x64xi32>
    %shift_left3A_77 = arith.shli %xor3A_73, %shift_left3A_76 : vector<1024x64xi32>
    %shift_right_logical3A_78 = arith.constant 16 : i32
    %shift_right_logical3A_79 = vector.broadcast %shift_right_logical3A_78 : i32 to vector<1024x64xi32>
    %shift_right_logical3A_80 = arith.shrui %xor3A_73, %shift_right_logical3A_79 : vector<1024x64xi32>
    %or3A_81 = arith.ori %shift_left3A_77, %shift_right_logical3A_80 : vector<1024x64xi32>
    %xor3A_82 = arith.xori %add3A_74, %or3A_81 : vector<1024x64xi32>
    %add3A_83 = arith.addi %add3A_74, %xor3A_82 : vector<1024x64xi32>
    %shift_left3A_84 = arith.constant 24 : i32
    %shift_left3A_85 = vector.broadcast %shift_left3A_84 : i32 to vector<1024x64xi32>
    %shift_left3A_86 = arith.shli %xor3A_82, %shift_left3A_85 : vector<1024x64xi32>
    %shift_right_logical3A_87 = arith.constant 8 : i32
    %shift_right_logical3A_88 = vector.broadcast %shift_right_logical3A_87 : i32 to vector<1024x64xi32>
    %shift_right_logical3A_89 = arith.shrui %xor3A_82, %shift_right_logical3A_88 : vector<1024x64xi32>
    %or3A_90 = arith.ori %shift_left3A_86, %shift_right_logical3A_89 : vector<1024x64xi32>
    %xor3A_91 = arith.xori %add3A_83, %or3A_90 : vector<1024x64xi32>
    %add3A_92 = vector.broadcast %xor3A_10 : vector<1x1xi32> to vector<1024x64xi32>
    %add3A_93 = arith.addi %add3A_83, %add3A_92 : vector<1024x64xi32>
    %add3A_94 = vector.broadcast %get3A_4 : vector<1x1xi32> to vector<1024x64xi32>
    %add3A_95 = arith.addi %xor3A_91, %add3A_94 : vector<1024x64xi32>
    %add3A_96 = arith.constant 2 : i32
    %add3A_97 = vector.broadcast %add3A_96 : i32 to vector<1024x64xi32>
    %add3A_98 = arith.addi %add3A_95, %add3A_97 : vector<1024x64xi32>
    %add3A_99 = arith.addi %add3A_93, %add3A_98 : vector<1024x64xi32>
    %shift_left3A_100 = arith.constant 13 : i32
    %shift_left3A_101 = vector.broadcast %shift_left3A_100 : i32 to vector<1024x64xi32>
    %shift_left3A_102 = arith.shli %add3A_98, %shift_left3A_101 : vector<1024x64xi32>
    %shift_right_logical3A_103 = arith.constant 19 : i32
    %shift_right_logical3A_104 = vector.broadcast %shift_right_logical3A_103 : i32 to vector<1024x64xi32>
    %shift_right_logical3A_105 = arith.shrui %add3A_98, %shift_right_logical3A_104 : vector<1024x64xi32>
    %or3A_106 = arith.ori %shift_left3A_102, %shift_right_logical3A_105 : vector<1024x64xi32>
    %xor3A_107 = arith.xori %add3A_99, %or3A_106 : vector<1024x64xi32>
    %add3A_108 = arith.addi %add3A_99, %xor3A_107 : vector<1024x64xi32>
    %shift_left3A_109 = arith.constant 15 : i32
    %shift_left3A_110 = vector.broadcast %shift_left3A_109 : i32 to vector<1024x64xi32>
    %shift_left3A_111 = arith.shli %xor3A_107, %shift_left3A_110 : vector<1024x64xi32>
    %shift_right_logical3A_112 = arith.constant 17 : i32
    %shift_right_logical3A_113 = vector.broadcast %shift_right_logical3A_112 : i32 to vector<1024x64xi32>
    %shift_right_logical3A_114 = arith.shrui %xor3A_107, %shift_right_logical3A_113 : vector<1024x64xi32>
    %or3A_115 = arith.ori %shift_left3A_111, %shift_right_logical3A_114 : vector<1024x64xi32>
    %xor3A_116 = arith.xori %add3A_108, %or3A_115 : vector<1024x64xi32>
    %add3A_117 = arith.addi %add3A_108, %xor3A_116 : vector<1024x64xi32>
    %shift_left3A_118 = arith.constant 26 : i32
    %shift_left3A_119 = vector.broadcast %shift_left3A_118 : i32 to vector<1024x64xi32>
    %shift_left3A_120 = arith.shli %xor3A_116, %shift_left3A_119 : vector<1024x64xi32>
    %shift_right_logical3A_121 = arith.constant 6 : i32
    %shift_right_logical3A_122 = vector.broadcast %shift_right_logical3A_121 : i32 to vector<1024x64xi32>
    %shift_right_logical3A_123 = arith.shrui %xor3A_116, %shift_right_logical3A_122 : vector<1024x64xi32>
    %or3A_124 = arith.ori %shift_left3A_120, %shift_right_logical3A_123 : vector<1024x64xi32>
    %xor3A_125 = arith.xori %add3A_117, %or3A_124 : vector<1024x64xi32>
    %add3A_126 = arith.addi %add3A_117, %xor3A_125 : vector<1024x64xi32>
    %shift_left3A_127 = arith.constant 6 : i32
    %shift_left3A_128 = vector.broadcast %shift_left3A_127 : i32 to vector<1024x64xi32>
    %shift_left3A_129 = arith.shli %xor3A_125, %shift_left3A_128 : vector<1024x64xi32>
    %shift_right_logical3A_130 = arith.constant 26 : i32
    %shift_right_logical3A_131 = vector.broadcast %shift_right_logical3A_130 : i32 to vector<1024x64xi32>
    %shift_right_logical3A_132 = arith.shrui %xor3A_125, %shift_right_logical3A_131 : vector<1024x64xi32>
    %or3A_133 = arith.ori %shift_left3A_129, %shift_right_logical3A_132 : vector<1024x64xi32>
    %xor3A_134 = arith.xori %add3A_126, %or3A_133 : vector<1024x64xi32>
    %add3A_135 = vector.broadcast %get3A_4 : vector<1x1xi32> to vector<1024x64xi32>
    %add3A_136 = arith.addi %add3A_126, %add3A_135 : vector<1024x64xi32>
    %add3A_137 = vector.broadcast %get3A_7 : vector<1x1xi32> to vector<1024x64xi32>
    %add3A_138 = arith.addi %xor3A_134, %add3A_137 : vector<1024x64xi32>
    %add3A_139 = arith.constant 3 : i32
    %add3A_140 = vector.broadcast %add3A_139 : i32 to vector<1024x64xi32>
    %add3A_141 = arith.addi %add3A_138, %add3A_140 : vector<1024x64xi32>
    %add3A_142 = arith.addi %add3A_136, %add3A_141 : vector<1024x64xi32>
    %shift_left3A_143 = arith.constant 17 : i32
    %shift_left3A_144 = vector.broadcast %shift_left3A_143 : i32 to vector<1024x64xi32>
    %shift_left3A_145 = arith.shli %add3A_141, %shift_left3A_144 : vector<1024x64xi32>
    %shift_right_logical3A_146 = arith.constant 15 : i32
    %shift_right_logical3A_147 = vector.broadcast %shift_right_logical3A_146 : i32 to vector<1024x64xi32>
    %shift_right_logical3A_148 = arith.shrui %add3A_141, %shift_right_logical3A_147 : vector<1024x64xi32>
    %or3A_149 = arith.ori %shift_left3A_145, %shift_right_logical3A_148 : vector<1024x64xi32>
    %xor3A_150 = arith.xori %add3A_142, %or3A_149 : vector<1024x64xi32>
    %add3A_151 = arith.addi %add3A_142, %xor3A_150 : vector<1024x64xi32>
    %shift_left3A_152 = arith.constant 29 : i32
    %shift_left3A_153 = vector.broadcast %shift_left3A_152 : i32 to vector<1024x64xi32>
    %shift_left3A_154 = arith.shli %xor3A_150, %shift_left3A_153 : vector<1024x64xi32>
    %shift_right_logical3A_155 = arith.constant 3 : i32
    %shift_right_logical3A_156 = vector.broadcast %shift_right_logical3A_155 : i32 to vector<1024x64xi32>
    %shift_right_logical3A_157 = arith.shrui %xor3A_150, %shift_right_logical3A_156 : vector<1024x64xi32>
    %or3A_158 = arith.ori %shift_left3A_154, %shift_right_logical3A_157 : vector<1024x64xi32>
    %xor3A_159 = arith.xori %add3A_151, %or3A_158 : vector<1024x64xi32>
    %add3A_160 = arith.addi %add3A_151, %xor3A_159 : vector<1024x64xi32>
    %shift_left3A_161 = arith.constant 16 : i32
    %shift_left3A_162 = vector.broadcast %shift_left3A_161 : i32 to vector<1024x64xi32>
    %shift_left3A_163 = arith.shli %xor3A_159, %shift_left3A_162 : vector<1024x64xi32>
    %shift_right_logical3A_164 = arith.constant 16 : i32
    %shift_right_logical3A_165 = vector.broadcast %shift_right_logical3A_164 : i32 to vector<1024x64xi32>
    %shift_right_logical3A_166 = arith.shrui %xor3A_159, %shift_right_logical3A_165 : vector<1024x64xi32>
    %or3A_167 = arith.ori %shift_left3A_163, %shift_right_logical3A_166 : vector<1024x64xi32>
    %xor3A_168 = arith.xori %add3A_160, %or3A_167 : vector<1024x64xi32>
    %add3A_169 = arith.addi %add3A_160, %xor3A_168 : vector<1024x64xi32>
    %shift_left3A_170 = arith.constant 24 : i32
    %shift_left3A_171 = vector.broadcast %shift_left3A_170 : i32 to vector<1024x64xi32>
    %shift_left3A_172 = arith.shli %xor3A_168, %shift_left3A_171 : vector<1024x64xi32>
    %shift_right_logical3A_173 = arith.constant 8 : i32
    %shift_right_logical3A_174 = vector.broadcast %shift_right_logical3A_173 : i32 to vector<1024x64xi32>
    %shift_right_logical3A_175 = arith.shrui %xor3A_168, %shift_right_logical3A_174 : vector<1024x64xi32>
    %or3A_176 = arith.ori %shift_left3A_172, %shift_right_logical3A_175 : vector<1024x64xi32>
    %xor3A_177 = arith.xori %add3A_169, %or3A_176 : vector<1024x64xi32>
    %add3A_178 = vector.broadcast %get3A_7 : vector<1x1xi32> to vector<1024x64xi32>
    %add3A_179 = arith.addi %add3A_169, %add3A_178 : vector<1024x64xi32>
    %add3A_180 = vector.broadcast %xor3A_10 : vector<1x1xi32> to vector<1024x64xi32>
    %add3A_181 = arith.addi %xor3A_177, %add3A_180 : vector<1024x64xi32>
    %add3A_182 = arith.constant 4 : i32
    %add3A_183 = vector.broadcast %add3A_182 : i32 to vector<1024x64xi32>
    %add3A_184 = arith.addi %add3A_181, %add3A_183 : vector<1024x64xi32>
    %add3A_185 = arith.addi %add3A_179, %add3A_184 : vector<1024x64xi32>
    %shift_left3A_186 = arith.constant 13 : i32
    %shift_left3A_187 = vector.broadcast %shift_left3A_186 : i32 to vector<1024x64xi32>
    %shift_left3A_188 = arith.shli %add3A_184, %shift_left3A_187 : vector<1024x64xi32>
    %shift_right_logical3A_189 = arith.constant 19 : i32
    %shift_right_logical3A_190 = vector.broadcast %shift_right_logical3A_189 : i32 to vector<1024x64xi32>
    %shift_right_logical3A_191 = arith.shrui %add3A_184, %shift_right_logical3A_190 : vector<1024x64xi32>
    %or3A_192 = arith.ori %shift_left3A_188, %shift_right_logical3A_191 : vector<1024x64xi32>
    %xor3A_193 = arith.xori %add3A_185, %or3A_192 : vector<1024x64xi32>
    %add3A_194 = arith.addi %add3A_185, %xor3A_193 : vector<1024x64xi32>
    %shift_left3A_195 = arith.constant 15 : i32
    %shift_left3A_196 = vector.broadcast %shift_left3A_195 : i32 to vector<1024x64xi32>
    %shift_left3A_197 = arith.shli %xor3A_193, %shift_left3A_196 : vector<1024x64xi32>
    %shift_right_logical3A_198 = arith.constant 17 : i32
    %shift_right_logical3A_199 = vector.broadcast %shift_right_logical3A_198 : i32 to vector<1024x64xi32>
    %shift_right_logical3A_200 = arith.shrui %xor3A_193, %shift_right_logical3A_199 : vector<1024x64xi32>
    %or3A_201 = arith.ori %shift_left3A_197, %shift_right_logical3A_200 : vector<1024x64xi32>
    %xor3A_202 = arith.xori %add3A_194, %or3A_201 : vector<1024x64xi32>
    %add3A_203 = arith.addi %add3A_194, %xor3A_202 : vector<1024x64xi32>
    %shift_left3A_204 = arith.constant 26 : i32
    %shift_left3A_205 = vector.broadcast %shift_left3A_204 : i32 to vector<1024x64xi32>
    %shift_left3A_206 = arith.shli %xor3A_202, %shift_left3A_205 : vector<1024x64xi32>
    %shift_right_logical3A_207 = arith.constant 6 : i32
    %shift_right_logical3A_208 = vector.broadcast %shift_right_logical3A_207 : i32 to vector<1024x64xi32>
    %shift_right_logical3A_209 = arith.shrui %xor3A_202, %shift_right_logical3A_208 : vector<1024x64xi32>
    %or3A_210 = arith.ori %shift_left3A_206, %shift_right_logical3A_209 : vector<1024x64xi32>
    %xor3A_211 = arith.xori %add3A_203, %or3A_210 : vector<1024x64xi32>
    %add3A_212 = arith.addi %add3A_203, %xor3A_211 : vector<1024x64xi32>
    %shift_left3A_213 = arith.constant 6 : i32
    %shift_left3A_214 = vector.broadcast %shift_left3A_213 : i32 to vector<1024x64xi32>
    %shift_left3A_215 = arith.shli %xor3A_211, %shift_left3A_214 : vector<1024x64xi32>
    %shift_right_logical3A_216 = arith.constant 26 : i32
    %shift_right_logical3A_217 = vector.broadcast %shift_right_logical3A_216 : i32 to vector<1024x64xi32>
    %shift_right_logical3A_218 = arith.shrui %xor3A_211, %shift_right_logical3A_217 : vector<1024x64xi32>
    %or3A_219 = arith.ori %shift_left3A_215, %shift_right_logical3A_218 : vector<1024x64xi32>
    %xor3A_220 = arith.xori %add3A_212, %or3A_219 : vector<1024x64xi32>
    %add3A_221 = vector.broadcast %xor3A_10 : vector<1x1xi32> to vector<1024x64xi32>
    %add3A_222 = arith.addi %add3A_212, %add3A_221 : vector<1024x64xi32>
    %add3A_223 = vector.broadcast %get3A_4 : vector<1x1xi32> to vector<1024x64xi32>
    %add3A_224 = arith.addi %xor3A_220, %add3A_223 : vector<1024x64xi32>
    %add3A_225 = arith.constant 5 : i32
    %add3A_226 = vector.broadcast %add3A_225 : i32 to vector<1024x64xi32>
    %add3A_227 = arith.addi %add3A_224, %add3A_226 : vector<1024x64xi32>
    %xor3A_228 = arith.xori %add3A_222, %add3A_227 : vector<1024x64xi32>
    %shift_right_logical3A_229 = arith.constant 9 : i32
    %shift_right_logical3A_230 = vector.broadcast %shift_right_logical3A_229 : i32 to vector<1024x64xi32>
    %shift_right_logical3A_231 = arith.shrui %xor3A_228, %shift_right_logical3A_230 : vector<1024x64xi32>
    %or3A_232 = arith.constant 1065353216 : i32
    %or3A_233 = vector.broadcast %or3A_232 : i32 to vector<1024x64xi32>
    %or3A_234 = arith.ori %shift_right_logical3A_231, %or3A_233 : vector<1024x64xi32>
    %bitcast_convert_type3A = tpu.bitcast %or3A_234 : vector<1024x64xi32> -> vector<1024x64xf32>
    %sub3A = arith.constant 1.000000e+00 : f32
    %sub3A_235 = vector.broadcast %sub3A : f32 to vector<1024x64xf32>
    %sub3A_236 = arith.subf %bitcast_convert_type3A, %sub3A_235 : vector<1024x64xf32>
    %mul3A_237 = arith.constant 1.000000e+00 : f32
    %mul3A_238 = vector.broadcast %mul3A_237 : f32 to vector<1024x64xf32>
    %mul3A_239 = arith.mulf %sub3A_236, %mul3A_238 : vector<1024x64xf32>
    %add3A_240 = arith.constant 1.17549435E-38 : f32
    %add3A_241 = vector.broadcast %add3A_240 : f32 to vector<1024x64xf32>
    %add3A_242 = arith.addf %mul3A_239, %add3A_241 : vector<1024x64xf32>
    %max3A = arith.constant 1.17549435E-38 : f32
    %max3A_243 = vector.broadcast %max3A : f32 to vector<1024x64xf32>
    %max3A_244 = arith.maximumf %max3A_243, %add3A_242 : vector<1024x64xf32>
    %log3A = math.log %max3A_244 : vector<1024x64xf32>
    %neg3A = arith.constant 0.000000e+00 : f32
    %neg3A_245 = vector.broadcast %neg3A : f32 to vector<1024x64xf32>
    %neg3A_246 = arith.subf %neg3A_245, %log3A : vector<1024x64xf32>
    %log3A_247 = math.log %neg3A_246 : vector<1024x64xf32>
    %neg3A_248 = arith.constant 0.000000e+00 : f32
    %neg3A_249 = vector.broadcast %neg3A_248 : f32 to vector<1024x64xf32>
    %neg3A_250 = arith.subf %neg3A_249, %log3A_247 : vector<1024x64xf32>
    %get3A_251 = arith.constant 0 : index
    %get3A_252 = arith.constant 0 : index
    %get3A_253 = vector.load %arg1[%get3A_251, %get3A_252] : memref<1x64xf32, #tpu.memory_space<vmem>>, vector<1x64xf32>
    %get3A_254 = arith.constant 0 : index
    %get3A_255 = arith.constant 0 : index
    %get3A_256 = vector.load %arg0[%get3A_254, %get3A_255] : memref<1024x64xf32, #tpu.memory_space<vmem>>, vector<1024x64xf32>
    %add3A_257 = vector.broadcast %get3A_253 : vector<1x64xf32> to vector<1024x64xf32>
    %add3A_258 = arith.addf %add3A_257, %get3A_256 : vector<1024x64xf32>
    %reduce_max3A = arith.constant dense<0xFF800000> : vector<1024xf32>
    %reduce_max3A_259 = vector.multi_reduction <maximumf>, %add3A_258, %reduce_max3A [1] : vector<1024x64xf32> to vector<1024xf32>
    %broadcast_in_dim3A_260 = vector.shape_cast %reduce_max3A_259 : vector<1024xf32> to vector<1024x1xf32>
    %sub3A_261 = vector.broadcast %broadcast_in_dim3A_260 : vector<1024x1xf32> to vector<1024x64xf32>
    %sub3A_262 = arith.subf %add3A_258, %sub3A_261 : vector<1024x64xf32>
    %exp3A = math.exp %sub3A_262 : vector<1024x64xf32>
    %reduce_sum3A = arith.constant dense<0.000000e+00> : vector<1024xf32>
    %reduce_sum3A_263 = vector.multi_reduction <add>, %exp3A, %reduce_sum3A [1] : vector<1024x64xf32> to vector<1024xf32>
    %broadcast_in_dim3A_264 = vector.shape_cast %reduce_sum3A_263 : vector<1024xf32> to vector<1024x1xf32>
    %log3A_265 = math.log %broadcast_in_dim3A_264 : vector<1024x1xf32>
    %add3A_266 = arith.addf %log3A_265, %broadcast_in_dim3A_260 : vector<1024x1xf32>
    %sub3A_267 = vector.broadcast %add3A_266 : vector<1024x1xf32> to vector<1024x64xf32>
    %sub3A_268 = arith.subf %add3A_258, %sub3A_267 : vector<1024x64xf32>
    %add3A_269 = arith.addf %sub3A_268, %neg3A_250 : vector<1024x64xf32>
    %reduce_max3A_270 = arith.constant dense<0xFF800000> : vector<1024xf32>
    %reduce_max3A_271 = vector.multi_reduction <maximumf>, %add3A_269, %reduce_max3A_270 [1] : vector<1024x64xf32> to vector<1024xf32>
    %broadcast_in_dim3A_272 = vector.shape_cast %reduce_max3A_271 : vector<1024xf32> to vector<1024x1xf32>
    %iota3A_273 = tpu.iota {dimensions = array<i32: 1>} : vector<1024x64xi32>
    %eq3A = vector.broadcast %broadcast_in_dim3A_272 : vector<1024x1xf32> to vector<1024x64xf32>
    %eq3A_274 = arith.cmpf oeq, %add3A_269, %eq3A : vector<1024x64xf32>
    %jit3A = arith.constant 64 : i32
    %broadcast_in_dim3A_275 = vector.broadcast %jit3A : i32 to vector<1024x64xi32>
    %select_n3A = arith.select %eq3A_274, %iota3A_273, %broadcast_in_dim3A_275 : vector<1024x64xi1>, vector<1024x64xi32>
    %reduce_min3A = arith.constant dense<2147483647> : vector<1024xi32>
    %reduce_min3A_276 = vector.multi_reduction <minsi>, %select_n3A, %reduce_min3A [1] : vector<1024x64xi32> to vector<1024xi32>
    %broadcast_in_dim3A_277 = vector.shape_cast %reduce_min3A_276 : vector<1024xi32> to vector<1024x1xi32>
    %eq3A_278 = vector.broadcast %broadcast_in_dim3A_277 : vector<1024x1xi32> to vector<1024x64xi32>
    %eq3A_279 = arith.cmpi eq, %iota3A_273, %eq3A_278 : vector<1024x64xi32>
    %convert_element_type3A = arith.extui %eq3A_279 : vector<1024x64xi1> to vector<1024x64xi32>
    %convert_element_type3A_280 = arith.sitofp %convert_element_type3A : vector<1024x64xi32> to vector<1024x64xf32>
    %swap3A = arith.constant 0 : index
    %swap3A_281 = arith.constant 0 : index
    %swap3A_282 = vector.load %arg3[%swap3A, %swap3A_281] : memref<1024x64xf32, #tpu.memory_space<vmem>>, vector<1024x64xf32>
    tpu.vector_store %arg3[%swap3A, %swap3A_281], %convert_element_type3A_280 {strides = array<i32>} : memref<1024x64xf32, #tpu.memory_space<vmem>>, vector<1024x64xf32>,
    return
  }
}

module attributes {stable_mosaic.version = 14 : i64} {
  func.func @_sample_body(%arg0: i32, %arg1: memref<8x1x2xi32, #tpu.memory_space<vmem>>, %arg2: memref<8x64x128xf32, #tpu.memory_space<vmem>>, %arg3: memref<128x128xf32, #tpu.memory_space<vmem>>, %arg4: memref<1024x64xf32, #tpu.memory_space<vmem>>, %arg5: memref<8x1024x1xi32, #tpu.memory_space<vmem>>, %arg6: memref<8x1024x1xi32, #tpu.memory_space<vmem>>) attributes {dimension_semantics = [#tpu.dimension_semantics<arbitrary>], iteration_bounds = array<i64: 4>, scalar_prefetch = 0 : i64, scratch_operands = 0 : i64, tpu.core_type = #tpu.core_type<tc>, window_params = [{transform_indices = @transform_0, window_bounds = array<i64: 8, 1, 2>}, {transform_indices = @transform_1, window_bounds = array<i64: 8, 64, 128>}, {pipeline_mode = #tpu.pipeline_mode<synchronous>, transform_indices = @transform_2, window_bounds = array<i64: 128, 128>}, {pipeline_mode = #tpu.pipeline_mode<synchronous>, transform_indices = @transform_3, window_bounds = array<i64: 1024, 64>}, {transform_indices = @transform_4, window_bounds = array<i64: 8, 1024, 1>}, {transform_indices = @transform_5, window_bounds = array<i64: 8, 1024, 1>}]} {
    %get3A = arith.constant 0 : index
    %get3A_0 = arith.constant 0 : index
    %get3A_1 = arith.constant 0 : index
    %get3A_2 = vector.load %arg5[%get3A, %get3A_0, %get3A_1] : memref<8x1024x1xi32, #tpu.memory_space<vmem>>, vector<8x1024x1xi32>
    %reshape3A = vector.shape_cast %get3A_2 : vector<8x1024x1xi32> to vector<8192x1xi32>
    %iota3A = tpu.iota {dimensions = array<i32: 1>} : vector<8192x128xi32>
    %eq3A = vector.broadcast %reshape3A : vector<8192x1xi32> to vector<8192x128xi32>
    %eq3A_3 = arith.cmpi eq, %eq3A, %iota3A : vector<8192x128xi32>
    %convert_element_type3A = arith.extui %eq3A_3 : vector<8192x128xi1> to vector<8192x128xi32>
    %convert_element_type3A_4 = arith.sitofp %convert_element_type3A : vector<8192x128xi32> to vector<8192x128xf32>
    %get3A_5 = arith.constant 0 : index
    %get3A_6 = arith.constant 0 : index
    %get3A_7 = vector.load %arg3[%get3A_5, %get3A_6] : memref<128x128xf32, #tpu.memory_space<vmem>>, vector<128x128xf32>
    %dot_general3A = arith.constant dense<0.000000e+00> : vector<8192x128xf32>
    %dot_general3A_8 = tpu.matmul %convert_element_type3A_4, %get3A_7, %dot_general3A {dimension_numbers = #tpu.dot_dimension_numbers<[1], [0], [0], [1], [0, 0, 1, 1], [], []>, precision = #tpu.contract_precision<fp32>, transpose_lhs_hint = false} : vector<8192x128xf32>, vector<128x128xf32>, vector<8192x128xf32> -> vector<8192x128xf32>
    %iota3A_9 = tpu.iota {dimensions = array<i32: 0>} : vector<1024x128xi32>
    %mul3A = arith.constant 128 : i32
    %mul3A_10 = vector.broadcast %mul3A : i32 to vector<1024x128xi32>
    %mul3A_11 = arith.muli %iota3A_9, %mul3A_10 : vector<1024x128xi32>
    %iota3A_12 = tpu.iota {dimensions = array<i32: 1>} : vector<1024x128xi32>
    %add3A = arith.addi %mul3A_11, %iota3A_12 : vector<1024x128xi32>
    %get3A_13 = arith.constant 0 : index
    %get3A_14 = arith.constant 0 : index
    %get3A_15 = arith.constant 0 : index
    %get3A_16 = vector.load %arg1[%get3A_13, %get3A_14, %get3A_15] : memref<8x1x2xi32, #tpu.memory_space<vmem>>, vector<1x1x1xi32>
    %get3A_17 = vector.shape_cast %get3A_16 : vector<1x1x1xi32> to vector<1x1xi32>
    %get3A_18 = arith.constant 0 : index
    %get3A_19 = arith.constant 0 : index
    %get3A_20 = arith.constant 1 : index
    %get3A_21 = vector.load %arg1[%get3A_18, %get3A_19, %get3A_20] : memref<8x1x2xi32, #tpu.memory_space<vmem>>, vector<1x1x1xi32>
    %get3A_22 = vector.shape_cast %get3A_21 : vector<1x1x1xi32> to vector<1x1xi32>
    %xor3A = arith.xori %get3A_17, %get3A_22 : vector<1x1xi32>
    %xor3A_23 = arith.constant 466688986 : i32
    %xor3A_24 = vector.broadcast %xor3A_23 : i32 to vector<1x1xi32>
    %xor3A_25 = arith.xori %xor3A, %xor3A_24 : vector<1x1xi32>
    %broadcast_in_dim3A = arith.constant 0 : i32
    %broadcast_in_dim3A_26 = vector.broadcast %broadcast_in_dim3A : i32 to vector<1024x128xi32>
    %add3A_27 = vector.broadcast %get3A_17 : vector<1x1xi32> to vector<1024x128xi32>
    %add3A_28 = arith.addi %add3A_27, %broadcast_in_dim3A_26 : vector<1024x128xi32>
    %add3A_29 = vector.broadcast %get3A_22 : vector<1x1xi32> to vector<1024x128xi32>
    %add3A_30 = arith.addi %add3A, %add3A_29 : vector<1024x128xi32>
    %add3A_31 = arith.addi %add3A_28, %add3A_30 : vector<1024x128xi32>
    %shift_left3A = arith.constant 13 : i32
    %shift_left3A_32 = vector.broadcast %shift_left3A : i32 to vector<1024x128xi32>
    %shift_left3A_33 = arith.shli %add3A_30, %shift_left3A_32 : vector<1024x128xi32>
    %shift_right_logical3A = arith.constant 19 : i32
    %shift_right_logical3A_34 = vector.broadcast %shift_right_logical3A : i32 to vector<1024x128xi32>
    %shift_right_logical3A_35 = arith.shrui %add3A_30, %shift_right_logical3A_34 : vector<1024x128xi32>
    %or3A = arith.ori %shift_left3A_33, %shift_right_logical3A_35 : vector<1024x128xi32>
    %xor3A_36 = arith.xori %add3A_31, %or3A : vector<1024x128xi32>
    %add3A_37 = arith.addi %add3A_31, %xor3A_36 : vector<1024x128xi32>
    %shift_left3A_38 = arith.constant 15 : i32
    %shift_left3A_39 = vector.broadcast %shift_left3A_38 : i32 to vector<1024x128xi32>
    %shift_left3A_40 = arith.shli %xor3A_36, %shift_left3A_39 : vector<1024x128xi32>
    %shift_right_logical3A_41 = arith.constant 17 : i32
    %shift_right_logical3A_42 = vector.broadcast %shift_right_logical3A_41 : i32 to vector<1024x128xi32>
    %shift_right_logical3A_43 = arith.shrui %xor3A_36, %shift_right_logical3A_42 : vector<1024x128xi32>
    %or3A_44 = arith.ori %shift_left3A_40, %shift_right_logical3A_43 : vector<1024x128xi32>
    %xor3A_45 = arith.xori %add3A_37, %or3A_44 : vector<1024x128xi32>
    %add3A_46 = arith.addi %add3A_37, %xor3A_45 : vector<1024x128xi32>
    %shift_left3A_47 = arith.constant 26 : i32
    %shift_left3A_48 = vector.broadcast %shift_left3A_47 : i32 to vector<1024x128xi32>
    %shift_left3A_49 = arith.shli %xor3A_45, %shift_left3A_48 : vector<1024x128xi32>
    %shift_right_logical3A_50 = arith.constant 6 : i32
    %shift_right_logical3A_51 = vector.broadcast %shift_right_logical3A_50 : i32 to vector<1024x128xi32>
    %shift_right_logical3A_52 = arith.shrui %xor3A_45, %shift_right_logical3A_51 : vector<1024x128xi32>
    %or3A_53 = arith.ori %shift_left3A_49, %shift_right_logical3A_52 : vector<1024x128xi32>
    %xor3A_54 = arith.xori %add3A_46, %or3A_53 : vector<1024x128xi32>
    %add3A_55 = arith.addi %add3A_46, %xor3A_54 : vector<1024x128xi32>
    %shift_left3A_56 = arith.constant 6 : i32
    %shift_left3A_57 = vector.broadcast %shift_left3A_56 : i32 to vector<1024x128xi32>
    %shift_left3A_58 = arith.shli %xor3A_54, %shift_left3A_57 : vector<1024x128xi32>
    %shift_right_logical3A_59 = arith.constant 26 : i32
    %shift_right_logical3A_60 = vector.broadcast %shift_right_logical3A_59 : i32 to vector<1024x128xi32>
    %shift_right_logical3A_61 = arith.shrui %xor3A_54, %shift_right_logical3A_60 : vector<1024x128xi32>
    %or3A_62 = arith.ori %shift_left3A_58, %shift_right_logical3A_61 : vector<1024x128xi32>
    %xor3A_63 = arith.xori %add3A_55, %or3A_62 : vector<1024x128xi32>
    %add3A_64 = vector.broadcast %get3A_22 : vector<1x1xi32> to vector<1024x128xi32>
    %add3A_65 = arith.addi %add3A_55, %add3A_64 : vector<1024x128xi32>
    %add3A_66 = vector.broadcast %xor3A_25 : vector<1x1xi32> to vector<1024x128xi32>
    %add3A_67 = arith.addi %xor3A_63, %add3A_66 : vector<1024x128xi32>
    %add3A_68 = arith.constant 1 : i32
    %add3A_69 = vector.broadcast %add3A_68 : i32 to vector<1024x128xi32>
    %add3A_70 = arith.addi %add3A_67, %add3A_69 : vector<1024x128xi32>
    %add3A_71 = arith.addi %add3A_65, %add3A_70 : vector<1024x128xi32>
    %shift_left3A_72 = arith.constant 17 : i32
    %shift_left3A_73 = vector.broadcast %shift_left3A_72 : i32 to vector<1024x128xi32>
    %shift_left3A_74 = arith.shli %add3A_70, %shift_left3A_73 : vector<1024x128xi32>
    %shift_right_logical3A_75 = arith.constant 15 : i32
    %shift_right_logical3A_76 = vector.broadcast %shift_right_logical3A_75 : i32 to vector<1024x128xi32>
    %shift_right_logical3A_77 = arith.shrui %add3A_70, %shift_right_logical3A_76 : vector<1024x128xi32>
    %or3A_78 = arith.ori %shift_left3A_74, %shift_right_logical3A_77 : vector<1024x128xi32>
    %xor3A_79 = arith.xori %add3A_71, %or3A_78 : vector<1024x128xi32>
    %add3A_80 = arith.addi %add3A_71, %xor3A_79 : vector<1024x128xi32>
    %shift_left3A_81 = arith.constant 29 : i32
    %shift_left3A_82 = vector.broadcast %shift_left3A_81 : i32 to vector<1024x128xi32>
    %shift_left3A_83 = arith.shli %xor3A_79, %shift_left3A_82 : vector<1024x128xi32>
    %shift_right_logical3A_84 = arith.constant 3 : i32
    %shift_right_logical3A_85 = vector.broadcast %shift_right_logical3A_84 : i32 to vector<1024x128xi32>
    %shift_right_logical3A_86 = arith.shrui %xor3A_79, %shift_right_logical3A_85 : vector<1024x128xi32>
    %or3A_87 = arith.ori %shift_left3A_83, %shift_right_logical3A_86 : vector<1024x128xi32>
    %xor3A_88 = arith.xori %add3A_80, %or3A_87 : vector<1024x128xi32>
    %add3A_89 = arith.addi %add3A_80, %xor3A_88 : vector<1024x128xi32>
    %shift_left3A_90 = arith.constant 16 : i32
    %shift_left3A_91 = vector.broadcast %shift_left3A_90 : i32 to vector<1024x128xi32>
    %shift_left3A_92 = arith.shli %xor3A_88, %shift_left3A_91 : vector<1024x128xi32>
    %shift_right_logical3A_93 = arith.constant 16 : i32
    %shift_right_logical3A_94 = vector.broadcast %shift_right_logical3A_93 : i32 to vector<1024x128xi32>
    %shift_right_logical3A_95 = arith.shrui %xor3A_88, %shift_right_logical3A_94 : vector<1024x128xi32>
    %or3A_96 = arith.ori %shift_left3A_92, %shift_right_logical3A_95 : vector<1024x128xi32>
    %xor3A_97 = arith.xori %add3A_89, %or3A_96 : vector<1024x128xi32>
    %add3A_98 = arith.addi %add3A_89, %xor3A_97 : vector<1024x128xi32>
    %shift_left3A_99 = arith.constant 24 : i32
    %shift_left3A_100 = vector.broadcast %shift_left3A_99 : i32 to vector<1024x128xi32>
    %shift_left3A_101 = arith.shli %xor3A_97, %shift_left3A_100 : vector<1024x128xi32>
    %shift_right_logical3A_102 = arith.constant 8 : i32
    %shift_right_logical3A_103 = vector.broadcast %shift_right_logical3A_102 : i32 to vector<1024x128xi32>
    %shift_right_logical3A_104 = arith.shrui %xor3A_97, %shift_right_logical3A_103 : vector<1024x128xi32>
    %or3A_105 = arith.ori %shift_left3A_101, %shift_right_logical3A_104 : vector<1024x128xi32>
    %xor3A_106 = arith.xori %add3A_98, %or3A_105 : vector<1024x128xi32>
    %add3A_107 = vector.broadcast %xor3A_25 : vector<1x1xi32> to vector<1024x128xi32>
    %add3A_108 = arith.addi %add3A_98, %add3A_107 : vector<1024x128xi32>
    %add3A_109 = vector.broadcast %get3A_17 : vector<1x1xi32> to vector<1024x128xi32>
    %add3A_110 = arith.addi %xor3A_106, %add3A_109 : vector<1024x128xi32>
    %add3A_111 = arith.constant 2 : i32
    %add3A_112 = vector.broadcast %add3A_111 : i32 to vector<1024x128xi32>
    %add3A_113 = arith.addi %add3A_110, %add3A_112 : vector<1024x128xi32>
    %add3A_114 = arith.addi %add3A_108, %add3A_113 : vector<1024x128xi32>
    %shift_left3A_115 = arith.constant 13 : i32
    %shift_left3A_116 = vector.broadcast %shift_left3A_115 : i32 to vector<1024x128xi32>
    %shift_left3A_117 = arith.shli %add3A_113, %shift_left3A_116 : vector<1024x128xi32>
    %shift_right_logical3A_118 = arith.constant 19 : i32
    %shift_right_logical3A_119 = vector.broadcast %shift_right_logical3A_118 : i32 to vector<1024x128xi32>
    %shift_right_logical3A_120 = arith.shrui %add3A_113, %shift_right_logical3A_119 : vector<1024x128xi32>
    %or3A_121 = arith.ori %shift_left3A_117, %shift_right_logical3A_120 : vector<1024x128xi32>
    %xor3A_122 = arith.xori %add3A_114, %or3A_121 : vector<1024x128xi32>
    %add3A_123 = arith.addi %add3A_114, %xor3A_122 : vector<1024x128xi32>
    %shift_left3A_124 = arith.constant 15 : i32
    %shift_left3A_125 = vector.broadcast %shift_left3A_124 : i32 to vector<1024x128xi32>
    %shift_left3A_126 = arith.shli %xor3A_122, %shift_left3A_125 : vector<1024x128xi32>
    %shift_right_logical3A_127 = arith.constant 17 : i32
    %shift_right_logical3A_128 = vector.broadcast %shift_right_logical3A_127 : i32 to vector<1024x128xi32>
    %shift_right_logical3A_129 = arith.shrui %xor3A_122, %shift_right_logical3A_128 : vector<1024x128xi32>
    %or3A_130 = arith.ori %shift_left3A_126, %shift_right_logical3A_129 : vector<1024x128xi32>
    %xor3A_131 = arith.xori %add3A_123, %or3A_130 : vector<1024x128xi32>
    %add3A_132 = arith.addi %add3A_123, %xor3A_131 : vector<1024x128xi32>
    %shift_left3A_133 = arith.constant 26 : i32
    %shift_left3A_134 = vector.broadcast %shift_left3A_133 : i32 to vector<1024x128xi32>
    %shift_left3A_135 = arith.shli %xor3A_131, %shift_left3A_134 : vector<1024x128xi32>
    %shift_right_logical3A_136 = arith.constant 6 : i32
    %shift_right_logical3A_137 = vector.broadcast %shift_right_logical3A_136 : i32 to vector<1024x128xi32>
    %shift_right_logical3A_138 = arith.shrui %xor3A_131, %shift_right_logical3A_137 : vector<1024x128xi32>
    %or3A_139 = arith.ori %shift_left3A_135, %shift_right_logical3A_138 : vector<1024x128xi32>
    %xor3A_140 = arith.xori %add3A_132, %or3A_139 : vector<1024x128xi32>
    %add3A_141 = arith.addi %add3A_132, %xor3A_140 : vector<1024x128xi32>
    %shift_left3A_142 = arith.constant 6 : i32
    %shift_left3A_143 = vector.broadcast %shift_left3A_142 : i32 to vector<1024x128xi32>
    %shift_left3A_144 = arith.shli %xor3A_140, %shift_left3A_143 : vector<1024x128xi32>
    %shift_right_logical3A_145 = arith.constant 26 : i32
    %shift_right_logical3A_146 = vector.broadcast %shift_right_logical3A_145 : i32 to vector<1024x128xi32>
    %shift_right_logical3A_147 = arith.shrui %xor3A_140, %shift_right_logical3A_146 : vector<1024x128xi32>
    %or3A_148 = arith.ori %shift_left3A_144, %shift_right_logical3A_147 : vector<1024x128xi32>
    %xor3A_149 = arith.xori %add3A_141, %or3A_148 : vector<1024x128xi32>
    %add3A_150 = vector.broadcast %get3A_17 : vector<1x1xi32> to vector<1024x128xi32>
    %add3A_151 = arith.addi %add3A_141, %add3A_150 : vector<1024x128xi32>
    %add3A_152 = vector.broadcast %get3A_22 : vector<1x1xi32> to vector<1024x128xi32>
    %add3A_153 = arith.addi %xor3A_149, %add3A_152 : vector<1024x128xi32>
    %add3A_154 = arith.constant 3 : i32
    %add3A_155 = vector.broadcast %add3A_154 : i32 to vector<1024x128xi32>
    %add3A_156 = arith.addi %add3A_153, %add3A_155 : vector<1024x128xi32>
    %add3A_157 = arith.addi %add3A_151, %add3A_156 : vector<1024x128xi32>
    %shift_left3A_158 = arith.constant 17 : i32
    %shift_left3A_159 = vector.broadcast %shift_left3A_158 : i32 to vector<1024x128xi32>
    %shift_left3A_160 = arith.shli %add3A_156, %shift_left3A_159 : vector<1024x128xi32>
    %shift_right_logical3A_161 = arith.constant 15 : i32
    %shift_right_logical3A_162 = vector.broadcast %shift_right_logical3A_161 : i32 to vector<1024x128xi32>
    %shift_right_logical3A_163 = arith.shrui %add3A_156, %shift_right_logical3A_162 : vector<1024x128xi32>
    %or3A_164 = arith.ori %shift_left3A_160, %shift_right_logical3A_163 : vector<1024x128xi32>
    %xor3A_165 = arith.xori %add3A_157, %or3A_164 : vector<1024x128xi32>
    %add3A_166 = arith.addi %add3A_157, %xor3A_165 : vector<1024x128xi32>
    %shift_left3A_167 = arith.constant 29 : i32
    %shift_left3A_168 = vector.broadcast %shift_left3A_167 : i32 to vector<1024x128xi32>
    %shift_left3A_169 = arith.shli %xor3A_165, %shift_left3A_168 : vector<1024x128xi32>
    %shift_right_logical3A_170 = arith.constant 3 : i32
    %shift_right_logical3A_171 = vector.broadcast %shift_right_logical3A_170 : i32 to vector<1024x128xi32>
    %shift_right_logical3A_172 = arith.shrui %xor3A_165, %shift_right_logical3A_171 : vector<1024x128xi32>
    %or3A_173 = arith.ori %shift_left3A_169, %shift_right_logical3A_172 : vector<1024x128xi32>
    %xor3A_174 = arith.xori %add3A_166, %or3A_173 : vector<1024x128xi32>
    %add3A_175 = arith.addi %add3A_166, %xor3A_174 : vector<1024x128xi32>
    %shift_left3A_176 = arith.constant 16 : i32
    %shift_left3A_177 = vector.broadcast %shift_left3A_176 : i32 to vector<1024x128xi32>
    %shift_left3A_178 = arith.shli %xor3A_174, %shift_left3A_177 : vector<1024x128xi32>
    %shift_right_logical3A_179 = arith.constant 16 : i32
    %shift_right_logical3A_180 = vector.broadcast %shift_right_logical3A_179 : i32 to vector<1024x128xi32>
    %shift_right_logical3A_181 = arith.shrui %xor3A_174, %shift_right_logical3A_180 : vector<1024x128xi32>
    %or3A_182 = arith.ori %shift_left3A_178, %shift_right_logical3A_181 : vector<1024x128xi32>
    %xor3A_183 = arith.xori %add3A_175, %or3A_182 : vector<1024x128xi32>
    %add3A_184 = arith.addi %add3A_175, %xor3A_183 : vector<1024x128xi32>
    %shift_left3A_185 = arith.constant 24 : i32
    %shift_left3A_186 = vector.broadcast %shift_left3A_185 : i32 to vector<1024x128xi32>
    %shift_left3A_187 = arith.shli %xor3A_183, %shift_left3A_186 : vector<1024x128xi32>
    %shift_right_logical3A_188 = arith.constant 8 : i32
    %shift_right_logical3A_189 = vector.broadcast %shift_right_logical3A_188 : i32 to vector<1024x128xi32>
    %shift_right_logical3A_190 = arith.shrui %xor3A_183, %shift_right_logical3A_189 : vector<1024x128xi32>
    %or3A_191 = arith.ori %shift_left3A_187, %shift_right_logical3A_190 : vector<1024x128xi32>
    %xor3A_192 = arith.xori %add3A_184, %or3A_191 : vector<1024x128xi32>
    %add3A_193 = vector.broadcast %get3A_22 : vector<1x1xi32> to vector<1024x128xi32>
    %add3A_194 = arith.addi %add3A_184, %add3A_193 : vector<1024x128xi32>
    %add3A_195 = vector.broadcast %xor3A_25 : vector<1x1xi32> to vector<1024x128xi32>
    %add3A_196 = arith.addi %xor3A_192, %add3A_195 : vector<1024x128xi32>
    %add3A_197 = arith.constant 4 : i32
    %add3A_198 = vector.broadcast %add3A_197 : i32 to vector<1024x128xi32>
    %add3A_199 = arith.addi %add3A_196, %add3A_198 : vector<1024x128xi32>
    %add3A_200 = arith.addi %add3A_194, %add3A_199 : vector<1024x128xi32>
    %shift_left3A_201 = arith.constant 13 : i32
    %shift_left3A_202 = vector.broadcast %shift_left3A_201 : i32 to vector<1024x128xi32>
    %shift_left3A_203 = arith.shli %add3A_199, %shift_left3A_202 : vector<1024x128xi32>
    %shift_right_logical3A_204 = arith.constant 19 : i32
    %shift_right_logical3A_205 = vector.broadcast %shift_right_logical3A_204 : i32 to vector<1024x128xi32>
    %shift_right_logical3A_206 = arith.shrui %add3A_199, %shift_right_logical3A_205 : vector<1024x128xi32>
    %or3A_207 = arith.ori %shift_left3A_203, %shift_right_logical3A_206 : vector<1024x128xi32>
    %xor3A_208 = arith.xori %add3A_200, %or3A_207 : vector<1024x128xi32>
    %add3A_209 = arith.addi %add3A_200, %xor3A_208 : vector<1024x128xi32>
    %shift_left3A_210 = arith.constant 15 : i32
    %shift_left3A_211 = vector.broadcast %shift_left3A_210 : i32 to vector<1024x128xi32>
    %shift_left3A_212 = arith.shli %xor3A_208, %shift_left3A_211 : vector<1024x128xi32>
    %shift_right_logical3A_213 = arith.constant 17 : i32
    %shift_right_logical3A_214 = vector.broadcast %shift_right_logical3A_213 : i32 to vector<1024x128xi32>
    %shift_right_logical3A_215 = arith.shrui %xor3A_208, %shift_right_logical3A_214 : vector<1024x128xi32>
    %or3A_216 = arith.ori %shift_left3A_212, %shift_right_logical3A_215 : vector<1024x128xi32>
    %xor3A_217 = arith.xori %add3A_209, %or3A_216 : vector<1024x128xi32>
    %add3A_218 = arith.addi %add3A_209, %xor3A_217 : vector<1024x128xi32>
    %shift_left3A_219 = arith.constant 26 : i32
    %shift_left3A_220 = vector.broadcast %shift_left3A_219 : i32 to vector<1024x128xi32>
    %shift_left3A_221 = arith.shli %xor3A_217, %shift_left3A_220 : vector<1024x128xi32>
    %shift_right_logical3A_222 = arith.constant 6 : i32
    %shift_right_logical3A_223 = vector.broadcast %shift_right_logical3A_222 : i32 to vector<1024x128xi32>
    %shift_right_logical3A_224 = arith.shrui %xor3A_217, %shift_right_logical3A_223 : vector<1024x128xi32>
    %or3A_225 = arith.ori %shift_left3A_221, %shift_right_logical3A_224 : vector<1024x128xi32>
    %xor3A_226 = arith.xori %add3A_218, %or3A_225 : vector<1024x128xi32>
    %add3A_227 = arith.addi %add3A_218, %xor3A_226 : vector<1024x128xi32>
    %shift_left3A_228 = arith.constant 6 : i32
    %shift_left3A_229 = vector.broadcast %shift_left3A_228 : i32 to vector<1024x128xi32>
    %shift_left3A_230 = arith.shli %xor3A_226, %shift_left3A_229 : vector<1024x128xi32>
    %shift_right_logical3A_231 = arith.constant 26 : i32
    %shift_right_logical3A_232 = vector.broadcast %shift_right_logical3A_231 : i32 to vector<1024x128xi32>
    %shift_right_logical3A_233 = arith.shrui %xor3A_226, %shift_right_logical3A_232 : vector<1024x128xi32>
    %or3A_234 = arith.ori %shift_left3A_230, %shift_right_logical3A_233 : vector<1024x128xi32>
    %xor3A_235 = arith.xori %add3A_227, %or3A_234 : vector<1024x128xi32>
    %add3A_236 = vector.broadcast %xor3A_25 : vector<1x1xi32> to vector<1024x128xi32>
    %add3A_237 = arith.addi %add3A_227, %add3A_236 : vector<1024x128xi32>
    %add3A_238 = vector.broadcast %get3A_17 : vector<1x1xi32> to vector<1024x128xi32>
    %add3A_239 = arith.addi %xor3A_235, %add3A_238 : vector<1024x128xi32>
    %add3A_240 = arith.constant 5 : i32
    %add3A_241 = vector.broadcast %add3A_240 : i32 to vector<1024x128xi32>
    %add3A_242 = arith.addi %add3A_239, %add3A_241 : vector<1024x128xi32>
    %xor3A_243 = arith.xori %add3A_237, %add3A_242 : vector<1024x128xi32>
    %shift_right_logical3A_244 = arith.constant 9 : i32
    %shift_right_logical3A_245 = vector.broadcast %shift_right_logical3A_244 : i32 to vector<1024x128xi32>
    %shift_right_logical3A_246 = arith.shrui %xor3A_243, %shift_right_logical3A_245 : vector<1024x128xi32>
    %or3A_247 = arith.constant 1065353216 : i32
    %or3A_248 = vector.broadcast %or3A_247 : i32 to vector<1024x128xi32>
    %or3A_249 = arith.ori %shift_right_logical3A_246, %or3A_248 : vector<1024x128xi32>
    %bitcast_convert_type3A = tpu.bitcast %or3A_249 : vector<1024x128xi32> -> vector<1024x128xf32>
    %sub3A = arith.constant 1.000000e+00 : f32
    %sub3A_250 = vector.broadcast %sub3A : f32 to vector<1024x128xf32>
    %sub3A_251 = arith.subf %bitcast_convert_type3A, %sub3A_250 : vector<1024x128xf32>
    %mul3A_252 = arith.constant 1.000000e+00 : f32
    %mul3A_253 = vector.broadcast %mul3A_252 : f32 to vector<1024x128xf32>
    %mul3A_254 = arith.mulf %sub3A_251, %mul3A_253 : vector<1024x128xf32>
    %add3A_255 = arith.constant 1.17549435E-38 : f32
    %add3A_256 = vector.broadcast %add3A_255 : f32 to vector<1024x128xf32>
    %add3A_257 = arith.addf %mul3A_254, %add3A_256 : vector<1024x128xf32>
    %max3A = arith.constant 1.17549435E-38 : f32
    %max3A_258 = vector.broadcast %max3A : f32 to vector<1024x128xf32>
    %max3A_259 = arith.maximumf %max3A_258, %add3A_257 : vector<1024x128xf32>
    %log3A = math.log %max3A_259 : vector<1024x128xf32>
    %neg3A = arith.constant 0.000000e+00 : f32
    %neg3A_260 = vector.broadcast %neg3A : f32 to vector<1024x128xf32>
    %neg3A_261 = arith.subf %neg3A_260, %log3A : vector<1024x128xf32>
    %log3A_262 = math.log %neg3A_261 : vector<1024x128xf32>
    %neg3A_263 = arith.constant 0.000000e+00 : f32
    %neg3A_264 = vector.broadcast %neg3A_263 : f32 to vector<1024x128xf32>
    %neg3A_265 = arith.subf %neg3A_264, %log3A_262 : vector<1024x128xf32>
    %get3A_266 = arith.constant 0 : index
    %get3A_267 = arith.constant 0 : index
    %get3A_268 = vector.load %arg4[%get3A_266, %get3A_267] : memref<1024x64xf32, #tpu.memory_space<vmem>>, vector<1024x64xf32>
    %get3A_269 = arith.constant 0 : index
    %get3A_270 = arith.constant 0 : index
    %get3A_271 = arith.constant 0 : index
    %get3A_272 = vector.load %arg2[%get3A_269, %get3A_270, %get3A_271] : memref<8x64x128xf32, #tpu.memory_space<vmem>>, vector<1x64x128xf32>
    %get3A_273 = vector.shape_cast %get3A_272 : vector<1x64x128xf32> to vector<64x128xf32>
    %dot_general3A_274 = arith.constant dense<0.000000e+00> : vector<1024x128xf32>
    %dot_general3A_275 = tpu.matmul %get3A_268, %get3A_273, %dot_general3A_274 {dimension_numbers = #tpu.dot_dimension_numbers<[1], [0], [0], [1], [0, 0, 1, 1], [], []>, precision = #tpu.contract_precision<fp32>, transpose_lhs_hint = false} : vector<1024x64xf32>, vector<64x128xf32>, vector<1024x128xf32> -> vector<1024x128xf32>
    %slice3A = vector.extract_strided_slice %dot_general3A_8 {offsets = [0, 0], sizes = [1024, 128], strides = [1, 1]} : vector<8192x128xf32> to vector<1024x128xf32>
    %add3A_276 = arith.addf %dot_general3A_275, %slice3A : vector<1024x128xf32>
    %add3A_277 = arith.addf %add3A_276, %neg3A_265 : vector<1024x128xf32>
    %reduce_max3A = arith.constant dense<0xFF800000> : vector<1024xf32>
    %reduce_max3A_278 = vector.multi_reduction <maximumf>, %add3A_277, %reduce_max3A [1] : vector<1024x128xf32> to vector<1024xf32>
    %broadcast_in_dim3A_279 = vector.shape_cast %reduce_max3A_278 : vector<1024xf32> to vector<1024x1xf32>
    %iota3A_280 = tpu.iota {dimensions = array<i32: 1>} : vector<1024x128xi32>
    %eq3A_281 = vector.broadcast %broadcast_in_dim3A_279 : vector<1024x1xf32> to vector<1024x128xf32>
    %eq3A_282 = arith.cmpf oeq, %add3A_277, %eq3A_281 : vector<1024x128xf32>
    %jit3A = arith.constant 128 : i32
    %broadcast_in_dim3A_283 = vector.broadcast %jit3A : i32 to vector<1024x128xi32>
    %select_n3A = arith.select %eq3A_282, %iota3A_280, %broadcast_in_dim3A_283 : vector<1024x128xi1>, vector<1024x128xi32>
    %reduce_min3A = arith.constant dense<2147483647> : vector<1024xi32>
    %reduce_min3A_284 = vector.multi_reduction <minsi>, %select_n3A, %reduce_min3A [1] : vector<1024x128xi32> to vector<1024xi32>
    %broadcast_in_dim3A_285 = vector.shape_cast %reduce_min3A_284 : vector<1024xi32> to vector<1024x1xi32>
    %swap3A = arith.constant 0 : index
    %swap3A_286 = arith.constant 0 : index
    %swap3A_287 = arith.constant 0 : index
    %swap3A_288 = vector.load %arg6[%swap3A, %swap3A_286, %swap3A_287] : memref<8x1024x1xi32, #tpu.memory_space<vmem>>, vector<1x1024x1xi32>
    %swap3A_289 = vector.shape_cast %swap3A_288 : vector<1x1024x1xi32> to vector<1024x1xi32>
    %swap3A_290 = vector.shape_cast %broadcast_in_dim3A_285 : vector<1024x1xi32> to vector<1x1024x1xi32>
    tpu.vector_store %arg6[%swap3A, %swap3A_286, %swap3A_287], %swap3A_290 {strides = array<i32>} : memref<8x1024x1xi32, #tpu.memory_space<vmem>>, vector<1x1024x1xi32>,
    %get3A_291 = arith.constant 1 : index
    %get3A_292 = arith.constant 0 : index
    %get3A_293 = arith.constant 0 : index
    %get3A_294 = vector.load %arg1[%get3A_291, %get3A_292, %get3A_293] : memref<8x1x2xi32, #tpu.memory_space<vmem>>, vector<1x1x1xi32>
    %get3A_295 = vector.shape_cast %get3A_294 : vector<1x1x1xi32> to vector<1x1xi32>
    %get3A_296 = arith.constant 1 : index
    %get3A_297 = arith.constant 0 : index
    %get3A_298 = arith.constant 1 : index
    %get3A_299 = vector.load %arg1[%get3A_296, %get3A_297, %get3A_298] : memref<8x1x2xi32, #tpu.memory_space<vmem>>, vector<1x1x1xi32>
    %get3A_300 = vector.shape_cast %get3A_299 : vector<1x1x1xi32> to vector<1x1xi32>
    %xor3A_301 = arith.xori %get3A_295, %get3A_300 : vector<1x1xi32>
    %xor3A_302 = arith.constant 466688986 : i32
    %xor3A_303 = vector.broadcast %xor3A_302 : i32 to vector<1x1xi32>
    %xor3A_304 = arith.xori %xor3A_301, %xor3A_303 : vector<1x1xi32>
    %broadcast_in_dim3A_305 = arith.constant 0 : i32
    %broadcast_in_dim3A_306 = vector.broadcast %broadcast_in_dim3A_305 : i32 to vector<1024x128xi32>
    %add3A_307 = vector.broadcast %get3A_295 : vector<1x1xi32> to vector<1024x128xi32>
    %add3A_308 = arith.addi %add3A_307, %broadcast_in_dim3A_306 : vector<1024x128xi32>
    %add3A_309 = vector.broadcast %get3A_300 : vector<1x1xi32> to vector<1024x128xi32>
    %add3A_310 = arith.addi %add3A, %add3A_309 : vector<1024x128xi32>
    %add3A_311 = arith.addi %add3A_308, %add3A_310 : vector<1024x128xi32>
    %shift_left3A_312 = arith.constant 13 : i32
    %shift_left3A_313 = vector.broadcast %shift_left3A_312 : i32 to vector<1024x128xi32>
    %shift_left3A_314 = arith.shli %add3A_310, %shift_left3A_313 : vector<1024x128xi32>
    %shift_right_logical3A_315 = arith.constant 19 : i32
    %shift_right_logical3A_316 = vector.broadcast %shift_right_logical3A_315 : i32 to vector<1024x128xi32>
    %shift_right_logical3A_317 = arith.shrui %add3A_310, %shift_right_logical3A_316 : vector<1024x128xi32>
    %or3A_318 = arith.ori %shift_left3A_314, %shift_right_logical3A_317 : vector<1024x128xi32>
    %xor3A_319 = arith.xori %add3A_311, %or3A_318 : vector<1024x128xi32>
    %add3A_320 = arith.addi %add3A_311, %xor3A_319 : vector<1024x128xi32>
    %shift_left3A_321 = arith.constant 15 : i32
    %shift_left3A_322 = vector.broadcast %shift_left3A_321 : i32 to vector<1024x128xi32>
    %shift_left3A_323 = arith.shli %xor3A_319, %shift_left3A_322 : vector<1024x128xi32>
    %shift_right_logical3A_324 = arith.constant 17 : i32
    %shift_right_logical3A_325 = vector.broadcast %shift_right_logical3A_324 : i32 to vector<1024x128xi32>
    %shift_right_logical3A_326 = arith.shrui %xor3A_319, %shift_right_logical3A_325 : vector<1024x128xi32>
    %or3A_327 = arith.ori %shift_left3A_323, %shift_right_logical3A_326 : vector<1024x128xi32>
    %xor3A_328 = arith.xori %add3A_320, %or3A_327 : vector<1024x128xi32>
    %add3A_329 = arith.addi %add3A_320, %xor3A_328 : vector<1024x128xi32>
    %shift_left3A_330 = arith.constant 26 : i32
    %shift_left3A_331 = vector.broadcast %shift_left3A_330 : i32 to vector<1024x128xi32>
    %shift_left3A_332 = arith.shli %xor3A_328, %shift_left3A_331 : vector<1024x128xi32>
    %shift_right_logical3A_333 = arith.constant 6 : i32
    %shift_right_logical3A_334 = vector.broadcast %shift_right_logical3A_333 : i32 to vector<1024x128xi32>
    %shift_right_logical3A_335 = arith.shrui %xor3A_328, %shift_right_logical3A_334 : vector<1024x128xi32>
    %or3A_336 = arith.ori %shift_left3A_332, %shift_right_logical3A_335 : vector<1024x128xi32>
    %xor3A_337 = arith.xori %add3A_329, %or3A_336 : vector<1024x128xi32>
    %add3A_338 = arith.addi %add3A_329, %xor3A_337 : vector<1024x128xi32>
    %shift_left3A_339 = arith.constant 6 : i32
    %shift_left3A_340 = vector.broadcast %shift_left3A_339 : i32 to vector<1024x128xi32>
    %shift_left3A_341 = arith.shli %xor3A_337, %shift_left3A_340 : vector<1024x128xi32>
    %shift_right_logical3A_342 = arith.constant 26 : i32
    %shift_right_logical3A_343 = vector.broadcast %shift_right_logical3A_342 : i32 to vector<1024x128xi32>
    %shift_right_logical3A_344 = arith.shrui %xor3A_337, %shift_right_logical3A_343 : vector<1024x128xi32>
    %or3A_345 = arith.ori %shift_left3A_341, %shift_right_logical3A_344 : vector<1024x128xi32>
    %xor3A_346 = arith.xori %add3A_338, %or3A_345 : vector<1024x128xi32>
    %add3A_347 = vector.broadcast %get3A_300 : vector<1x1xi32> to vector<1024x128xi32>
    %add3A_348 = arith.addi %add3A_338, %add3A_347 : vector<1024x128xi32>
    %add3A_349 = vector.broadcast %xor3A_304 : vector<1x1xi32> to vector<1024x128xi32>
    %add3A_350 = arith.addi %xor3A_346, %add3A_349 : vector<1024x128xi32>
    %add3A_351 = arith.constant 1 : i32
    %add3A_352 = vector.broadcast %add3A_351 : i32 to vector<1024x128xi32>
    %add3A_353 = arith.addi %add3A_350, %add3A_352 : vector<1024x128xi32>
    %add3A_354 = arith.addi %add3A_348, %add3A_353 : vector<1024x128xi32>
    %shift_left3A_355 = arith.constant 17 : i32
    %shift_left3A_356 = vector.broadcast %shift_left3A_355 : i32 to vector<1024x128xi32>
    %shift_left3A_357 = arith.shli %add3A_353, %shift_left3A_356 : vector<1024x128xi32>
    %shift_right_logical3A_358 = arith.constant 15 : i32
    %shift_right_logical3A_359 = vector.broadcast %shift_right_logical3A_358 : i32 to vector<1024x128xi32>
    %shift_right_logical3A_360 = arith.shrui %add3A_353, %shift_right_logical3A_359 : vector<1024x128xi32>
    %or3A_361 = arith.ori %shift_left3A_357, %shift_right_logical3A_360 : vector<1024x128xi32>
    %xor3A_362 = arith.xori %add3A_354, %or3A_361 : vector<1024x128xi32>
    %add3A_363 = arith.addi %add3A_354, %xor3A_362 : vector<1024x128xi32>
    %shift_left3A_364 = arith.constant 29 : i32
    %shift_left3A_365 = vector.broadcast %shift_left3A_364 : i32 to vector<1024x128xi32>
    %shift_left3A_366 = arith.shli %xor3A_362, %shift_left3A_365 : vector<1024x128xi32>
    %shift_right_logical3A_367 = arith.constant 3 : i32
    %shift_right_logical3A_368 = vector.broadcast %shift_right_logical3A_367 : i32 to vector<1024x128xi32>
    %shift_right_logical3A_369 = arith.shrui %xor3A_362, %shift_right_logical3A_368 : vector<1024x128xi32>
    %or3A_370 = arith.ori %shift_left3A_366, %shift_right_logical3A_369 : vector<1024x128xi32>
    %xor3A_371 = arith.xori %add3A_363, %or3A_370 : vector<1024x128xi32>
    %add3A_372 = arith.addi %add3A_363, %xor3A_371 : vector<1024x128xi32>
    %shift_left3A_373 = arith.constant 16 : i32
    %shift_left3A_374 = vector.broadcast %shift_left3A_373 : i32 to vector<1024x128xi32>
    %shift_left3A_375 = arith.shli %xor3A_371, %shift_left3A_374 : vector<1024x128xi32>
    %shift_right_logical3A_376 = arith.constant 16 : i32
    %shift_right_logical3A_377 = vector.broadcast %shift_right_logical3A_376 : i32 to vector<1024x128xi32>
    %shift_right_logical3A_378 = arith.shrui %xor3A_371, %shift_right_logical3A_377 : vector<1024x128xi32>
    %or3A_379 = arith.ori %shift_left3A_375, %shift_right_logical3A_378 : vector<1024x128xi32>
    %xor3A_380 = arith.xori %add3A_372, %or3A_379 : vector<1024x128xi32>
    %add3A_381 = arith.addi %add3A_372, %xor3A_380 : vector<1024x128xi32>
    %shift_left3A_382 = arith.constant 24 : i32
    %shift_left3A_383 = vector.broadcast %shift_left3A_382 : i32 to vector<1024x128xi32>
    %shift_left3A_384 = arith.shli %xor3A_380, %shift_left3A_383 : vector<1024x128xi32>
    %shift_right_logical3A_385 = arith.constant 8 : i32
    %shift_right_logical3A_386 = vector.broadcast %shift_right_logical3A_385 : i32 to vector<1024x128xi32>
    %shift_right_logical3A_387 = arith.shrui %xor3A_380, %shift_right_logical3A_386 : vector<1024x128xi32>
    %or3A_388 = arith.ori %shift_left3A_384, %shift_right_logical3A_387 : vector<1024x128xi32>
    %xor3A_389 = arith.xori %add3A_381, %or3A_388 : vector<1024x128xi32>
    %add3A_390 = vector.broadcast %xor3A_304 : vector<1x1xi32> to vector<1024x128xi32>
    %add3A_391 = arith.addi %add3A_381, %add3A_390 : vector<1024x128xi32>
    %add3A_392 = vector.broadcast %get3A_295 : vector<1x1xi32> to vector<1024x128xi32>
    %add3A_393 = arith.addi %xor3A_389, %add3A_392 : vector<1024x128xi32>
    %add3A_394 = arith.constant 2 : i32
    %add3A_395 = vector.broadcast %add3A_394 : i32 to vector<1024x128xi32>
    %add3A_396 = arith.addi %add3A_393, %add3A_395 : vector<1024x128xi32>
    %add3A_397 = arith.addi %add3A_391, %add3A_396 : vector<1024x128xi32>
    %shift_left3A_398 = arith.constant 13 : i32
    %shift_left3A_399 = vector.broadcast %shift_left3A_398 : i32 to vector<1024x128xi32>
    %shift_left3A_400 = arith.shli %add3A_396, %shift_left3A_399 : vector<1024x128xi32>
    %shift_right_logical3A_401 = arith.constant 19 : i32
    %shift_right_logical3A_402 = vector.broadcast %shift_right_logical3A_401 : i32 to vector<1024x128xi32>
    %shift_right_logical3A_403 = arith.shrui %add3A_396, %shift_right_logical3A_402 : vector<1024x128xi32>
    %or3A_404 = arith.ori %shift_left3A_400, %shift_right_logical3A_403 : vector<1024x128xi32>
    %xor3A_405 = arith.xori %add3A_397, %or3A_404 : vector<1024x128xi32>
    %add3A_406 = arith.addi %add3A_397, %xor3A_405 : vector<1024x128xi32>
    %shift_left3A_407 = arith.constant 15 : i32
    %shift_left3A_408 = vector.broadcast %shift_left3A_407 : i32 to vector<1024x128xi32>
    %shift_left3A_409 = arith.shli %xor3A_405, %shift_left3A_408 : vector<1024x128xi32>
    %shift_right_logical3A_410 = arith.constant 17 : i32
    %shift_right_logical3A_411 = vector.broadcast %shift_right_logical3A_410 : i32 to vector<1024x128xi32>
    %shift_right_logical3A_412 = arith.shrui %xor3A_405, %shift_right_logical3A_411 : vector<1024x128xi32>
    %or3A_413 = arith.ori %shift_left3A_409, %shift_right_logical3A_412 : vector<1024x128xi32>
    %xor3A_414 = arith.xori %add3A_406, %or3A_413 : vector<1024x128xi32>
    %add3A_415 = arith.addi %add3A_406, %xor3A_414 : vector<1024x128xi32>
    %shift_left3A_416 = arith.constant 26 : i32
    %shift_left3A_417 = vector.broadcast %shift_left3A_416 : i32 to vector<1024x128xi32>
    %shift_left3A_418 = arith.shli %xor3A_414, %shift_left3A_417 : vector<1024x128xi32>
    %shift_right_logical3A_419 = arith.constant 6 : i32
    %shift_right_logical3A_420 = vector.broadcast %shift_right_logical3A_419 : i32 to vector<1024x128xi32>
    %shift_right_logical3A_421 = arith.shrui %xor3A_414, %shift_right_logical3A_420 : vector<1024x128xi32>
    %or3A_422 = arith.ori %shift_left3A_418, %shift_right_logical3A_421 : vector<1024x128xi32>
    %xor3A_423 = arith.xori %add3A_415, %or3A_422 : vector<1024x128xi32>
    %add3A_424 = arith.addi %add3A_415, %xor3A_423 : vector<1024x128xi32>
    %shift_left3A_425 = arith.constant 6 : i32
    %shift_left3A_426 = vector.broadcast %shift_left3A_425 : i32 to vector<1024x128xi32>
    %shift_left3A_427 = arith.shli %xor3A_423, %shift_left3A_426 : vector<1024x128xi32>
    %shift_right_logical3A_428 = arith.constant 26 : i32
    %shift_right_logical3A_429 = vector.broadcast %shift_right_logical3A_428 : i32 to vector<1024x128xi32>
    %shift_right_logical3A_430 = arith.shrui %xor3A_423, %shift_right_logical3A_429 : vector<1024x128xi32>
    %or3A_431 = arith.ori %shift_left3A_427, %shift_right_logical3A_430 : vector<1024x128xi32>
    %xor3A_432 = arith.xori %add3A_424, %or3A_431 : vector<1024x128xi32>
    %add3A_433 = vector.broadcast %get3A_295 : vector<1x1xi32> to vector<1024x128xi32>
    %add3A_434 = arith.addi %add3A_424, %add3A_433 : vector<1024x128xi32>
    %add3A_435 = vector.broadcast %get3A_300 : vector<1x1xi32> to vector<1024x128xi32>
    %add3A_436 = arith.addi %xor3A_432, %add3A_435 : vector<1024x128xi32>
    %add3A_437 = arith.constant 3 : i32
    %add3A_438 = vector.broadcast %add3A_437 : i32 to vector<1024x128xi32>
    %add3A_439 = arith.addi %add3A_436, %add3A_438 : vector<1024x128xi32>
    %add3A_440 = arith.addi %add3A_434, %add3A_439 : vector<1024x128xi32>
    %shift_left3A_441 = arith.constant 17 : i32
    %shift_left3A_442 = vector.broadcast %shift_left3A_441 : i32 to vector<1024x128xi32>
    %shift_left3A_443 = arith.shli %add3A_439, %shift_left3A_442 : vector<1024x128xi32>
    %shift_right_logical3A_444 = arith.constant 15 : i32
    %shift_right_logical3A_445 = vector.broadcast %shift_right_logical3A_444 : i32 to vector<1024x128xi32>
    %shift_right_logical3A_446 = arith.shrui %add3A_439, %shift_right_logical3A_445 : vector<1024x128xi32>
    %or3A_447 = arith.ori %shift_left3A_443, %shift_right_logical3A_446 : vector<1024x128xi32>
    %xor3A_448 = arith.xori %add3A_440, %or3A_447 : vector<1024x128xi32>
    %add3A_449 = arith.addi %add3A_440, %xor3A_448 : vector<1024x128xi32>
    %shift_left3A_450 = arith.constant 29 : i32
    %shift_left3A_451 = vector.broadcast %shift_left3A_450 : i32 to vector<1024x128xi32>
    %shift_left3A_452 = arith.shli %xor3A_448, %shift_left3A_451 : vector<1024x128xi32>
    %shift_right_logical3A_453 = arith.constant 3 : i32
    %shift_right_logical3A_454 = vector.broadcast %shift_right_logical3A_453 : i32 to vector<1024x128xi32>
    %shift_right_logical3A_455 = arith.shrui %xor3A_448, %shift_right_logical3A_454 : vector<1024x128xi32>
    %or3A_456 = arith.ori %shift_left3A_452, %shift_right_logical3A_455 : vector<1024x128xi32>
    %xor3A_457 = arith.xori %add3A_449, %or3A_456 : vector<1024x128xi32>
    %add3A_458 = arith.addi %add3A_449, %xor3A_457 : vector<1024x128xi32>
    %shift_left3A_459 = arith.constant 16 : i32
    %shift_left3A_460 = vector.broadcast %shift_left3A_459 : i32 to vector<1024x128xi32>
    %shift_left3A_461 = arith.shli %xor3A_457, %shift_left3A_460 : vector<1024x128xi32>
    %shift_right_logical3A_462 = arith.constant 16 : i32
    %shift_right_logical3A_463 = vector.broadcast %shift_right_logical3A_462 : i32 to vector<1024x128xi32>
    %shift_right_logical3A_464 = arith.shrui %xor3A_457, %shift_right_logical3A_463 : vector<1024x128xi32>
    %or3A_465 = arith.ori %shift_left3A_461, %shift_right_logical3A_464 : vector<1024x128xi32>
    %xor3A_466 = arith.xori %add3A_458, %or3A_465 : vector<1024x128xi32>
    %add3A_467 = arith.addi %add3A_458, %xor3A_466 : vector<1024x128xi32>
    %shift_left3A_468 = arith.constant 24 : i32
    %shift_left3A_469 = vector.broadcast %shift_left3A_468 : i32 to vector<1024x128xi32>
    %shift_left3A_470 = arith.shli %xor3A_466, %shift_left3A_469 : vector<1024x128xi32>
    %shift_right_logical3A_471 = arith.constant 8 : i32
    %shift_right_logical3A_472 = vector.broadcast %shift_right_logical3A_471 : i32 to vector<1024x128xi32>
    %shift_right_logical3A_473 = arith.shrui %xor3A_466, %shift_right_logical3A_472 : vector<1024x128xi32>
    %or3A_474 = arith.ori %shift_left3A_470, %shift_right_logical3A_473 : vector<1024x128xi32>
    %xor3A_475 = arith.xori %add3A_467, %or3A_474 : vector<1024x128xi32>
    %add3A_476 = vector.broadcast %get3A_300 : vector<1x1xi32> to vector<1024x128xi32>
    %add3A_477 = arith.addi %add3A_467, %add3A_476 : vector<1024x128xi32>
    %add3A_478 = vector.broadcast %xor3A_304 : vector<1x1xi32> to vector<1024x128xi32>
    %add3A_479 = arith.addi %xor3A_475, %add3A_478 : vector<1024x128xi32>
    %add3A_480 = arith.constant 4 : i32
    %add3A_481 = vector.broadcast %add3A_480 : i32 to vector<1024x128xi32>
    %add3A_482 = arith.addi %add3A_479, %add3A_481 : vector<1024x128xi32>
    %add3A_483 = arith.addi %add3A_477, %add3A_482 : vector<1024x128xi32>
    %shift_left3A_484 = arith.constant 13 : i32
    %shift_left3A_485 = vector.broadcast %shift_left3A_484 : i32 to vector<1024x128xi32>
    %shift_left3A_486 = arith.shli %add3A_482, %shift_left3A_485 : vector<1024x128xi32>
    %shift_right_logical3A_487 = arith.constant 19 : i32
    %shift_right_logical3A_488 = vector.broadcast %shift_right_logical3A_487 : i32 to vector<1024x128xi32>
    %shift_right_logical3A_489 = arith.shrui %add3A_482, %shift_right_logical3A_488 : vector<1024x128xi32>
    %or3A_490 = arith.ori %shift_left3A_486, %shift_right_logical3A_489 : vector<1024x128xi32>
    %xor3A_491 = arith.xori %add3A_483, %or3A_490 : vector<1024x128xi32>
    %add3A_492 = arith.addi %add3A_483, %xor3A_491 : vector<1024x128xi32>
    %shift_left3A_493 = arith.constant 15 : i32
    %shift_left3A_494 = vector.broadcast %shift_left3A_493 : i32 to vector<1024x128xi32>
    %shift_left3A_495 = arith.shli %xor3A_491, %shift_left3A_494 : vector<1024x128xi32>
    %shift_right_logical3A_496 = arith.constant 17 : i32
    %shift_right_logical3A_497 = vector.broadcast %shift_right_logical3A_496 : i32 to vector<1024x128xi32>
    %shift_right_logical3A_498 = arith.shrui %xor3A_491, %shift_right_logical3A_497 : vector<1024x128xi32>
    %or3A_499 = arith.ori %shift_left3A_495, %shift_right_logical3A_498 : vector<1024x128xi32>
    %xor3A_500 = arith.xori %add3A_492, %or3A_499 : vector<1024x128xi32>
    %add3A_501 = arith.addi %add3A_492, %xor3A_500 : vector<1024x128xi32>
    %shift_left3A_502 = arith.constant 26 : i32
    %shift_left3A_503 = vector.broadcast %shift_left3A_502 : i32 to vector<1024x128xi32>
    %shift_left3A_504 = arith.shli %xor3A_500, %shift_left3A_503 : vector<1024x128xi32>
    %shift_right_logical3A_505 = arith.constant 6 : i32
    %shift_right_logical3A_506 = vector.broadcast %shift_right_logical3A_505 : i32 to vector<1024x128xi32>
    %shift_right_logical3A_507 = arith.shrui %xor3A_500, %shift_right_logical3A_506 : vector<1024x128xi32>
    %or3A_508 = arith.ori %shift_left3A_504, %shift_right_logical3A_507 : vector<1024x128xi32>
    %xor3A_509 = arith.xori %add3A_501, %or3A_508 : vector<1024x128xi32>
    %add3A_510 = arith.addi %add3A_501, %xor3A_509 : vector<1024x128xi32>
    %shift_left3A_511 = arith.constant 6 : i32
    %shift_left3A_512 = vector.broadcast %shift_left3A_511 : i32 to vector<1024x128xi32>
    %shift_left3A_513 = arith.shli %xor3A_509, %shift_left3A_512 : vector<1024x128xi32>
    %shift_right_logical3A_514 = arith.constant 26 : i32
    %shift_right_logical3A_515 = vector.broadcast %shift_right_logical3A_514 : i32 to vector<1024x128xi32>
    %shift_right_logical3A_516 = arith.shrui %xor3A_509, %shift_right_logical3A_515 : vector<1024x128xi32>
    %or3A_517 = arith.ori %shift_left3A_513, %shift_right_logical3A_516 : vector<1024x128xi32>
    %xor3A_518 = arith.xori %add3A_510, %or3A_517 : vector<1024x128xi32>
    %add3A_519 = vector.broadcast %xor3A_304 : vector<1x1xi32> to vector<1024x128xi32>
    %add3A_520 = arith.addi %add3A_510, %add3A_519 : vector<1024x128xi32>
    %add3A_521 = vector.broadcast %get3A_295 : vector<1x1xi32> to vector<1024x128xi32>
    %add3A_522 = arith.addi %xor3A_518, %add3A_521 : vector<1024x128xi32>
    %add3A_523 = arith.constant 5 : i32
    %add3A_524 = vector.broadcast %add3A_523 : i32 to vector<1024x128xi32>
    %add3A_525 = arith.addi %add3A_522, %add3A_524 : vector<1024x128xi32>
    %xor3A_526 = arith.xori %add3A_520, %add3A_525 : vector<1024x128xi32>
    %shift_right_logical3A_527 = arith.constant 9 : i32
    %shift_right_logical3A_528 = vector.broadcast %shift_right_logical3A_527 : i32 to vector<1024x128xi32>
    %shift_right_logical3A_529 = arith.shrui %xor3A_526, %shift_right_logical3A_528 : vector<1024x128xi32>
    %or3A_530 = arith.constant 1065353216 : i32
    %or3A_531 = vector.broadcast %or3A_530 : i32 to vector<1024x128xi32>
    %or3A_532 = arith.ori %shift_right_logical3A_529, %or3A_531 : vector<1024x128xi32>
    %bitcast_convert_type3A_533 = tpu.bitcast %or3A_532 : vector<1024x128xi32> -> vector<1024x128xf32>
    %sub3A_534 = arith.constant 1.000000e+00 : f32
    %sub3A_535 = vector.broadcast %sub3A_534 : f32 to vector<1024x128xf32>
    %sub3A_536 = arith.subf %bitcast_convert_type3A_533, %sub3A_535 : vector<1024x128xf32>
    %mul3A_537 = arith.constant 1.000000e+00 : f32
    %mul3A_538 = vector.broadcast %mul3A_537 : f32 to vector<1024x128xf32>
    %mul3A_539 = arith.mulf %sub3A_536, %mul3A_538 : vector<1024x128xf32>
    %add3A_540 = arith.constant 1.17549435E-38 : f32
    %add3A_541 = vector.broadcast %add3A_540 : f32 to vector<1024x128xf32>
    %add3A_542 = arith.addf %mul3A_539, %add3A_541 : vector<1024x128xf32>
    %max3A_543 = arith.constant 1.17549435E-38 : f32
    %max3A_544 = vector.broadcast %max3A_543 : f32 to vector<1024x128xf32>
    %max3A_545 = arith.maximumf %max3A_544, %add3A_542 : vector<1024x128xf32>
    %log3A_546 = math.log %max3A_545 : vector<1024x128xf32>
    %neg3A_547 = arith.constant 0.000000e+00 : f32
    %neg3A_548 = vector.broadcast %neg3A_547 : f32 to vector<1024x128xf32>
    %neg3A_549 = arith.subf %neg3A_548, %log3A_546 : vector<1024x128xf32>
    %log3A_550 = math.log %neg3A_549 : vector<1024x128xf32>
    %neg3A_551 = arith.constant 0.000000e+00 : f32
    %neg3A_552 = vector.broadcast %neg3A_551 : f32 to vector<1024x128xf32>
    %neg3A_553 = arith.subf %neg3A_552, %log3A_550 : vector<1024x128xf32>
    %get3A_554 = arith.constant 0 : index
    %get3A_555 = arith.constant 0 : index
    %get3A_556 = vector.load %arg4[%get3A_554, %get3A_555] : memref<1024x64xf32, #tpu.memory_space<vmem>>, vector<1024x64xf32>
    %get3A_557 = arith.constant 1 : index
    %get3A_558 = arith.constant 0 : index
    %get3A_559 = arith.constant 0 : index
    %get3A_560 = vector.load %arg2[%get3A_557, %get3A_558, %get3A_559] : memref<8x64x128xf32, #tpu.memory_space<vmem>>, vector<1x64x128xf32>
    %get3A_561 = vector.shape_cast %get3A_560 : vector<1x64x128xf32> to vector<64x128xf32>
    %dot_general3A_562 = arith.constant dense<0.000000e+00> : vector<1024x128xf32>
    %dot_general3A_563 = tpu.matmul %get3A_556, %get3A_561, %dot_general3A_562 {dimension_numbers = #tpu.dot_dimension_numbers<[1], [0], [0], [1], [0, 0, 1, 1], [], []>, precision = #tpu.contract_precision<fp32>, transpose_lhs_hint = false} : vector<1024x64xf32>, vector<64x128xf32>, vector<1024x128xf32> -> vector<1024x128xf32>
    %slice3A_564 = vector.extract_strided_slice %dot_general3A_8 {offsets = [1024, 0], sizes = [1024, 128], strides = [1, 1]} : vector<8192x128xf32> to vector<1024x128xf32>
    %add3A_565 = arith.addf %dot_general3A_563, %slice3A_564 : vector<1024x128xf32>
    %add3A_566 = arith.addf %add3A_565, %neg3A_553 : vector<1024x128xf32>
    %reduce_max3A_567 = arith.constant dense<0xFF800000> : vector<1024xf32>
    %reduce_max3A_568 = vector.multi_reduction <maximumf>, %add3A_566, %reduce_max3A_567 [1] : vector<1024x128xf32> to vector<1024xf32>
    %broadcast_in_dim3A_569 = vector.shape_cast %reduce_max3A_568 : vector<1024xf32> to vector<1024x1xf32>
    %iota3A_570 = tpu.iota {dimensions = array<i32: 1>} : vector<1024x128xi32>
    %eq3A_571 = vector.broadcast %broadcast_in_dim3A_569 : vector<1024x1xf32> to vector<1024x128xf32>
    %eq3A_572 = arith.cmpf oeq, %add3A_566, %eq3A_571 : vector<1024x128xf32>
    %jit3A_573 = arith.constant 128 : i32
    %broadcast_in_dim3A_574 = vector.broadcast %jit3A_573 : i32 to vector<1024x128xi32>
    %select_n3A_575 = arith.select %eq3A_572, %iota3A_570, %broadcast_in_dim3A_574 : vector<1024x128xi1>, vector<1024x128xi32>
    %reduce_min3A_576 = arith.constant dense<2147483647> : vector<1024xi32>
    %reduce_min3A_577 = vector.multi_reduction <minsi>, %select_n3A_575, %reduce_min3A_576 [1] : vector<1024x128xi32> to vector<1024xi32>
    %broadcast_in_dim3A_578 = vector.shape_cast %reduce_min3A_577 : vector<1024xi32> to vector<1024x1xi32>
    %swap3A_579 = arith.constant 1 : index
    %swap3A_580 = arith.constant 0 : index
    %swap3A_581 = arith.constant 0 : index
    %swap3A_582 = vector.load %arg6[%swap3A_579, %swap3A_580, %swap3A_581] : memref<8x1024x1xi32, #tpu.memory_space<vmem>>, vector<1x1024x1xi32>
    %swap3A_583 = vector.shape_cast %swap3A_582 : vector<1x1024x1xi32> to vector<1024x1xi32>
    %swap3A_584 = vector.shape_cast %broadcast_in_dim3A_578 : vector<1024x1xi32> to vector<1x1024x1xi32>
    tpu.vector_store %arg6[%swap3A_579, %swap3A_580, %swap3A_581], %swap3A_584 {strides = array<i32>} : memref<8x1024x1xi32, #tpu.memory_space<vmem>>, vector<1x1024x1xi32>,
    %get3A_585 = arith.constant 2 : index
    %get3A_586 = arith.constant 0 : index
    %get3A_587 = arith.constant 0 : index
    %get3A_588 = vector.load %arg1[%get3A_585, %get3A_586, %get3A_587] : memref<8x1x2xi32, #tpu.memory_space<vmem>>, vector<1x1x1xi32>
    %get3A_589 = vector.shape_cast %get3A_588 : vector<1x1x1xi32> to vector<1x1xi32>
    %get3A_590 = arith.constant 2 : index
    %get3A_591 = arith.constant 0 : index
    %get3A_592 = arith.constant 1 : index
    %get3A_593 = vector.load %arg1[%get3A_590, %get3A_591, %get3A_592] : memref<8x1x2xi32, #tpu.memory_space<vmem>>, vector<1x1x1xi32>
    %get3A_594 = vector.shape_cast %get3A_593 : vector<1x1x1xi32> to vector<1x1xi32>
    %xor3A_595 = arith.xori %get3A_589, %get3A_594 : vector<1x1xi32>
    %xor3A_596 = arith.constant 466688986 : i32
    %xor3A_597 = vector.broadcast %xor3A_596 : i32 to vector<1x1xi32>
    %xor3A_598 = arith.xori %xor3A_595, %xor3A_597 : vector<1x1xi32>
    %broadcast_in_dim3A_599 = arith.constant 0 : i32
    %broadcast_in_dim3A_600 = vector.broadcast %broadcast_in_dim3A_599 : i32 to vector<1024x128xi32>
    %add3A_601 = vector.broadcast %get3A_589 : vector<1x1xi32> to vector<1024x128xi32>
    %add3A_602 = arith.addi %add3A_601, %broadcast_in_dim3A_600 : vector<1024x128xi32>
    %add3A_603 = vector.broadcast %get3A_594 : vector<1x1xi32> to vector<1024x128xi32>
    %add3A_604 = arith.addi %add3A, %add3A_603 : vector<1024x128xi32>
    %add3A_605 = arith.addi %add3A_602, %add3A_604 : vector<1024x128xi32>
    %shift_left3A_606 = arith.constant 13 : i32
    %shift_left3A_607 = vector.broadcast %shift_left3A_606 : i32 to vector<1024x128xi32>
    %shift_left3A_608 = arith.shli %add3A_604, %shift_left3A_607 : vector<1024x128xi32>
    %shift_right_logical3A_609 = arith.constant 19 : i32
    %shift_right_logical3A_610 = vector.broadcast %shift_right_logical3A_609 : i32 to vector<1024x128xi32>
    %shift_right_logical3A_611 = arith.shrui %add3A_604, %shift_right_logical3A_610 : vector<1024x128xi32>
    %or3A_612 = arith.ori %shift_left3A_608, %shift_right_logical3A_611 : vector<1024x128xi32>
    %xor3A_613 = arith.xori %add3A_605, %or3A_612 : vector<1024x128xi32>
    %add3A_614 = arith.addi %add3A_605, %xor3A_613 : vector<1024x128xi32>
    %shift_left3A_615 = arith.constant 15 : i32
    %shift_left3A_616 = vector.broadcast %shift_left3A_615 : i32 to vector<1024x128xi32>
    %shift_left3A_617 = arith.shli %xor3A_613, %shift_left3A_616 : vector<1024x128xi32>
    %shift_right_logical3A_618 = arith.constant 17 : i32
    %shift_right_logical3A_619 = vector.broadcast %shift_right_logical3A_618 : i32 to vector<1024x128xi32>
    %shift_right_logical3A_620 = arith.shrui %xor3A_613, %shift_right_logical3A_619 : vector<1024x128xi32>
    %or3A_621 = arith.ori %shift_left3A_617, %shift_right_logical3A_620 : vector<1024x128xi32>
    %xor3A_622 = arith.xori %add3A_614, %or3A_621 : vector<1024x128xi32>
    %add3A_623 = arith.addi %add3A_614, %xor3A_622 : vector<1024x128xi32>
    %shift_left3A_624 = arith.constant 26 : i32
    %shift_left3A_625 = vector.broadcast %shift_left3A_624 : i32 to vector<1024x128xi32>
    %shift_left3A_626 = arith.shli %xor3A_622, %shift_left3A_625 : vector<1024x128xi32>
    %shift_right_logical3A_627 = arith.constant 6 : i32
    %shift_right_logical3A_628 = vector.broadcast %shift_right_logical3A_627 : i32 to vector<1024x128xi32>
    %shift_right_logical3A_629 = arith.shrui %xor3A_622, %shift_right_logical3A_628 : vector<1024x128xi32>
    %or3A_630 = arith.ori %shift_left3A_626, %shift_right_logical3A_629 : vector<1024x128xi32>
    %xor3A_631 = arith.xori %add3A_623, %or3A_630 : vector<1024x128xi32>
    %add3A_632 = arith.addi %add3A_623, %xor3A_631 : vector<1024x128xi32>
    %shift_left3A_633 = arith.constant 6 : i32
    %shift_left3A_634 = vector.broadcast %shift_left3A_633 : i32 to vector<1024x128xi32>
    %shift_left3A_635 = arith.shli %xor3A_631, %shift_left3A_634 : vector<1024x128xi32>
    %shift_right_logical3A_636 = arith.constant 26 : i32
    %shift_right_logical3A_637 = vector.broadcast %shift_right_logical3A_636 : i32 to vector<1024x128xi32>
    %shift_right_logical3A_638 = arith.shrui %xor3A_631, %shift_right_logical3A_637 : vector<1024x128xi32>
    %or3A_639 = arith.ori %shift_left3A_635, %shift_right_logical3A_638 : vector<1024x128xi32>
    %xor3A_640 = arith.xori %add3A_632, %or3A_639 : vector<1024x128xi32>
    %add3A_641 = vector.broadcast %get3A_594 : vector<1x1xi32> to vector<1024x128xi32>
    %add3A_642 = arith.addi %add3A_632, %add3A_641 : vector<1024x128xi32>
    %add3A_643 = vector.broadcast %xor3A_598 : vector<1x1xi32> to vector<1024x128xi32>
    %add3A_644 = arith.addi %xor3A_640, %add3A_643 : vector<1024x128xi32>
    %add3A_645 = arith.constant 1 : i32
    %add3A_646 = vector.broadcast %add3A_645 : i32 to vector<1024x128xi32>
    %add3A_647 = arith.addi %add3A_644, %add3A_646 : vector<1024x128xi32>
    %add3A_648 = arith.addi %add3A_642, %add3A_647 : vector<1024x128xi32>
    %shift_left3A_649 = arith.constant 17 : i32
    %shift_left3A_650 = vector.broadcast %shift_left3A_649 : i32 to vector<1024x128xi32>
    %shift_left3A_651 = arith.shli %add3A_647, %shift_left3A_650 : vector<1024x128xi32>
    %shift_right_logical3A_652 = arith.constant 15 : i32
    %shift_right_logical3A_653 = vector.broadcast %shift_right_logical3A_652 : i32 to vector<1024x128xi32>
    %shift_right_logical3A_654 = arith.shrui %add3A_647, %shift_right_logical3A_653 : vector<1024x128xi32>
    %or3A_655 = arith.ori %shift_left3A_651, %shift_right_logical3A_654 : vector<1024x128xi32>
    %xor3A_656 = arith.xori %add3A_648, %or3A_655 : vector<1024x128xi32>
    %add3A_657 = arith.addi %add3A_648, %xor3A_656 : vector<1024x128xi32>
    %shift_left3A_658 = arith.constant 29 : i32
    %shift_left3A_659 = vector.broadcast %shift_left3A_658 : i32 to vector<1024x128xi32>
    %shift_left3A_660 = arith.shli %xor3A_656, %shift_left3A_659 : vector<1024x128xi32>
    %shift_right_logical3A_661 = arith.constant 3 : i32
    %shift_right_logical3A_662 = vector.broadcast %shift_right_logical3A_661 : i32 to vector<1024x128xi32>
    %shift_right_logical3A_663 = arith.shrui %xor3A_656, %shift_right_logical3A_662 : vector<1024x128xi32>
    %or3A_664 = arith.ori %shift_left3A_660, %shift_right_logical3A_663 : vector<1024x128xi32>
    %xor3A_665 = arith.xori %add3A_657, %or3A_664 : vector<1024x128xi32>
    %add3A_666 = arith.addi %add3A_657, %xor3A_665 : vector<1024x128xi32>
    %shift_left3A_667 = arith.constant 16 : i32
    %shift_left3A_668 = vector.broadcast %shift_left3A_667 : i32 to vector<1024x128xi32>
    %shift_left3A_669 = arith.shli %xor3A_665, %shift_left3A_668 : vector<1024x128xi32>
    %shift_right_logical3A_670 = arith.constant 16 : i32
    %shift_right_logical3A_671 = vector.broadcast %shift_right_logical3A_670 : i32 to vector<1024x128xi32>
    %shift_right_logical3A_672 = arith.shrui %xor3A_665, %shift_right_logical3A_671 : vector<1024x128xi32>
    %or3A_673 = arith.ori %shift_left3A_669, %shift_right_logical3A_672 : vector<1024x128xi32>
    %xor3A_674 = arith.xori %add3A_666, %or3A_673 : vector<1024x128xi32>
    %add3A_675 = arith.addi %add3A_666, %xor3A_674 : vector<1024x128xi32>
    %shift_left3A_676 = arith.constant 24 : i32
    %shift_left3A_677 = vector.broadcast %shift_left3A_676 : i32 to vector<1024x128xi32>
    %shift_left3A_678 = arith.shli %xor3A_674, %shift_left3A_677 : vector<1024x128xi32>
    %shift_right_logical3A_679 = arith.constant 8 : i32
    %shift_right_logical3A_680 = vector.broadcast %shift_right_logical3A_679 : i32 to vector<1024x128xi32>
    %shift_right_logical3A_681 = arith.shrui %xor3A_674, %shift_right_logical3A_680 : vector<1024x128xi32>
    %or3A_682 = arith.ori %shift_left3A_678, %shift_right_logical3A_681 : vector<1024x128xi32>
    %xor3A_683 = arith.xori %add3A_675, %or3A_682 : vector<1024x128xi32>
    %add3A_684 = vector.broadcast %xor3A_598 : vector<1x1xi32> to vector<1024x128xi32>
    %add3A_685 = arith.addi %add3A_675, %add3A_684 : vector<1024x128xi32>
    %add3A_686 = vector.broadcast %get3A_589 : vector<1x1xi32> to vector<1024x128xi32>
    %add3A_687 = arith.addi %xor3A_683, %add3A_686 : vector<1024x128xi32>
    %add3A_688 = arith.constant 2 : i32
    %add3A_689 = vector.broadcast %add3A_688 : i32 to vector<1024x128xi32>
    %add3A_690 = arith.addi %add3A_687, %add3A_689 : vector<1024x128xi32>
    %add3A_691 = arith.addi %add3A_685, %add3A_690 : vector<1024x128xi32>
    %shift_left3A_692 = arith.constant 13 : i32
    %shift_left3A_693 = vector.broadcast %shift_left3A_692 : i32 to vector<1024x128xi32>
    %shift_left3A_694 = arith.shli %add3A_690, %shift_left3A_693 : vector<1024x128xi32>
    %shift_right_logical3A_695 = arith.constant 19 : i32
    %shift_right_logical3A_696 = vector.broadcast %shift_right_logical3A_695 : i32 to vector<1024x128xi32>
    %shift_right_logical3A_697 = arith.shrui %add3A_690, %shift_right_logical3A_696 : vector<1024x128xi32>
    %or3A_698 = arith.ori %shift_left3A_694, %shift_right_logical3A_697 : vector<1024x128xi32>
    %xor3A_699 = arith.xori %add3A_691, %or3A_698 : vector<1024x128xi32>
    %add3A_700 = arith.addi %add3A_691, %xor3A_699 : vector<1024x128xi32>
    %shift_left3A_701 = arith.constant 15 : i32
    %shift_left3A_702 = vector.broadcast %shift_left3A_701 : i32 to vector<1024x128xi32>
    %shift_left3A_703 = arith.shli %xor3A_699, %shift_left3A_702 : vector<1024x128xi32>
    %shift_right_logical3A_704 = arith.constant 17 : i32
    %shift_right_logical3A_705 = vector.broadcast %shift_right_logical3A_704 : i32 to vector<1024x128xi32>
    %shift_right_logical3A_706 = arith.shrui %xor3A_699, %shift_right_logical3A_705 : vector<1024x128xi32>
    %or3A_707 = arith.ori %shift_left3A_703, %shift_right_logical3A_706 : vector<1024x128xi32>
    %xor3A_708 = arith.xori %add3A_700, %or3A_707 : vector<1024x128xi32>
    %add3A_709 = arith.addi %add3A_700, %xor3A_708 : vector<1024x128xi32>
    %shift_left3A_710 = arith.constant 26 : i32
    %shift_left3A_711 = vector.broadcast %shift_left3A_710 : i32 to vector<1024x128xi32>
    %shift_left3A_712 = arith.shli %xor3A_708, %shift_left3A_711 : vector<1024x128xi32>
    %shift_right_logical3A_713 = arith.constant 6 : i32
    %shift_right_logical3A_714 = vector.broadcast %shift_right_logical3A_713 : i32 to vector<1024x128xi32>
    %shift_right_logical3A_715 = arith.shrui %xor3A_708, %shift_right_logical3A_714 : vector<1024x128xi32>
    %or3A_716 = arith.ori %shift_left3A_712, %shift_right_logical3A_715 : vector<1024x128xi32>
    %xor3A_717 = arith.xori %add3A_709, %or3A_716 : vector<1024x128xi32>
    %add3A_718 = arith.addi %add3A_709, %xor3A_717 : vector<1024x128xi32>
    %shift_left3A_719 = arith.constant 6 : i32
    %shift_left3A_720 = vector.broadcast %shift_left3A_719 : i32 to vector<1024x128xi32>
    %shift_left3A_721 = arith.shli %xor3A_717, %shift_left3A_720 : vector<1024x128xi32>
    %shift_right_logical3A_722 = arith.constant 26 : i32
    %shift_right_logical3A_723 = vector.broadcast %shift_right_logical3A_722 : i32 to vector<1024x128xi32>
    %shift_right_logical3A_724 = arith.shrui %xor3A_717, %shift_right_logical3A_723 : vector<1024x128xi32>
    %or3A_725 = arith.ori %shift_left3A_721, %shift_right_logical3A_724 : vector<1024x128xi32>
    %xor3A_726 = arith.xori %add3A_718, %or3A_725 : vector<1024x128xi32>
    %add3A_727 = vector.broadcast %get3A_589 : vector<1x1xi32> to vector<1024x128xi32>
    %add3A_728 = arith.addi %add3A_718, %add3A_727 : vector<1024x128xi32>
    %add3A_729 = vector.broadcast %get3A_594 : vector<1x1xi32> to vector<1024x128xi32>
    %add3A_730 = arith.addi %xor3A_726, %add3A_729 : vector<1024x128xi32>
    %add3A_731 = arith.constant 3 : i32
    %add3A_732 = vector.broadcast %add3A_731 : i32 to vector<1024x128xi32>
    %add3A_733 = arith.addi %add3A_730, %add3A_732 : vector<1024x128xi32>
    %add3A_734 = arith.addi %add3A_728, %add3A_733 : vector<1024x128xi32>
    %shift_left3A_735 = arith.constant 17 : i32
    %shift_left3A_736 = vector.broadcast %shift_left3A_735 : i32 to vector<1024x128xi32>
    %shift_left3A_737 = arith.shli %add3A_733, %shift_left3A_736 : vector<1024x128xi32>
    %shift_right_logical3A_738 = arith.constant 15 : i32
    %shift_right_logical3A_739 = vector.broadcast %shift_right_logical3A_738 : i32 to vector<1024x128xi32>
    %shift_right_logical3A_740 = arith.shrui %add3A_733, %shift_right_logical3A_739 : vector<1024x128xi32>
    %or3A_741 = arith.ori %shift_left3A_737, %shift_right_logical3A_740 : vector<1024x128xi32>
    %xor3A_742 = arith.xori %add3A_734, %or3A_741 : vector<1024x128xi32>
    %add3A_743 = arith.addi %add3A_734, %xor3A_742 : vector<1024x128xi32>
    %shift_left3A_744 = arith.constant 29 : i32
    %shift_left3A_745 = vector.broadcast %shift_left3A_744 : i32 to vector<1024x128xi32>
    %shift_left3A_746 = arith.shli %xor3A_742, %shift_left3A_745 : vector<1024x128xi32>
    %shift_right_logical3A_747 = arith.constant 3 : i32
    %shift_right_logical3A_748 = vector.broadcast %shift_right_logical3A_747 : i32 to vector<1024x128xi32>
    %shift_right_logical3A_749 = arith.shrui %xor3A_742, %shift_right_logical3A_748 : vector<1024x128xi32>
    %or3A_750 = arith.ori %shift_left3A_746, %shift_right_logical3A_749 : vector<1024x128xi32>
    %xor3A_751 = arith.xori %add3A_743, %or3A_750 : vector<1024x128xi32>
    %add3A_752 = arith.addi %add3A_743, %xor3A_751 : vector<1024x128xi32>
    %shift_left3A_753 = arith.constant 16 : i32
    %shift_left3A_754 = vector.broadcast %shift_left3A_753 : i32 to vector<1024x128xi32>
    %shift_left3A_755 = arith.shli %xor3A_751, %shift_left3A_754 : vector<1024x128xi32>
    %shift_right_logical3A_756 = arith.constant 16 : i32
    %shift_right_logical3A_757 = vector.broadcast %shift_right_logical3A_756 : i32 to vector<1024x128xi32>
    %shift_right_logical3A_758 = arith.shrui %xor3A_751, %shift_right_logical3A_757 : vector<1024x128xi32>
    %or3A_759 = arith.ori %shift_left3A_755, %shift_right_logical3A_758 : vector<1024x128xi32>
    %xor3A_760 = arith.xori %add3A_752, %or3A_759 : vector<1024x128xi32>
    %add3A_761 = arith.addi %add3A_752, %xor3A_760 : vector<1024x128xi32>
    %shift_left3A_762 = arith.constant 24 : i32
    %shift_left3A_763 = vector.broadcast %shift_left3A_762 : i32 to vector<1024x128xi32>
    %shift_left3A_764 = arith.shli %xor3A_760, %shift_left3A_763 : vector<1024x128xi32>
    %shift_right_logical3A_765 = arith.constant 8 : i32
    %shift_right_logical3A_766 = vector.broadcast %shift_right_logical3A_765 : i32 to vector<1024x128xi32>
    %shift_right_logical3A_767 = arith.shrui %xor3A_760, %shift_right_logical3A_766 : vector<1024x128xi32>
    %or3A_768 = arith.ori %shift_left3A_764, %shift_right_logical3A_767 : vector<1024x128xi32>
    %xor3A_769 = arith.xori %add3A_761, %or3A_768 : vector<1024x128xi32>
    %add3A_770 = vector.broadcast %get3A_594 : vector<1x1xi32> to vector<1024x128xi32>
    %add3A_771 = arith.addi %add3A_761, %add3A_770 : vector<1024x128xi32>
    %add3A_772 = vector.broadcast %xor3A_598 : vector<1x1xi32> to vector<1024x128xi32>
    %add3A_773 = arith.addi %xor3A_769, %add3A_772 : vector<1024x128xi32>
    %add3A_774 = arith.constant 4 : i32
    %add3A_775 = vector.broadcast %add3A_774 : i32 to vector<1024x128xi32>
    %add3A_776 = arith.addi %add3A_773, %add3A_775 : vector<1024x128xi32>
    %add3A_777 = arith.addi %add3A_771, %add3A_776 : vector<1024x128xi32>
    %shift_left3A_778 = arith.constant 13 : i32
    %shift_left3A_779 = vector.broadcast %shift_left3A_778 : i32 to vector<1024x128xi32>
    %shift_left3A_780 = arith.shli %add3A_776, %shift_left3A_779 : vector<1024x128xi32>
    %shift_right_logical3A_781 = arith.constant 19 : i32
    %shift_right_logical3A_782 = vector.broadcast %shift_right_logical3A_781 : i32 to vector<1024x128xi32>
    %shift_right_logical3A_783 = arith.shrui %add3A_776, %shift_right_logical3A_782 : vector<1024x128xi32>
    %or3A_784 = arith.ori %shift_left3A_780, %shift_right_logical3A_783 : vector<1024x128xi32>
    %xor3A_785 = arith.xori %add3A_777, %or3A_784 : vector<1024x128xi32>
    %add3A_786 = arith.addi %add3A_777, %xor3A_785 : vector<1024x128xi32>
    %shift_left3A_787 = arith.constant 15 : i32
    %shift_left3A_788 = vector.broadcast %shift_left3A_787 : i32 to vector<1024x128xi32>
    %shift_left3A_789 = arith.shli %xor3A_785, %shift_left3A_788 : vector<1024x128xi32>
    %shift_right_logical3A_790 = arith.constant 17 : i32
    %shift_right_logical3A_791 = vector.broadcast %shift_right_logical3A_790 : i32 to vector<1024x128xi32>
    %shift_right_logical3A_792 = arith.shrui %xor3A_785, %shift_right_logical3A_791 : vector<1024x128xi32>
    %or3A_793 = arith.ori %shift_left3A_789, %shift_right_logical3A_792 : vector<1024x128xi32>
    %xor3A_794 = arith.xori %add3A_786, %or3A_793 : vector<1024x128xi32>
    %add3A_795 = arith.addi %add3A_786, %xor3A_794 : vector<1024x128xi32>
    %shift_left3A_796 = arith.constant 26 : i32
    %shift_left3A_797 = vector.broadcast %shift_left3A_796 : i32 to vector<1024x128xi32>
    %shift_left3A_798 = arith.shli %xor3A_794, %shift_left3A_797 : vector<1024x128xi32>
    %shift_right_logical3A_799 = arith.constant 6 : i32
    %shift_right_logical3A_800 = vector.broadcast %shift_right_logical3A_799 : i32 to vector<1024x128xi32>
    %shift_right_logical3A_801 = arith.shrui %xor3A_794, %shift_right_logical3A_800 : vector<1024x128xi32>
    %or3A_802 = arith.ori %shift_left3A_798, %shift_right_logical3A_801 : vector<1024x128xi32>
    %xor3A_803 = arith.xori %add3A_795, %or3A_802 : vector<1024x128xi32>
    %add3A_804 = arith.addi %add3A_795, %xor3A_803 : vector<1024x128xi32>
    %shift_left3A_805 = arith.constant 6 : i32
    %shift_left3A_806 = vector.broadcast %shift_left3A_805 : i32 to vector<1024x128xi32>
    %shift_left3A_807 = arith.shli %xor3A_803, %shift_left3A_806 : vector<1024x128xi32>
    %shift_right_logical3A_808 = arith.constant 26 : i32
    %shift_right_logical3A_809 = vector.broadcast %shift_right_logical3A_808 : i32 to vector<1024x128xi32>
    %shift_right_logical3A_810 = arith.shrui %xor3A_803, %shift_right_logical3A_809 : vector<1024x128xi32>
    %or3A_811 = arith.ori %shift_left3A_807, %shift_right_logical3A_810 : vector<1024x128xi32>
    %xor3A_812 = arith.xori %add3A_804, %or3A_811 : vector<1024x128xi32>
    %add3A_813 = vector.broadcast %xor3A_598 : vector<1x1xi32> to vector<1024x128xi32>
    %add3A_814 = arith.addi %add3A_804, %add3A_813 : vector<1024x128xi32>
    %add3A_815 = vector.broadcast %get3A_589 : vector<1x1xi32> to vector<1024x128xi32>
    %add3A_816 = arith.addi %xor3A_812, %add3A_815 : vector<1024x128xi32>
    %add3A_817 = arith.constant 5 : i32
    %add3A_818 = vector.broadcast %add3A_817 : i32 to vector<1024x128xi32>
    %add3A_819 = arith.addi %add3A_816, %add3A_818 : vector<1024x128xi32>
    %xor3A_820 = arith.xori %add3A_814, %add3A_819 : vector<1024x128xi32>
    %shift_right_logical3A_821 = arith.constant 9 : i32
    %shift_right_logical3A_822 = vector.broadcast %shift_right_logical3A_821 : i32 to vector<1024x128xi32>
    %shift_right_logical3A_823 = arith.shrui %xor3A_820, %shift_right_logical3A_822 : vector<1024x128xi32>
    %or3A_824 = arith.constant 1065353216 : i32
    %or3A_825 = vector.broadcast %or3A_824 : i32 to vector<1024x128xi32>
    %or3A_826 = arith.ori %shift_right_logical3A_823, %or3A_825 : vector<1024x128xi32>
    %bitcast_convert_type3A_827 = tpu.bitcast %or3A_826 : vector<1024x128xi32> -> vector<1024x128xf32>
    %sub3A_828 = arith.constant 1.000000e+00 : f32
    %sub3A_829 = vector.broadcast %sub3A_828 : f32 to vector<1024x128xf32>
    %sub3A_830 = arith.subf %bitcast_convert_type3A_827, %sub3A_829 : vector<1024x128xf32>
    %mul3A_831 = arith.constant 1.000000e+00 : f32
    %mul3A_832 = vector.broadcast %mul3A_831 : f32 to vector<1024x128xf32>
    %mul3A_833 = arith.mulf %sub3A_830, %mul3A_832 : vector<1024x128xf32>
    %add3A_834 = arith.constant 1.17549435E-38 : f32
    %add3A_835 = vector.broadcast %add3A_834 : f32 to vector<1024x128xf32>
    %add3A_836 = arith.addf %mul3A_833, %add3A_835 : vector<1024x128xf32>
    %max3A_837 = arith.constant 1.17549435E-38 : f32
    %max3A_838 = vector.broadcast %max3A_837 : f32 to vector<1024x128xf32>
    %max3A_839 = arith.maximumf %max3A_838, %add3A_836 : vector<1024x128xf32>
    %log3A_840 = math.log %max3A_839 : vector<1024x128xf32>
    %neg3A_841 = arith.constant 0.000000e+00 : f32
    %neg3A_842 = vector.broadcast %neg3A_841 : f32 to vector<1024x128xf32>
    %neg3A_843 = arith.subf %neg3A_842, %log3A_840 : vector<1024x128xf32>
    %log3A_844 = math.log %neg3A_843 : vector<1024x128xf32>
    %neg3A_845 = arith.constant 0.000000e+00 : f32
    %neg3A_846 = vector.broadcast %neg3A_845 : f32 to vector<1024x128xf32>
    %neg3A_847 = arith.subf %neg3A_846, %log3A_844 : vector<1024x128xf32>
    %get3A_848 = arith.constant 0 : index
    %get3A_849 = arith.constant 0 : index
    %get3A_850 = vector.load %arg4[%get3A_848, %get3A_849] : memref<1024x64xf32, #tpu.memory_space<vmem>>, vector<1024x64xf32>
    %get3A_851 = arith.constant 2 : index
    %get3A_852 = arith.constant 0 : index
    %get3A_853 = arith.constant 0 : index
    %get3A_854 = vector.load %arg2[%get3A_851, %get3A_852, %get3A_853] : memref<8x64x128xf32, #tpu.memory_space<vmem>>, vector<1x64x128xf32>
    %get3A_855 = vector.shape_cast %get3A_854 : vector<1x64x128xf32> to vector<64x128xf32>
    %dot_general3A_856 = arith.constant dense<0.000000e+00> : vector<1024x128xf32>
    %dot_general3A_857 = tpu.matmul %get3A_850, %get3A_855, %dot_general3A_856 {dimension_numbers = #tpu.dot_dimension_numbers<[1], [0], [0], [1], [0, 0, 1, 1], [], []>, precision = #tpu.contract_precision<fp32>, transpose_lhs_hint = false} : vector<1024x64xf32>, vector<64x128xf32>, vector<1024x128xf32> -> vector<1024x128xf32>
    %slice3A_858 = vector.extract_strided_slice %dot_general3A_8 {offsets = [2048, 0], sizes = [1024, 128], strides = [1, 1]} : vector<8192x128xf32> to vector<1024x128xf32>
    %add3A_859 = arith.addf %dot_general3A_857, %slice3A_858 : vector<1024x128xf32>
    %add3A_860 = arith.addf %add3A_859, %neg3A_847 : vector<1024x128xf32>
    %reduce_max3A_861 = arith.constant dense<0xFF800000> : vector<1024xf32>
    %reduce_max3A_862 = vector.multi_reduction <maximumf>, %add3A_860, %reduce_max3A_861 [1] : vector<1024x128xf32> to vector<1024xf32>
    %broadcast_in_dim3A_863 = vector.shape_cast %reduce_max3A_862 : vector<1024xf32> to vector<1024x1xf32>
    %iota3A_864 = tpu.iota {dimensions = array<i32: 1>} : vector<1024x128xi32>
    %eq3A_865 = vector.broadcast %broadcast_in_dim3A_863 : vector<1024x1xf32> to vector<1024x128xf32>
    %eq3A_866 = arith.cmpf oeq, %add3A_860, %eq3A_865 : vector<1024x128xf32>
    %jit3A_867 = arith.constant 128 : i32
    %broadcast_in_dim3A_868 = vector.broadcast %jit3A_867 : i32 to vector<1024x128xi32>
    %select_n3A_869 = arith.select %eq3A_866, %iota3A_864, %broadcast_in_dim3A_868 : vector<1024x128xi1>, vector<1024x128xi32>
    %reduce_min3A_870 = arith.constant dense<2147483647> : vector<1024xi32>
    %reduce_min3A_871 = vector.multi_reduction <minsi>, %select_n3A_869, %reduce_min3A_870 [1] : vector<1024x128xi32> to vector<1024xi32>
    %broadcast_in_dim3A_872 = vector.shape_cast %reduce_min3A_871 : vector<1024xi32> to vector<1024x1xi32>
    %swap3A_873 = arith.constant 2 : index
    %swap3A_874 = arith.constant 0 : index
    %swap3A_875 = arith.constant 0 : index
    %swap3A_876 = vector.load %arg6[%swap3A_873, %swap3A_874, %swap3A_875] : memref<8x1024x1xi32, #tpu.memory_space<vmem>>, vector<1x1024x1xi32>
    %swap3A_877 = vector.shape_cast %swap3A_876 : vector<1x1024x1xi32> to vector<1024x1xi32>
    %swap3A_878 = vector.shape_cast %broadcast_in_dim3A_872 : vector<1024x1xi32> to vector<1x1024x1xi32>
    tpu.vector_store %arg6[%swap3A_873, %swap3A_874, %swap3A_875], %swap3A_878 {strides = array<i32>} : memref<8x1024x1xi32, #tpu.memory_space<vmem>>, vector<1x1024x1xi32>,
    %get3A_879 = arith.constant 3 : index
    %get3A_880 = arith.constant 0 : index
    %get3A_881 = arith.constant 0 : index
    %get3A_882 = vector.load %arg1[%get3A_879, %get3A_880, %get3A_881] : memref<8x1x2xi32, #tpu.memory_space<vmem>>, vector<1x1x1xi32>
    %get3A_883 = vector.shape_cast %get3A_882 : vector<1x1x1xi32> to vector<1x1xi32>
    %get3A_884 = arith.constant 3 : index
    %get3A_885 = arith.constant 0 : index
    %get3A_886 = arith.constant 1 : index
    %get3A_887 = vector.load %arg1[%get3A_884, %get3A_885, %get3A_886] : memref<8x1x2xi32, #tpu.memory_space<vmem>>, vector<1x1x1xi32>
    %get3A_888 = vector.shape_cast %get3A_887 : vector<1x1x1xi32> to vector<1x1xi32>
    %xor3A_889 = arith.xori %get3A_883, %get3A_888 : vector<1x1xi32>
    %xor3A_890 = arith.constant 466688986 : i32
    %xor3A_891 = vector.broadcast %xor3A_890 : i32 to vector<1x1xi32>
    %xor3A_892 = arith.xori %xor3A_889, %xor3A_891 : vector<1x1xi32>
    %broadcast_in_dim3A_893 = arith.constant 0 : i32
    %broadcast_in_dim3A_894 = vector.broadcast %broadcast_in_dim3A_893 : i32 to vector<1024x128xi32>
    %add3A_895 = vector.broadcast %get3A_883 : vector<1x1xi32> to vector<1024x128xi32>
    %add3A_896 = arith.addi %add3A_895, %broadcast_in_dim3A_894 : vector<1024x128xi32>
    %add3A_897 = vector.broadcast %get3A_888 : vector<1x1xi32> to vector<1024x128xi32>
    %add3A_898 = arith.addi %add3A, %add3A_897 : vector<1024x128xi32>
    %add3A_899 = arith.addi %add3A_896, %add3A_898 : vector<1024x128xi32>
    %shift_left3A_900 = arith.constant 13 : i32
    %shift_left3A_901 = vector.broadcast %shift_left3A_900 : i32 to vector<1024x128xi32>
    %shift_left3A_902 = arith.shli %add3A_898, %shift_left3A_901 : vector<1024x128xi32>
    %shift_right_logical3A_903 = arith.constant 19 : i32
    %shift_right_logical3A_904 = vector.broadcast %shift_right_logical3A_903 : i32 to vector<1024x128xi32>
    %shift_right_logical3A_905 = arith.shrui %add3A_898, %shift_right_logical3A_904 : vector<1024x128xi32>
    %or3A_906 = arith.ori %shift_left3A_902, %shift_right_logical3A_905 : vector<1024x128xi32>
    %xor3A_907 = arith.xori %add3A_899, %or3A_906 : vector<1024x128xi32>
    %add3A_908 = arith.addi %add3A_899, %xor3A_907 : vector<1024x128xi32>
    %shift_left3A_909 = arith.constant 15 : i32
    %shift_left3A_910 = vector.broadcast %shift_left3A_909 : i32 to vector<1024x128xi32>
    %shift_left3A_911 = arith.shli %xor3A_907, %shift_left3A_910 : vector<1024x128xi32>
    %shift_right_logical3A_912 = arith.constant 17 : i32
    %shift_right_logical3A_913 = vector.broadcast %shift_right_logical3A_912 : i32 to vector<1024x128xi32>
    %shift_right_logical3A_914 = arith.shrui %xor3A_907, %shift_right_logical3A_913 : vector<1024x128xi32>
    %or3A_915 = arith.ori %shift_left3A_911, %shift_right_logical3A_914 : vector<1024x128xi32>
    %xor3A_916 = arith.xori %add3A_908, %or3A_915 : vector<1024x128xi32>
    %add3A_917 = arith.addi %add3A_908, %xor3A_916 : vector<1024x128xi32>
    %shift_left3A_918 = arith.constant 26 : i32
    %shift_left3A_919 = vector.broadcast %shift_left3A_918 : i32 to vector<1024x128xi32>
    %shift_left3A_920 = arith.shli %xor3A_916, %shift_left3A_919 : vector<1024x128xi32>
    %shift_right_logical3A_921 = arith.constant 6 : i32
    %shift_right_logical3A_922 = vector.broadcast %shift_right_logical3A_921 : i32 to vector<1024x128xi32>
    %shift_right_logical3A_923 = arith.shrui %xor3A_916, %shift_right_logical3A_922 : vector<1024x128xi32>
    %or3A_924 = arith.ori %shift_left3A_920, %shift_right_logical3A_923 : vector<1024x128xi32>
    %xor3A_925 = arith.xori %add3A_917, %or3A_924 : vector<1024x128xi32>
    %add3A_926 = arith.addi %add3A_917, %xor3A_925 : vector<1024x128xi32>
    %shift_left3A_927 = arith.constant 6 : i32
    %shift_left3A_928 = vector.broadcast %shift_left3A_927 : i32 to vector<1024x128xi32>
    %shift_left3A_929 = arith.shli %xor3A_925, %shift_left3A_928 : vector<1024x128xi32>
    %shift_right_logical3A_930 = arith.constant 26 : i32
    %shift_right_logical3A_931 = vector.broadcast %shift_right_logical3A_930 : i32 to vector<1024x128xi32>
    %shift_right_logical3A_932 = arith.shrui %xor3A_925, %shift_right_logical3A_931 : vector<1024x128xi32>
    %or3A_933 = arith.ori %shift_left3A_929, %shift_right_logical3A_932 : vector<1024x128xi32>
    %xor3A_934 = arith.xori %add3A_926, %or3A_933 : vector<1024x128xi32>
    %add3A_935 = vector.broadcast %get3A_888 : vector<1x1xi32> to vector<1024x128xi32>
    %add3A_936 = arith.addi %add3A_926, %add3A_935 : vector<1024x128xi32>
    %add3A_937 = vector.broadcast %xor3A_892 : vector<1x1xi32> to vector<1024x128xi32>
    %add3A_938 = arith.addi %xor3A_934, %add3A_937 : vector<1024x128xi32>
    %add3A_939 = arith.constant 1 : i32
    %add3A_940 = vector.broadcast %add3A_939 : i32 to vector<1024x128xi32>
    %add3A_941 = arith.addi %add3A_938, %add3A_940 : vector<1024x128xi32>
    %add3A_942 = arith.addi %add3A_936, %add3A_941 : vector<1024x128xi32>
    %shift_left3A_943 = arith.constant 17 : i32
    %shift_left3A_944 = vector.broadcast %shift_left3A_943 : i32 to vector<1024x128xi32>
    %shift_left3A_945 = arith.shli %add3A_941, %shift_left3A_944 : vector<1024x128xi32>
    %shift_right_logical3A_946 = arith.constant 15 : i32
    %shift_right_logical3A_947 = vector.broadcast %shift_right_logical3A_946 : i32 to vector<1024x128xi32>
    %shift_right_logical3A_948 = arith.shrui %add3A_941, %shift_right_logical3A_947 : vector<1024x128xi32>
    %or3A_949 = arith.ori %shift_left3A_945, %shift_right_logical3A_948 : vector<1024x128xi32>
    %xor3A_950 = arith.xori %add3A_942, %or3A_949 : vector<1024x128xi32>
    %add3A_951 = arith.addi %add3A_942, %xor3A_950 : vector<1024x128xi32>
    %shift_left3A_952 = arith.constant 29 : i32
    %shift_left3A_953 = vector.broadcast %shift_left3A_952 : i32 to vector<1024x128xi32>
    %shift_left3A_954 = arith.shli %xor3A_950, %shift_left3A_953 : vector<1024x128xi32>
    %shift_right_logical3A_955 = arith.constant 3 : i32
    %shift_right_logical3A_956 = vector.broadcast %shift_right_logical3A_955 : i32 to vector<1024x128xi32>
    %shift_right_logical3A_957 = arith.shrui %xor3A_950, %shift_right_logical3A_956 : vector<1024x128xi32>
    %or3A_958 = arith.ori %shift_left3A_954, %shift_right_logical3A_957 : vector<1024x128xi32>
    %xor3A_959 = arith.xori %add3A_951, %or3A_958 : vector<1024x128xi32>
    %add3A_960 = arith.addi %add3A_951, %xor3A_959 : vector<1024x128xi32>
    %shift_left3A_961 = arith.constant 16 : i32
    %shift_left3A_962 = vector.broadcast %shift_left3A_961 : i32 to vector<1024x128xi32>
    %shift_left3A_963 = arith.shli %xor3A_959, %shift_left3A_962 : vector<1024x128xi32>
    %shift_right_logical3A_964 = arith.constant 16 : i32
    %shift_right_logical3A_965 = vector.broadcast %shift_right_logical3A_964 : i32 to vector<1024x128xi32>
    %shift_right_logical3A_966 = arith.shrui %xor3A_959, %shift_right_logical3A_965 : vector<1024x128xi32>
    %or3A_967 = arith.ori %shift_left3A_963, %shift_right_logical3A_966 : vector<1024x128xi32>
    %xor3A_968 = arith.xori %add3A_960, %or3A_967 : vector<1024x128xi32>
    %add3A_969 = arith.addi %add3A_960, %xor3A_968 : vector<1024x128xi32>
    %shift_left3A_970 = arith.constant 24 : i32
    %shift_left3A_971 = vector.broadcast %shift_left3A_970 : i32 to vector<1024x128xi32>
    %shift_left3A_972 = arith.shli %xor3A_968, %shift_left3A_971 : vector<1024x128xi32>
    %shift_right_logical3A_973 = arith.constant 8 : i32
    %shift_right_logical3A_974 = vector.broadcast %shift_right_logical3A_973 : i32 to vector<1024x128xi32>
    %shift_right_logical3A_975 = arith.shrui %xor3A_968, %shift_right_logical3A_974 : vector<1024x128xi32>
    %or3A_976 = arith.ori %shift_left3A_972, %shift_right_logical3A_975 : vector<1024x128xi32>
    %xor3A_977 = arith.xori %add3A_969, %or3A_976 : vector<1024x128xi32>
    %add3A_978 = vector.broadcast %xor3A_892 : vector<1x1xi32> to vector<1024x128xi32>
    %add3A_979 = arith.addi %add3A_969, %add3A_978 : vector<1024x128xi32>
    %add3A_980 = vector.broadcast %get3A_883 : vector<1x1xi32> to vector<1024x128xi32>
    %add3A_981 = arith.addi %xor3A_977, %add3A_980 : vector<1024x128xi32>
    %add3A_982 = arith.constant 2 : i32
    %add3A_983 = vector.broadcast %add3A_982 : i32 to vector<1024x128xi32>
    %add3A_984 = arith.addi %add3A_981, %add3A_983 : vector<1024x128xi32>
    %add3A_985 = arith.addi %add3A_979, %add3A_984 : vector<1024x128xi32>
    %shift_left3A_986 = arith.constant 13 : i32
    %shift_left3A_987 = vector.broadcast %shift_left3A_986 : i32 to vector<1024x128xi32>
    %shift_left3A_988 = arith.shli %add3A_984, %shift_left3A_987 : vector<1024x128xi32>
    %shift_right_logical3A_989 = arith.constant 19 : i32
    %shift_right_logical3A_990 = vector.broadcast %shift_right_logical3A_989 : i32 to vector<1024x128xi32>
    %shift_right_logical3A_991 = arith.shrui %add3A_984, %shift_right_logical3A_990 : vector<1024x128xi32>
    %or3A_992 = arith.ori %shift_left3A_988, %shift_right_logical3A_991 : vector<1024x128xi32>
    %xor3A_993 = arith.xori %add3A_985, %or3A_992 : vector<1024x128xi32>
    %add3A_994 = arith.addi %add3A_985, %xor3A_993 : vector<1024x128xi32>
    %shift_left3A_995 = arith.constant 15 : i32
    %shift_left3A_996 = vector.broadcast %shift_left3A_995 : i32 to vector<1024x128xi32>
    %shift_left3A_997 = arith.shli %xor3A_993, %shift_left3A_996 : vector<1024x128xi32>
    %shift_right_logical3A_998 = arith.constant 17 : i32
    %shift_right_logical3A_999 = vector.broadcast %shift_right_logical3A_998 : i32 to vector<1024x128xi32>
    %shift_right_logical3A_1000 = arith.shrui %xor3A_993, %shift_right_logical3A_999 : vector<1024x128xi32>
    %or3A_1001 = arith.ori %shift_left3A_997, %shift_right_logical3A_1000 : vector<1024x128xi32>
    %xor3A_1002 = arith.xori %add3A_994, %or3A_1001 : vector<1024x128xi32>
    %add3A_1003 = arith.addi %add3A_994, %xor3A_1002 : vector<1024x128xi32>
    %shift_left3A_1004 = arith.constant 26 : i32
    %shift_left3A_1005 = vector.broadcast %shift_left3A_1004 : i32 to vector<1024x128xi32>
    %shift_left3A_1006 = arith.shli %xor3A_1002, %shift_left3A_1005 : vector<1024x128xi32>
    %shift_right_logical3A_1007 = arith.constant 6 : i32
    %shift_right_logical3A_1008 = vector.broadcast %shift_right_logical3A_1007 : i32 to vector<1024x128xi32>
    %shift_right_logical3A_1009 = arith.shrui %xor3A_1002, %shift_right_logical3A_1008 : vector<1024x128xi32>
    %or3A_1010 = arith.ori %shift_left3A_1006, %shift_right_logical3A_1009 : vector<1024x128xi32>
    %xor3A_1011 = arith.xori %add3A_1003, %or3A_1010 : vector<1024x128xi32>
    %add3A_1012 = arith.addi %add3A_1003, %xor3A_1011 : vector<1024x128xi32>
    %shift_left3A_1013 = arith.constant 6 : i32
    %shift_left3A_1014 = vector.broadcast %shift_left3A_1013 : i32 to vector<1024x128xi32>
    %shift_left3A_1015 = arith.shli %xor3A_1011, %shift_left3A_1014 : vector<1024x128xi32>
    %shift_right_logical3A_1016 = arith.constant 26 : i32
    %shift_right_logical3A_1017 = vector.broadcast %shift_right_logical3A_1016 : i32 to vector<1024x128xi32>
    %shift_right_logical3A_1018 = arith.shrui %xor3A_1011, %shift_right_logical3A_1017 : vector<1024x128xi32>
    %or3A_1019 = arith.ori %shift_left3A_1015, %shift_right_logical3A_1018 : vector<1024x128xi32>
    %xor3A_1020 = arith.xori %add3A_1012, %or3A_1019 : vector<1024x128xi32>
    %add3A_1021 = vector.broadcast %get3A_883 : vector<1x1xi32> to vector<1024x128xi32>
    %add3A_1022 = arith.addi %add3A_1012, %add3A_1021 : vector<1024x128xi32>
    %add3A_1023 = vector.broadcast %get3A_888 : vector<1x1xi32> to vector<1024x128xi32>
    %add3A_1024 = arith.addi %xor3A_1020, %add3A_1023 : vector<1024x128xi32>
    %add3A_1025 = arith.constant 3 : i32
    %add3A_1026 = vector.broadcast %add3A_1025 : i32 to vector<1024x128xi32>
    %add3A_1027 = arith.addi %add3A_1024, %add3A_1026 : vector<1024x128xi32>
    %add3A_1028 = arith.addi %add3A_1022, %add3A_1027 : vector<1024x128xi32>
    %shift_left3A_1029 = arith.constant 17 : i32
    %shift_left3A_1030 = vector.broadcast %shift_left3A_1029 : i32 to vector<1024x128xi32>
    %shift_left3A_1031 = arith.shli %add3A_1027, %shift_left3A_1030 : vector<1024x128xi32>
    %shift_right_logical3A_1032 = arith.constant 15 : i32
    %shift_right_logical3A_1033 = vector.broadcast %shift_right_logical3A_1032 : i32 to vector<1024x128xi32>
    %shift_right_logical3A_1034 = arith.shrui %add3A_1027, %shift_right_logical3A_1033 : vector<1024x128xi32>
    %or3A_1035 = arith.ori %shift_left3A_1031, %shift_right_logical3A_1034 : vector<1024x128xi32>
    %xor3A_1036 = arith.xori %add3A_1028, %or3A_1035 : vector<1024x128xi32>
    %add3A_1037 = arith.addi %add3A_1028, %xor3A_1036 : vector<1024x128xi32>
    %shift_left3A_1038 = arith.constant 29 : i32
    %shift_left3A_1039 = vector.broadcast %shift_left3A_1038 : i32 to vector<1024x128xi32>
    %shift_left3A_1040 = arith.shli %xor3A_1036, %shift_left3A_1039 : vector<1024x128xi32>
    %shift_right_logical3A_1041 = arith.constant 3 : i32
    %shift_right_logical3A_1042 = vector.broadcast %shift_right_logical3A_1041 : i32 to vector<1024x128xi32>
    %shift_right_logical3A_1043 = arith.shrui %xor3A_1036, %shift_right_logical3A_1042 : vector<1024x128xi32>
    %or3A_1044 = arith.ori %shift_left3A_1040, %shift_right_logical3A_1043 : vector<1024x128xi32>
    %xor3A_1045 = arith.xori %add3A_1037, %or3A_1044 : vector<1024x128xi32>
    %add3A_1046 = arith.addi %add3A_1037, %xor3A_1045 : vector<1024x128xi32>
    %shift_left3A_1047 = arith.constant 16 : i32
    %shift_left3A_1048 = vector.broadcast %shift_left3A_1047 : i32 to vector<1024x128xi32>
    %shift_left3A_1049 = arith.shli %xor3A_1045, %shift_left3A_1048 : vector<1024x128xi32>
    %shift_right_logical3A_1050 = arith.constant 16 : i32
    %shift_right_logical3A_1051 = vector.broadcast %shift_right_logical3A_1050 : i32 to vector<1024x128xi32>
    %shift_right_logical3A_1052 = arith.shrui %xor3A_1045, %shift_right_logical3A_1051 : vector<1024x128xi32>
    %or3A_1053 = arith.ori %shift_left3A_1049, %shift_right_logical3A_1052 : vector<1024x128xi32>
    %xor3A_1054 = arith.xori %add3A_1046, %or3A_1053 : vector<1024x128xi32>
    %add3A_1055 = arith.addi %add3A_1046, %xor3A_1054 : vector<1024x128xi32>
    %shift_left3A_1056 = arith.constant 24 : i32
    %shift_left3A_1057 = vector.broadcast %shift_left3A_1056 : i32 to vector<1024x128xi32>
    %shift_left3A_1058 = arith.shli %xor3A_1054, %shift_left3A_1057 : vector<1024x128xi32>
    %shift_right_logical3A_1059 = arith.constant 8 : i32
    %shift_right_logical3A_1060 = vector.broadcast %shift_right_logical3A_1059 : i32 to vector<1024x128xi32>
    %shift_right_logical3A_1061 = arith.shrui %xor3A_1054, %shift_right_logical3A_1060 : vector<1024x128xi32>
    %or3A_1062 = arith.ori %shift_left3A_1058, %shift_right_logical3A_1061 : vector<1024x128xi32>
    %xor3A_1063 = arith.xori %add3A_1055, %or3A_1062 : vector<1024x128xi32>
    %add3A_1064 = vector.broadcast %get3A_888 : vector<1x1xi32> to vector<1024x128xi32>
    %add3A_1065 = arith.addi %add3A_1055, %add3A_1064 : vector<1024x128xi32>
    %add3A_1066 = vector.broadcast %xor3A_892 : vector<1x1xi32> to vector<1024x128xi32>
    %add3A_1067 = arith.addi %xor3A_1063, %add3A_1066 : vector<1024x128xi32>
    %add3A_1068 = arith.constant 4 : i32
    %add3A_1069 = vector.broadcast %add3A_1068 : i32 to vector<1024x128xi32>
    %add3A_1070 = arith.addi %add3A_1067, %add3A_1069 : vector<1024x128xi32>
    %add3A_1071 = arith.addi %add3A_1065, %add3A_1070 : vector<1024x128xi32>
    %shift_left3A_1072 = arith.constant 13 : i32
    %shift_left3A_1073 = vector.broadcast %shift_left3A_1072 : i32 to vector<1024x128xi32>
    %shift_left3A_1074 = arith.shli %add3A_1070, %shift_left3A_1073 : vector<1024x128xi32>
    %shift_right_logical3A_1075 = arith.constant 19 : i32
    %shift_right_logical3A_1076 = vector.broadcast %shift_right_logical3A_1075 : i32 to vector<1024x128xi32>
    %shift_right_logical3A_1077 = arith.shrui %add3A_1070, %shift_right_logical3A_1076 : vector<1024x128xi32>
    %or3A_1078 = arith.ori %shift_left3A_1074, %shift_right_logical3A_1077 : vector<1024x128xi32>
    %xor3A_1079 = arith.xori %add3A_1071, %or3A_1078 : vector<1024x128xi32>
    %add3A_1080 = arith.addi %add3A_1071, %xor3A_1079 : vector<1024x128xi32>
    %shift_left3A_1081 = arith.constant 15 : i32
    %shift_left3A_1082 = vector.broadcast %shift_left3A_1081 : i32 to vector<1024x128xi32>
    %shift_left3A_1083 = arith.shli %xor3A_1079, %shift_left3A_1082 : vector<1024x128xi32>
    %shift_right_logical3A_1084 = arith.constant 17 : i32
    %shift_right_logical3A_1085 = vector.broadcast %shift_right_logical3A_1084 : i32 to vector<1024x128xi32>
    %shift_right_logical3A_1086 = arith.shrui %xor3A_1079, %shift_right_logical3A_1085 : vector<1024x128xi32>
    %or3A_1087 = arith.ori %shift_left3A_1083, %shift_right_logical3A_1086 : vector<1024x128xi32>
    %xor3A_1088 = arith.xori %add3A_1080, %or3A_1087 : vector<1024x128xi32>
    %add3A_1089 = arith.addi %add3A_1080, %xor3A_1088 : vector<1024x128xi32>
    %shift_left3A_1090 = arith.constant 26 : i32
    %shift_left3A_1091 = vector.broadcast %shift_left3A_1090 : i32 to vector<1024x128xi32>
    %shift_left3A_1092 = arith.shli %xor3A_1088, %shift_left3A_1091 : vector<1024x128xi32>
    %shift_right_logical3A_1093 = arith.constant 6 : i32
    %shift_right_logical3A_1094 = vector.broadcast %shift_right_logical3A_1093 : i32 to vector<1024x128xi32>
    %shift_right_logical3A_1095 = arith.shrui %xor3A_1088, %shift_right_logical3A_1094 : vector<1024x128xi32>
    %or3A_1096 = arith.ori %shift_left3A_1092, %shift_right_logical3A_1095 : vector<1024x128xi32>
    %xor3A_1097 = arith.xori %add3A_1089, %or3A_1096 : vector<1024x128xi32>
    %add3A_1098 = arith.addi %add3A_1089, %xor3A_1097 : vector<1024x128xi32>
    %shift_left3A_1099 = arith.constant 6 : i32
    %shift_left3A_1100 = vector.broadcast %shift_left3A_1099 : i32 to vector<1024x128xi32>
    %shift_left3A_1101 = arith.shli %xor3A_1097, %shift_left3A_1100 : vector<1024x128xi32>
    %shift_right_logical3A_1102 = arith.constant 26 : i32
    %shift_right_logical3A_1103 = vector.broadcast %shift_right_logical3A_1102 : i32 to vector<1024x128xi32>
    %shift_right_logical3A_1104 = arith.shrui %xor3A_1097, %shift_right_logical3A_1103 : vector<1024x128xi32>
    %or3A_1105 = arith.ori %shift_left3A_1101, %shift_right_logical3A_1104 : vector<1024x128xi32>
    %xor3A_1106 = arith.xori %add3A_1098, %or3A_1105 : vector<1024x128xi32>
    %add3A_1107 = vector.broadcast %xor3A_892 : vector<1x1xi32> to vector<1024x128xi32>
    %add3A_1108 = arith.addi %add3A_1098, %add3A_1107 : vector<1024x128xi32>
    %add3A_1109 = vector.broadcast %get3A_883 : vector<1x1xi32> to vector<1024x128xi32>
    %add3A_1110 = arith.addi %xor3A_1106, %add3A_1109 : vector<1024x128xi32>
    %add3A_1111 = arith.constant 5 : i32
    %add3A_1112 = vector.broadcast %add3A_1111 : i32 to vector<1024x128xi32>
    %add3A_1113 = arith.addi %add3A_1110, %add3A_1112 : vector<1024x128xi32>
    %xor3A_1114 = arith.xori %add3A_1108, %add3A_1113 : vector<1024x128xi32>
    %shift_right_logical3A_1115 = arith.constant 9 : i32
    %shift_right_logical3A_1116 = vector.broadcast %shift_right_logical3A_1115 : i32 to vector<1024x128xi32>
    %shift_right_logical3A_1117 = arith.shrui %xor3A_1114, %shift_right_logical3A_1116 : vector<1024x128xi32>
    %or3A_1118 = arith.constant 1065353216 : i32
    %or3A_1119 = vector.broadcast %or3A_1118 : i32 to vector<1024x128xi32>
    %or3A_1120 = arith.ori %shift_right_logical3A_1117, %or3A_1119 : vector<1024x128xi32>
    %bitcast_convert_type3A_1121 = tpu.bitcast %or3A_1120 : vector<1024x128xi32> -> vector<1024x128xf32>
    %sub3A_1122 = arith.constant 1.000000e+00 : f32
    %sub3A_1123 = vector.broadcast %sub3A_1122 : f32 to vector<1024x128xf32>
    %sub3A_1124 = arith.subf %bitcast_convert_type3A_1121, %sub3A_1123 : vector<1024x128xf32>
    %mul3A_1125 = arith.constant 1.000000e+00 : f32
    %mul3A_1126 = vector.broadcast %mul3A_1125 : f32 to vector<1024x128xf32>
    %mul3A_1127 = arith.mulf %sub3A_1124, %mul3A_1126 : vector<1024x128xf32>
    %add3A_1128 = arith.constant 1.17549435E-38 : f32
    %add3A_1129 = vector.broadcast %add3A_1128 : f32 to vector<1024x128xf32>
    %add3A_1130 = arith.addf %mul3A_1127, %add3A_1129 : vector<1024x128xf32>
    %max3A_1131 = arith.constant 1.17549435E-38 : f32
    %max3A_1132 = vector.broadcast %max3A_1131 : f32 to vector<1024x128xf32>
    %max3A_1133 = arith.maximumf %max3A_1132, %add3A_1130 : vector<1024x128xf32>
    %log3A_1134 = math.log %max3A_1133 : vector<1024x128xf32>
    %neg3A_1135 = arith.constant 0.000000e+00 : f32
    %neg3A_1136 = vector.broadcast %neg3A_1135 : f32 to vector<1024x128xf32>
    %neg3A_1137 = arith.subf %neg3A_1136, %log3A_1134 : vector<1024x128xf32>
    %log3A_1138 = math.log %neg3A_1137 : vector<1024x128xf32>
    %neg3A_1139 = arith.constant 0.000000e+00 : f32
    %neg3A_1140 = vector.broadcast %neg3A_1139 : f32 to vector<1024x128xf32>
    %neg3A_1141 = arith.subf %neg3A_1140, %log3A_1138 : vector<1024x128xf32>
    %get3A_1142 = arith.constant 0 : index
    %get3A_1143 = arith.constant 0 : index
    %get3A_1144 = vector.load %arg4[%get3A_1142, %get3A_1143] : memref<1024x64xf32, #tpu.memory_space<vmem>>, vector<1024x64xf32>
    %get3A_1145 = arith.constant 3 : index
    %get3A_1146 = arith.constant 0 : index
    %get3A_1147 = arith.constant 0 : index
    %get3A_1148 = vector.load %arg2[%get3A_1145, %get3A_1146, %get3A_1147] : memref<8x64x128xf32, #tpu.memory_space<vmem>>, vector<1x64x128xf32>
    %get3A_1149 = vector.shape_cast %get3A_1148 : vector<1x64x128xf32> to vector<64x128xf32>
    %dot_general3A_1150 = arith.constant dense<0.000000e+00> : vector<1024x128xf32>
    %dot_general3A_1151 = tpu.matmul %get3A_1144, %get3A_1149, %dot_general3A_1150 {dimension_numbers = #tpu.dot_dimension_numbers<[1], [0], [0], [1], [0, 0, 1, 1], [], []>, precision = #tpu.contract_precision<fp32>, transpose_lhs_hint = false} : vector<1024x64xf32>, vector<64x128xf32>, vector<1024x128xf32> -> vector<1024x128xf32>
    %slice3A_1152 = vector.extract_strided_slice %dot_general3A_8 {offsets = [3072, 0], sizes = [1024, 128], strides = [1, 1]} : vector<8192x128xf32> to vector<1024x128xf32>
    %add3A_1153 = arith.addf %dot_general3A_1151, %slice3A_1152 : vector<1024x128xf32>
    %add3A_1154 = arith.addf %add3A_1153, %neg3A_1141 : vector<1024x128xf32>
    %reduce_max3A_1155 = arith.constant dense<0xFF800000> : vector<1024xf32>
    %reduce_max3A_1156 = vector.multi_reduction <maximumf>, %add3A_1154, %reduce_max3A_1155 [1] : vector<1024x128xf32> to vector<1024xf32>
    %broadcast_in_dim3A_1157 = vector.shape_cast %reduce_max3A_1156 : vector<1024xf32> to vector<1024x1xf32>
    %iota3A_1158 = tpu.iota {dimensions = array<i32: 1>} : vector<1024x128xi32>
    %eq3A_1159 = vector.broadcast %broadcast_in_dim3A_1157 : vector<1024x1xf32> to vector<1024x128xf32>
    %eq3A_1160 = arith.cmpf oeq, %add3A_1154, %eq3A_1159 : vector<1024x128xf32>
    %jit3A_1161 = arith.constant 128 : i32
    %broadcast_in_dim3A_1162 = vector.broadcast %jit3A_1161 : i32 to vector<1024x128xi32>
    %select_n3A_1163 = arith.select %eq3A_1160, %iota3A_1158, %broadcast_in_dim3A_1162 : vector<1024x128xi1>, vector<1024x128xi32>
    %reduce_min3A_1164 = arith.constant dense<2147483647> : vector<1024xi32>
    %reduce_min3A_1165 = vector.multi_reduction <minsi>, %select_n3A_1163, %reduce_min3A_1164 [1] : vector<1024x128xi32> to vector<1024xi32>
    %broadcast_in_dim3A_1166 = vector.shape_cast %reduce_min3A_1165 : vector<1024xi32> to vector<1024x1xi32>
    %swap3A_1167 = arith.constant 3 : index
    %swap3A_1168 = arith.constant 0 : index
    %swap3A_1169 = arith.constant 0 : index
    %swap3A_1170 = vector.load %arg6[%swap3A_1167, %swap3A_1168, %swap3A_1169] : memref<8x1024x1xi32, #tpu.memory_space<vmem>>, vector<1x1024x1xi32>
    %swap3A_1171 = vector.shape_cast %swap3A_1170 : vector<1x1024x1xi32> to vector<1024x1xi32>
    %swap3A_1172 = vector.shape_cast %broadcast_in_dim3A_1166 : vector<1024x1xi32> to vector<1x1024x1xi32>
    tpu.vector_store %arg6[%swap3A_1167, %swap3A_1168, %swap3A_1169], %swap3A_1172 {strides = array<i32>} : memref<8x1024x1xi32, #tpu.memory_space<vmem>>, vector<1x1024x1xi32>,
    %get3A_1173 = arith.constant 4 : index
    %get3A_1174 = arith.constant 0 : index
    %get3A_1175 = arith.constant 0 : index
    %get3A_1176 = vector.load %arg1[%get3A_1173, %get3A_1174, %get3A_1175] : memref<8x1x2xi32, #tpu.memory_space<vmem>>, vector<1x1x1xi32>
    %get3A_1177 = vector.shape_cast %get3A_1176 : vector<1x1x1xi32> to vector<1x1xi32>
    %get3A_1178 = arith.constant 4 : index
    %get3A_1179 = arith.constant 0 : index
    %get3A_1180 = arith.constant 1 : index
    %get3A_1181 = vector.load %arg1[%get3A_1178, %get3A_1179, %get3A_1180] : memref<8x1x2xi32, #tpu.memory_space<vmem>>, vector<1x1x1xi32>
    %get3A_1182 = vector.shape_cast %get3A_1181 : vector<1x1x1xi32> to vector<1x1xi32>
    %xor3A_1183 = arith.xori %get3A_1177, %get3A_1182 : vector<1x1xi32>
    %xor3A_1184 = arith.constant 466688986 : i32
    %xor3A_1185 = vector.broadcast %xor3A_1184 : i32 to vector<1x1xi32>
    %xor3A_1186 = arith.xori %xor3A_1183, %xor3A_1185 : vector<1x1xi32>
    %broadcast_in_dim3A_1187 = arith.constant 0 : i32
    %broadcast_in_dim3A_1188 = vector.broadcast %broadcast_in_dim3A_1187 : i32 to vector<1024x128xi32>
    %add3A_1189 = vector.broadcast %get3A_1177 : vector<1x1xi32> to vector<1024x128xi32>
    %add3A_1190 = arith.addi %add3A_1189, %broadcast_in_dim3A_1188 : vector<1024x128xi32>
    %add3A_1191 = vector.broadcast %get3A_1182 : vector<1x1xi32> to vector<1024x128xi32>
    %add3A_1192 = arith.addi %add3A, %add3A_1191 : vector<1024x128xi32>
    %add3A_1193 = arith.addi %add3A_1190, %add3A_1192 : vector<1024x128xi32>
    %shift_left3A_1194 = arith.constant 13 : i32
    %shift_left3A_1195 = vector.broadcast %shift_left3A_1194 : i32 to vector<1024x128xi32>
    %shift_left3A_1196 = arith.shli %add3A_1192, %shift_left3A_1195 : vector<1024x128xi32>
    %shift_right_logical3A_1197 = arith.constant 19 : i32
    %shift_right_logical3A_1198 = vector.broadcast %shift_right_logical3A_1197 : i32 to vector<1024x128xi32>
    %shift_right_logical3A_1199 = arith.shrui %add3A_1192, %shift_right_logical3A_1198 : vector<1024x128xi32>
    %or3A_1200 = arith.ori %shift_left3A_1196, %shift_right_logical3A_1199 : vector<1024x128xi32>
    %xor3A_1201 = arith.xori %add3A_1193, %or3A_1200 : vector<1024x128xi32>
    %add3A_1202 = arith.addi %add3A_1193, %xor3A_1201 : vector<1024x128xi32>
    %shift_left3A_1203 = arith.constant 15 : i32
    %shift_left3A_1204 = vector.broadcast %shift_left3A_1203 : i32 to vector<1024x128xi32>
    %shift_left3A_1205 = arith.shli %xor3A_1201, %shift_left3A_1204 : vector<1024x128xi32>
    %shift_right_logical3A_1206 = arith.constant 17 : i32
    %shift_right_logical3A_1207 = vector.broadcast %shift_right_logical3A_1206 : i32 to vector<1024x128xi32>
    %shift_right_logical3A_1208 = arith.shrui %xor3A_1201, %shift_right_logical3A_1207 : vector<1024x128xi32>
    %or3A_1209 = arith.ori %shift_left3A_1205, %shift_right_logical3A_1208 : vector<1024x128xi32>
    %xor3A_1210 = arith.xori %add3A_1202, %or3A_1209 : vector<1024x128xi32>
    %add3A_1211 = arith.addi %add3A_1202, %xor3A_1210 : vector<1024x128xi32>
    %shift_left3A_1212 = arith.constant 26 : i32
    %shift_left3A_1213 = vector.broadcast %shift_left3A_1212 : i32 to vector<1024x128xi32>
    %shift_left3A_1214 = arith.shli %xor3A_1210, %shift_left3A_1213 : vector<1024x128xi32>
    %shift_right_logical3A_1215 = arith.constant 6 : i32
    %shift_right_logical3A_1216 = vector.broadcast %shift_right_logical3A_1215 : i32 to vector<1024x128xi32>
    %shift_right_logical3A_1217 = arith.shrui %xor3A_1210, %shift_right_logical3A_1216 : vector<1024x128xi32>
    %or3A_1218 = arith.ori %shift_left3A_1214, %shift_right_logical3A_1217 : vector<1024x128xi32>
    %xor3A_1219 = arith.xori %add3A_1211, %or3A_1218 : vector<1024x128xi32>
    %add3A_1220 = arith.addi %add3A_1211, %xor3A_1219 : vector<1024x128xi32>
    %shift_left3A_1221 = arith.constant 6 : i32
    %shift_left3A_1222 = vector.broadcast %shift_left3A_1221 : i32 to vector<1024x128xi32>
    %shift_left3A_1223 = arith.shli %xor3A_1219, %shift_left3A_1222 : vector<1024x128xi32>
    %shift_right_logical3A_1224 = arith.constant 26 : i32
    %shift_right_logical3A_1225 = vector.broadcast %shift_right_logical3A_1224 : i32 to vector<1024x128xi32>
    %shift_right_logical3A_1226 = arith.shrui %xor3A_1219, %shift_right_logical3A_1225 : vector<1024x128xi32>
    %or3A_1227 = arith.ori %shift_left3A_1223, %shift_right_logical3A_1226 : vector<1024x128xi32>
    %xor3A_1228 = arith.xori %add3A_1220, %or3A_1227 : vector<1024x128xi32>
    %add3A_1229 = vector.broadcast %get3A_1182 : vector<1x1xi32> to vector<1024x128xi32>
    %add3A_1230 = arith.addi %add3A_1220, %add3A_1229 : vector<1024x128xi32>
    %add3A_1231 = vector.broadcast %xor3A_1186 : vector<1x1xi32> to vector<1024x128xi32>
    %add3A_1232 = arith.addi %xor3A_1228, %add3A_1231 : vector<1024x128xi32>
    %add3A_1233 = arith.constant 1 : i32
    %add3A_1234 = vector.broadcast %add3A_1233 : i32 to vector<1024x128xi32>
    %add3A_1235 = arith.addi %add3A_1232, %add3A_1234 : vector<1024x128xi32>
    %add3A_1236 = arith.addi %add3A_1230, %add3A_1235 : vector<1024x128xi32>
    %shift_left3A_1237 = arith.constant 17 : i32
    %shift_left3A_1238 = vector.broadcast %shift_left3A_1237 : i32 to vector<1024x128xi32>
    %shift_left3A_1239 = arith.shli %add3A_1235, %shift_left3A_1238 : vector<1024x128xi32>
    %shift_right_logical3A_1240 = arith.constant 15 : i32
    %shift_right_logical3A_1241 = vector.broadcast %shift_right_logical3A_1240 : i32 to vector<1024x128xi32>
    %shift_right_logical3A_1242 = arith.shrui %add3A_1235, %shift_right_logical3A_1241 : vector<1024x128xi32>
    %or3A_1243 = arith.ori %shift_left3A_1239, %shift_right_logical3A_1242 : vector<1024x128xi32>
    %xor3A_1244 = arith.xori %add3A_1236, %or3A_1243 : vector<1024x128xi32>
    %add3A_1245 = arith.addi %add3A_1236, %xor3A_1244 : vector<1024x128xi32>
    %shift_left3A_1246 = arith.constant 29 : i32
    %shift_left3A_1247 = vector.broadcast %shift_left3A_1246 : i32 to vector<1024x128xi32>
    %shift_left3A_1248 = arith.shli %xor3A_1244, %shift_left3A_1247 : vector<1024x128xi32>
    %shift_right_logical3A_1249 = arith.constant 3 : i32
    %shift_right_logical3A_1250 = vector.broadcast %shift_right_logical3A_1249 : i32 to vector<1024x128xi32>
    %shift_right_logical3A_1251 = arith.shrui %xor3A_1244, %shift_right_logical3A_1250 : vector<1024x128xi32>
    %or3A_1252 = arith.ori %shift_left3A_1248, %shift_right_logical3A_1251 : vector<1024x128xi32>
    %xor3A_1253 = arith.xori %add3A_1245, %or3A_1252 : vector<1024x128xi32>
    %add3A_1254 = arith.addi %add3A_1245, %xor3A_1253 : vector<1024x128xi32>
    %shift_left3A_1255 = arith.constant 16 : i32
    %shift_left3A_1256 = vector.broadcast %shift_left3A_1255 : i32 to vector<1024x128xi32>
    %shift_left3A_1257 = arith.shli %xor3A_1253, %shift_left3A_1256 : vector<1024x128xi32>
    %shift_right_logical3A_1258 = arith.constant 16 : i32
    %shift_right_logical3A_1259 = vector.broadcast %shift_right_logical3A_1258 : i32 to vector<1024x128xi32>
    %shift_right_logical3A_1260 = arith.shrui %xor3A_1253, %shift_right_logical3A_1259 : vector<1024x128xi32>
    %or3A_1261 = arith.ori %shift_left3A_1257, %shift_right_logical3A_1260 : vector<1024x128xi32>
    %xor3A_1262 = arith.xori %add3A_1254, %or3A_1261 : vector<1024x128xi32>
    %add3A_1263 = arith.addi %add3A_1254, %xor3A_1262 : vector<1024x128xi32>
    %shift_left3A_1264 = arith.constant 24 : i32
    %shift_left3A_1265 = vector.broadcast %shift_left3A_1264 : i32 to vector<1024x128xi32>
    %shift_left3A_1266 = arith.shli %xor3A_1262, %shift_left3A_1265 : vector<1024x128xi32>
    %shift_right_logical3A_1267 = arith.constant 8 : i32
    %shift_right_logical3A_1268 = vector.broadcast %shift_right_logical3A_1267 : i32 to vector<1024x128xi32>
    %shift_right_logical3A_1269 = arith.shrui %xor3A_1262, %shift_right_logical3A_1268 : vector<1024x128xi32>
    %or3A_1270 = arith.ori %shift_left3A_1266, %shift_right_logical3A_1269 : vector<1024x128xi32>
    %xor3A_1271 = arith.xori %add3A_1263, %or3A_1270 : vector<1024x128xi32>
    %add3A_1272 = vector.broadcast %xor3A_1186 : vector<1x1xi32> to vector<1024x128xi32>
    %add3A_1273 = arith.addi %add3A_1263, %add3A_1272 : vector<1024x128xi32>
    %add3A_1274 = vector.broadcast %get3A_1177 : vector<1x1xi32> to vector<1024x128xi32>
    %add3A_1275 = arith.addi %xor3A_1271, %add3A_1274 : vector<1024x128xi32>
    %add3A_1276 = arith.constant 2 : i32
    %add3A_1277 = vector.broadcast %add3A_1276 : i32 to vector<1024x128xi32>
    %add3A_1278 = arith.addi %add3A_1275, %add3A_1277 : vector<1024x128xi32>
    %add3A_1279 = arith.addi %add3A_1273, %add3A_1278 : vector<1024x128xi32>
    %shift_left3A_1280 = arith.constant 13 : i32
    %shift_left3A_1281 = vector.broadcast %shift_left3A_1280 : i32 to vector<1024x128xi32>
    %shift_left3A_1282 = arith.shli %add3A_1278, %shift_left3A_1281 : vector<1024x128xi32>
    %shift_right_logical3A_1283 = arith.constant 19 : i32
    %shift_right_logical3A_1284 = vector.broadcast %shift_right_logical3A_1283 : i32 to vector<1024x128xi32>
    %shift_right_logical3A_1285 = arith.shrui %add3A_1278, %shift_right_logical3A_1284 : vector<1024x128xi32>
    %or3A_1286 = arith.ori %shift_left3A_1282, %shift_right_logical3A_1285 : vector<1024x128xi32>
    %xor3A_1287 = arith.xori %add3A_1279, %or3A_1286 : vector<1024x128xi32>
    %add3A_1288 = arith.addi %add3A_1279, %xor3A_1287 : vector<1024x128xi32>
    %shift_left3A_1289 = arith.constant 15 : i32
    %shift_left3A_1290 = vector.broadcast %shift_left3A_1289 : i32 to vector<1024x128xi32>
    %shift_left3A_1291 = arith.shli %xor3A_1287, %shift_left3A_1290 : vector<1024x128xi32>
    %shift_right_logical3A_1292 = arith.constant 17 : i32
    %shift_right_logical3A_1293 = vector.broadcast %shift_right_logical3A_1292 : i32 to vector<1024x128xi32>
    %shift_right_logical3A_1294 = arith.shrui %xor3A_1287, %shift_right_logical3A_1293 : vector<1024x128xi32>
    %or3A_1295 = arith.ori %shift_left3A_1291, %shift_right_logical3A_1294 : vector<1024x128xi32>
    %xor3A_1296 = arith.xori %add3A_1288, %or3A_1295 : vector<1024x128xi32>
    %add3A_1297 = arith.addi %add3A_1288, %xor3A_1296 : vector<1024x128xi32>
    %shift_left3A_1298 = arith.constant 26 : i32
    %shift_left3A_1299 = vector.broadcast %shift_left3A_1298 : i32 to vector<1024x128xi32>
    %shift_left3A_1300 = arith.shli %xor3A_1296, %shift_left3A_1299 : vector<1024x128xi32>
    %shift_right_logical3A_1301 = arith.constant 6 : i32
    %shift_right_logical3A_1302 = vector.broadcast %shift_right_logical3A_1301 : i32 to vector<1024x128xi32>
    %shift_right_logical3A_1303 = arith.shrui %xor3A_1296, %shift_right_logical3A_1302 : vector<1024x128xi32>
    %or3A_1304 = arith.ori %shift_left3A_1300, %shift_right_logical3A_1303 : vector<1024x128xi32>
    %xor3A_1305 = arith.xori %add3A_1297, %or3A_1304 : vector<1024x128xi32>
    %add3A_1306 = arith.addi %add3A_1297, %xor3A_1305 : vector<1024x128xi32>
    %shift_left3A_1307 = arith.constant 6 : i32
    %shift_left3A_1308 = vector.broadcast %shift_left3A_1307 : i32 to vector<1024x128xi32>
    %shift_left3A_1309 = arith.shli %xor3A_1305, %shift_left3A_1308 : vector<1024x128xi32>
    %shift_right_logical3A_1310 = arith.constant 26 : i32
    %shift_right_logical3A_1311 = vector.broadcast %shift_right_logical3A_1310 : i32 to vector<1024x128xi32>
    %shift_right_logical3A_1312 = arith.shrui %xor3A_1305, %shift_right_logical3A_1311 : vector<1024x128xi32>
    %or3A_1313 = arith.ori %shift_left3A_1309, %shift_right_logical3A_1312 : vector<1024x128xi32>
    %xor3A_1314 = arith.xori %add3A_1306, %or3A_1313 : vector<1024x128xi32>
    %add3A_1315 = vector.broadcast %get3A_1177 : vector<1x1xi32> to vector<1024x128xi32>
    %add3A_1316 = arith.addi %add3A_1306, %add3A_1315 : vector<1024x128xi32>
    %add3A_1317 = vector.broadcast %get3A_1182 : vector<1x1xi32> to vector<1024x128xi32>
    %add3A_1318 = arith.addi %xor3A_1314, %add3A_1317 : vector<1024x128xi32>
    %add3A_1319 = arith.constant 3 : i32
    %add3A_1320 = vector.broadcast %add3A_1319 : i32 to vector<1024x128xi32>
    %add3A_1321 = arith.addi %add3A_1318, %add3A_1320 : vector<1024x128xi32>
    %add3A_1322 = arith.addi %add3A_1316, %add3A_1321 : vector<1024x128xi32>
    %shift_left3A_1323 = arith.constant 17 : i32
    %shift_left3A_1324 = vector.broadcast %shift_left3A_1323 : i32 to vector<1024x128xi32>
    %shift_left3A_1325 = arith.shli %add3A_1321, %shift_left3A_1324 : vector<1024x128xi32>
    %shift_right_logical3A_1326 = arith.constant 15 : i32
    %shift_right_logical3A_1327 = vector.broadcast %shift_right_logical3A_1326 : i32 to vector<1024x128xi32>
    %shift_right_logical3A_1328 = arith.shrui %add3A_1321, %shift_right_logical3A_1327 : vector<1024x128xi32>
    %or3A_1329 = arith.ori %shift_left3A_1325, %shift_right_logical3A_1328 : vector<1024x128xi32>
    %xor3A_1330 = arith.xori %add3A_1322, %or3A_1329 : vector<1024x128xi32>
    %add3A_1331 = arith.addi %add3A_1322, %xor3A_1330 : vector<1024x128xi32>
    %shift_left3A_1332 = arith.constant 29 : i32
    %shift_left3A_1333 = vector.broadcast %shift_left3A_1332 : i32 to vector<1024x128xi32>
    %shift_left3A_1334 = arith.shli %xor3A_1330, %shift_left3A_1333 : vector<1024x128xi32>
    %shift_right_logical3A_1335 = arith.constant 3 : i32
    %shift_right_logical3A_1336 = vector.broadcast %shift_right_logical3A_1335 : i32 to vector<1024x128xi32>
    %shift_right_logical3A_1337 = arith.shrui %xor3A_1330, %shift_right_logical3A_1336 : vector<1024x128xi32>
    %or3A_1338 = arith.ori %shift_left3A_1334, %shift_right_logical3A_1337 : vector<1024x128xi32>
    %xor3A_1339 = arith.xori %add3A_1331, %or3A_1338 : vector<1024x128xi32>
    %add3A_1340 = arith.addi %add3A_1331, %xor3A_1339 : vector<1024x128xi32>
    %shift_left3A_1341 = arith.constant 16 : i32
    %shift_left3A_1342 = vector.broadcast %shift_left3A_1341 : i32 to vector<1024x128xi32>
    %shift_left3A_1343 = arith.shli %xor3A_1339, %shift_left3A_1342 : vector<1024x128xi32>
    %shift_right_logical3A_1344 = arith.constant 16 : i32
    %shift_right_logical3A_1345 = vector.broadcast %shift_right_logical3A_1344 : i32 to vector<1024x128xi32>
    %shift_right_logical3A_1346 = arith.shrui %xor3A_1339, %shift_right_logical3A_1345 : vector<1024x128xi32>
    %or3A_1347 = arith.ori %shift_left3A_1343, %shift_right_logical3A_1346 : vector<1024x128xi32>
    %xor3A_1348 = arith.xori %add3A_1340, %or3A_1347 : vector<1024x128xi32>
    %add3A_1349 = arith.addi %add3A_1340, %xor3A_1348 : vector<1024x128xi32>
    %shift_left3A_1350 = arith.constant 24 : i32
    %shift_left3A_1351 = vector.broadcast %shift_left3A_1350 : i32 to vector<1024x128xi32>
    %shift_left3A_1352 = arith.shli %xor3A_1348, %shift_left3A_1351 : vector<1024x128xi32>
    %shift_right_logical3A_1353 = arith.constant 8 : i32
    %shift_right_logical3A_1354 = vector.broadcast %shift_right_logical3A_1353 : i32 to vector<1024x128xi32>
    %shift_right_logical3A_1355 = arith.shrui %xor3A_1348, %shift_right_logical3A_1354 : vector<1024x128xi32>
    %or3A_1356 = arith.ori %shift_left3A_1352, %shift_right_logical3A_1355 : vector<1024x128xi32>
    %xor3A_1357 = arith.xori %add3A_1349, %or3A_1356 : vector<1024x128xi32>
    %add3A_1358 = vector.broadcast %get3A_1182 : vector<1x1xi32> to vector<1024x128xi32>
    %add3A_1359 = arith.addi %add3A_1349, %add3A_1358 : vector<1024x128xi32>
    %add3A_1360 = vector.broadcast %xor3A_1186 : vector<1x1xi32> to vector<1024x128xi32>
    %add3A_1361 = arith.addi %xor3A_1357, %add3A_1360 : vector<1024x128xi32>
    %add3A_1362 = arith.constant 4 : i32
    %add3A_1363 = vector.broadcast %add3A_1362 : i32 to vector<1024x128xi32>
    %add3A_1364 = arith.addi %add3A_1361, %add3A_1363 : vector<1024x128xi32>
    %add3A_1365 = arith.addi %add3A_1359, %add3A_1364 : vector<1024x128xi32>
    %shift_left3A_1366 = arith.constant 13 : i32
    %shift_left3A_1367 = vector.broadcast %shift_left3A_1366 : i32 to vector<1024x128xi32>
    %shift_left3A_1368 = arith.shli %add3A_1364, %shift_left3A_1367 : vector<1024x128xi32>
    %shift_right_logical3A_1369 = arith.constant 19 : i32
    %shift_right_logical3A_1370 = vector.broadcast %shift_right_logical3A_1369 : i32 to vector<1024x128xi32>
    %shift_right_logical3A_1371 = arith.shrui %add3A_1364, %shift_right_logical3A_1370 : vector<1024x128xi32>
    %or3A_1372 = arith.ori %shift_left3A_1368, %shift_right_logical3A_1371 : vector<1024x128xi32>
    %xor3A_1373 = arith.xori %add3A_1365, %or3A_1372 : vector<1024x128xi32>
    %add3A_1374 = arith.addi %add3A_1365, %xor3A_1373 : vector<1024x128xi32>
    %shift_left3A_1375 = arith.constant 15 : i32
    %shift_left3A_1376 = vector.broadcast %shift_left3A_1375 : i32 to vector<1024x128xi32>
    %shift_left3A_1377 = arith.shli %xor3A_1373, %shift_left3A_1376 : vector<1024x128xi32>
    %shift_right_logical3A_1378 = arith.constant 17 : i32
    %shift_right_logical3A_1379 = vector.broadcast %shift_right_logical3A_1378 : i32 to vector<1024x128xi32>
    %shift_right_logical3A_1380 = arith.shrui %xor3A_1373, %shift_right_logical3A_1379 : vector<1024x128xi32>
    %or3A_1381 = arith.ori %shift_left3A_1377, %shift_right_logical3A_1380 : vector<1024x128xi32>
    %xor3A_1382 = arith.xori %add3A_1374, %or3A_1381 : vector<1024x128xi32>
    %add3A_1383 = arith.addi %add3A_1374, %xor3A_1382 : vector<1024x128xi32>
    %shift_left3A_1384 = arith.constant 26 : i32
    %shift_left3A_1385 = vector.broadcast %shift_left3A_1384 : i32 to vector<1024x128xi32>
    %shift_left3A_1386 = arith.shli %xor3A_1382, %shift_left3A_1385 : vector<1024x128xi32>
    %shift_right_logical3A_1387 = arith.constant 6 : i32
    %shift_right_logical3A_1388 = vector.broadcast %shift_right_logical3A_1387 : i32 to vector<1024x128xi32>
    %shift_right_logical3A_1389 = arith.shrui %xor3A_1382, %shift_right_logical3A_1388 : vector<1024x128xi32>
    %or3A_1390 = arith.ori %shift_left3A_1386, %shift_right_logical3A_1389 : vector<1024x128xi32>
    %xor3A_1391 = arith.xori %add3A_1383, %or3A_1390 : vector<1024x128xi32>
    %add3A_1392 = arith.addi %add3A_1383, %xor3A_1391 : vector<1024x128xi32>
    %shift_left3A_1393 = arith.constant 6 : i32
    %shift_left3A_1394 = vector.broadcast %shift_left3A_1393 : i32 to vector<1024x128xi32>
    %shift_left3A_1395 = arith.shli %xor3A_1391, %shift_left3A_1394 : vector<1024x128xi32>
    %shift_right_logical3A_1396 = arith.constant 26 : i32
    %shift_right_logical3A_1397 = vector.broadcast %shift_right_logical3A_1396 : i32 to vector<1024x128xi32>
    %shift_right_logical3A_1398 = arith.shrui %xor3A_1391, %shift_right_logical3A_1397 : vector<1024x128xi32>
    %or3A_1399 = arith.ori %shift_left3A_1395, %shift_right_logical3A_1398 : vector<1024x128xi32>
    %xor3A_1400 = arith.xori %add3A_1392, %or3A_1399 : vector<1024x128xi32>
    %add3A_1401 = vector.broadcast %xor3A_1186 : vector<1x1xi32> to vector<1024x128xi32>
    %add3A_1402 = arith.addi %add3A_1392, %add3A_1401 : vector<1024x128xi32>
    %add3A_1403 = vector.broadcast %get3A_1177 : vector<1x1xi32> to vector<1024x128xi32>
    %add3A_1404 = arith.addi %xor3A_1400, %add3A_1403 : vector<1024x128xi32>
    %add3A_1405 = arith.constant 5 : i32
    %add3A_1406 = vector.broadcast %add3A_1405 : i32 to vector<1024x128xi32>
    %add3A_1407 = arith.addi %add3A_1404, %add3A_1406 : vector<1024x128xi32>
    %xor3A_1408 = arith.xori %add3A_1402, %add3A_1407 : vector<1024x128xi32>
    %shift_right_logical3A_1409 = arith.constant 9 : i32
    %shift_right_logical3A_1410 = vector.broadcast %shift_right_logical3A_1409 : i32 to vector<1024x128xi32>
    %shift_right_logical3A_1411 = arith.shrui %xor3A_1408, %shift_right_logical3A_1410 : vector<1024x128xi32>
    %or3A_1412 = arith.constant 1065353216 : i32
    %or3A_1413 = vector.broadcast %or3A_1412 : i32 to vector<1024x128xi32>
    %or3A_1414 = arith.ori %shift_right_logical3A_1411, %or3A_1413 : vector<1024x128xi32>
    %bitcast_convert_type3A_1415 = tpu.bitcast %or3A_1414 : vector<1024x128xi32> -> vector<1024x128xf32>
    %sub3A_1416 = arith.constant 1.000000e+00 : f32
    %sub3A_1417 = vector.broadcast %sub3A_1416 : f32 to vector<1024x128xf32>
    %sub3A_1418 = arith.subf %bitcast_convert_type3A_1415, %sub3A_1417 : vector<1024x128xf32>
    %mul3A_1419 = arith.constant 1.000000e+00 : f32
    %mul3A_1420 = vector.broadcast %mul3A_1419 : f32 to vector<1024x128xf32>
    %mul3A_1421 = arith.mulf %sub3A_1418, %mul3A_1420 : vector<1024x128xf32>
    %add3A_1422 = arith.constant 1.17549435E-38 : f32
    %add3A_1423 = vector.broadcast %add3A_1422 : f32 to vector<1024x128xf32>
    %add3A_1424 = arith.addf %mul3A_1421, %add3A_1423 : vector<1024x128xf32>
    %max3A_1425 = arith.constant 1.17549435E-38 : f32
    %max3A_1426 = vector.broadcast %max3A_1425 : f32 to vector<1024x128xf32>
    %max3A_1427 = arith.maximumf %max3A_1426, %add3A_1424 : vector<1024x128xf32>
    %log3A_1428 = math.log %max3A_1427 : vector<1024x128xf32>
    %neg3A_1429 = arith.constant 0.000000e+00 : f32
    %neg3A_1430 = vector.broadcast %neg3A_1429 : f32 to vector<1024x128xf32>
    %neg3A_1431 = arith.subf %neg3A_1430, %log3A_1428 : vector<1024x128xf32>
    %log3A_1432 = math.log %neg3A_1431 : vector<1024x128xf32>
    %neg3A_1433 = arith.constant 0.000000e+00 : f32
    %neg3A_1434 = vector.broadcast %neg3A_1433 : f32 to vector<1024x128xf32>
    %neg3A_1435 = arith.subf %neg3A_1434, %log3A_1432 : vector<1024x128xf32>
    %get3A_1436 = arith.constant 0 : index
    %get3A_1437 = arith.constant 0 : index
    %get3A_1438 = vector.load %arg4[%get3A_1436, %get3A_1437] : memref<1024x64xf32, #tpu.memory_space<vmem>>, vector<1024x64xf32>
    %get3A_1439 = arith.constant 4 : index
    %get3A_1440 = arith.constant 0 : index
    %get3A_1441 = arith.constant 0 : index
    %get3A_1442 = vector.load %arg2[%get3A_1439, %get3A_1440, %get3A_1441] : memref<8x64x128xf32, #tpu.memory_space<vmem>>, vector<1x64x128xf32>
    %get3A_1443 = vector.shape_cast %get3A_1442 : vector<1x64x128xf32> to vector<64x128xf32>
    %dot_general3A_1444 = arith.constant dense<0.000000e+00> : vector<1024x128xf32>
    %dot_general3A_1445 = tpu.matmul %get3A_1438, %get3A_1443, %dot_general3A_1444 {dimension_numbers = #tpu.dot_dimension_numbers<[1], [0], [0], [1], [0, 0, 1, 1], [], []>, precision = #tpu.contract_precision<fp32>, transpose_lhs_hint = false} : vector<1024x64xf32>, vector<64x128xf32>, vector<1024x128xf32> -> vector<1024x128xf32>
    %slice3A_1446 = vector.extract_strided_slice %dot_general3A_8 {offsets = [4096, 0], sizes = [1024, 128], strides = [1, 1]} : vector<8192x128xf32> to vector<1024x128xf32>
    %add3A_1447 = arith.addf %dot_general3A_1445, %slice3A_1446 : vector<1024x128xf32>
    %add3A_1448 = arith.addf %add3A_1447, %neg3A_1435 : vector<1024x128xf32>
    %reduce_max3A_1449 = arith.constant dense<0xFF800000> : vector<1024xf32>
    %reduce_max3A_1450 = vector.multi_reduction <maximumf>, %add3A_1448, %reduce_max3A_1449 [1] : vector<1024x128xf32> to vector<1024xf32>
    %broadcast_in_dim3A_1451 = vector.shape_cast %reduce_max3A_1450 : vector<1024xf32> to vector<1024x1xf32>
    %iota3A_1452 = tpu.iota {dimensions = array<i32: 1>} : vector<1024x128xi32>
    %eq3A_1453 = vector.broadcast %broadcast_in_dim3A_1451 : vector<1024x1xf32> to vector<1024x128xf32>
    %eq3A_1454 = arith.cmpf oeq, %add3A_1448, %eq3A_1453 : vector<1024x128xf32>
    %jit3A_1455 = arith.constant 128 : i32
    %broadcast_in_dim3A_1456 = vector.broadcast %jit3A_1455 : i32 to vector<1024x128xi32>
    %select_n3A_1457 = arith.select %eq3A_1454, %iota3A_1452, %broadcast_in_dim3A_1456 : vector<1024x128xi1>, vector<1024x128xi32>
    %reduce_min3A_1458 = arith.constant dense<2147483647> : vector<1024xi32>
    %reduce_min3A_1459 = vector.multi_reduction <minsi>, %select_n3A_1457, %reduce_min3A_1458 [1] : vector<1024x128xi32> to vector<1024xi32>
    %broadcast_in_dim3A_1460 = vector.shape_cast %reduce_min3A_1459 : vector<1024xi32> to vector<1024x1xi32>
    %swap3A_1461 = arith.constant 4 : index
    %swap3A_1462 = arith.constant 0 : index
    %swap3A_1463 = arith.constant 0 : index
    %swap3A_1464 = vector.load %arg6[%swap3A_1461, %swap3A_1462, %swap3A_1463] : memref<8x1024x1xi32, #tpu.memory_space<vmem>>, vector<1x1024x1xi32>
    %swap3A_1465 = vector.shape_cast %swap3A_1464 : vector<1x1024x1xi32> to vector<1024x1xi32>
    %swap3A_1466 = vector.shape_cast %broadcast_in_dim3A_1460 : vector<1024x1xi32> to vector<1x1024x1xi32>
    tpu.vector_store %arg6[%swap3A_1461, %swap3A_1462, %swap3A_1463], %swap3A_1466 {strides = array<i32>} : memref<8x1024x1xi32, #tpu.memory_space<vmem>>, vector<1x1024x1xi32>,
    %get3A_1467 = arith.constant 5 : index
    %get3A_1468 = arith.constant 0 : index
    %get3A_1469 = arith.constant 0 : index
    %get3A_1470 = vector.load %arg1[%get3A_1467, %get3A_1468, %get3A_1469] : memref<8x1x2xi32, #tpu.memory_space<vmem>>, vector<1x1x1xi32>
    %get3A_1471 = vector.shape_cast %get3A_1470 : vector<1x1x1xi32> to vector<1x1xi32>
    %get3A_1472 = arith.constant 5 : index
    %get3A_1473 = arith.constant 0 : index
    %get3A_1474 = arith.constant 1 : index
    %get3A_1475 = vector.load %arg1[%get3A_1472, %get3A_1473, %get3A_1474] : memref<8x1x2xi32, #tpu.memory_space<vmem>>, vector<1x1x1xi32>
    %get3A_1476 = vector.shape_cast %get3A_1475 : vector<1x1x1xi32> to vector<1x1xi32>
    %xor3A_1477 = arith.xori %get3A_1471, %get3A_1476 : vector<1x1xi32>
    %xor3A_1478 = arith.constant 466688986 : i32
    %xor3A_1479 = vector.broadcast %xor3A_1478 : i32 to vector<1x1xi32>
    %xor3A_1480 = arith.xori %xor3A_1477, %xor3A_1479 : vector<1x1xi32>
    %broadcast_in_dim3A_1481 = arith.constant 0 : i32
    %broadcast_in_dim3A_1482 = vector.broadcast %broadcast_in_dim3A_1481 : i32 to vector<1024x128xi32>
    %add3A_1483 = vector.broadcast %get3A_1471 : vector<1x1xi32> to vector<1024x128xi32>
    %add3A_1484 = arith.addi %add3A_1483, %broadcast_in_dim3A_1482 : vector<1024x128xi32>
    %add3A_1485 = vector.broadcast %get3A_1476 : vector<1x1xi32> to vector<1024x128xi32>
    %add3A_1486 = arith.addi %add3A, %add3A_1485 : vector<1024x128xi32>
    %add3A_1487 = arith.addi %add3A_1484, %add3A_1486 : vector<1024x128xi32>
    %shift_left3A_1488 = arith.constant 13 : i32
    %shift_left3A_1489 = vector.broadcast %shift_left3A_1488 : i32 to vector<1024x128xi32>
    %shift_left3A_1490 = arith.shli %add3A_1486, %shift_left3A_1489 : vector<1024x128xi32>
    %shift_right_logical3A_1491 = arith.constant 19 : i32
    %shift_right_logical3A_1492 = vector.broadcast %shift_right_logical3A_1491 : i32 to vector<1024x128xi32>
    %shift_right_logical3A_1493 = arith.shrui %add3A_1486, %shift_right_logical3A_1492 : vector<1024x128xi32>
    %or3A_1494 = arith.ori %shift_left3A_1490, %shift_right_logical3A_1493 : vector<1024x128xi32>
    %xor3A_1495 = arith.xori %add3A_1487, %or3A_1494 : vector<1024x128xi32>
    %add3A_1496 = arith.addi %add3A_1487, %xor3A_1495 : vector<1024x128xi32>
    %shift_left3A_1497 = arith.constant 15 : i32
    %shift_left3A_1498 = vector.broadcast %shift_left3A_1497 : i32 to vector<1024x128xi32>
    %shift_left3A_1499 = arith.shli %xor3A_1495, %shift_left3A_1498 : vector<1024x128xi32>
    %shift_right_logical3A_1500 = arith.constant 17 : i32
    %shift_right_logical3A_1501 = vector.broadcast %shift_right_logical3A_1500 : i32 to vector<1024x128xi32>
    %shift_right_logical3A_1502 = arith.shrui %xor3A_1495, %shift_right_logical3A_1501 : vector<1024x128xi32>
    %or3A_1503 = arith.ori %shift_left3A_1499, %shift_right_logical3A_1502 : vector<1024x128xi32>
    %xor3A_1504 = arith.xori %add3A_1496, %or3A_1503 : vector<1024x128xi32>
    %add3A_1505 = arith.addi %add3A_1496, %xor3A_1504 : vector<1024x128xi32>
    %shift_left3A_1506 = arith.constant 26 : i32
    %shift_left3A_1507 = vector.broadcast %shift_left3A_1506 : i32 to vector<1024x128xi32>
    %shift_left3A_1508 = arith.shli %xor3A_1504, %shift_left3A_1507 : vector<1024x128xi32>
    %shift_right_logical3A_1509 = arith.constant 6 : i32
    %shift_right_logical3A_1510 = vector.broadcast %shift_right_logical3A_1509 : i32 to vector<1024x128xi32>
    %shift_right_logical3A_1511 = arith.shrui %xor3A_1504, %shift_right_logical3A_1510 : vector<1024x128xi32>
    %or3A_1512 = arith.ori %shift_left3A_1508, %shift_right_logical3A_1511 : vector<1024x128xi32>
    %xor3A_1513 = arith.xori %add3A_1505, %or3A_1512 : vector<1024x128xi32>
    %add3A_1514 = arith.addi %add3A_1505, %xor3A_1513 : vector<1024x128xi32>
    %shift_left3A_1515 = arith.constant 6 : i32
    %shift_left3A_1516 = vector.broadcast %shift_left3A_1515 : i32 to vector<1024x128xi32>
    %shift_left3A_1517 = arith.shli %xor3A_1513, %shift_left3A_1516 : vector<1024x128xi32>
    %shift_right_logical3A_1518 = arith.constant 26 : i32
    %shift_right_logical3A_1519 = vector.broadcast %shift_right_logical3A_1518 : i32 to vector<1024x128xi32>
    %shift_right_logical3A_1520 = arith.shrui %xor3A_1513, %shift_right_logical3A_1519 : vector<1024x128xi32>
    %or3A_1521 = arith.ori %shift_left3A_1517, %shift_right_logical3A_1520 : vector<1024x128xi32>
    %xor3A_1522 = arith.xori %add3A_1514, %or3A_1521 : vector<1024x128xi32>
    %add3A_1523 = vector.broadcast %get3A_1476 : vector<1x1xi32> to vector<1024x128xi32>
    %add3A_1524 = arith.addi %add3A_1514, %add3A_1523 : vector<1024x128xi32>
    %add3A_1525 = vector.broadcast %xor3A_1480 : vector<1x1xi32> to vector<1024x128xi32>
    %add3A_1526 = arith.addi %xor3A_1522, %add3A_1525 : vector<1024x128xi32>
    %add3A_1527 = arith.constant 1 : i32
    %add3A_1528 = vector.broadcast %add3A_1527 : i32 to vector<1024x128xi32>
    %add3A_1529 = arith.addi %add3A_1526, %add3A_1528 : vector<1024x128xi32>
    %add3A_1530 = arith.addi %add3A_1524, %add3A_1529 : vector<1024x128xi32>
    %shift_left3A_1531 = arith.constant 17 : i32
    %shift_left3A_1532 = vector.broadcast %shift_left3A_1531 : i32 to vector<1024x128xi32>
    %shift_left3A_1533 = arith.shli %add3A_1529, %shift_left3A_1532 : vector<1024x128xi32>
    %shift_right_logical3A_1534 = arith.constant 15 : i32
    %shift_right_logical3A_1535 = vector.broadcast %shift_right_logical3A_1534 : i32 to vector<1024x128xi32>
    %shift_right_logical3A_1536 = arith.shrui %add3A_1529, %shift_right_logical3A_1535 : vector<1024x128xi32>
    %or3A_1537 = arith.ori %shift_left3A_1533, %shift_right_logical3A_1536 : vector<1024x128xi32>
    %xor3A_1538 = arith.xori %add3A_1530, %or3A_1537 : vector<1024x128xi32>
    %add3A_1539 = arith.addi %add3A_1530, %xor3A_1538 : vector<1024x128xi32>
    %shift_left3A_1540 = arith.constant 29 : i32
    %shift_left3A_1541 = vector.broadcast %shift_left3A_1540 : i32 to vector<1024x128xi32>
    %shift_left3A_1542 = arith.shli %xor3A_1538, %shift_left3A_1541 : vector<1024x128xi32>
    %shift_right_logical3A_1543 = arith.constant 3 : i32
    %shift_right_logical3A_1544 = vector.broadcast %shift_right_logical3A_1543 : i32 to vector<1024x128xi32>
    %shift_right_logical3A_1545 = arith.shrui %xor3A_1538, %shift_right_logical3A_1544 : vector<1024x128xi32>
    %or3A_1546 = arith.ori %shift_left3A_1542, %shift_right_logical3A_1545 : vector<1024x128xi32>
    %xor3A_1547 = arith.xori %add3A_1539, %or3A_1546 : vector<1024x128xi32>
    %add3A_1548 = arith.addi %add3A_1539, %xor3A_1547 : vector<1024x128xi32>
    %shift_left3A_1549 = arith.constant 16 : i32
    %shift_left3A_1550 = vector.broadcast %shift_left3A_1549 : i32 to vector<1024x128xi32>
    %shift_left3A_1551 = arith.shli %xor3A_1547, %shift_left3A_1550 : vector<1024x128xi32>
    %shift_right_logical3A_1552 = arith.constant 16 : i32
    %shift_right_logical3A_1553 = vector.broadcast %shift_right_logical3A_1552 : i32 to vector<1024x128xi32>
    %shift_right_logical3A_1554 = arith.shrui %xor3A_1547, %shift_right_logical3A_1553 : vector<1024x128xi32>
    %or3A_1555 = arith.ori %shift_left3A_1551, %shift_right_logical3A_1554 : vector<1024x128xi32>
    %xor3A_1556 = arith.xori %add3A_1548, %or3A_1555 : vector<1024x128xi32>
    %add3A_1557 = arith.addi %add3A_1548, %xor3A_1556 : vector<1024x128xi32>
    %shift_left3A_1558 = arith.constant 24 : i32
    %shift_left3A_1559 = vector.broadcast %shift_left3A_1558 : i32 to vector<1024x128xi32>
    %shift_left3A_1560 = arith.shli %xor3A_1556, %shift_left3A_1559 : vector<1024x128xi32>
    %shift_right_logical3A_1561 = arith.constant 8 : i32
    %shift_right_logical3A_1562 = vector.broadcast %shift_right_logical3A_1561 : i32 to vector<1024x128xi32>
    %shift_right_logical3A_1563 = arith.shrui %xor3A_1556, %shift_right_logical3A_1562 : vector<1024x128xi32>
    %or3A_1564 = arith.ori %shift_left3A_1560, %shift_right_logical3A_1563 : vector<1024x128xi32>
    %xor3A_1565 = arith.xori %add3A_1557, %or3A_1564 : vector<1024x128xi32>
    %add3A_1566 = vector.broadcast %xor3A_1480 : vector<1x1xi32> to vector<1024x128xi32>
    %add3A_1567 = arith.addi %add3A_1557, %add3A_1566 : vector<1024x128xi32>
    %add3A_1568 = vector.broadcast %get3A_1471 : vector<1x1xi32> to vector<1024x128xi32>
    %add3A_1569 = arith.addi %xor3A_1565, %add3A_1568 : vector<1024x128xi32>
    %add3A_1570 = arith.constant 2 : i32
    %add3A_1571 = vector.broadcast %add3A_1570 : i32 to vector<1024x128xi32>
    %add3A_1572 = arith.addi %add3A_1569, %add3A_1571 : vector<1024x128xi32>
    %add3A_1573 = arith.addi %add3A_1567, %add3A_1572 : vector<1024x128xi32>
    %shift_left3A_1574 = arith.constant 13 : i32
    %shift_left3A_1575 = vector.broadcast %shift_left3A_1574 : i32 to vector<1024x128xi32>
    %shift_left3A_1576 = arith.shli %add3A_1572, %shift_left3A_1575 : vector<1024x128xi32>
    %shift_right_logical3A_1577 = arith.constant 19 : i32
    %shift_right_logical3A_1578 = vector.broadcast %shift_right_logical3A_1577 : i32 to vector<1024x128xi32>
    %shift_right_logical3A_1579 = arith.shrui %add3A_1572, %shift_right_logical3A_1578 : vector<1024x128xi32>
    %or3A_1580 = arith.ori %shift_left3A_1576, %shift_right_logical3A_1579 : vector<1024x128xi32>
    %xor3A_1581 = arith.xori %add3A_1573, %or3A_1580 : vector<1024x128xi32>
    %add3A_1582 = arith.addi %add3A_1573, %xor3A_1581 : vector<1024x128xi32>
    %shift_left3A_1583 = arith.constant 15 : i32
    %shift_left3A_1584 = vector.broadcast %shift_left3A_1583 : i32 to vector<1024x128xi32>
    %shift_left3A_1585 = arith.shli %xor3A_1581, %shift_left3A_1584 : vector<1024x128xi32>
    %shift_right_logical3A_1586 = arith.constant 17 : i32
    %shift_right_logical3A_1587 = vector.broadcast %shift_right_logical3A_1586 : i32 to vector<1024x128xi32>
    %shift_right_logical3A_1588 = arith.shrui %xor3A_1581, %shift_right_logical3A_1587 : vector<1024x128xi32>
    %or3A_1589 = arith.ori %shift_left3A_1585, %shift_right_logical3A_1588 : vector<1024x128xi32>
    %xor3A_1590 = arith.xori %add3A_1582, %or3A_1589 : vector<1024x128xi32>
    %add3A_1591 = arith.addi %add3A_1582, %xor3A_1590 : vector<1024x128xi32>
    %shift_left3A_1592 = arith.constant 26 : i32
    %shift_left3A_1593 = vector.broadcast %shift_left3A_1592 : i32 to vector<1024x128xi32>
    %shift_left3A_1594 = arith.shli %xor3A_1590, %shift_left3A_1593 : vector<1024x128xi32>
    %shift_right_logical3A_1595 = arith.constant 6 : i32
    %shift_right_logical3A_1596 = vector.broadcast %shift_right_logical3A_1595 : i32 to vector<1024x128xi32>
    %shift_right_logical3A_1597 = arith.shrui %xor3A_1590, %shift_right_logical3A_1596 : vector<1024x128xi32>
    %or3A_1598 = arith.ori %shift_left3A_1594, %shift_right_logical3A_1597 : vector<1024x128xi32>
    %xor3A_1599 = arith.xori %add3A_1591, %or3A_1598 : vector<1024x128xi32>
    %add3A_1600 = arith.addi %add3A_1591, %xor3A_1599 : vector<1024x128xi32>
    %shift_left3A_1601 = arith.constant 6 : i32
    %shift_left3A_1602 = vector.broadcast %shift_left3A_1601 : i32 to vector<1024x128xi32>
    %shift_left3A_1603 = arith.shli %xor3A_1599, %shift_left3A_1602 : vector<1024x128xi32>
    %shift_right_logical3A_1604 = arith.constant 26 : i32
    %shift_right_logical3A_1605 = vector.broadcast %shift_right_logical3A_1604 : i32 to vector<1024x128xi32>
    %shift_right_logical3A_1606 = arith.shrui %xor3A_1599, %shift_right_logical3A_1605 : vector<1024x128xi32>
    %or3A_1607 = arith.ori %shift_left3A_1603, %shift_right_logical3A_1606 : vector<1024x128xi32>
    %xor3A_1608 = arith.xori %add3A_1600, %or3A_1607 : vector<1024x128xi32>
    %add3A_1609 = vector.broadcast %get3A_1471 : vector<1x1xi32> to vector<1024x128xi32>
    %add3A_1610 = arith.addi %add3A_1600, %add3A_1609 : vector<1024x128xi32>
    %add3A_1611 = vector.broadcast %get3A_1476 : vector<1x1xi32> to vector<1024x128xi32>
    %add3A_1612 = arith.addi %xor3A_1608, %add3A_1611 : vector<1024x128xi32>
    %add3A_1613 = arith.constant 3 : i32
    %add3A_1614 = vector.broadcast %add3A_1613 : i32 to vector<1024x128xi32>
    %add3A_1615 = arith.addi %add3A_1612, %add3A_1614 : vector<1024x128xi32>
    %add3A_1616 = arith.addi %add3A_1610, %add3A_1615 : vector<1024x128xi32>
    %shift_left3A_1617 = arith.constant 17 : i32
    %shift_left3A_1618 = vector.broadcast %shift_left3A_1617 : i32 to vector<1024x128xi32>
    %shift_left3A_1619 = arith.shli %add3A_1615, %shift_left3A_1618 : vector<1024x128xi32>
    %shift_right_logical3A_1620 = arith.constant 15 : i32
    %shift_right_logical3A_1621 = vector.broadcast %shift_right_logical3A_1620 : i32 to vector<1024x128xi32>
    %shift_right_logical3A_1622 = arith.shrui %add3A_1615, %shift_right_logical3A_1621 : vector<1024x128xi32>
    %or3A_1623 = arith.ori %shift_left3A_1619, %shift_right_logical3A_1622 : vector<1024x128xi32>
    %xor3A_1624 = arith.xori %add3A_1616, %or3A_1623 : vector<1024x128xi32>
    %add3A_1625 = arith.addi %add3A_1616, %xor3A_1624 : vector<1024x128xi32>
    %shift_left3A_1626 = arith.constant 29 : i32
    %shift_left3A_1627 = vector.broadcast %shift_left3A_1626 : i32 to vector<1024x128xi32>
    %shift_left3A_1628 = arith.shli %xor3A_1624, %shift_left3A_1627 : vector<1024x128xi32>
    %shift_right_logical3A_1629 = arith.constant 3 : i32
    %shift_right_logical3A_1630 = vector.broadcast %shift_right_logical3A_1629 : i32 to vector<1024x128xi32>
    %shift_right_logical3A_1631 = arith.shrui %xor3A_1624, %shift_right_logical3A_1630 : vector<1024x128xi32>
    %or3A_1632 = arith.ori %shift_left3A_1628, %shift_right_logical3A_1631 : vector<1024x128xi32>
    %xor3A_1633 = arith.xori %add3A_1625, %or3A_1632 : vector<1024x128xi32>
    %add3A_1634 = arith.addi %add3A_1625, %xor3A_1633 : vector<1024x128xi32>
    %shift_left3A_1635 = arith.constant 16 : i32
    %shift_left3A_1636 = vector.broadcast %shift_left3A_1635 : i32 to vector<1024x128xi32>
    %shift_left3A_1637 = arith.shli %xor3A_1633, %shift_left3A_1636 : vector<1024x128xi32>
    %shift_right_logical3A_1638 = arith.constant 16 : i32
    %shift_right_logical3A_1639 = vector.broadcast %shift_right_logical3A_1638 : i32 to vector<1024x128xi32>
    %shift_right_logical3A_1640 = arith.shrui %xor3A_1633, %shift_right_logical3A_1639 : vector<1024x128xi32>
    %or3A_1641 = arith.ori %shift_left3A_1637, %shift_right_logical3A_1640 : vector<1024x128xi32>
    %xor3A_1642 = arith.xori %add3A_1634, %or3A_1641 : vector<1024x128xi32>
    %add3A_1643 = arith.addi %add3A_1634, %xor3A_1642 : vector<1024x128xi32>
    %shift_left3A_1644 = arith.constant 24 : i32
    %shift_left3A_1645 = vector.broadcast %shift_left3A_1644 : i32 to vector<1024x128xi32>
    %shift_left3A_1646 = arith.shli %xor3A_1642, %shift_left3A_1645 : vector<1024x128xi32>
    %shift_right_logical3A_1647 = arith.constant 8 : i32
    %shift_right_logical3A_1648 = vector.broadcast %shift_right_logical3A_1647 : i32 to vector<1024x128xi32>
    %shift_right_logical3A_1649 = arith.shrui %xor3A_1642, %shift_right_logical3A_1648 : vector<1024x128xi32>
    %or3A_1650 = arith.ori %shift_left3A_1646, %shift_right_logical3A_1649 : vector<1024x128xi32>
    %xor3A_1651 = arith.xori %add3A_1643, %or3A_1650 : vector<1024x128xi32>
    %add3A_1652 = vector.broadcast %get3A_1476 : vector<1x1xi32> to vector<1024x128xi32>
    %add3A_1653 = arith.addi %add3A_1643, %add3A_1652 : vector<1024x128xi32>
    %add3A_1654 = vector.broadcast %xor3A_1480 : vector<1x1xi32> to vector<1024x128xi32>
    %add3A_1655 = arith.addi %xor3A_1651, %add3A_1654 : vector<1024x128xi32>
    %add3A_1656 = arith.constant 4 : i32
    %add3A_1657 = vector.broadcast %add3A_1656 : i32 to vector<1024x128xi32>
    %add3A_1658 = arith.addi %add3A_1655, %add3A_1657 : vector<1024x128xi32>
    %add3A_1659 = arith.addi %add3A_1653, %add3A_1658 : vector<1024x128xi32>
    %shift_left3A_1660 = arith.constant 13 : i32
    %shift_left3A_1661 = vector.broadcast %shift_left3A_1660 : i32 to vector<1024x128xi32>
    %shift_left3A_1662 = arith.shli %add3A_1658, %shift_left3A_1661 : vector<1024x128xi32>
    %shift_right_logical3A_1663 = arith.constant 19 : i32
    %shift_right_logical3A_1664 = vector.broadcast %shift_right_logical3A_1663 : i32 to vector<1024x128xi32>
    %shift_right_logical3A_1665 = arith.shrui %add3A_1658, %shift_right_logical3A_1664 : vector<1024x128xi32>
    %or3A_1666 = arith.ori %shift_left3A_1662, %shift_right_logical3A_1665 : vector<1024x128xi32>
    %xor3A_1667 = arith.xori %add3A_1659, %or3A_1666 : vector<1024x128xi32>
    %add3A_1668 = arith.addi %add3A_1659, %xor3A_1667 : vector<1024x128xi32>
    %shift_left3A_1669 = arith.constant 15 : i32
    %shift_left3A_1670 = vector.broadcast %shift_left3A_1669 : i32 to vector<1024x128xi32>
    %shift_left3A_1671 = arith.shli %xor3A_1667, %shift_left3A_1670 : vector<1024x128xi32>
    %shift_right_logical3A_1672 = arith.constant 17 : i32
    %shift_right_logical3A_1673 = vector.broadcast %shift_right_logical3A_1672 : i32 to vector<1024x128xi32>
    %shift_right_logical3A_1674 = arith.shrui %xor3A_1667, %shift_right_logical3A_1673 : vector<1024x128xi32>
    %or3A_1675 = arith.ori %shift_left3A_1671, %shift_right_logical3A_1674 : vector<1024x128xi32>
    %xor3A_1676 = arith.xori %add3A_1668, %or3A_1675 : vector<1024x128xi32>
    %add3A_1677 = arith.addi %add3A_1668, %xor3A_1676 : vector<1024x128xi32>
    %shift_left3A_1678 = arith.constant 26 : i32
    %shift_left3A_1679 = vector.broadcast %shift_left3A_1678 : i32 to vector<1024x128xi32>
    %shift_left3A_1680 = arith.shli %xor3A_1676, %shift_left3A_1679 : vector<1024x128xi32>
    %shift_right_logical3A_1681 = arith.constant 6 : i32
    %shift_right_logical3A_1682 = vector.broadcast %shift_right_logical3A_1681 : i32 to vector<1024x128xi32>
    %shift_right_logical3A_1683 = arith.shrui %xor3A_1676, %shift_right_logical3A_1682 : vector<1024x128xi32>
    %or3A_1684 = arith.ori %shift_left3A_1680, %shift_right_logical3A_1683 : vector<1024x128xi32>
    %xor3A_1685 = arith.xori %add3A_1677, %or3A_1684 : vector<1024x128xi32>
    %add3A_1686 = arith.addi %add3A_1677, %xor3A_1685 : vector<1024x128xi32>
    %shift_left3A_1687 = arith.constant 6 : i32
    %shift_left3A_1688 = vector.broadcast %shift_left3A_1687 : i32 to vector<1024x128xi32>
    %shift_left3A_1689 = arith.shli %xor3A_1685, %shift_left3A_1688 : vector<1024x128xi32>
    %shift_right_logical3A_1690 = arith.constant 26 : i32
    %shift_right_logical3A_1691 = vector.broadcast %shift_right_logical3A_1690 : i32 to vector<1024x128xi32>
    %shift_right_logical3A_1692 = arith.shrui %xor3A_1685, %shift_right_logical3A_1691 : vector<1024x128xi32>
    %or3A_1693 = arith.ori %shift_left3A_1689, %shift_right_logical3A_1692 : vector<1024x128xi32>
    %xor3A_1694 = arith.xori %add3A_1686, %or3A_1693 : vector<1024x128xi32>
    %add3A_1695 = vector.broadcast %xor3A_1480 : vector<1x1xi32> to vector<1024x128xi32>
    %add3A_1696 = arith.addi %add3A_1686, %add3A_1695 : vector<1024x128xi32>
    %add3A_1697 = vector.broadcast %get3A_1471 : vector<1x1xi32> to vector<1024x128xi32>
    %add3A_1698 = arith.addi %xor3A_1694, %add3A_1697 : vector<1024x128xi32>
    %add3A_1699 = arith.constant 5 : i32
    %add3A_1700 = vector.broadcast %add3A_1699 : i32 to vector<1024x128xi32>
    %add3A_1701 = arith.addi %add3A_1698, %add3A_1700 : vector<1024x128xi32>
    %xor3A_1702 = arith.xori %add3A_1696, %add3A_1701 : vector<1024x128xi32>
    %shift_right_logical3A_1703 = arith.constant 9 : i32
    %shift_right_logical3A_1704 = vector.broadcast %shift_right_logical3A_1703 : i32 to vector<1024x128xi32>
    %shift_right_logical3A_1705 = arith.shrui %xor3A_1702, %shift_right_logical3A_1704 : vector<1024x128xi32>
    %or3A_1706 = arith.constant 1065353216 : i32
    %or3A_1707 = vector.broadcast %or3A_1706 : i32 to vector<1024x128xi32>
    %or3A_1708 = arith.ori %shift_right_logical3A_1705, %or3A_1707 : vector<1024x128xi32>
    %bitcast_convert_type3A_1709 = tpu.bitcast %or3A_1708 : vector<1024x128xi32> -> vector<1024x128xf32>
    %sub3A_1710 = arith.constant 1.000000e+00 : f32
    %sub3A_1711 = vector.broadcast %sub3A_1710 : f32 to vector<1024x128xf32>
    %sub3A_1712 = arith.subf %bitcast_convert_type3A_1709, %sub3A_1711 : vector<1024x128xf32>
    %mul3A_1713 = arith.constant 1.000000e+00 : f32
    %mul3A_1714 = vector.broadcast %mul3A_1713 : f32 to vector<1024x128xf32>
    %mul3A_1715 = arith.mulf %sub3A_1712, %mul3A_1714 : vector<1024x128xf32>
    %add3A_1716 = arith.constant 1.17549435E-38 : f32
    %add3A_1717 = vector.broadcast %add3A_1716 : f32 to vector<1024x128xf32>
    %add3A_1718 = arith.addf %mul3A_1715, %add3A_1717 : vector<1024x128xf32>
    %max3A_1719 = arith.constant 1.17549435E-38 : f32
    %max3A_1720 = vector.broadcast %max3A_1719 : f32 to vector<1024x128xf32>
    %max3A_1721 = arith.maximumf %max3A_1720, %add3A_1718 : vector<1024x128xf32>
    %log3A_1722 = math.log %max3A_1721 : vector<1024x128xf32>
    %neg3A_1723 = arith.constant 0.000000e+00 : f32
    %neg3A_1724 = vector.broadcast %neg3A_1723 : f32 to vector<1024x128xf32>
    %neg3A_1725 = arith.subf %neg3A_1724, %log3A_1722 : vector<1024x128xf32>
    %log3A_1726 = math.log %neg3A_1725 : vector<1024x128xf32>
    %neg3A_1727 = arith.constant 0.000000e+00 : f32
    %neg3A_1728 = vector.broadcast %neg3A_1727 : f32 to vector<1024x128xf32>
    %neg3A_1729 = arith.subf %neg3A_1728, %log3A_1726 : vector<1024x128xf32>
    %get3A_1730 = arith.constant 0 : index
    %get3A_1731 = arith.constant 0 : index
    %get3A_1732 = vector.load %arg4[%get3A_1730, %get3A_1731] : memref<1024x64xf32, #tpu.memory_space<vmem>>, vector<1024x64xf32>
    %get3A_1733 = arith.constant 5 : index
    %get3A_1734 = arith.constant 0 : index
    %get3A_1735 = arith.constant 0 : index
    %get3A_1736 = vector.load %arg2[%get3A_1733, %get3A_1734, %get3A_1735] : memref<8x64x128xf32, #tpu.memory_space<vmem>>, vector<1x64x128xf32>
    %get3A_1737 = vector.shape_cast %get3A_1736 : vector<1x64x128xf32> to vector<64x128xf32>
    %dot_general3A_1738 = arith.constant dense<0.000000e+00> : vector<1024x128xf32>
    %dot_general3A_1739 = tpu.matmul %get3A_1732, %get3A_1737, %dot_general3A_1738 {dimension_numbers = #tpu.dot_dimension_numbers<[1], [0], [0], [1], [0, 0, 1, 1], [], []>, precision = #tpu.contract_precision<fp32>, transpose_lhs_hint = false} : vector<1024x64xf32>, vector<64x128xf32>, vector<1024x128xf32> -> vector<1024x128xf32>
    %slice3A_1740 = vector.extract_strided_slice %dot_general3A_8 {offsets = [5120, 0], sizes = [1024, 128], strides = [1, 1]} : vector<8192x128xf32> to vector<1024x128xf32>
    %add3A_1741 = arith.addf %dot_general3A_1739, %slice3A_1740 : vector<1024x128xf32>
    %add3A_1742 = arith.addf %add3A_1741, %neg3A_1729 : vector<1024x128xf32>
    %reduce_max3A_1743 = arith.constant dense<0xFF800000> : vector<1024xf32>
    %reduce_max3A_1744 = vector.multi_reduction <maximumf>, %add3A_1742, %reduce_max3A_1743 [1] : vector<1024x128xf32> to vector<1024xf32>
    %broadcast_in_dim3A_1745 = vector.shape_cast %reduce_max3A_1744 : vector<1024xf32> to vector<1024x1xf32>
    %iota3A_1746 = tpu.iota {dimensions = array<i32: 1>} : vector<1024x128xi32>
    %eq3A_1747 = vector.broadcast %broadcast_in_dim3A_1745 : vector<1024x1xf32> to vector<1024x128xf32>
    %eq3A_1748 = arith.cmpf oeq, %add3A_1742, %eq3A_1747 : vector<1024x128xf32>
    %jit3A_1749 = arith.constant 128 : i32
    %broadcast_in_dim3A_1750 = vector.broadcast %jit3A_1749 : i32 to vector<1024x128xi32>
    %select_n3A_1751 = arith.select %eq3A_1748, %iota3A_1746, %broadcast_in_dim3A_1750 : vector<1024x128xi1>, vector<1024x128xi32>
    %reduce_min3A_1752 = arith.constant dense<2147483647> : vector<1024xi32>
    %reduce_min3A_1753 = vector.multi_reduction <minsi>, %select_n3A_1751, %reduce_min3A_1752 [1] : vector<1024x128xi32> to vector<1024xi32>
    %broadcast_in_dim3A_1754 = vector.shape_cast %reduce_min3A_1753 : vector<1024xi32> to vector<1024x1xi32>
    %swap3A_1755 = arith.constant 5 : index
    %swap3A_1756 = arith.constant 0 : index
    %swap3A_1757 = arith.constant 0 : index
    %swap3A_1758 = vector.load %arg6[%swap3A_1755, %swap3A_1756, %swap3A_1757] : memref<8x1024x1xi32, #tpu.memory_space<vmem>>, vector<1x1024x1xi32>
    %swap3A_1759 = vector.shape_cast %swap3A_1758 : vector<1x1024x1xi32> to vector<1024x1xi32>
    %swap3A_1760 = vector.shape_cast %broadcast_in_dim3A_1754 : vector<1024x1xi32> to vector<1x1024x1xi32>
    tpu.vector_store %arg6[%swap3A_1755, %swap3A_1756, %swap3A_1757], %swap3A_1760 {strides = array<i32>} : memref<8x1024x1xi32, #tpu.memory_space<vmem>>, vector<1x1024x1xi32>,
    %get3A_1761 = arith.constant 6 : index
    %get3A_1762 = arith.constant 0 : index
    %get3A_1763 = arith.constant 0 : index
    %get3A_1764 = vector.load %arg1[%get3A_1761, %get3A_1762, %get3A_1763] : memref<8x1x2xi32, #tpu.memory_space<vmem>>, vector<1x1x1xi32>
    %get3A_1765 = vector.shape_cast %get3A_1764 : vector<1x1x1xi32> to vector<1x1xi32>
    %get3A_1766 = arith.constant 6 : index
    %get3A_1767 = arith.constant 0 : index
    %get3A_1768 = arith.constant 1 : index
    %get3A_1769 = vector.load %arg1[%get3A_1766, %get3A_1767, %get3A_1768] : memref<8x1x2xi32, #tpu.memory_space<vmem>>, vector<1x1x1xi32>
    %get3A_1770 = vector.shape_cast %get3A_1769 : vector<1x1x1xi32> to vector<1x1xi32>
    %xor3A_1771 = arith.xori %get3A_1765, %get3A_1770 : vector<1x1xi32>
    %xor3A_1772 = arith.constant 466688986 : i32
    %xor3A_1773 = vector.broadcast %xor3A_1772 : i32 to vector<1x1xi32>
    %xor3A_1774 = arith.xori %xor3A_1771, %xor3A_1773 : vector<1x1xi32>
    %broadcast_in_dim3A_1775 = arith.constant 0 : i32
    %broadcast_in_dim3A_1776 = vector.broadcast %broadcast_in_dim3A_1775 : i32 to vector<1024x128xi32>
    %add3A_1777 = vector.broadcast %get3A_1765 : vector<1x1xi32> to vector<1024x128xi32>
    %add3A_1778 = arith.addi %add3A_1777, %broadcast_in_dim3A_1776 : vector<1024x128xi32>
    %add3A_1779 = vector.broadcast %get3A_1770 : vector<1x1xi32> to vector<1024x128xi32>
    %add3A_1780 = arith.addi %add3A, %add3A_1779 : vector<1024x128xi32>
    %add3A_1781 = arith.addi %add3A_1778, %add3A_1780 : vector<1024x128xi32>
    %shift_left3A_1782 = arith.constant 13 : i32
    %shift_left3A_1783 = vector.broadcast %shift_left3A_1782 : i32 to vector<1024x128xi32>
    %shift_left3A_1784 = arith.shli %add3A_1780, %shift_left3A_1783 : vector<1024x128xi32>
    %shift_right_logical3A_1785 = arith.constant 19 : i32
    %shift_right_logical3A_1786 = vector.broadcast %shift_right_logical3A_1785 : i32 to vector<1024x128xi32>
    %shift_right_logical3A_1787 = arith.shrui %add3A_1780, %shift_right_logical3A_1786 : vector<1024x128xi32>
    %or3A_1788 = arith.ori %shift_left3A_1784, %shift_right_logical3A_1787 : vector<1024x128xi32>
    %xor3A_1789 = arith.xori %add3A_1781, %or3A_1788 : vector<1024x128xi32>
    %add3A_1790 = arith.addi %add3A_1781, %xor3A_1789 : vector<1024x128xi32>
    %shift_left3A_1791 = arith.constant 15 : i32
    %shift_left3A_1792 = vector.broadcast %shift_left3A_1791 : i32 to vector<1024x128xi32>
    %shift_left3A_1793 = arith.shli %xor3A_1789, %shift_left3A_1792 : vector<1024x128xi32>
    %shift_right_logical3A_1794 = arith.constant 17 : i32
    %shift_right_logical3A_1795 = vector.broadcast %shift_right_logical3A_1794 : i32 to vector<1024x128xi32>
    %shift_right_logical3A_1796 = arith.shrui %xor3A_1789, %shift_right_logical3A_1795 : vector<1024x128xi32>
    %or3A_1797 = arith.ori %shift_left3A_1793, %shift_right_logical3A_1796 : vector<1024x128xi32>
    %xor3A_1798 = arith.xori %add3A_1790, %or3A_1797 : vector<1024x128xi32>
    %add3A_1799 = arith.addi %add3A_1790, %xor3A_1798 : vector<1024x128xi32>
    %shift_left3A_1800 = arith.constant 26 : i32
    %shift_left3A_1801 = vector.broadcast %shift_left3A_1800 : i32 to vector<1024x128xi32>
    %shift_left3A_1802 = arith.shli %xor3A_1798, %shift_left3A_1801 : vector<1024x128xi32>
    %shift_right_logical3A_1803 = arith.constant 6 : i32
    %shift_right_logical3A_1804 = vector.broadcast %shift_right_logical3A_1803 : i32 to vector<1024x128xi32>
    %shift_right_logical3A_1805 = arith.shrui %xor3A_1798, %shift_right_logical3A_1804 : vector<1024x128xi32>
    %or3A_1806 = arith.ori %shift_left3A_1802, %shift_right_logical3A_1805 : vector<1024x128xi32>
    %xor3A_1807 = arith.xori %add3A_1799, %or3A_1806 : vector<1024x128xi32>
    %add3A_1808 = arith.addi %add3A_1799, %xor3A_1807 : vector<1024x128xi32>
    %shift_left3A_1809 = arith.constant 6 : i32
    %shift_left3A_1810 = vector.broadcast %shift_left3A_1809 : i32 to vector<1024x128xi32>
    %shift_left3A_1811 = arith.shli %xor3A_1807, %shift_left3A_1810 : vector<1024x128xi32>
    %shift_right_logical3A_1812 = arith.constant 26 : i32
    %shift_right_logical3A_1813 = vector.broadcast %shift_right_logical3A_1812 : i32 to vector<1024x128xi32>
    %shift_right_logical3A_1814 = arith.shrui %xor3A_1807, %shift_right_logical3A_1813 : vector<1024x128xi32>
    %or3A_1815 = arith.ori %shift_left3A_1811, %shift_right_logical3A_1814 : vector<1024x128xi32>
    %xor3A_1816 = arith.xori %add3A_1808, %or3A_1815 : vector<1024x128xi32>
    %add3A_1817 = vector.broadcast %get3A_1770 : vector<1x1xi32> to vector<1024x128xi32>
    %add3A_1818 = arith.addi %add3A_1808, %add3A_1817 : vector<1024x128xi32>
    %add3A_1819 = vector.broadcast %xor3A_1774 : vector<1x1xi32> to vector<1024x128xi32>
    %add3A_1820 = arith.addi %xor3A_1816, %add3A_1819 : vector<1024x128xi32>
    %add3A_1821 = arith.constant 1 : i32
    %add3A_1822 = vector.broadcast %add3A_1821 : i32 to vector<1024x128xi32>
    %add3A_1823 = arith.addi %add3A_1820, %add3A_1822 : vector<1024x128xi32>
    %add3A_1824 = arith.addi %add3A_1818, %add3A_1823 : vector<1024x128xi32>
    %shift_left3A_1825 = arith.constant 17 : i32
    %shift_left3A_1826 = vector.broadcast %shift_left3A_1825 : i32 to vector<1024x128xi32>
    %shift_left3A_1827 = arith.shli %add3A_1823, %shift_left3A_1826 : vector<1024x128xi32>
    %shift_right_logical3A_1828 = arith.constant 15 : i32
    %shift_right_logical3A_1829 = vector.broadcast %shift_right_logical3A_1828 : i32 to vector<1024x128xi32>
    %shift_right_logical3A_1830 = arith.shrui %add3A_1823, %shift_right_logical3A_1829 : vector<1024x128xi32>
    %or3A_1831 = arith.ori %shift_left3A_1827, %shift_right_logical3A_1830 : vector<1024x128xi32>
    %xor3A_1832 = arith.xori %add3A_1824, %or3A_1831 : vector<1024x128xi32>
    %add3A_1833 = arith.addi %add3A_1824, %xor3A_1832 : vector<1024x128xi32>
    %shift_left3A_1834 = arith.constant 29 : i32
    %shift_left3A_1835 = vector.broadcast %shift_left3A_1834 : i32 to vector<1024x128xi32>
    %shift_left3A_1836 = arith.shli %xor3A_1832, %shift_left3A_1835 : vector<1024x128xi32>
    %shift_right_logical3A_1837 = arith.constant 3 : i32
    %shift_right_logical3A_1838 = vector.broadcast %shift_right_logical3A_1837 : i32 to vector<1024x128xi32>
    %shift_right_logical3A_1839 = arith.shrui %xor3A_1832, %shift_right_logical3A_1838 : vector<1024x128xi32>
    %or3A_1840 = arith.ori %shift_left3A_1836, %shift_right_logical3A_1839 : vector<1024x128xi32>
    %xor3A_1841 = arith.xori %add3A_1833, %or3A_1840 : vector<1024x128xi32>
    %add3A_1842 = arith.addi %add3A_1833, %xor3A_1841 : vector<1024x128xi32>
    %shift_left3A_1843 = arith.constant 16 : i32
    %shift_left3A_1844 = vector.broadcast %shift_left3A_1843 : i32 to vector<1024x128xi32>
    %shift_left3A_1845 = arith.shli %xor3A_1841, %shift_left3A_1844 : vector<1024x128xi32>
    %shift_right_logical3A_1846 = arith.constant 16 : i32
    %shift_right_logical3A_1847 = vector.broadcast %shift_right_logical3A_1846 : i32 to vector<1024x128xi32>
    %shift_right_logical3A_1848 = arith.shrui %xor3A_1841, %shift_right_logical3A_1847 : vector<1024x128xi32>
    %or3A_1849 = arith.ori %shift_left3A_1845, %shift_right_logical3A_1848 : vector<1024x128xi32>
    %xor3A_1850 = arith.xori %add3A_1842, %or3A_1849 : vector<1024x128xi32>
    %add3A_1851 = arith.addi %add3A_1842, %xor3A_1850 : vector<1024x128xi32>
    %shift_left3A_1852 = arith.constant 24 : i32
    %shift_left3A_1853 = vector.broadcast %shift_left3A_1852 : i32 to vector<1024x128xi32>
    %shift_left3A_1854 = arith.shli %xor3A_1850, %shift_left3A_1853 : vector<1024x128xi32>
    %shift_right_logical3A_1855 = arith.constant 8 : i32
    %shift_right_logical3A_1856 = vector.broadcast %shift_right_logical3A_1855 : i32 to vector<1024x128xi32>
    %shift_right_logical3A_1857 = arith.shrui %xor3A_1850, %shift_right_logical3A_1856 : vector<1024x128xi32>
    %or3A_1858 = arith.ori %shift_left3A_1854, %shift_right_logical3A_1857 : vector<1024x128xi32>
    %xor3A_1859 = arith.xori %add3A_1851, %or3A_1858 : vector<1024x128xi32>
    %add3A_1860 = vector.broadcast %xor3A_1774 : vector<1x1xi32> to vector<1024x128xi32>
    %add3A_1861 = arith.addi %add3A_1851, %add3A_1860 : vector<1024x128xi32>
    %add3A_1862 = vector.broadcast %get3A_1765 : vector<1x1xi32> to vector<1024x128xi32>
    %add3A_1863 = arith.addi %xor3A_1859, %add3A_1862 : vector<1024x128xi32>
    %add3A_1864 = arith.constant 2 : i32
    %add3A_1865 = vector.broadcast %add3A_1864 : i32 to vector<1024x128xi32>
    %add3A_1866 = arith.addi %add3A_1863, %add3A_1865 : vector<1024x128xi32>
    %add3A_1867 = arith.addi %add3A_1861, %add3A_1866 : vector<1024x128xi32>
    %shift_left3A_1868 = arith.constant 13 : i32
    %shift_left3A_1869 = vector.broadcast %shift_left3A_1868 : i32 to vector<1024x128xi32>
    %shift_left3A_1870 = arith.shli %add3A_1866, %shift_left3A_1869 : vector<1024x128xi32>
    %shift_right_logical3A_1871 = arith.constant 19 : i32
    %shift_right_logical3A_1872 = vector.broadcast %shift_right_logical3A_1871 : i32 to vector<1024x128xi32>
    %shift_right_logical3A_1873 = arith.shrui %add3A_1866, %shift_right_logical3A_1872 : vector<1024x128xi32>
    %or3A_1874 = arith.ori %shift_left3A_1870, %shift_right_logical3A_1873 : vector<1024x128xi32>
    %xor3A_1875 = arith.xori %add3A_1867, %or3A_1874 : vector<1024x128xi32>
    %add3A_1876 = arith.addi %add3A_1867, %xor3A_1875 : vector<1024x128xi32>
    %shift_left3A_1877 = arith.constant 15 : i32
    %shift_left3A_1878 = vector.broadcast %shift_left3A_1877 : i32 to vector<1024x128xi32>
    %shift_left3A_1879 = arith.shli %xor3A_1875, %shift_left3A_1878 : vector<1024x128xi32>
    %shift_right_logical3A_1880 = arith.constant 17 : i32
    %shift_right_logical3A_1881 = vector.broadcast %shift_right_logical3A_1880 : i32 to vector<1024x128xi32>
    %shift_right_logical3A_1882 = arith.shrui %xor3A_1875, %shift_right_logical3A_1881 : vector<1024x128xi32>
    %or3A_1883 = arith.ori %shift_left3A_1879, %shift_right_logical3A_1882 : vector<1024x128xi32>
    %xor3A_1884 = arith.xori %add3A_1876, %or3A_1883 : vector<1024x128xi32>
    %add3A_1885 = arith.addi %add3A_1876, %xor3A_1884 : vector<1024x128xi32>
    %shift_left3A_1886 = arith.constant 26 : i32
    %shift_left3A_1887 = vector.broadcast %shift_left3A_1886 : i32 to vector<1024x128xi32>
    %shift_left3A_1888 = arith.shli %xor3A_1884, %shift_left3A_1887 : vector<1024x128xi32>
    %shift_right_logical3A_1889 = arith.constant 6 : i32
    %shift_right_logical3A_1890 = vector.broadcast %shift_right_logical3A_1889 : i32 to vector<1024x128xi32>
    %shift_right_logical3A_1891 = arith.shrui %xor3A_1884, %shift_right_logical3A_1890 : vector<1024x128xi32>
    %or3A_1892 = arith.ori %shift_left3A_1888, %shift_right_logical3A_1891 : vector<1024x128xi32>
    %xor3A_1893 = arith.xori %add3A_1885, %or3A_1892 : vector<1024x128xi32>
    %add3A_1894 = arith.addi %add3A_1885, %xor3A_1893 : vector<1024x128xi32>
    %shift_left3A_1895 = arith.constant 6 : i32
    %shift_left3A_1896 = vector.broadcast %shift_left3A_1895 : i32 to vector<1024x128xi32>
    %shift_left3A_1897 = arith.shli %xor3A_1893, %shift_left3A_1896 : vector<1024x128xi32>
    %shift_right_logical3A_1898 = arith.constant 26 : i32
    %shift_right_logical3A_1899 = vector.broadcast %shift_right_logical3A_1898 : i32 to vector<1024x128xi32>
    %shift_right_logical3A_1900 = arith.shrui %xor3A_1893, %shift_right_logical3A_1899 : vector<1024x128xi32>
    %or3A_1901 = arith.ori %shift_left3A_1897, %shift_right_logical3A_1900 : vector<1024x128xi32>
    %xor3A_1902 = arith.xori %add3A_1894, %or3A_1901 : vector<1024x128xi32>
    %add3A_1903 = vector.broadcast %get3A_1765 : vector<1x1xi32> to vector<1024x128xi32>
    %add3A_1904 = arith.addi %add3A_1894, %add3A_1903 : vector<1024x128xi32>
    %add3A_1905 = vector.broadcast %get3A_1770 : vector<1x1xi32> to vector<1024x128xi32>
    %add3A_1906 = arith.addi %xor3A_1902, %add3A_1905 : vector<1024x128xi32>
    %add3A_1907 = arith.constant 3 : i32
    %add3A_1908 = vector.broadcast %add3A_1907 : i32 to vector<1024x128xi32>
    %add3A_1909 = arith.addi %add3A_1906, %add3A_1908 : vector<1024x128xi32>
    %add3A_1910 = arith.addi %add3A_1904, %add3A_1909 : vector<1024x128xi32>
    %shift_left3A_1911 = arith.constant 17 : i32
    %shift_left3A_1912 = vector.broadcast %shift_left3A_1911 : i32 to vector<1024x128xi32>
    %shift_left3A_1913 = arith.shli %add3A_1909, %shift_left3A_1912 : vector<1024x128xi32>
    %shift_right_logical3A_1914 = arith.constant 15 : i32
    %shift_right_logical3A_1915 = vector.broadcast %shift_right_logical3A_1914 : i32 to vector<1024x128xi32>
    %shift_right_logical3A_1916 = arith.shrui %add3A_1909, %shift_right_logical3A_1915 : vector<1024x128xi32>
    %or3A_1917 = arith.ori %shift_left3A_1913, %shift_right_logical3A_1916 : vector<1024x128xi32>
    %xor3A_1918 = arith.xori %add3A_1910, %or3A_1917 : vector<1024x128xi32>
    %add3A_1919 = arith.addi %add3A_1910, %xor3A_1918 : vector<1024x128xi32>
    %shift_left3A_1920 = arith.constant 29 : i32
    %shift_left3A_1921 = vector.broadcast %shift_left3A_1920 : i32 to vector<1024x128xi32>
    %shift_left3A_1922 = arith.shli %xor3A_1918, %shift_left3A_1921 : vector<1024x128xi32>
    %shift_right_logical3A_1923 = arith.constant 3 : i32
    %shift_right_logical3A_1924 = vector.broadcast %shift_right_logical3A_1923 : i32 to vector<1024x128xi32>
    %shift_right_logical3A_1925 = arith.shrui %xor3A_1918, %shift_right_logical3A_1924 : vector<1024x128xi32>
    %or3A_1926 = arith.ori %shift_left3A_1922, %shift_right_logical3A_1925 : vector<1024x128xi32>
    %xor3A_1927 = arith.xori %add3A_1919, %or3A_1926 : vector<1024x128xi32>
    %add3A_1928 = arith.addi %add3A_1919, %xor3A_1927 : vector<1024x128xi32>
    %shift_left3A_1929 = arith.constant 16 : i32
    %shift_left3A_1930 = vector.broadcast %shift_left3A_1929 : i32 to vector<1024x128xi32>
    %shift_left3A_1931 = arith.shli %xor3A_1927, %shift_left3A_1930 : vector<1024x128xi32>
    %shift_right_logical3A_1932 = arith.constant 16 : i32
    %shift_right_logical3A_1933 = vector.broadcast %shift_right_logical3A_1932 : i32 to vector<1024x128xi32>
    %shift_right_logical3A_1934 = arith.shrui %xor3A_1927, %shift_right_logical3A_1933 : vector<1024x128xi32>
    %or3A_1935 = arith.ori %shift_left3A_1931, %shift_right_logical3A_1934 : vector<1024x128xi32>
    %xor3A_1936 = arith.xori %add3A_1928, %or3A_1935 : vector<1024x128xi32>
    %add3A_1937 = arith.addi %add3A_1928, %xor3A_1936 : vector<1024x128xi32>
    %shift_left3A_1938 = arith.constant 24 : i32
    %shift_left3A_1939 = vector.broadcast %shift_left3A_1938 : i32 to vector<1024x128xi32>
    %shift_left3A_1940 = arith.shli %xor3A_1936, %shift_left3A_1939 : vector<1024x128xi32>
    %shift_right_logical3A_1941 = arith.constant 8 : i32
    %shift_right_logical3A_1942 = vector.broadcast %shift_right_logical3A_1941 : i32 to vector<1024x128xi32>
    %shift_right_logical3A_1943 = arith.shrui %xor3A_1936, %shift_right_logical3A_1942 : vector<1024x128xi32>
    %or3A_1944 = arith.ori %shift_left3A_1940, %shift_right_logical3A_1943 : vector<1024x128xi32>
    %xor3A_1945 = arith.xori %add3A_1937, %or3A_1944 : vector<1024x128xi32>
    %add3A_1946 = vector.broadcast %get3A_1770 : vector<1x1xi32> to vector<1024x128xi32>
    %add3A_1947 = arith.addi %add3A_1937, %add3A_1946 : vector<1024x128xi32>
    %add3A_1948 = vector.broadcast %xor3A_1774 : vector<1x1xi32> to vector<1024x128xi32>
    %add3A_1949 = arith.addi %xor3A_1945, %add3A_1948 : vector<1024x128xi32>
    %add3A_1950 = arith.constant 4 : i32
    %add3A_1951 = vector.broadcast %add3A_1950 : i32 to vector<1024x128xi32>
    %add3A_1952 = arith.addi %add3A_1949, %add3A_1951 : vector<1024x128xi32>
    %add3A_1953 = arith.addi %add3A_1947, %add3A_1952 : vector<1024x128xi32>
    %shift_left3A_1954 = arith.constant 13 : i32
    %shift_left3A_1955 = vector.broadcast %shift_left3A_1954 : i32 to vector<1024x128xi32>
    %shift_left3A_1956 = arith.shli %add3A_1952, %shift_left3A_1955 : vector<1024x128xi32>
    %shift_right_logical3A_1957 = arith.constant 19 : i32
    %shift_right_logical3A_1958 = vector.broadcast %shift_right_logical3A_1957 : i32 to vector<1024x128xi32>
    %shift_right_logical3A_1959 = arith.shrui %add3A_1952, %shift_right_logical3A_1958 : vector<1024x128xi32>
    %or3A_1960 = arith.ori %shift_left3A_1956, %shift_right_logical3A_1959 : vector<1024x128xi32>
    %xor3A_1961 = arith.xori %add3A_1953, %or3A_1960 : vector<1024x128xi32>
    %add3A_1962 = arith.addi %add3A_1953, %xor3A_1961 : vector<1024x128xi32>
    %shift_left3A_1963 = arith.constant 15 : i32
    %shift_left3A_1964 = vector.broadcast %shift_left3A_1963 : i32 to vector<1024x128xi32>
    %shift_left3A_1965 = arith.shli %xor3A_1961, %shift_left3A_1964 : vector<1024x128xi32>
    %shift_right_logical3A_1966 = arith.constant 17 : i32
    %shift_right_logical3A_1967 = vector.broadcast %shift_right_logical3A_1966 : i32 to vector<1024x128xi32>
    %shift_right_logical3A_1968 = arith.shrui %xor3A_1961, %shift_right_logical3A_1967 : vector<1024x128xi32>
    %or3A_1969 = arith.ori %shift_left3A_1965, %shift_right_logical3A_1968 : vector<1024x128xi32>
    %xor3A_1970 = arith.xori %add3A_1962, %or3A_1969 : vector<1024x128xi32>
    %add3A_1971 = arith.addi %add3A_1962, %xor3A_1970 : vector<1024x128xi32>
    %shift_left3A_1972 = arith.constant 26 : i32
    %shift_left3A_1973 = vector.broadcast %shift_left3A_1972 : i32 to vector<1024x128xi32>
    %shift_left3A_1974 = arith.shli %xor3A_1970, %shift_left3A_1973 : vector<1024x128xi32>
    %shift_right_logical3A_1975 = arith.constant 6 : i32
    %shift_right_logical3A_1976 = vector.broadcast %shift_right_logical3A_1975 : i32 to vector<1024x128xi32>
    %shift_right_logical3A_1977 = arith.shrui %xor3A_1970, %shift_right_logical3A_1976 : vector<1024x128xi32>
    %or3A_1978 = arith.ori %shift_left3A_1974, %shift_right_logical3A_1977 : vector<1024x128xi32>
    %xor3A_1979 = arith.xori %add3A_1971, %or3A_1978 : vector<1024x128xi32>
    %add3A_1980 = arith.addi %add3A_1971, %xor3A_1979 : vector<1024x128xi32>
    %shift_left3A_1981 = arith.constant 6 : i32
    %shift_left3A_1982 = vector.broadcast %shift_left3A_1981 : i32 to vector<1024x128xi32>
    %shift_left3A_1983 = arith.shli %xor3A_1979, %shift_left3A_1982 : vector<1024x128xi32>
    %shift_right_logical3A_1984 = arith.constant 26 : i32
    %shift_right_logical3A_1985 = vector.broadcast %shift_right_logical3A_1984 : i32 to vector<1024x128xi32>
    %shift_right_logical3A_1986 = arith.shrui %xor3A_1979, %shift_right_logical3A_1985 : vector<1024x128xi32>
    %or3A_1987 = arith.ori %shift_left3A_1983, %shift_right_logical3A_1986 : vector<1024x128xi32>
    %xor3A_1988 = arith.xori %add3A_1980, %or3A_1987 : vector<1024x128xi32>
    %add3A_1989 = vector.broadcast %xor3A_1774 : vector<1x1xi32> to vector<1024x128xi32>
    %add3A_1990 = arith.addi %add3A_1980, %add3A_1989 : vector<1024x128xi32>
    %add3A_1991 = vector.broadcast %get3A_1765 : vector<1x1xi32> to vector<1024x128xi32>
    %add3A_1992 = arith.addi %xor3A_1988, %add3A_1991 : vector<1024x128xi32>
    %add3A_1993 = arith.constant 5 : i32
    %add3A_1994 = vector.broadcast %add3A_1993 : i32 to vector<1024x128xi32>
    %add3A_1995 = arith.addi %add3A_1992, %add3A_1994 : vector<1024x128xi32>
    %xor3A_1996 = arith.xori %add3A_1990, %add3A_1995 : vector<1024x128xi32>
    %shift_right_logical3A_1997 = arith.constant 9 : i32
    %shift_right_logical3A_1998 = vector.broadcast %shift_right_logical3A_1997 : i32 to vector<1024x128xi32>
    %shift_right_logical3A_1999 = arith.shrui %xor3A_1996, %shift_right_logical3A_1998 : vector<1024x128xi32>
    %or3A_2000 = arith.constant 1065353216 : i32
    %or3A_2001 = vector.broadcast %or3A_2000 : i32 to vector<1024x128xi32>
    %or3A_2002 = arith.ori %shift_right_logical3A_1999, %or3A_2001 : vector<1024x128xi32>
    %bitcast_convert_type3A_2003 = tpu.bitcast %or3A_2002 : vector<1024x128xi32> -> vector<1024x128xf32>
    %sub3A_2004 = arith.constant 1.000000e+00 : f32
    %sub3A_2005 = vector.broadcast %sub3A_2004 : f32 to vector<1024x128xf32>
    %sub3A_2006 = arith.subf %bitcast_convert_type3A_2003, %sub3A_2005 : vector<1024x128xf32>
    %mul3A_2007 = arith.constant 1.000000e+00 : f32
    %mul3A_2008 = vector.broadcast %mul3A_2007 : f32 to vector<1024x128xf32>
    %mul3A_2009 = arith.mulf %sub3A_2006, %mul3A_2008 : vector<1024x128xf32>
    %add3A_2010 = arith.constant 1.17549435E-38 : f32
    %add3A_2011 = vector.broadcast %add3A_2010 : f32 to vector<1024x128xf32>
    %add3A_2012 = arith.addf %mul3A_2009, %add3A_2011 : vector<1024x128xf32>
    %max3A_2013 = arith.constant 1.17549435E-38 : f32
    %max3A_2014 = vector.broadcast %max3A_2013 : f32 to vector<1024x128xf32>
    %max3A_2015 = arith.maximumf %max3A_2014, %add3A_2012 : vector<1024x128xf32>
    %log3A_2016 = math.log %max3A_2015 : vector<1024x128xf32>
    %neg3A_2017 = arith.constant 0.000000e+00 : f32
    %neg3A_2018 = vector.broadcast %neg3A_2017 : f32 to vector<1024x128xf32>
    %neg3A_2019 = arith.subf %neg3A_2018, %log3A_2016 : vector<1024x128xf32>
    %log3A_2020 = math.log %neg3A_2019 : vector<1024x128xf32>
    %neg3A_2021 = arith.constant 0.000000e+00 : f32
    %neg3A_2022 = vector.broadcast %neg3A_2021 : f32 to vector<1024x128xf32>
    %neg3A_2023 = arith.subf %neg3A_2022, %log3A_2020 : vector<1024x128xf32>
    %get3A_2024 = arith.constant 0 : index
    %get3A_2025 = arith.constant 0 : index
    %get3A_2026 = vector.load %arg4[%get3A_2024, %get3A_2025] : memref<1024x64xf32, #tpu.memory_space<vmem>>, vector<1024x64xf32>
    %get3A_2027 = arith.constant 6 : index
    %get3A_2028 = arith.constant 0 : index
    %get3A_2029 = arith.constant 0 : index
    %get3A_2030 = vector.load %arg2[%get3A_2027, %get3A_2028, %get3A_2029] : memref<8x64x128xf32, #tpu.memory_space<vmem>>, vector<1x64x128xf32>
    %get3A_2031 = vector.shape_cast %get3A_2030 : vector<1x64x128xf32> to vector<64x128xf32>
    %dot_general3A_2032 = arith.constant dense<0.000000e+00> : vector<1024x128xf32>
    %dot_general3A_2033 = tpu.matmul %get3A_2026, %get3A_2031, %dot_general3A_2032 {dimension_numbers = #tpu.dot_dimension_numbers<[1], [0], [0], [1], [0, 0, 1, 1], [], []>, precision = #tpu.contract_precision<fp32>, transpose_lhs_hint = false} : vector<1024x64xf32>, vector<64x128xf32>, vector<1024x128xf32> -> vector<1024x128xf32>
    %slice3A_2034 = vector.extract_strided_slice %dot_general3A_8 {offsets = [6144, 0], sizes = [1024, 128], strides = [1, 1]} : vector<8192x128xf32> to vector<1024x128xf32>
    %add3A_2035 = arith.addf %dot_general3A_2033, %slice3A_2034 : vector<1024x128xf32>
    %add3A_2036 = arith.addf %add3A_2035, %neg3A_2023 : vector<1024x128xf32>
    %reduce_max3A_2037 = arith.constant dense<0xFF800000> : vector<1024xf32>
    %reduce_max3A_2038 = vector.multi_reduction <maximumf>, %add3A_2036, %reduce_max3A_2037 [1] : vector<1024x128xf32> to vector<1024xf32>
    %broadcast_in_dim3A_2039 = vector.shape_cast %reduce_max3A_2038 : vector<1024xf32> to vector<1024x1xf32>
    %iota3A_2040 = tpu.iota {dimensions = array<i32: 1>} : vector<1024x128xi32>
    %eq3A_2041 = vector.broadcast %broadcast_in_dim3A_2039 : vector<1024x1xf32> to vector<1024x128xf32>
    %eq3A_2042 = arith.cmpf oeq, %add3A_2036, %eq3A_2041 : vector<1024x128xf32>
    %jit3A_2043 = arith.constant 128 : i32
    %broadcast_in_dim3A_2044 = vector.broadcast %jit3A_2043 : i32 to vector<1024x128xi32>
    %select_n3A_2045 = arith.select %eq3A_2042, %iota3A_2040, %broadcast_in_dim3A_2044 : vector<1024x128xi1>, vector<1024x128xi32>
    %reduce_min3A_2046 = arith.constant dense<2147483647> : vector<1024xi32>
    %reduce_min3A_2047 = vector.multi_reduction <minsi>, %select_n3A_2045, %reduce_min3A_2046 [1] : vector<1024x128xi32> to vector<1024xi32>
    %broadcast_in_dim3A_2048 = vector.shape_cast %reduce_min3A_2047 : vector<1024xi32> to vector<1024x1xi32>
    %swap3A_2049 = arith.constant 6 : index
    %swap3A_2050 = arith.constant 0 : index
    %swap3A_2051 = arith.constant 0 : index
    %swap3A_2052 = vector.load %arg6[%swap3A_2049, %swap3A_2050, %swap3A_2051] : memref<8x1024x1xi32, #tpu.memory_space<vmem>>, vector<1x1024x1xi32>
    %swap3A_2053 = vector.shape_cast %swap3A_2052 : vector<1x1024x1xi32> to vector<1024x1xi32>
    %swap3A_2054 = vector.shape_cast %broadcast_in_dim3A_2048 : vector<1024x1xi32> to vector<1x1024x1xi32>
    tpu.vector_store %arg6[%swap3A_2049, %swap3A_2050, %swap3A_2051], %swap3A_2054 {strides = array<i32>} : memref<8x1024x1xi32, #tpu.memory_space<vmem>>, vector<1x1024x1xi32>,
    %get3A_2055 = arith.constant 7 : index
    %get3A_2056 = arith.constant 0 : index
    %get3A_2057 = arith.constant 0 : index
    %get3A_2058 = vector.load %arg1[%get3A_2055, %get3A_2056, %get3A_2057] : memref<8x1x2xi32, #tpu.memory_space<vmem>>, vector<1x1x1xi32>
    %get3A_2059 = vector.shape_cast %get3A_2058 : vector<1x1x1xi32> to vector<1x1xi32>
    %get3A_2060 = arith.constant 7 : index
    %get3A_2061 = arith.constant 0 : index
    %get3A_2062 = arith.constant 1 : index
    %get3A_2063 = vector.load %arg1[%get3A_2060, %get3A_2061, %get3A_2062] : memref<8x1x2xi32, #tpu.memory_space<vmem>>, vector<1x1x1xi32>
    %get3A_2064 = vector.shape_cast %get3A_2063 : vector<1x1x1xi32> to vector<1x1xi32>
    %xor3A_2065 = arith.xori %get3A_2059, %get3A_2064 : vector<1x1xi32>
    %xor3A_2066 = arith.constant 466688986 : i32
    %xor3A_2067 = vector.broadcast %xor3A_2066 : i32 to vector<1x1xi32>
    %xor3A_2068 = arith.xori %xor3A_2065, %xor3A_2067 : vector<1x1xi32>
    %broadcast_in_dim3A_2069 = arith.constant 0 : i32
    %broadcast_in_dim3A_2070 = vector.broadcast %broadcast_in_dim3A_2069 : i32 to vector<1024x128xi32>
    %add3A_2071 = vector.broadcast %get3A_2059 : vector<1x1xi32> to vector<1024x128xi32>
    %add3A_2072 = arith.addi %add3A_2071, %broadcast_in_dim3A_2070 : vector<1024x128xi32>
    %add3A_2073 = vector.broadcast %get3A_2064 : vector<1x1xi32> to vector<1024x128xi32>
    %add3A_2074 = arith.addi %add3A, %add3A_2073 : vector<1024x128xi32>
    %add3A_2075 = arith.addi %add3A_2072, %add3A_2074 : vector<1024x128xi32>
    %shift_left3A_2076 = arith.constant 13 : i32
    %shift_left3A_2077 = vector.broadcast %shift_left3A_2076 : i32 to vector<1024x128xi32>
    %shift_left3A_2078 = arith.shli %add3A_2074, %shift_left3A_2077 : vector<1024x128xi32>
    %shift_right_logical3A_2079 = arith.constant 19 : i32
    %shift_right_logical3A_2080 = vector.broadcast %shift_right_logical3A_2079 : i32 to vector<1024x128xi32>
    %shift_right_logical3A_2081 = arith.shrui %add3A_2074, %shift_right_logical3A_2080 : vector<1024x128xi32>
    %or3A_2082 = arith.ori %shift_left3A_2078, %shift_right_logical3A_2081 : vector<1024x128xi32>
    %xor3A_2083 = arith.xori %add3A_2075, %or3A_2082 : vector<1024x128xi32>
    %add3A_2084 = arith.addi %add3A_2075, %xor3A_2083 : vector<1024x128xi32>
    %shift_left3A_2085 = arith.constant 15 : i32
    %shift_left3A_2086 = vector.broadcast %shift_left3A_2085 : i32 to vector<1024x128xi32>
    %shift_left3A_2087 = arith.shli %xor3A_2083, %shift_left3A_2086 : vector<1024x128xi32>
    %shift_right_logical3A_2088 = arith.constant 17 : i32
    %shift_right_logical3A_2089 = vector.broadcast %shift_right_logical3A_2088 : i32 to vector<1024x128xi32>
    %shift_right_logical3A_2090 = arith.shrui %xor3A_2083, %shift_right_logical3A_2089 : vector<1024x128xi32>
    %or3A_2091 = arith.ori %shift_left3A_2087, %shift_right_logical3A_2090 : vector<1024x128xi32>
    %xor3A_2092 = arith.xori %add3A_2084, %or3A_2091 : vector<1024x128xi32>
    %add3A_2093 = arith.addi %add3A_2084, %xor3A_2092 : vector<1024x128xi32>
    %shift_left3A_2094 = arith.constant 26 : i32
    %shift_left3A_2095 = vector.broadcast %shift_left3A_2094 : i32 to vector<1024x128xi32>
    %shift_left3A_2096 = arith.shli %xor3A_2092, %shift_left3A_2095 : vector<1024x128xi32>
    %shift_right_logical3A_2097 = arith.constant 6 : i32
    %shift_right_logical3A_2098 = vector.broadcast %shift_right_logical3A_2097 : i32 to vector<1024x128xi32>
    %shift_right_logical3A_2099 = arith.shrui %xor3A_2092, %shift_right_logical3A_2098 : vector<1024x128xi32>
    %or3A_2100 = arith.ori %shift_left3A_2096, %shift_right_logical3A_2099 : vector<1024x128xi32>
    %xor3A_2101 = arith.xori %add3A_2093, %or3A_2100 : vector<1024x128xi32>
    %add3A_2102 = arith.addi %add3A_2093, %xor3A_2101 : vector<1024x128xi32>
    %shift_left3A_2103 = arith.constant 6 : i32
    %shift_left3A_2104 = vector.broadcast %shift_left3A_2103 : i32 to vector<1024x128xi32>
    %shift_left3A_2105 = arith.shli %xor3A_2101, %shift_left3A_2104 : vector<1024x128xi32>
    %shift_right_logical3A_2106 = arith.constant 26 : i32
    %shift_right_logical3A_2107 = vector.broadcast %shift_right_logical3A_2106 : i32 to vector<1024x128xi32>
    %shift_right_logical3A_2108 = arith.shrui %xor3A_2101, %shift_right_logical3A_2107 : vector<1024x128xi32>
    %or3A_2109 = arith.ori %shift_left3A_2105, %shift_right_logical3A_2108 : vector<1024x128xi32>
    %xor3A_2110 = arith.xori %add3A_2102, %or3A_2109 : vector<1024x128xi32>
    %add3A_2111 = vector.broadcast %get3A_2064 : vector<1x1xi32> to vector<1024x128xi32>
    %add3A_2112 = arith.addi %add3A_2102, %add3A_2111 : vector<1024x128xi32>
    %add3A_2113 = vector.broadcast %xor3A_2068 : vector<1x1xi32> to vector<1024x128xi32>
    %add3A_2114 = arith.addi %xor3A_2110, %add3A_2113 : vector<1024x128xi32>
    %add3A_2115 = arith.constant 1 : i32
    %add3A_2116 = vector.broadcast %add3A_2115 : i32 to vector<1024x128xi32>
    %add3A_2117 = arith.addi %add3A_2114, %add3A_2116 : vector<1024x128xi32>
    %add3A_2118 = arith.addi %add3A_2112, %add3A_2117 : vector<1024x128xi32>
    %shift_left3A_2119 = arith.constant 17 : i32
    %shift_left3A_2120 = vector.broadcast %shift_left3A_2119 : i32 to vector<1024x128xi32>
    %shift_left3A_2121 = arith.shli %add3A_2117, %shift_left3A_2120 : vector<1024x128xi32>
    %shift_right_logical3A_2122 = arith.constant 15 : i32
    %shift_right_logical3A_2123 = vector.broadcast %shift_right_logical3A_2122 : i32 to vector<1024x128xi32>
    %shift_right_logical3A_2124 = arith.shrui %add3A_2117, %shift_right_logical3A_2123 : vector<1024x128xi32>
    %or3A_2125 = arith.ori %shift_left3A_2121, %shift_right_logical3A_2124 : vector<1024x128xi32>
    %xor3A_2126 = arith.xori %add3A_2118, %or3A_2125 : vector<1024x128xi32>
    %add3A_2127 = arith.addi %add3A_2118, %xor3A_2126 : vector<1024x128xi32>
    %shift_left3A_2128 = arith.constant 29 : i32
    %shift_left3A_2129 = vector.broadcast %shift_left3A_2128 : i32 to vector<1024x128xi32>
    %shift_left3A_2130 = arith.shli %xor3A_2126, %shift_left3A_2129 : vector<1024x128xi32>
    %shift_right_logical3A_2131 = arith.constant 3 : i32
    %shift_right_logical3A_2132 = vector.broadcast %shift_right_logical3A_2131 : i32 to vector<1024x128xi32>
    %shift_right_logical3A_2133 = arith.shrui %xor3A_2126, %shift_right_logical3A_2132 : vector<1024x128xi32>
    %or3A_2134 = arith.ori %shift_left3A_2130, %shift_right_logical3A_2133 : vector<1024x128xi32>
    %xor3A_2135 = arith.xori %add3A_2127, %or3A_2134 : vector<1024x128xi32>
    %add3A_2136 = arith.addi %add3A_2127, %xor3A_2135 : vector<1024x128xi32>
    %shift_left3A_2137 = arith.constant 16 : i32
    %shift_left3A_2138 = vector.broadcast %shift_left3A_2137 : i32 to vector<1024x128xi32>
    %shift_left3A_2139 = arith.shli %xor3A_2135, %shift_left3A_2138 : vector<1024x128xi32>
    %shift_right_logical3A_2140 = arith.constant 16 : i32
    %shift_right_logical3A_2141 = vector.broadcast %shift_right_logical3A_2140 : i32 to vector<1024x128xi32>
    %shift_right_logical3A_2142 = arith.shrui %xor3A_2135, %shift_right_logical3A_2141 : vector<1024x128xi32>
    %or3A_2143 = arith.ori %shift_left3A_2139, %shift_right_logical3A_2142 : vector<1024x128xi32>
    %xor3A_2144 = arith.xori %add3A_2136, %or3A_2143 : vector<1024x128xi32>
    %add3A_2145 = arith.addi %add3A_2136, %xor3A_2144 : vector<1024x128xi32>
    %shift_left3A_2146 = arith.constant 24 : i32
    %shift_left3A_2147 = vector.broadcast %shift_left3A_2146 : i32 to vector<1024x128xi32>
    %shift_left3A_2148 = arith.shli %xor3A_2144, %shift_left3A_2147 : vector<1024x128xi32>
    %shift_right_logical3A_2149 = arith.constant 8 : i32
    %shift_right_logical3A_2150 = vector.broadcast %shift_right_logical3A_2149 : i32 to vector<1024x128xi32>
    %shift_right_logical3A_2151 = arith.shrui %xor3A_2144, %shift_right_logical3A_2150 : vector<1024x128xi32>
    %or3A_2152 = arith.ori %shift_left3A_2148, %shift_right_logical3A_2151 : vector<1024x128xi32>
    %xor3A_2153 = arith.xori %add3A_2145, %or3A_2152 : vector<1024x128xi32>
    %add3A_2154 = vector.broadcast %xor3A_2068 : vector<1x1xi32> to vector<1024x128xi32>
    %add3A_2155 = arith.addi %add3A_2145, %add3A_2154 : vector<1024x128xi32>
    %add3A_2156 = vector.broadcast %get3A_2059 : vector<1x1xi32> to vector<1024x128xi32>
    %add3A_2157 = arith.addi %xor3A_2153, %add3A_2156 : vector<1024x128xi32>
    %add3A_2158 = arith.constant 2 : i32
    %add3A_2159 = vector.broadcast %add3A_2158 : i32 to vector<1024x128xi32>
    %add3A_2160 = arith.addi %add3A_2157, %add3A_2159 : vector<1024x128xi32>
    %add3A_2161 = arith.addi %add3A_2155, %add3A_2160 : vector<1024x128xi32>
    %shift_left3A_2162 = arith.constant 13 : i32
    %shift_left3A_2163 = vector.broadcast %shift_left3A_2162 : i32 to vector<1024x128xi32>
    %shift_left3A_2164 = arith.shli %add3A_2160, %shift_left3A_2163 : vector<1024x128xi32>
    %shift_right_logical3A_2165 = arith.constant 19 : i32
    %shift_right_logical3A_2166 = vector.broadcast %shift_right_logical3A_2165 : i32 to vector<1024x128xi32>
    %shift_right_logical3A_2167 = arith.shrui %add3A_2160, %shift_right_logical3A_2166 : vector<1024x128xi32>
    %or3A_2168 = arith.ori %shift_left3A_2164, %shift_right_logical3A_2167 : vector<1024x128xi32>
    %xor3A_2169 = arith.xori %add3A_2161, %or3A_2168 : vector<1024x128xi32>
    %add3A_2170 = arith.addi %add3A_2161, %xor3A_2169 : vector<1024x128xi32>
    %shift_left3A_2171 = arith.constant 15 : i32
    %shift_left3A_2172 = vector.broadcast %shift_left3A_2171 : i32 to vector<1024x128xi32>
    %shift_left3A_2173 = arith.shli %xor3A_2169, %shift_left3A_2172 : vector<1024x128xi32>
    %shift_right_logical3A_2174 = arith.constant 17 : i32
    %shift_right_logical3A_2175 = vector.broadcast %shift_right_logical3A_2174 : i32 to vector<1024x128xi32>
    %shift_right_logical3A_2176 = arith.shrui %xor3A_2169, %shift_right_logical3A_2175 : vector<1024x128xi32>
    %or3A_2177 = arith.ori %shift_left3A_2173, %shift_right_logical3A_2176 : vector<1024x128xi32>
    %xor3A_2178 = arith.xori %add3A_2170, %or3A_2177 : vector<1024x128xi32>
    %add3A_2179 = arith.addi %add3A_2170, %xor3A_2178 : vector<1024x128xi32>
    %shift_left3A_2180 = arith.constant 26 : i32
    %shift_left3A_2181 = vector.broadcast %shift_left3A_2180 : i32 to vector<1024x128xi32>
    %shift_left3A_2182 = arith.shli %xor3A_2178, %shift_left3A_2181 : vector<1024x128xi32>
    %shift_right_logical3A_2183 = arith.constant 6 : i32
    %shift_right_logical3A_2184 = vector.broadcast %shift_right_logical3A_2183 : i32 to vector<1024x128xi32>
    %shift_right_logical3A_2185 = arith.shrui %xor3A_2178, %shift_right_logical3A_2184 : vector<1024x128xi32>
    %or3A_2186 = arith.ori %shift_left3A_2182, %shift_right_logical3A_2185 : vector<1024x128xi32>
    %xor3A_2187 = arith.xori %add3A_2179, %or3A_2186 : vector<1024x128xi32>
    %add3A_2188 = arith.addi %add3A_2179, %xor3A_2187 : vector<1024x128xi32>
    %shift_left3A_2189 = arith.constant 6 : i32
    %shift_left3A_2190 = vector.broadcast %shift_left3A_2189 : i32 to vector<1024x128xi32>
    %shift_left3A_2191 = arith.shli %xor3A_2187, %shift_left3A_2190 : vector<1024x128xi32>
    %shift_right_logical3A_2192 = arith.constant 26 : i32
    %shift_right_logical3A_2193 = vector.broadcast %shift_right_logical3A_2192 : i32 to vector<1024x128xi32>
    %shift_right_logical3A_2194 = arith.shrui %xor3A_2187, %shift_right_logical3A_2193 : vector<1024x128xi32>
    %or3A_2195 = arith.ori %shift_left3A_2191, %shift_right_logical3A_2194 : vector<1024x128xi32>
    %xor3A_2196 = arith.xori %add3A_2188, %or3A_2195 : vector<1024x128xi32>
    %add3A_2197 = vector.broadcast %get3A_2059 : vector<1x1xi32> to vector<1024x128xi32>
    %add3A_2198 = arith.addi %add3A_2188, %add3A_2197 : vector<1024x128xi32>
    %add3A_2199 = vector.broadcast %get3A_2064 : vector<1x1xi32> to vector<1024x128xi32>
    %add3A_2200 = arith.addi %xor3A_2196, %add3A_2199 : vector<1024x128xi32>
    %add3A_2201 = arith.constant 3 : i32
    %add3A_2202 = vector.broadcast %add3A_2201 : i32 to vector<1024x128xi32>
    %add3A_2203 = arith.addi %add3A_2200, %add3A_2202 : vector<1024x128xi32>
    %add3A_2204 = arith.addi %add3A_2198, %add3A_2203 : vector<1024x128xi32>
    %shift_left3A_2205 = arith.constant 17 : i32
    %shift_left3A_2206 = vector.broadcast %shift_left3A_2205 : i32 to vector<1024x128xi32>
    %shift_left3A_2207 = arith.shli %add3A_2203, %shift_left3A_2206 : vector<1024x128xi32>
    %shift_right_logical3A_2208 = arith.constant 15 : i32
    %shift_right_logical3A_2209 = vector.broadcast %shift_right_logical3A_2208 : i32 to vector<1024x128xi32>
    %shift_right_logical3A_2210 = arith.shrui %add3A_2203, %shift_right_logical3A_2209 : vector<1024x128xi32>
    %or3A_2211 = arith.ori %shift_left3A_2207, %shift_right_logical3A_2210 : vector<1024x128xi32>
    %xor3A_2212 = arith.xori %add3A_2204, %or3A_2211 : vector<1024x128xi32>
    %add3A_2213 = arith.addi %add3A_2204, %xor3A_2212 : vector<1024x128xi32>
    %shift_left3A_2214 = arith.constant 29 : i32
    %shift_left3A_2215 = vector.broadcast %shift_left3A_2214 : i32 to vector<1024x128xi32>
    %shift_left3A_2216 = arith.shli %xor3A_2212, %shift_left3A_2215 : vector<1024x128xi32>
    %shift_right_logical3A_2217 = arith.constant 3 : i32
    %shift_right_logical3A_2218 = vector.broadcast %shift_right_logical3A_2217 : i32 to vector<1024x128xi32>
    %shift_right_logical3A_2219 = arith.shrui %xor3A_2212, %shift_right_logical3A_2218 : vector<1024x128xi32>
    %or3A_2220 = arith.ori %shift_left3A_2216, %shift_right_logical3A_2219 : vector<1024x128xi32>
    %xor3A_2221 = arith.xori %add3A_2213, %or3A_2220 : vector<1024x128xi32>
    %add3A_2222 = arith.addi %add3A_2213, %xor3A_2221 : vector<1024x128xi32>
    %shift_left3A_2223 = arith.constant 16 : i32
    %shift_left3A_2224 = vector.broadcast %shift_left3A_2223 : i32 to vector<1024x128xi32>
    %shift_left3A_2225 = arith.shli %xor3A_2221, %shift_left3A_2224 : vector<1024x128xi32>
    %shift_right_logical3A_2226 = arith.constant 16 : i32
    %shift_right_logical3A_2227 = vector.broadcast %shift_right_logical3A_2226 : i32 to vector<1024x128xi32>
    %shift_right_logical3A_2228 = arith.shrui %xor3A_2221, %shift_right_logical3A_2227 : vector<1024x128xi32>
    %or3A_2229 = arith.ori %shift_left3A_2225, %shift_right_logical3A_2228 : vector<1024x128xi32>
    %xor3A_2230 = arith.xori %add3A_2222, %or3A_2229 : vector<1024x128xi32>
    %add3A_2231 = arith.addi %add3A_2222, %xor3A_2230 : vector<1024x128xi32>
    %shift_left3A_2232 = arith.constant 24 : i32
    %shift_left3A_2233 = vector.broadcast %shift_left3A_2232 : i32 to vector<1024x128xi32>
    %shift_left3A_2234 = arith.shli %xor3A_2230, %shift_left3A_2233 : vector<1024x128xi32>
    %shift_right_logical3A_2235 = arith.constant 8 : i32
    %shift_right_logical3A_2236 = vector.broadcast %shift_right_logical3A_2235 : i32 to vector<1024x128xi32>
    %shift_right_logical3A_2237 = arith.shrui %xor3A_2230, %shift_right_logical3A_2236 : vector<1024x128xi32>
    %or3A_2238 = arith.ori %shift_left3A_2234, %shift_right_logical3A_2237 : vector<1024x128xi32>
    %xor3A_2239 = arith.xori %add3A_2231, %or3A_2238 : vector<1024x128xi32>
    %add3A_2240 = vector.broadcast %get3A_2064 : vector<1x1xi32> to vector<1024x128xi32>
    %add3A_2241 = arith.addi %add3A_2231, %add3A_2240 : vector<1024x128xi32>
    %add3A_2242 = vector.broadcast %xor3A_2068 : vector<1x1xi32> to vector<1024x128xi32>
    %add3A_2243 = arith.addi %xor3A_2239, %add3A_2242 : vector<1024x128xi32>
    %add3A_2244 = arith.constant 4 : i32
    %add3A_2245 = vector.broadcast %add3A_2244 : i32 to vector<1024x128xi32>
    %add3A_2246 = arith.addi %add3A_2243, %add3A_2245 : vector<1024x128xi32>
    %add3A_2247 = arith.addi %add3A_2241, %add3A_2246 : vector<1024x128xi32>
    %shift_left3A_2248 = arith.constant 13 : i32
    %shift_left3A_2249 = vector.broadcast %shift_left3A_2248 : i32 to vector<1024x128xi32>
    %shift_left3A_2250 = arith.shli %add3A_2246, %shift_left3A_2249 : vector<1024x128xi32>
    %shift_right_logical3A_2251 = arith.constant 19 : i32
    %shift_right_logical3A_2252 = vector.broadcast %shift_right_logical3A_2251 : i32 to vector<1024x128xi32>
    %shift_right_logical3A_2253 = arith.shrui %add3A_2246, %shift_right_logical3A_2252 : vector<1024x128xi32>
    %or3A_2254 = arith.ori %shift_left3A_2250, %shift_right_logical3A_2253 : vector<1024x128xi32>
    %xor3A_2255 = arith.xori %add3A_2247, %or3A_2254 : vector<1024x128xi32>
    %add3A_2256 = arith.addi %add3A_2247, %xor3A_2255 : vector<1024x128xi32>
    %shift_left3A_2257 = arith.constant 15 : i32
    %shift_left3A_2258 = vector.broadcast %shift_left3A_2257 : i32 to vector<1024x128xi32>
    %shift_left3A_2259 = arith.shli %xor3A_2255, %shift_left3A_2258 : vector<1024x128xi32>
    %shift_right_logical3A_2260 = arith.constant 17 : i32
    %shift_right_logical3A_2261 = vector.broadcast %shift_right_logical3A_2260 : i32 to vector<1024x128xi32>
    %shift_right_logical3A_2262 = arith.shrui %xor3A_2255, %shift_right_logical3A_2261 : vector<1024x128xi32>
    %or3A_2263 = arith.ori %shift_left3A_2259, %shift_right_logical3A_2262 : vector<1024x128xi32>
    %xor3A_2264 = arith.xori %add3A_2256, %or3A_2263 : vector<1024x128xi32>
    %add3A_2265 = arith.addi %add3A_2256, %xor3A_2264 : vector<1024x128xi32>
    %shift_left3A_2266 = arith.constant 26 : i32
    %shift_left3A_2267 = vector.broadcast %shift_left3A_2266 : i32 to vector<1024x128xi32>
    %shift_left3A_2268 = arith.shli %xor3A_2264, %shift_left3A_2267 : vector<1024x128xi32>
    %shift_right_logical3A_2269 = arith.constant 6 : i32
    %shift_right_logical3A_2270 = vector.broadcast %shift_right_logical3A_2269 : i32 to vector<1024x128xi32>
    %shift_right_logical3A_2271 = arith.shrui %xor3A_2264, %shift_right_logical3A_2270 : vector<1024x128xi32>
    %or3A_2272 = arith.ori %shift_left3A_2268, %shift_right_logical3A_2271 : vector<1024x128xi32>
    %xor3A_2273 = arith.xori %add3A_2265, %or3A_2272 : vector<1024x128xi32>
    %add3A_2274 = arith.addi %add3A_2265, %xor3A_2273 : vector<1024x128xi32>
    %shift_left3A_2275 = arith.constant 6 : i32
    %shift_left3A_2276 = vector.broadcast %shift_left3A_2275 : i32 to vector<1024x128xi32>
    %shift_left3A_2277 = arith.shli %xor3A_2273, %shift_left3A_2276 : vector<1024x128xi32>
    %shift_right_logical3A_2278 = arith.constant 26 : i32
    %shift_right_logical3A_2279 = vector.broadcast %shift_right_logical3A_2278 : i32 to vector<1024x128xi32>
    %shift_right_logical3A_2280 = arith.shrui %xor3A_2273, %shift_right_logical3A_2279 : vector<1024x128xi32>
    %or3A_2281 = arith.ori %shift_left3A_2277, %shift_right_logical3A_2280 : vector<1024x128xi32>
    %xor3A_2282 = arith.xori %add3A_2274, %or3A_2281 : vector<1024x128xi32>
    %add3A_2283 = vector.broadcast %xor3A_2068 : vector<1x1xi32> to vector<1024x128xi32>
    %add3A_2284 = arith.addi %add3A_2274, %add3A_2283 : vector<1024x128xi32>
    %add3A_2285 = vector.broadcast %get3A_2059 : vector<1x1xi32> to vector<1024x128xi32>
    %add3A_2286 = arith.addi %xor3A_2282, %add3A_2285 : vector<1024x128xi32>
    %add3A_2287 = arith.constant 5 : i32
    %add3A_2288 = vector.broadcast %add3A_2287 : i32 to vector<1024x128xi32>
    %add3A_2289 = arith.addi %add3A_2286, %add3A_2288 : vector<1024x128xi32>
    %xor3A_2290 = arith.xori %add3A_2284, %add3A_2289 : vector<1024x128xi32>
    %shift_right_logical3A_2291 = arith.constant 9 : i32
    %shift_right_logical3A_2292 = vector.broadcast %shift_right_logical3A_2291 : i32 to vector<1024x128xi32>
    %shift_right_logical3A_2293 = arith.shrui %xor3A_2290, %shift_right_logical3A_2292 : vector<1024x128xi32>
    %or3A_2294 = arith.constant 1065353216 : i32
    %or3A_2295 = vector.broadcast %or3A_2294 : i32 to vector<1024x128xi32>
    %or3A_2296 = arith.ori %shift_right_logical3A_2293, %or3A_2295 : vector<1024x128xi32>
    %bitcast_convert_type3A_2297 = tpu.bitcast %or3A_2296 : vector<1024x128xi32> -> vector<1024x128xf32>
    %sub3A_2298 = arith.constant 1.000000e+00 : f32
    %sub3A_2299 = vector.broadcast %sub3A_2298 : f32 to vector<1024x128xf32>
    %sub3A_2300 = arith.subf %bitcast_convert_type3A_2297, %sub3A_2299 : vector<1024x128xf32>
    %mul3A_2301 = arith.constant 1.000000e+00 : f32
    %mul3A_2302 = vector.broadcast %mul3A_2301 : f32 to vector<1024x128xf32>
    %mul3A_2303 = arith.mulf %sub3A_2300, %mul3A_2302 : vector<1024x128xf32>
    %add3A_2304 = arith.constant 1.17549435E-38 : f32
    %add3A_2305 = vector.broadcast %add3A_2304 : f32 to vector<1024x128xf32>
    %add3A_2306 = arith.addf %mul3A_2303, %add3A_2305 : vector<1024x128xf32>
    %max3A_2307 = arith.constant 1.17549435E-38 : f32
    %max3A_2308 = vector.broadcast %max3A_2307 : f32 to vector<1024x128xf32>
    %max3A_2309 = arith.maximumf %max3A_2308, %add3A_2306 : vector<1024x128xf32>
    %log3A_2310 = math.log %max3A_2309 : vector<1024x128xf32>
    %neg3A_2311 = arith.constant 0.000000e+00 : f32
    %neg3A_2312 = vector.broadcast %neg3A_2311 : f32 to vector<1024x128xf32>
    %neg3A_2313 = arith.subf %neg3A_2312, %log3A_2310 : vector<1024x128xf32>
    %log3A_2314 = math.log %neg3A_2313 : vector<1024x128xf32>
    %neg3A_2315 = arith.constant 0.000000e+00 : f32
    %neg3A_2316 = vector.broadcast %neg3A_2315 : f32 to vector<1024x128xf32>
    %neg3A_2317 = arith.subf %neg3A_2316, %log3A_2314 : vector<1024x128xf32>
    %get3A_2318 = arith.constant 0 : index
    %get3A_2319 = arith.constant 0 : index
    %get3A_2320 = vector.load %arg4[%get3A_2318, %get3A_2319] : memref<1024x64xf32, #tpu.memory_space<vmem>>, vector<1024x64xf32>
    %get3A_2321 = arith.constant 7 : index
    %get3A_2322 = arith.constant 0 : index
    %get3A_2323 = arith.constant 0 : index
    %get3A_2324 = vector.load %arg2[%get3A_2321, %get3A_2322, %get3A_2323] : memref<8x64x128xf32, #tpu.memory_space<vmem>>, vector<1x64x128xf32>
    %get3A_2325 = vector.shape_cast %get3A_2324 : vector<1x64x128xf32> to vector<64x128xf32>
    %dot_general3A_2326 = arith.constant dense<0.000000e+00> : vector<1024x128xf32>
    %dot_general3A_2327 = tpu.matmul %get3A_2320, %get3A_2325, %dot_general3A_2326 {dimension_numbers = #tpu.dot_dimension_numbers<[1], [0], [0], [1], [0, 0, 1, 1], [], []>, precision = #tpu.contract_precision<fp32>, transpose_lhs_hint = false} : vector<1024x64xf32>, vector<64x128xf32>, vector<1024x128xf32> -> vector<1024x128xf32>
    %slice3A_2328 = vector.extract_strided_slice %dot_general3A_8 {offsets = [7168, 0], sizes = [1024, 128], strides = [1, 1]} : vector<8192x128xf32> to vector<1024x128xf32>
    %add3A_2329 = arith.addf %dot_general3A_2327, %slice3A_2328 : vector<1024x128xf32>
    %add3A_2330 = arith.addf %add3A_2329, %neg3A_2317 : vector<1024x128xf32>
    %reduce_max3A_2331 = arith.constant dense<0xFF800000> : vector<1024xf32>
    %reduce_max3A_2332 = vector.multi_reduction <maximumf>, %add3A_2330, %reduce_max3A_2331 [1] : vector<1024x128xf32> to vector<1024xf32>
    %broadcast_in_dim3A_2333 = vector.shape_cast %reduce_max3A_2332 : vector<1024xf32> to vector<1024x1xf32>
    %iota3A_2334 = tpu.iota {dimensions = array<i32: 1>} : vector<1024x128xi32>
    %eq3A_2335 = vector.broadcast %broadcast_in_dim3A_2333 : vector<1024x1xf32> to vector<1024x128xf32>
    %eq3A_2336 = arith.cmpf oeq, %add3A_2330, %eq3A_2335 : vector<1024x128xf32>
    %jit3A_2337 = arith.constant 128 : i32
    %broadcast_in_dim3A_2338 = vector.broadcast %jit3A_2337 : i32 to vector<1024x128xi32>
    %select_n3A_2339 = arith.select %eq3A_2336, %iota3A_2334, %broadcast_in_dim3A_2338 : vector<1024x128xi1>, vector<1024x128xi32>
    %reduce_min3A_2340 = arith.constant dense<2147483647> : vector<1024xi32>
    %reduce_min3A_2341 = vector.multi_reduction <minsi>, %select_n3A_2339, %reduce_min3A_2340 [1] : vector<1024x128xi32> to vector<1024xi32>
    %broadcast_in_dim3A_2342 = vector.shape_cast %reduce_min3A_2341 : vector<1024xi32> to vector<1024x1xi32>
    %swap3A_2343 = arith.constant 7 : index
    %swap3A_2344 = arith.constant 0 : index
    %swap3A_2345 = arith.constant 0 : index
    %swap3A_2346 = vector.load %arg6[%swap3A_2343, %swap3A_2344, %swap3A_2345] : memref<8x1024x1xi32, #tpu.memory_space<vmem>>, vector<1x1024x1xi32>
    %swap3A_2347 = vector.shape_cast %swap3A_2346 : vector<1x1024x1xi32> to vector<1024x1xi32>
    %swap3A_2348 = vector.shape_cast %broadcast_in_dim3A_2342 : vector<1024x1xi32> to vector<1x1024x1xi32>
    tpu.vector_store %arg6[%swap3A_2343, %swap3A_2344, %swap3A_2345], %swap3A_2348 {strides = array<i32>} : memref<8x1024x1xi32, #tpu.memory_space<vmem>>, vector<1x1024x1xi32>,
    return
  }
  func.func @transform_0(%arg0: i32) -> (i32, i32, i32) {
    %c0_i32 = arith.constant 0 : i32
    %c0_i32_0 = arith.constant 0 : i32
    %c0_i32_1 = arith.constant 0 : i32
    return %arg0, %c0_i32, %c0_i32_0 : i32, i32, i32
  }
  func.func @transform_1(%arg0: i32) -> (i32, i32, i32) {
    %c0_i32 = arith.constant 0 : i32
    %c0_i32_0 = arith.constant 0 : i32
    %c0_i32_1 = arith.constant 0 : i32
    return %arg0, %c0_i32, %c0_i32_0 : i32, i32, i32
  }
  func.func @transform_2(%arg0: i32) -> (i32, i32) {
    %c0_i32 = arith.constant 0 : i32
    %c0_i32_0 = arith.constant 0 : i32
    %c0_i32_1 = arith.constant 0 : i32
    return %c0_i32, %c0_i32_0 : i32, i32
  }
  func.func @transform_3(%arg0: i32) -> (i32, i32) {
    %c0_i32 = arith.constant 0 : i32
    %c0_i32_0 = arith.constant 0 : i32
    %c0_i32_1 = arith.constant 0 : i32
    return %c0_i32, %c0_i32_0 : i32, i32
  }
  func.func @transform_4(%arg0: i32) -> (i32, i32, i32) {
    %c0_i32 = arith.constant 0 : i32
    %c0_i32_0 = arith.constant 0 : i32
    %c0_i32_1 = arith.constant 0 : i32
    return %arg0, %c0_i32, %c0_i32_0 : i32, i32, i32
  }
  func.func @transform_5(%arg0: i32) -> (i32, i32, i32) {
    %c0_i32 = arith.constant 0 : i32
    %c0_i32_0 = arith.constant 0 : i32
    %c0_i32_1 = arith.constant 0 : i32
    return %arg0, %c0_i32, %c0_i32_0 : i32, i32, i32
  }
}

</mosaic_0001>

<sc_bundles>
// kernel: kernel.8.cloned.1.call-start
scs
__scs_entry_jumppad:
0x0: {  	(pc) =	sbr.rel $0x88, $3  }
0x1: {  	(tag) =	ssettag $0x0;
	lr =	simm.s32 $0x1  }
0x2: {  	[smem:$0x3F9D] =	sst lr;
	_ =	strace $0xD0000000  }
0x3: {  	_ = 	snop  }
0x4: {  	_ = 	snop  }
0x5: {  	_ = 	snop  }
0x6: {  	_ = 	snop  }
0x7: {  	_ = 	snop  }
__scs_overlays_trampoline_lowered:
0x8: {  	[smem:$0x3FAC] =	sst s0  }
0x9: {  	[smem:$0x3FAD] =	sst s1  }
0xa: {  	[smem:$0x3FAE] =	sst s2  }
0xb: {  	[smem:$0x3FAF] =	sst s3  }
0xc: {  	[smem:$0x3FB0] =	sst s4  }
0xd: {  	[smem:$0x3FB1] =	sst s5  }
0xe: {  	[smem:$0x3FB2] =	sst s6  }
0xf: {  	[smem:$0x3FB3] =	sst s7  }
0x10: {  	[smem:$0x3FB4] =	sst s8  }
0x11: {  	[smem:$0x3FB5] =	sst s9;
	s0 =	simm.s32 @!p0 $0x0  }
0x12: {  	s1 =	sld [smem:$0x3F9B];
	s0 =	simm.s32 @p0 $0x1  }
0x13: {  	[smem:$0x3FB6] =	sst s0;
	s0 =	simm.s32 @!p1 $0x0  }
0x14: {  	s2 =	sld [smem:$0x3F9A];
	s0 =	simm.s32 @p1 $0x1  }
0x15: {  	[smem:$0x3FB7] =	sst s0;
	s0 =	simm.s32 @!p2 $0x0  }
0x16: {  	s3 =	sld [smem:$0x3FDB];
	s0 =	simm.s32 @p2 $0x1  }
0x17: {  	s4 =	simm.s32 $0x1BF5;
	[smem:$0x3FB9] =	sst s0  }
0x18: {  	s0 =	sld [smem:$0x3F9C];
	_ =	swait.ge [sflag:s4], $0x0  }
0x19: {  	s7 =	sld [smem:$0x3F9D]  }
0x1a: {  	s8 =	sadd.s32 $0xFFFFE003, lr  }
0x1b: {  	s9 =	sadd.s32 $0xFFFFFEF7, lr;
	s5 =	simm.s32 $0xFFFFFFFF;
	p2 =	slt.u32 s8, $0xFFFFF086  }
0x1c: {  	p1 =	slt.u32 s9, $0xF7A;
	s5 =	simm.s32 @!p2 $0x0  }
0x1d: {  	s5 =	simm.s32 @p1 $0x1;
	p0 =	seq.s32 s7, s2  }
0x1e: {  	s7 =	smul.u32 @!p0 $0xF7A, s2;
	p2 =	seq.s32 @!p0 s5, $0x0  }
0x1f: {  	s9 =	smul.u32 $0xF7A, s1;
	s8 =	simm.s32 @!p0 $0x1BF5;
	p2 =	por !p2, p0  }
0x20: {  	[sflag:s8] =	ssyncset.s32 @!p0 $0xFFFFF086;
	s6 =	sadd.s32 @!p0 s3, s7;
	s7 =	simm.s32 @!p0 $0x108  }
0x21: {  	s3 =	sadd.s32 s3, s9;
	s6 =	sadd.s32 @!p0 $0x88, s6;
	s7 =	simm.s32 @p2 $0x1082  }
0x22: {  	[simem:s7], [sflag:s8] =	dma.local @!p0 [hbm:s6], $0xF7A  }
0x23: {  	s9 =	sor.u32 $0xD0000000, s2;
	s6 =	simm.s32 $0x108;
	_ =	swait.ge @!p0 [sflag:s8], $0x0  }
0x24: {  	s3 =	sadd.s32 $0x88, s3;
	s6 =	simm.s32 @!p1 $0x1082;
	[sflag:s4] =	ssyncset.s32 $0xFFFFF086  }
0x25: {  	[simem:s6], [sflag:s4] =	dma.local [hbm:s3], $0xF7A  }
0x26: {  	[smem:$0x3F9D] =	sst s1;
	(tag) =	ssettag s2;
	_ =	strace s9  }
0x27: {  	s1 =	sld [smem:$0x3FAD]  }
0x28: {  	s2 =	sld [smem:$0x3FAE]  }
0x29: {  	s4 =	sld [smem:$0x3FB0]  }
0x2a: {  	p0 =	seq.s32 s5, $0x0;
	s5 =	sld [smem:$0x3FB1]  }
0x2b: {  	s6 =	sld [smem:$0x3FB2]  }
0x2c: {  	s7 =	sld [smem:$0x3FB3]  }
0x2d: {  	s3 =	simm.s32 $0x108;
	s8 =	sld [smem:$0x3FB4]  }
0x2e: {  	s3 =	simm.s32 @!p0 $0x1082;
	s9 =	sld [smem:$0x3FB5]  }
0x2f: {  	lr =	sadd.s32 s0, s3;
	s0 =	sld [smem:$0x3FAC]  }
0x30: {  	s3 =	sld [smem:$0x3FAF]  }
0x31: {  	[smem:$0x3FB8] =	sst s10  }
0x32: {  	s10 =	sld [smem:$0x3FB6];
	_ =	sdelay $0x3  }
0x33: {  	p0 =	seq.s32 s10, $0x1;
	s10 =	sld [smem:$0x3FB8];
	_ =	sdelay $0x3  }
0x34: {  	[smem:$0x3FB8] =	sst s10  }
0x35: {  	s10 =	sld [smem:$0x3FB7];
	_ =	sdelay $0x3  }
0x36: {  	p1 =	seq.s32 s10, $0x1;
	s10 =	sld [smem:$0x3FB8];
	_ =	sdelay $0x3  }
0x37: {  	[smem:$0x3FB8] =	sst s10  }
0x38: {  	s10 =	sld [smem:$0x3FB9]  }
0x39: {  	_ = 	snop;
	(pc) =	sbr.ind lr, $3  }
0x3a: {  	_ = 	snop  }
0x3b: {  	_ = 	snop  }
0x3c: {  	p2 =	seq.s32 s10, $0x1;
	s10 =	sld [smem:$0x3FB8]  }
0x3d: {  	_ =	shalt  }
0x3e: {  	_ =	shalt  }
0x3f: {  	_ =	shalt  }
0x40: {  	_ =	shalt  }
0x41: {  	_ =	shalt  }
0x42: {  	_ =	shalt  }
0x43: {  	_ =	shalt  }
0x44: {  	_ =	shalt  }
0x45: {  	_ =	shalt  }
0x46: {  	_ =	shalt  }
0x47: {  	_ =	shalt  }
0x48: {  	_ =	shalt  }
0x49: {  	_ =	shalt  }
0x4a: {  	_ =	shalt  }
0x4b: {  	_ =	shalt  }
0x4c: {  	_ =	shalt  }
0x4d: {  	_ =	shalt  }
0x4e: {  	_ =	shalt  }
0x4f: {  	_ =	shalt  }
0x50: {  	_ =	shalt  }
0x51: {  	_ =	shalt  }
0x52: {  	_ =	shalt  }
0x53: {  	_ =	shalt  }
0x54: {  	_ =	shalt  }
0x55: {  	_ =	shalt  }
0x56: {  	_ =	shalt  }
0x57: {  	_ =	shalt  }
0x58: {  	_ =	shalt  }
0x59: {  	_ =	shalt  }
0x5a: {  	_ =	shalt  }
0x5b: {  	_ =	shalt  }
0x5c: {  	_ =	shalt  }
0x5d: {  	_ =	shalt  }
0x5e: {  	_ =	shalt  }
0x5f: {  	_ =	shalt  }
0x60: {  	_ =	shalt  }
0x61: {  	_ =	shalt  }
0x62: {  	_ =	shalt  }
0x63: {  	_ =	shalt  }
0x64: {  	_ =	shalt  }
0x65: {  	_ =	shalt  }
0x66: {  	_ =	shalt  }
0x67: {  	_ =	shalt  }
0x68: {  	_ =	shalt  }
0x69: {  	_ =	shalt  }
0x6a: {  	_ =	shalt  }
0x6b: {  	_ =	shalt  }
0x6c: {  	_ =	shalt  }
0x6d: {  	_ =	shalt  }
0x6e: {  	_ =	shalt  }
0x6f: {  	_ =	shalt  }
0x70: {  	_ =	shalt  }
0x71: {  	_ =	shalt  }
0x72: {  	_ =	shalt  }
0x73: {  	_ =	shalt  }
0x74: {  	_ =	shalt  }
0x75: {  	_ =	shalt  }
0x76: {  	_ =	shalt  }
0x77: {  	_ =	shalt  }
0x78: {  	_ =	shalt  }
0x79: {  	_ =	shalt  }
0x7a: {  	_ =	shalt  }
0x7b: {  	_ =	shalt  }
0x7c: {  	_ =	shalt  }
0x7d: {  	_ =	shalt  }
0x7e: {  	_ =	shalt  }
0x7f: {  	_ =	shalt  }
0x80: {  	_ =	shalt  }
0x81: {  	_ =	shalt  }
0x82: {  	_ =	shalt  }
0x83: {  	_ =	shalt  }
0x84: {  	_ =	shalt  }
0x85: {  	_ =	shalt  }
0x86: {  	_ =	shalt  }
0x87: {  	_ =	shalt  }
.Lfunc_end0:
.L_simem_size_0:
called_computation_lowered:
.L_overlay_start_0:
0x88: {  	s2 =	sld [smem:$0x3FD9]  }
0x89: {  	s3 =	sld [smem:$0x3FFE];
	_ =	sdelay $0x1  }
0x8a: {  	s1 =	srdreg.scid  }
0x8b: {  	s0 =	sand.u32 $0x1, s1  }
0x8c: {  	s17 =	sshll.u32 s0, $0xA;
	s2 =	sadd.s32 s3, s2  }
0x8d: {  	s2 =	sadd.s32 s2, s17  }
0x8e: {  	[smem:$0x3FC4] =	sst s2  }
0x8f: {  	_ = 	snop  }
0x90: {  	s2 =	sld [smem:$0x3FD0];
	(tm) =	ssettm $0x1  }
0x91: {  	s18 =	sld [smem:$0x3FFB];
	_ =	sdelay $0x3  }
0x92: {  	_ =	strace s18  }
0x93: {  	s3 =	sld [smem:$0x3FFC];
	_ =	sdelay $0x3  }
0x94: {  	_ =	strace s3  }
0x95: {  	s3 =	sld [smem:$0x3FFD];
	_ =	sdelay $0x3  }
0x96: {  	_ =	strace s3  }
0x97: {  	_ =	strace $0x8FFFFFFF  }
0x98: {  	s19 =	sld [smem:$0x3FDB];
	_ =	sdelay $0x1  }
0x99: {  	s4 =	simm.s32 $_scs_section_size  }
0x9a: {  	s5 =	simm.s32 $_size__tile_overlayer_lowered;
	s6 =	simm.s32 $_tile_overlayer_lowered  }
0x9b: {  	s22 =	simm.s32 $0x1BFF;
	s21 =	sshll.u32 s6, $0x1;
	s3 =	sadd.s32 s4, s19  }
0x9c: {  	s7 =	simm.s32 $0x0;
	s20 =	sshll.u32 s5, $0x1;
	s5 =	sadd.s32 s21, s3  }
0x9d: {  	[timem:s7], [sflag:s22] =	dma.local [hbm:s5], s20  }
0x9e: {  	_ =	swait.ge [sflag:s22], s20  }
0x9f: {  	s4 =	ssub.s32 $0x0, s20;
	[sflag:s22] =	ssyncset.done $0x0  }
0xa0: {  	[sflag:s22] =	ssyncadd.s32 s4;
	_ =	sdelay $0x1  }
0xa1: {  	s23 =	simm.s32 $0x1B8B  }
0xa2: {  	_ =	swait.ge [sflag:s23], $0x1  }
0xa3: {  	[sflag:s23] =	ssyncset.done $0x0  }
0xa4: {  	s25 =	simm.s32 $0x1B8E;
	s24 =	sld [smem:$0x3FFE];
	[sflag:s23] =	ssyncadd.s32 $0xFFFFFFFF  }
0xa5: {  	s26 =	simm.s32 $execute0_lowered;
	[smem:$0x3FD2] =	sst s25  }
0xa6: {  	s5 =	sshll.u32 s26, $0x1;
	_ =	strace $0x80000046;
	[dreg:$0x1] =	wrdreg $0xFFFFFFFF  }
0xa7: {  	s28 =	simm.s32 $_size_execute0_lowered;
	s3 =	sadd.s32 s3, s5;
	[dreg:$0x0] =	wrdreg $0x0  }
0xa8: {  	s5 =	sshll.u32 s28, $0x1;
	[dreg:$0x2] =	wrdreg s3  }
0xa9: {  	[dreg:$0x3] =	wrdreg s5  }
0xaa: {  	[dreg:$0x4] =	wrdreg $0xC0  }
0xab: {  	_ =	task [dreg:s7], $0x5FFFF  }
0xac: {  	[dreg:$0x1] =	wrdreg $0xFFFFFFFF  }
0xad: {  	[dreg:$0x0] =	wrdreg $0x60  }
0xae: {  	[dreg:$0x2] =	wrdreg s2  }
0xaf: {  	[dreg:$0x3] =	wrdreg s24  }
0xb0: {  	[dreg:$0x4] =	wrdreg $0x9  }
0xb1: {  	_ =	task.clear_ibuf [dreg:s7], $0x5FFFF;
	_ =	strace $0x90000046  }
0xb2: {  	s29 =	simm.s32 $0x9;
	_ =	strace $0x80000048  }
0xb3: {  	_ =	swait.ge [sflag:s29], $0x1  }
0xb4: {  	[sflag:s29] =	ssyncadd.s32 $0xFFFFFFFF  }
0xb5: {  	_ =	strace $0x90000048  }
0xb6: {  	_ =	sfence  }
0xb7: {  	s30 =	sld [smem:$0x0];
	_ =	sdelay $0x2  }
0xb8: {  	s31 =	sshll.u32 s1, $0xD;
	s1 =	sshrl.u32 s1, $0x2  }
0xb9: {  	s3 =	sand.u32 $0x4000, s31;
	s1 =	sadd.s32 s1, s30  }
0xba: {  	s0 =	sor.u32 s3, s0;
	s1 =	sshll.u32 s1, $0x11  }
0xbb: {  	s0 =	sor.u32 s1, s0  }
0xbc: {  	s0 =	sadd.s32 $0x8F2B, s0  }
0xbd: {  	[sflag:s0] =	ssyncadd.remote.s32 $0x1  }
0xbe: {  	_ =	sfence.sel $0xFFFF  }
0xbf: {  	[dreg:$0x0] =	wrdreg $0xFFFFFFFF;
	(pc) =	sbr.abs _section_cstart, $3  }
0xc0: {  	[dreg:$0x1] =	wrdreg $0xFFFFFFFF  }
0xc1: {  	_ =	task.clear_ibuf [dreg:s7], $0x2FFFF;
	_ =	strace $0x9FFFFFFF  }
0xc2: {  	(tm) =	ssettm $0x7FFFFFFF  }
0xc3: {  	_ =	shalt  }
tec
execute0_lowered:
.L_overlay_start_1:
0x0: {  	(tag) =	ssettag $0x1  }
0x1: {  	s4 =	rddreg [dreg:$0x0]  }
0x2: {  	s5 =	rddreg [dreg:$0x1]  }
0x3: {  	s0 =	rddreg [dreg:$0x2];
	s2 =	simm.s32 $0x0;
	s3 =	srdreg.scid  }
0x4: {  	s1 =	stileid.u32;
	s9 =	simm.s32 $0x1;
	s10 =	simm.s32 $0x10400  }
0x5: {  	s11 =	simm.s32 $0x0;
	s6 =	sand.u32 $0x1, s3;
	s30 =	sshll.u32 s1, $0x1  }
0x6: {  	[smem:$0x7FF] =	sst s2;
	s3 =	sadd.s32 $0xA00, s5;
	s7 =	sor.u32 s6, s30  }
0x7: {  	_ =	strace $0x80000047;
	s6 =	ssub.s32 $0x2, s6;
	s8 =	sshll.u32 s7, $0x8  }
0x8: {  	s31 =	sshrl.u32 s6, $0x1;
	s7 =	sshll.u32 s7, $0x7;
	s5 =	sadd.s32 s8, s5  }
0x9: {  	s6 =	ssub.s32 s6, s31;
	s4 =	sadd.s32 s4, s7;
	s7 =	simm.s32 $0x2  }
0xa: {  	s8 =	simm.s32 $0x400;
	s5 =	sadd.s32 $0x8A00, s5;
	s6 =	smax.u32 s6, $0x1  }
.LBB2_1:
0xb: {  	[tilespmem:s2], [sflag:$0x2] =	stream.linear.gather [hbm4b:s4+s2], $0x400, $0x38;
	[tilespmem:$0x10C00] =	vst v63  }
0xc: {  	_ =	swait.ge [sflag:s7], $0x400  }
0xd: {  	[sflag:s7] =	ssyncset.done $0x0  }
0xe: {  	[sflag:s7] =	ssyncadd.s32 $0xFFFFFC00  }
0xf: {  	[tilespmem:s8], [sflag:$0x1] =	stream.indirect.gather [hbm4b:s3+s8], $0x40, s2, s8, $0xb8;
	[tilespmem:$0x10C00] =	vst v63  }
0x10: {  	_ =	swait.ge [sflag:s9], $0x10000  }
0x11: {  	[sflag:s9] =	ssyncset.done $0x0  }
0x12: {  	s12 =	simm.s32 $0x800;
	[sflag:s9] =	ssyncadd.s32 $0xFFFF0000  }
0x13: {  	v0 =	vld [tilespmem:s12+$0xFFFFFC40]  }
0x14: {  	v1 =	vld [tilespmem:s12+$0xFFFFFC00];
	_ =	sdelay $0x1  }
0x15: {  	v2 =	vld [tilespmem:s12+$0xFFFFFC80];
	_ =	sdelay $0x1  }
0x16: {  	v3 =	vld [tilespmem:s12+$0xFFFFFCC0]  }
0x17: {  	v0 =	vadd.f32 v0, v1  }
0x18: {  	v1 =	vld [tilespmem:s12+$0xFFFFFD00]  }
0x19: {  	v0 =	vadd.f32 v2, v0  }
0x1a: {  	v2 =	vld [tilespmem:s12+$0xFFFFFD40]  }
0x1b: {  	v0 =	vadd.f32 v3, v0  }
0x1c: {  	v3 =	vld [tilespmem:s12+$0xFFFFFD80]  }
0x1d: {  	v0 =	vadd.f32 v1, v0  }
0x1e: {  	v1 =	vld [tilespmem:s12+$0xFFFFFDC0]  }
0x1f: {  	v0 =	vadd.f32 v2, v0  }
0x20: {  	v2 =	vld [tilespmem:s12+$0xFFFFFE00]  }
0x21: {  	v0 =	vadd.f32 v3, v0  }
0x22: {  	v3 =	vld [tilespmem:s12+$0xFFFFFE40]  }
0x23: {  	v0 =	vadd.f32 v1, v0  }
0x24: {  	v1 =	vld [tilespmem:s12+$0xFFFFFE80]  }
0x25: {  	v0 =	vadd.f32 v2, v0  }
0x26: {  	v2 =	vld [tilespmem:s12+$0xFFFFFEC0]  }
0x27: {  	v0 =	vadd.f32 v3, v0  }
0x28: {  	v3 =	vld [tilespmem:s12+$0xFFFFFF00]  }
0x29: {  	v0 =	vadd.f32 v1, v0  }
0x2a: {  	v1 =	vld [tilespmem:s12+$0xFFFFFF40]  }
0x2b: {  	v0 =	vadd.f32 v2, v0  }
0x2c: {  	v2 =	vld [tilespmem:s12+$0xFFFFFF80]  }
0x2d: {  	v0 =	vadd.f32 v3, v0  }
0x2e: {  	v3 =	vld [tilespmem:s12+$0xFFFFFFC0]  }
0x2f: {  	v0 =	vadd.f32 v1, v0  }
0x30: {  	v1 =	vld [tilespmem:s12+$0x0]  }
0x31: {  	v0 =	vadd.f32 v2, v0  }
0x32: {  	v2 =	vld [tilespmem:s12+$0x40]  }
0x33: {  	v0 =	vadd.f32 v3, v0  }
0x34: {  	v3 =	vld [tilespmem:s12+$0x80]  }
0x35: {  	v0 =	vadd.f32 v1, v0  }
0x36: {  	v1 =	vld [tilespmem:s12+$0xC0]  }
0x37: {  	v0 =	vadd.f32 v2, v0  }
0x38: {  	v2 =	vld [tilespmem:s12+$0x100]  }
0x39: {  	v0 =	vadd.f32 v3, v0  }
0x3a: {  	v3 =	vld [tilespmem:s12+$0x140]  }
0x3b: {  	v0 =	vadd.f32 v1, v0  }
0x3c: {  	v1 =	vld [tilespmem:s12+$0x180]  }
0x3d: {  	v0 =	vadd.f32 v2, v0  }
0x3e: {  	v2 =	vld [tilespmem:s12+$0x1C0]  }
0x3f: {  	v0 =	vadd.f32 v3, v0  }
0x40: {  	v3 =	vld [tilespmem:s12+$0x200]  }
0x41: {  	v0 =	vadd.f32 v1, v0  }
0x42: {  	v1 =	vld [tilespmem:s12+$0x240]  }
0x43: {  	v0 =	vadd.f32 v2, v0  }
0x44: {  	v2 =	vld [tilespmem:s12+$0x280]  }
0x45: {  	v0 =	vadd.f32 v3, v0  }
0x46: {  	v3 =	vld [tilespmem:s12+$0x2C0]  }
0x47: {  	v0 =	vadd.f32 v1, v0  }
0x48: {  	v1 =	vld [tilespmem:s12+$0x300]  }
0x49: {  	v0 =	vadd.f32 v2, v0  }
0x4a: {  	v2 =	vld [tilespmem:s12+$0x340]  }
0x4b: {  	v0 =	vadd.f32 v3, v0  }
0x4c: {  	v3 =	vld [tilespmem:s12+$0x380]  }
0x4d: {  	v0 =	vadd.f32 v1, v0  }
0x4e: {  	v1 =	vld [tilespmem:s12+$0x3C0]  }
0x4f: {  	v0 =	vadd.f32 v2, v0;
	_ =	sdelay $0x1  }
0x50: {  	v0 =	vadd.f32 v3, v0;
	_ =	sdelay $0x1  }
0x51: {  	v0 =	vadd.f32 v1, v0  }
0x52: {  	s13 =	simm.s32 $0x0  }
0x53: {  	[tilespmem:s13+$0x10400] =	vst v0  }
0x54: {  	v0 =	vld [tilespmem:s12+$0xFFFFFC10]  }
0x55: {  	v1 =	vld [tilespmem:s12+$0xFFFFFC50];
	_ =	sdelay $0x1  }
0x56: {  	v2 =	vld [tilespmem:s12+$0xFFFFFC90];
	_ =	sdelay $0x1  }
0x57: {  	v3 =	vld [tilespmem:s12+$0xFFFFFCD0]  }
0x58: {  	v0 =	vadd.f32 v1, v0  }
0x59: {  	v1 =	vld [tilespmem:s12+$0xFFFFFD10]  }
0x5a: {  	v0 =	vadd.f32 v2, v0  }
0x5b: {  	v2 =	vld [tilespmem:s12+$0xFFFFFD50]  }
0x5c: {  	v0 =	vadd.f32 v3, v0  }
0x5d: {  	v3 =	vld [tilespmem:s12+$0xFFFFFD90]  }
0x5e: {  	v0 =	vadd.f32 v1, v0  }
0x5f: {  	v1 =	vld [tilespmem:s12+$0xFFFFFDD0]  }
0x60: {  	v0 =	vadd.f32 v2, v0  }
0x61: {  	v2 =	vld [tilespmem:s12+$0xFFFFFE10]  }
0x62: {  	v0 =	vadd.f32 v3, v0  }
0x63: {  	v3 =	vld [tilespmem:s12+$0xFFFFFE50]  }
0x64: {  	v0 =	vadd.f32 v1, v0  }
0x65: {  	v1 =	vld [tilespmem:s12+$0xFFFFFE90]  }
0x66: {  	v0 =	vadd.f32 v2, v0  }
0x67: {  	v2 =	vld [tilespmem:s12+$0xFFFFFED0]  }
0x68: {  	v0 =	vadd.f32 v3, v0  }
0x69: {  	v3 =	vld [tilespmem:s12+$0xFFFFFF10]  }
0x6a: {  	v0 =	vadd.f32 v1, v0  }
0x6b: {  	v1 =	vld [tilespmem:s12+$0xFFFFFF50]  }
0x6c: {  	v0 =	vadd.f32 v2, v0  }
0x6d: {  	v2 =	vld [tilespmem:s12+$0xFFFFFF90]  }
0x6e: {  	v0 =	vadd.f32 v3, v0  }
0x6f: {  	v3 =	vld [tilespmem:s12+$0xFFFFFFD0]  }
0x70: {  	v0 =	vadd.f32 v1, v0  }
0x71: {  	v1 =	vld [tilespmem:s12+$0x10]  }
0x72: {  	v0 =	vadd.f32 v2, v0  }
0x73: {  	v2 =	vld [tilespmem:s12+$0x50]  }
0x74: {  	v0 =	vadd.f32 v3, v0  }
0x75: {  	v3 =	vld [tilespmem:s12+$0x90]  }
0x76: {  	v0 =	vadd.f32 v1, v0  }
0x77: {  	v1 =	vld [tilespmem:s12+$0xD0]  }
0x78: {  	v0 =	vadd.f32 v2, v0  }
0x79: {  	v2 =	vld [tilespmem:s12+$0x110]  }
0x7a: {  	v0 =	vadd.f32 v3, v0  }
0x7b: {  	v3 =	vld [tilespmem:s12+$0x150]  }
0x7c: {  	v0 =	vadd.f32 v1, v0  }
0x7d: {  	v1 =	vld [tilespmem:s12+$0x190]  }
0x7e: {  	v0 =	vadd.f32 v2, v0  }
0x7f: {  	v2 =	vld [tilespmem:s12+$0x1D0]  }
0x80: {  	v0 =	vadd.f32 v3, v0  }
0x81: {  	v3 =	vld [tilespmem:s12+$0x210]  }
0x82: {  	v0 =	vadd.f32 v1, v0  }
0x83: {  	v1 =	vld [tilespmem:s12+$0x250]  }
0x84: {  	v0 =	vadd.f32 v2, v0  }
0x85: {  	v2 =	vld [tilespmem:s12+$0x290]  }
0x86: {  	v0 =	vadd.f32 v3, v0  }
0x87: {  	v3 =	vld [tilespmem:s12+$0x2D0]  }
0x88: {  	v0 =	vadd.f32 v1, v0  }
0x89: {  	v1 =	vld [tilespmem:s12+$0x310]  }
0x8a: {  	v0 =	vadd.f32 v2, v0  }
0x8b: {  	v2 =	vld [tilespmem:s12+$0x350]  }
0x8c: {  	v0 =	vadd.f32 v3, v0  }
0x8d: {  	v3 =	vld [tilespmem:s12+$0x390]  }
0x8e: {  	v0 =	vadd.f32 v1, v0  }
0x8f: {  	v1 =	vld [tilespmem:s12+$0x3D0]  }
0x90: {  	v0 =	vadd.f32 v2, v0;
	_ =	sdelay $0x1  }
0x91: {  	v0 =	vadd.f32 v3, v0;
	_ =	sdelay $0x1  }
0x92: {  	v0 =	vadd.f32 v1, v0;
	_ =	sdelay $0x1  }
0x93: {  	[tilespmem:s13+$0x10410] =	vst v0  }
0x94: {  	v0 =	vld [tilespmem:s12+$0xFFFFFC20]  }
0x95: {  	v1 =	vld [tilespmem:s12+$0xFFFFFC60];
	_ =	sdelay $0x1  }
0x96: {  	v2 =	vld [tilespmem:s12+$0xFFFFFCA0];
	_ =	sdelay $0x1  }
0x97: {  	v3 =	vld [tilespmem:s12+$0xFFFFFCE0]  }
0x98: {  	v0 =	vadd.f32 v1, v0  }
0x99: {  	v1 =	vld [tilespmem:s12+$0xFFFFFD20]  }
0x9a: {  	v0 =	vadd.f32 v2, v0  }
0x9b: {  	v2 =	vld [tilespmem:s12+$0xFFFFFD60]  }
0x9c: {  	v0 =	vadd.f32 v3, v0  }
0x9d: {  	v3 =	vld [tilespmem:s12+$0xFFFFFDA0]  }
0x9e: {  	v0 =	vadd.f32 v1, v0  }
0x9f: {  	v1 =	vld [tilespmem:s12+$0xFFFFFDE0]  }
0xa0: {  	v0 =	vadd.f32 v2, v0  }
0xa1: {  	v2 =	vld [tilespmem:s12+$0xFFFFFE20]  }
0xa2: {  	v0 =	vadd.f32 v3, v0  }
0xa3: {  	v3 =	vld [tilespmem:s12+$0xFFFFFE60]  }
0xa4: {  	v0 =	vadd.f32 v1, v0  }
0xa5: {  	v1 =	vld [tilespmem:s12+$0xFFFFFEA0]  }
0xa6: {  	v0 =	vadd.f32 v2, v0  }
0xa7: {  	v2 =	vld [tilespmem:s12+$0xFFFFFEE0]  }
0xa8: {  	v0 =	vadd.f32 v3, v0  }
0xa9: {  	v3 =	vld [tilespmem:s12+$0xFFFFFF20]  }
0xaa: {  	v0 =	vadd.f32 v1, v0  }
0xab: {  	v1 =	vld [tilespmem:s12+$0xFFFFFF60]  }
0xac: {  	v0 =	vadd.f32 v2, v0  }
0xad: {  	v2 =	vld [tilespmem:s12+$0xFFFFFFA0]  }
0xae: {  	v0 =	vadd.f32 v3, v0  }
0xaf: {  	v3 =	vld [tilespmem:s12+$0xFFFFFFE0]  }
0xb0: {  	v0 =	vadd.f32 v1, v0  }
0xb1: {  	v1 =	vld [tilespmem:s12+$0x20]  }
0xb2: {  	v0 =	vadd.f32 v2, v0  }
0xb3: {  	v2 =	vld [tilespmem:s12+$0x60]  }
0xb4: {  	v0 =	vadd.f32 v3, v0  }
0xb5: {  	v3 =	vld [tilespmem:s12+$0xA0]  }
0xb6: {  	v0 =	vadd.f32 v1, v0  }
0xb7: {  	v1 =	vld [tilespmem:s12+$0xE0]  }
0xb8: {  	v0 =	vadd.f32 v2, v0  }
0xb9: {  	v2 =	vld [tilespmem:s12+$0x120]  }
0xba: {  	v0 =	vadd.f32 v3, v0  }
0xbb: {  	v3 =	vld [tilespmem:s12+$0x160]  }
0xbc: {  	v0 =	vadd.f32 v1, v0  }
0xbd: {  	v1 =	vld [tilespmem:s12+$0x1A0]  }
0xbe: {  	v0 =	vadd.f32 v2, v0  }
0xbf: {  	v2 =	vld [tilespmem:s12+$0x1E0]  }
0xc0: {  	v0 =	vadd.f32 v3, v0  }
0xc1: {  	v3 =	vld [tilespmem:s12+$0x220]  }
0xc2: {  	v0 =	vadd.f32 v1, v0  }
0xc3: {  	v1 =	vld [tilespmem:s12+$0x260]  }
0xc4: {  	v0 =	vadd.f32 v2, v0  }
0xc5: {  	v2 =	vld [tilespmem:s12+$0x2A0]  }
0xc6: {  	v0 =	vadd.f32 v3, v0  }
0xc7: {  	v3 =	vld [tilespmem:s12+$0x2E0]  }
0xc8: {  	v0 =	vadd.f32 v1, v0  }
0xc9: {  	v1 =	vld [tilespmem:s12+$0x320]  }
0xca: {  	v0 =	vadd.f32 v2, v0  }
0xcb: {  	v2 =	vld [tilespmem:s12+$0x360]  }
0xcc: {  	v0 =	vadd.f32 v3, v0  }
0xcd: {  	v3 =	vld [tilespmem:s12+$0x3A0]  }
0xce: {  	v0 =	vadd.f32 v1, v0  }
0xcf: {  	v1 =	vld [tilespmem:s12+$0x3E0]  }
0xd0: {  	v0 =	vadd.f32 v2, v0;
	_ =	sdelay $0x1  }
0xd1: {  	v0 =	vadd.f32 v3, v0;
	_ =	sdelay $0x1  }
0xd2: {  	v0 =	vadd.f32 v1, v0;
	_ =	sdelay $0x1  }
0xd3: {  	[tilespmem:s13+$0x10420] =	vst v0  }
0xd4: {  	v0 =	vld [tilespmem:s12+$0xFFFFFC30]  }
0xd5: {  	v1 =	vld [tilespmem:s12+$0xFFFFFC70];
	_ =	sdelay $0x1  }
0xd6: {  	v2 =	vld [tilespmem:s12+$0xFFFFFCB0];
	_ =	sdelay $0x1  }
0xd7: {  	v3 =	vld [tilespmem:s12+$0xFFFFFCF0]  }
0xd8: {  	v0 =	vadd.f32 v1, v0  }
0xd9: {  	v1 =	vld [tilespmem:s12+$0xFFFFFD30]  }
0xda: {  	v0 =	vadd.f32 v2, v0  }
0xdb: {  	v2 =	vld [tilespmem:s12+$0xFFFFFD70]  }
0xdc: {  	v0 =	vadd.f32 v3, v0  }
0xdd: {  	v3 =	vld [tilespmem:s12+$0xFFFFFDB0]  }
0xde: {  	v0 =	vadd.f32 v1, v0  }
0xdf: {  	v1 =	vld [tilespmem:s12+$0xFFFFFDF0]  }
0xe0: {  	v0 =	vadd.f32 v2, v0  }
0xe1: {  	v2 =	vld [tilespmem:s12+$0xFFFFFE30]  }
0xe2: {  	v0 =	vadd.f32 v3, v0  }
0xe3: {  	v3 =	vld [tilespmem:s12+$0xFFFFFE70]  }
0xe4: {  	v0 =	vadd.f32 v1, v0  }
0xe5: {  	v1 =	vld [tilespmem:s12+$0xFFFFFEB0]  }
0xe6: {  	v0 =	vadd.f32 v2, v0  }
0xe7: {  	v2 =	vld [tilespmem:s12+$0xFFFFFEF0]  }
0xe8: {  	v0 =	vadd.f32 v3, v0  }
0xe9: {  	v3 =	vld [tilespmem:s12+$0xFFFFFF30]  }
0xea: {  	v0 =	vadd.f32 v1, v0  }
0xeb: {  	v1 =	vld [tilespmem:s12+$0xFFFFFF70]  }
0xec: {  	v0 =	vadd.f32 v2, v0  }
0xed: {  	v2 =	vld [tilespmem:s12+$0xFFFFFFB0]  }
0xee: {  	v0 =	vadd.f32 v3, v0  }
0xef: {  	v3 =	vld [tilespmem:s12+$0xFFFFFFF0]  }
0xf0: {  	v0 =	vadd.f32 v1, v0  }
0xf1: {  	v1 =	vld [tilespmem:s12+$0x30]  }
0xf2: {  	v0 =	vadd.f32 v2, v0  }
0xf3: {  	v2 =	vld [tilespmem:s12+$0x70]  }
0xf4: {  	v0 =	vadd.f32 v3, v0  }
0xf5: {  	v3 =	vld [tilespmem:s12+$0xB0]  }
0xf6: {  	v0 =	vadd.f32 v1, v0  }
0xf7: {  	v1 =	vld [tilespmem:s12+$0xF0]  }
0xf8: {  	v0 =	vadd.f32 v2, v0  }
0xf9: {  	v2 =	vld [tilespmem:s12+$0x130]  }
0xfa: {  	v0 =	vadd.f32 v3, v0  }
0xfb: {  	v3 =	vld [tilespmem:s12+$0x170]  }
0xfc: {  	v0 =	vadd.f32 v1, v0  }
0xfd: {  	v1 =	vld [tilespmem:s12+$0x1B0]  }
0xfe: {  	v0 =	vadd.f32 v2, v0  }
0xff: {  	v2 =	vld [tilespmem:s12+$0x1F0]  }
0x100: {  	v0 =	vadd.f32 v3, v0  }
0x101: {  	v3 =	vld [tilespmem:s12+$0x230]  }
0x102: {  	v0 =	vadd.f32 v1, v0  }
0x103: {  	v1 =	vld [tilespmem:s12+$0x270]  }
0x104: {  	v0 =	vadd.f32 v2, v0  }
0x105: {  	v2 =	vld [tilespmem:s12+$0x2B0]  }
0x106: {  	v0 =	vadd.f32 v3, v0  }
0x107: {  	v3 =	vld [tilespmem:s12+$0x2F0]  }
0x108: {  	v0 =	vadd.f32 v1, v0  }
0x109: {  	v1 =	vld [tilespmem:s12+$0x330]  }
0x10a: {  	v0 =	vadd.f32 v2, v0;
	_ =	sdelay $0x1  }
0x10b: {  	v2 =	vld [tilespmem:s12+$0x370];
	v0 =	vadd.f32 v3, v0;
	_ =	sdelay $0x1  }
0x10c: {  	v3 =	vadd.f32 v1, v0;
	v1 =	vld [tilespmem:s12+$0x3B0];
	_ =	sdelay $0x1  }
0x10d: {  	v0 =	vld [tilespmem:s12+$0x3F0]  }
0x10e: {  	s14 =	simm.s32 $0x100;
	v2 =	vadd.f32 v2, v3  }
.LBB2_2:
0x10f: {  	p0 =	sne.s32 s14, $0x1F00  }
0x110: {  	s12 =	sadd.s32 $0x800, s12;
	s15 =	smov.u32 s14;
	s14 =	sadd.s32 $0x100, s14;
	v1 =	vadd.f32 v1, v2  }
0x111: {  	_ = 	snop  }
0x112: {  	v0 =	vadd.f32 v0, v1;
	_ =	sdelay $0x1  }
0x113: {  	[tilespmem:s13+$0x10430] =	vst v0  }
0x114: {  	v0 =	vld [tilespmem:s12+$0xFFFFFC40]  }
0x115: {  	v1 =	vld [tilespmem:s12+$0xFFFFFC00];
	_ =	sdelay $0x1  }
0x116: {  	v2 =	vld [tilespmem:s12+$0xFFFFFC80];
	_ =	sdelay $0x1  }
0x117: {  	v3 =	vld [tilespmem:s12+$0xFFFFFCC0]  }
0x118: {  	v0 =	vadd.f32 v0, v1  }
0x119: {  	v1 =	vld [tilespmem:s12+$0xFFFFFD00]  }
0x11a: {  	v0 =	vadd.f32 v2, v0  }
0x11b: {  	v2 =	vld [tilespmem:s12+$0xFFFFFD40]  }
0x11c: {  	v0 =	vadd.f32 v3, v0  }
0x11d: {  	v3 =	vld [tilespmem:s12+$0xFFFFFD80]  }
0x11e: {  	v0 =	vadd.f32 v1, v0  }
0x11f: {  	v1 =	vld [tilespmem:s12+$0xFFFFFDC0]  }
0x120: {  	v0 =	vadd.f32 v2, v0  }
0x121: {  	v2 =	vld [tilespmem:s12+$0xFFFFFE00]  }
0x122: {  	v0 =	vadd.f32 v3, v0  }
0x123: {  	v3 =	vld [tilespmem:s12+$0xFFFFFE40]  }
0x124: {  	v0 =	vadd.f32 v1, v0  }
0x125: {  	v1 =	vld [tilespmem:s12+$0xFFFFFE80]  }
0x126: {  	v0 =	vadd.f32 v2, v0  }
0x127: {  	v2 =	vld [tilespmem:s12+$0xFFFFFEC0]  }
0x128: {  	v0 =	vadd.f32 v3, v0  }
0x129: {  	v3 =	vld [tilespmem:s12+$0xFFFFFF00]  }
0x12a: {  	v0 =	vadd.f32 v1, v0  }
0x12b: {  	v1 =	vld [tilespmem:s12+$0xFFFFFF40]  }
0x12c: {  	v0 =	vadd.f32 v2, v0  }
0x12d: {  	v2 =	vld [tilespmem:s12+$0xFFFFFF80]  }
0x12e: {  	v0 =	vadd.f32 v3, v0  }
0x12f: {  	v3 =	vld [tilespmem:s12+$0xFFFFFFC0]  }
0x130: {  	v0 =	vadd.f32 v1, v0  }
0x131: {  	v1 =	vld [tilespmem:s12+$0x0]  }
0x132: {  	v0 =	vadd.f32 v2, v0  }
0x133: {  	v2 =	vld [tilespmem:s12+$0x40]  }
0x134: {  	v0 =	vadd.f32 v3, v0  }
0x135: {  	v3 =	vld [tilespmem:s12+$0x80]  }
0x136: {  	v0 =	vadd.f32 v1, v0  }
0x137: {  	v1 =	vld [tilespmem:s12+$0xC0]  }
0x138: {  	v0 =	vadd.f32 v2, v0  }
0x139: {  	v2 =	vld [tilespmem:s12+$0x100]  }
0x13a: {  	v0 =	vadd.f32 v3, v0  }
0x13b: {  	v3 =	vld [tilespmem:s12+$0x140]  }
0x13c: {  	v0 =	vadd.f32 v1, v0  }
0x13d: {  	v1 =	vld [tilespmem:s12+$0x180]  }
0x13e: {  	v0 =	vadd.f32 v2, v0  }
0x13f: {  	v2 =	vld [tilespmem:s12+$0x1C0]  }
0x140: {  	v0 =	vadd.f32 v3, v0  }
0x141: {  	v3 =	vld [tilespmem:s12+$0x200]  }
0x142: {  	v0 =	vadd.f32 v1, v0  }
0x143: {  	v1 =	vld [tilespmem:s12+$0x240]  }
0x144: {  	v0 =	vadd.f32 v2, v0  }
0x145: {  	v2 =	vld [tilespmem:s12+$0x280]  }
0x146: {  	v0 =	vadd.f32 v3, v0  }
0x147: {  	v3 =	vld [tilespmem:s12+$0x2C0]  }
0x148: {  	v0 =	vadd.f32 v1, v0  }
0x149: {  	v1 =	vld [tilespmem:s12+$0x300]  }
0x14a: {  	v0 =	vadd.f32 v2, v0  }
0x14b: {  	v2 =	vld [tilespmem:s12+$0x340]  }
0x14c: {  	v0 =	vadd.f32 v3, v0  }
0x14d: {  	v3 =	vld [tilespmem:s12+$0x380]  }
0x14e: {  	v0 =	vadd.f32 v1, v0  }
0x14f: {  	v1 =	vld [tilespmem:s12+$0x3C0]  }
0x150: {  	v0 =	vadd.f32 v2, v0;
	_ =	sdelay $0x1  }
0x151: {  	v0 =	vadd.f32 v3, v0;
	_ =	sdelay $0x1  }
0x152: {  	v0 =	vadd.f32 v1, v0  }
0x153: {  	s13 =	sshra.s32 s15, $0x2  }
0x154: {  	[tilespmem:s13+$0x10400] =	vst v0  }
0x155: {  	v0 =	vld [tilespmem:s12+$0xFFFFFC10]  }
0x156: {  	v1 =	vld [tilespmem:s12+$0xFFFFFC50];
	_ =	sdelay $0x1  }
0x157: {  	v2 =	vld [tilespmem:s12+$0xFFFFFC90];
	_ =	sdelay $0x1  }
0x158: {  	v3 =	vld [tilespmem:s12+$0xFFFFFCD0]  }
0x159: {  	v0 =	vadd.f32 v1, v0  }
0x15a: {  	v1 =	vld [tilespmem:s12+$0xFFFFFD10]  }
0x15b: {  	v0 =	vadd.f32 v2, v0  }
0x15c: {  	v2 =	vld [tilespmem:s12+$0xFFFFFD50]  }
0x15d: {  	v0 =	vadd.f32 v3, v0  }
0x15e: {  	v3 =	vld [tilespmem:s12+$0xFFFFFD90]  }
0x15f: {  	v0 =	vadd.f32 v1, v0  }
0x160: {  	v1 =	vld [tilespmem:s12+$0xFFFFFDD0]  }
0x161: {  	v0 =	vadd.f32 v2, v0  }
0x162: {  	v2 =	vld [tilespmem:s12+$0xFFFFFE10]  }
0x163: {  	v0 =	vadd.f32 v3, v0  }
0x164: {  	v3 =	vld [tilespmem:s12+$0xFFFFFE50]  }
0x165: {  	v0 =	vadd.f32 v1, v0  }
0x166: {  	v1 =	vld [tilespmem:s12+$0xFFFFFE90]  }
0x167: {  	v0 =	vadd.f32 v2, v0  }
0x168: {  	v2 =	vld [tilespmem:s12+$0xFFFFFED0]  }
0x169: {  	v0 =	vadd.f32 v3, v0  }
0x16a: {  	v3 =	vld [tilespmem:s12+$0xFFFFFF10]  }
0x16b: {  	v0 =	vadd.f32 v1, v0  }
0x16c: {  	v1 =	vld [tilespmem:s12+$0xFFFFFF50]  }
0x16d: {  	v0 =	vadd.f32 v2, v0  }
0x16e: {  	v2 =	vld [tilespmem:s12+$0xFFFFFF90]  }
0x16f: {  	v0 =	vadd.f32 v3, v0  }
0x170: {  	v3 =	vld [tilespmem:s12+$0xFFFFFFD0]  }
0x171: {  	v0 =	vadd.f32 v1, v0  }
0x172: {  	v1 =	vld [tilespmem:s12+$0x10]  }
0x173: {  	v0 =	vadd.f32 v2, v0  }
0x174: {  	v2 =	vld [tilespmem:s12+$0x50]  }
0x175: {  	v0 =	vadd.f32 v3, v0  }
0x176: {  	v3 =	vld [tilespmem:s12+$0x90]  }
0x177: {  	v0 =	vadd.f32 v1, v0  }
0x178: {  	v1 =	vld [tilespmem:s12+$0xD0]  }
0x179: {  	v0 =	vadd.f32 v2, v0  }
0x17a: {  	v2 =	vld [tilespmem:s12+$0x110]  }
0x17b: {  	v0 =	vadd.f32 v3, v0  }
0x17c: {  	v3 =	vld [tilespmem:s12+$0x150]  }
0x17d: {  	v0 =	vadd.f32 v1, v0  }
0x17e: {  	v1 =	vld [tilespmem:s12+$0x190]  }
0x17f: {  	v0 =	vadd.f32 v2, v0  }
0x180: {  	v2 =	vld [tilespmem:s12+$0x1D0]  }
0x181: {  	v0 =	vadd.f32 v3, v0  }
0x182: {  	v3 =	vld [tilespmem:s12+$0x210]  }
0x183: {  	v0 =	vadd.f32 v1, v0  }
0x184: {  	v1 =	vld [tilespmem:s12+$0x250]  }
0x185: {  	v0 =	vadd.f32 v2, v0  }
0x186: {  	v2 =	vld [tilespmem:s12+$0x290]  }
0x187: {  	v0 =	vadd.f32 v3, v0  }
0x188: {  	v3 =	vld [tilespmem:s12+$0x2D0]  }
0x189: {  	v0 =	vadd.f32 v1, v0  }
0x18a: {  	v1 =	vld [tilespmem:s12+$0x310]  }
0x18b: {  	v0 =	vadd.f32 v2, v0  }
0x18c: {  	v2 =	vld [tilespmem:s12+$0x350]  }
0x18d: {  	v0 =	vadd.f32 v3, v0  }
0x18e: {  	v3 =	vld [tilespmem:s12+$0x390]  }
0x18f: {  	v0 =	vadd.f32 v1, v0  }
0x190: {  	v1 =	vld [tilespmem:s12+$0x3D0]  }
0x191: {  	v0 =	vadd.f32 v2, v0;
	_ =	sdelay $0x1  }
0x192: {  	v0 =	vadd.f32 v3, v0;
	_ =	sdelay $0x1  }
0x193: {  	v0 =	vadd.f32 v1, v0;
	_ =	sdelay $0x1  }
0x194: {  	[tilespmem:s13+$0x10410] =	vst v0  }
0x195: {  	v0 =	vld [tilespmem:s12+$0xFFFFFC20]  }
0x196: {  	v1 =	vld [tilespmem:s12+$0xFFFFFC60];
	_ =	sdelay $0x1  }
0x197: {  	v2 =	vld [tilespmem:s12+$0xFFFFFCA0];
	_ =	sdelay $0x1  }
0x198: {  	v3 =	vld [tilespmem:s12+$0xFFFFFCE0]  }
0x199: {  	v0 =	vadd.f32 v1, v0  }
0x19a: {  	v1 =	vld [tilespmem:s12+$0xFFFFFD20]  }
0x19b: {  	v0 =	vadd.f32 v2, v0  }
0x19c: {  	v2 =	vld [tilespmem:s12+$0xFFFFFD60]  }
0x19d: {  	v0 =	vadd.f32 v3, v0  }
0x19e: {  	v3 =	vld [tilespmem:s12+$0xFFFFFDA0]  }
0x19f: {  	v0 =	vadd.f32 v1, v0  }
0x1a0: {  	v1 =	vld [tilespmem:s12+$0xFFFFFDE0]  }
0x1a1: {  	v0 =	vadd.f32 v2, v0  }
0x1a2: {  	v2 =	vld [tilespmem:s12+$0xFFFFFE20]  }
0x1a3: {  	v0 =	vadd.f32 v3, v0  }
0x1a4: {  	v3 =	vld [tilespmem:s12+$0xFFFFFE60]  }
0x1a5: {  	v0 =	vadd.f32 v1, v0  }
0x1a6: {  	v1 =	vld [tilespmem:s12+$0xFFFFFEA0]  }
0x1a7: {  	v0 =	vadd.f32 v2, v0  }
0x1a8: {  	v2 =	vld [tilespmem:s12+$0xFFFFFEE0]  }
0x1a9: {  	v0 =	vadd.f32 v3, v0  }
0x1aa: {  	v3 =	vld [tilespmem:s12+$0xFFFFFF20]  }
0x1ab: {  	v0 =	vadd.f32 v1, v0  }
0x1ac: {  	v1 =	vld [tilespmem:s12+$0xFFFFFF60]  }
0x1ad: {  	v0 =	vadd.f32 v2, v0  }
0x1ae: {  	v2 =	vld [tilespmem:s12+$0xFFFFFFA0]  }
0x1af: {  	v0 =	vadd.f32 v3, v0  }
0x1b0: {  	v3 =	vld [tilespmem:s12+$0xFFFFFFE0]  }
0x1b1: {  	v0 =	vadd.f32 v1, v0  }
0x1b2: {  	v1 =	vld [tilespmem:s12+$0x20]  }
0x1b3: {  	v0 =	vadd.f32 v2, v0  }
0x1b4: {  	v2 =	vld [tilespmem:s12+$0x60]  }
0x1b5: {  	v0 =	vadd.f32 v3, v0  }
0x1b6: {  	v3 =	vld [tilespmem:s12+$0xA0]  }
0x1b7: {  	v0 =	vadd.f32 v1, v0  }
0x1b8: {  	v1 =	vld [tilespmem:s12+$0xE0]  }
0x1b9: {  	v0 =	vadd.f32 v2, v0  }
0x1ba: {  	v2 =	vld [tilespmem:s12+$0x120]  }
0x1bb: {  	v0 =	vadd.f32 v3, v0  }
0x1bc: {  	v3 =	vld [tilespmem:s12+$0x160]  }
0x1bd: {  	v0 =	vadd.f32 v1, v0  }
0x1be: {  	v1 =	vld [tilespmem:s12+$0x1A0]  }
0x1bf: {  	v0 =	vadd.f32 v2, v0  }
0x1c0: {  	v2 =	vld [tilespmem:s12+$0x1E0]  }
0x1c1: {  	v0 =	vadd.f32 v3, v0  }
0x1c2: {  	v3 =	vld [tilespmem:s12+$0x220]  }
0x1c3: {  	v0 =	vadd.f32 v1, v0  }
0x1c4: {  	v1 =	vld [tilespmem:s12+$0x260]  }
0x1c5: {  	v0 =	vadd.f32 v2, v0  }
0x1c6: {  	v2 =	vld [tilespmem:s12+$0x2A0]  }
0x1c7: {  	v0 =	vadd.f32 v3, v0  }
0x1c8: {  	v3 =	vld [tilespmem:s12+$0x2E0]  }
0x1c9: {  	v0 =	vadd.f32 v1, v0  }
0x1ca: {  	v1 =	vld [tilespmem:s12+$0x320]  }
0x1cb: {  	v0 =	vadd.f32 v2, v0  }
0x1cc: {  	v2 =	vld [tilespmem:s12+$0x360]  }
0x1cd: {  	v0 =	vadd.f32 v3, v0  }
0x1ce: {  	v3 =	vld [tilespmem:s12+$0x3A0]  }
0x1cf: {  	v0 =	vadd.f32 v1, v0  }
0x1d0: {  	v1 =	vld [tilespmem:s12+$0x3E0]  }
0x1d1: {  	v0 =	vadd.f32 v2, v0;
	_ =	sdelay $0x1  }
0x1d2: {  	v0 =	vadd.f32 v3, v0;
	_ =	sdelay $0x1  }
0x1d3: {  	v0 =	vadd.f32 v1, v0;
	_ =	sdelay $0x1  }
0x1d4: {  	[tilespmem:s13+$0x10420] =	vst v0  }
0x1d5: {  	v0 =	vld [tilespmem:s12+$0xFFFFFC30]  }
0x1d6: {  	v1 =	vld [tilespmem:s12+$0xFFFFFC70]  }
0x1d7: {  	v2 =	vld [tilespmem:s12+$0xFFFFFCB0]  }
0x1d8: {  	v3 =	vld [tilespmem:s12+$0xFFFFFCF0]  }
0x1d9: {  	v4 =	vld [tilespmem:s12+$0xFFFFFD30]  }
0x1da: {  	v5 =	vld [tilespmem:s12+$0xFFFFFD70]  }
0x1db: {  	v0 =	vadd.f32 v1, v0;
	v1 =	vld [tilespmem:s12+$0xFFFFFDB0]  }
0x1dc: {  	v6 =	vld [tilespmem:s12+$0xFFFFFDF0]  }
0x1dd: {  	v0 =	vadd.f32 v2, v0;
	v2 =	vld [tilespmem:s12+$0xFFFFFE30]  }
0x1de: {  	v7 =	vld [tilespmem:s12+$0xFFFFFE70]  }
0x1df: {  	v0 =	vadd.f32 v3, v0;
	v3 =	vld [tilespmem:s12+$0xFFFFFEB0]  }
0x1e0: {  	v8 =	vld [tilespmem:s12+$0xFFFFFEF0]  }
0x1e1: {  	v0 =	vadd.f32 v4, v0;
	v4 =	vld [tilespmem:s12+$0xFFFFFF30]  }
0x1e2: {  	v9 =	vld [tilespmem:s12+$0xFFFFFF70]  }
0x1e3: {  	v0 =	vadd.f32 v5, v0;
	v5 =	vld [tilespmem:s12+$0xFFFFFFB0]  }
0x1e4: {  	v10 =	vld [tilespmem:s12+$0xFFFFFFF0]  }
0x1e5: {  	v0 =	vadd.f32 v1, v0;
	v11 =	vld [tilespmem:s12+$0x30]  }
0x1e6: {  	v12 =	vld [tilespmem:s12+$0x70]  }
0x1e7: {  	v0 =	vadd.f32 v6, v0;
	v6 =	vld [tilespmem:s12+$0xB0]  }
0x1e8: {  	v13 =	vld [tilespmem:s12+$0xF0]  }
0x1e9: {  	v0 =	vadd.f32 v2, v0;
	v2 =	vld [tilespmem:s12+$0x130]  }
0x1ea: {  	v14 =	vld [tilespmem:s12+$0x170]  }
0x1eb: {  	v0 =	vadd.f32 v7, v0;
	v7 =	vld [tilespmem:s12+$0x1B0]  }
0x1ec: {  	v15 =	vld [tilespmem:s12+$0x1F0]  }
0x1ed: {  	v0 =	vadd.f32 v3, v0;
	v3 =	vld [tilespmem:s12+$0x230]  }
0x1ee: {  	v16 =	vld [tilespmem:s12+$0x270]  }
0x1ef: {  	v0 =	vadd.f32 v8, v0;
	v8 =	vld [tilespmem:s12+$0x2B0]  }
0x1f0: {  	v17 =	vld [tilespmem:s12+$0x2F0]  }
0x1f1: {  	v0 =	vadd.f32 v4, v0;
	v4 =	vld [tilespmem:s12+$0x330]  }
0x1f2: {  	v18 =	vld [tilespmem:s12+$0x370]  }
0x1f3: {  	v9 =	vadd.f32 v9, v0;
	v1 =	vld [tilespmem:s12+$0x3B0]  }
0x1f4: {  	v0 =	vld [tilespmem:s12+$0x3F0]  }
0x1f5: {  	v5 =	vadd.f32 v5, v9;
	_ =	sdelay $0x1  }
0x1f6: {  	v5 =	vadd.f32 v10, v5;
	_ =	sdelay $0x1  }
0x1f7: {  	v5 =	vadd.f32 v11, v5;
	_ =	sdelay $0x1  }
0x1f8: {  	v5 =	vadd.f32 v12, v5;
	_ =	sdelay $0x1  }
0x1f9: {  	v5 =	vadd.f32 v6, v5;
	_ =	sdelay $0x1  }
0x1fa: {  	v5 =	vadd.f32 v13, v5;
	_ =	sdelay $0x1  }
0x1fb: {  	v2 =	vadd.f32 v2, v5;
	_ =	sdelay $0x1  }
0x1fc: {  	v2 =	vadd.f32 v14, v2;
	_ =	sdelay $0x1  }
0x1fd: {  	v2 =	vadd.f32 v7, v2;
	_ =	sdelay $0x1  }
0x1fe: {  	v2 =	vadd.f32 v15, v2;
	_ =	sdelay $0x1  }
0x1ff: {  	v2 =	vadd.f32 v3, v2;
	_ =	sdelay $0x1  }
0x200: {  	v2 =	vadd.f32 v16, v2;
	_ =	sdelay $0x1  }
0x201: {  	v2 =	vadd.f32 v8, v2;
	_ =	sdelay $0x1  }
.Ltmp0:
0x202: {  	v2 =	vadd.f32 v17, v2;
	(pc) =	sbr.rel @p0 .LBB2_2-.Ltmp0, $3  }
0x203: {  	_ = 	snop  }
0x204: {  	v2 =	vadd.f32 v4, v2;
	_ =	sdelay $0x1  }
0x205: {  	v2 =	vadd.f32 v18, v2  }
0x206: {  	_ = 	snop  }
0x207: {  	v1 =	vadd.f32 v1, v2;
	_ =	sdelay $0x1  }
0x208: {  	s11 =	sadd.s32 $0x1, s11;
	v0 =	vadd.f32 v0, v1  }
0x209: {  	p0 =	sne.s32 s11, s6  }
.Ltmp1:
0x20a: {  	[tilespmem:s13+$0x10430] =	vst v0;
	(pc) =	sbr.rel @p0 .LBB2_1-.Ltmp1, $4  }
0x20b: {  	[hbm4b:s5+s2] =	stream.linear.scatter [tilespmem:s10], [sflag:$0x2], $0x800, $0x38;
	[tilespmem:$0x10C00] =	vst v63  }
0x20c: {  	_ =	swait.ge [sflag:s7], $0x800  }
0x20d: {  	[sflag:s7] =	ssyncset.done $0x0  }
0x20e: {  	[sflag:s7] =	ssyncadd.s32 $0xFFFFF800  }
0x20f: {  	_ =	sfence.sel $0x180000  }
0x210: {  	[bflag:$0x0] =	sbarrier.arrive $0xFFFF  }
0x211: {  	p0 =	sne.s32 s1, $0x0;
	_ =	strace $0x90000047  }
0x212: {  	s0 =	sadd.s32 @!p0 $0x100000, s0;
	[bflag:$0x2] =	sbarrier.arrive $0xFFFF  }
0x213: {  	[sflag:s0] =	ssyncadd.tile.s32 @!p0 $0x1;
	_ =	shalt  }
.Lfunc_end2:
_tile_overlayer_lowered:
.L_overlay_start_2:
0x214: {  	(tag) =	ssettag $0x2  }
0x215: {  	s0 =	rddreg [dreg:$0x0];
	s2 =	stileid.u32  }
0x216: {  	s1 =	rddreg [dreg:$0x1];
	p0 =	sne.s32 s2, $0x0  }
0x217: {  	s3 =	rddreg [dreg:$0x2];
	[bflag:$0x3] =	sbarrier.arrive $0xFFFF;
	s2 =	simm.s32 @!p0 $0x1C02  }
0x218: {  	[timem:s3], [sflag:s2] =	dma.local @!p0 [hbm:s0], s1  }
0x219: {  	s0 =	simm.s32 @!p0 $0x2  }
0x21a: {  	_ =	swait.ge @!p0 [sflag:s0], s1  }
0x21b: {  	s1 =	ssub.s32 @!p0 $0x0, s1;
	[sflag:s0] =	ssyncset.done @!p0 $0x0  }
0x21c: {  	[sflag:s0] =	ssyncadd.s32 @!p0 s1  }
0x21d: {  	[bflag:$0x3] =	sbarrier.arrive $0xFFFF  }
0x21e: {  	_ =	shalt  }

</sc_bundles>
